<compile_context>
chip_gen: v7x
topology: tpu7x:2x2x1
jax: 0.10.2.dev20260603
libtpu: 0.0.44.dev20260713+nightly
codegen_flags: <defaults>
</compile_context>

<pallas_src>
import functools

import jax
import jax.numpy as jnp
from jax import lax
from jax.experimental import pallas as pl
from jax.experimental.pallas import tpu as pltpu
from jax.experimental.pallas import tpu_sc as plsc

N = 10000
E = 320000
D = 128
H = 128
C = 40
PE = 16
L = 3

CHUNK = 125
ROWS = E // CHUNK
RPT = ROWS // 32
HALF = RPT // 2
NP = 10240
STRIPE = NP // 16
ZR = 80

DW = 128
_f32 = jnp.float32


def _mesh():
    return plsc.VectorSubcoreMesh(core_axis_name="c", subcore_axis_name="s",
                                  num_cores=2, num_subcores=16)


def _sc_deg_body(dst_hbm, out0, out1, dst_v, ones_v, deg_sh):
    c = lax.axis_index("c")
    s = lax.axis_index("s")

    one16 = jnp.full((16,), 1.0, _f32)
    z16 = jnp.zeros((16,), _f32)

    def fill_zero(j, _):
        for k in range(DW // 16):
            ones_v[j, pl.ds(16 * k, 16)] = z16
        return 0

    lax.fori_loop(0, ZR, fill_zero, 0)
    for r in range(STRIPE // ZR):
        pltpu.sync_copy(ones_v.at[pl.ds(0, ZR)],
                        deg_sh.at[pl.ds(s * STRIPE + r * ZR, ZR)])

    def fill_ones(j, _):
        for k in range(DW // 16):
            ones_v[j, pl.ds(16 * k, 16)] = one16
        return 0

    lax.fori_loop(0, CHUNK, fill_ones, 0)
    plsc.subcore_barrier()

    base = (c * 16 + s) * RPT
    for ph in range(2):
        pltpu.sync_copy(dst_hbm.at[pl.ds(base + ph * HALF, HALF)], dst_v)

        def body(j, _):
            pltpu.sync_copy(ones_v, deg_sh.at[dst_v.at[j]], add=True)
            return 0

        lax.fori_loop(0, HALF, body, 0)
    plsc.subcore_barrier()

    stripe = pl.ds(s * STRIPE, STRIPE)

    @pl.when(c == 0)
    def _():
        pltpu.sync_copy(deg_sh.at[stripe], out0.at[stripe])

    @pl.when(c == 1)
    def _():
        pltpu.sync_copy(deg_sh.at[stripe], out1.at[stripe])


@functools.cache
def _sc_deg_kernel():
    return pl.kernel(
        _sc_deg_body,
        out_type=[
            jax.ShapeDtypeStruct((NP, DW), _f32),
            jax.ShapeDtypeStruct((NP, DW), _f32),
        ],
        mesh=_mesh(),
        scratch_types=[
            pltpu.VMEM((HALF, CHUNK), jnp.int32),
            pltpu.VMEM((CHUNK, DW), _f32),
            pltpu.VMEM_SHARED((NP, DW), _f32),
        ],
    )


def _sc_deg(dst):
    return _sc_deg_kernel()(dst)


def _sc_scatter_body(src_hbm, dst_hbm, z_hbm, out0, out1,
                     src_v, dst_v, gbuf_a, gbuf_b, agg_sh,
                     sem_a, sem_b):
    c = lax.axis_index("c")
    s = lax.axis_index("s")

    z16 = jnp.zeros((16,), _f32)

    def fill_zero(j, _):
        for k in range(H // 16):
            gbuf_a[j, pl.ds(16 * k, 16)] = z16
        return 0

    lax.fori_loop(0, ZR, fill_zero, 0)
    for r in range(STRIPE // ZR):
        pltpu.sync_copy(gbuf_a.at[pl.ds(0, ZR)],
                        agg_sh.at[pl.ds(s * STRIPE + r * ZR, ZR)])
    plsc.subcore_barrier()

    base = (c * 16 + s) * RPT
    bufs = (gbuf_a, gbuf_b)
    sems = (sem_a, sem_b)

    for ph in range(2):
        pltpu.sync_copy(src_hbm.at[pl.ds(base + ph * HALF, HALF)], src_v)
        pltpu.sync_copy(dst_hbm.at[pl.ds(base + ph * HALF, HALF)], dst_v)

        pltpu.async_copy(z_hbm.at[src_v.at[0]], gbuf_a, sem_a)

        def pair(jj, _):
            for b in range(2):
                j = jj * 2 + b
                nxt = (b + 1) % 2

                @pl.when(j + 1 < HALF)
                def _():
                    pltpu.async_copy(z_hbm.at[src_v.at[j + 1]], bufs[nxt],
                                     sems[nxt])

                pltpu.make_async_copy(z_hbm.at[src_v.at[j]], bufs[b],
                                      sems[b]).wait()
                pltpu.sync_copy(bufs[b], agg_sh.at[dst_v.at[j]], add=True)
            return 0

        lax.fori_loop(0, HALF // 2, pair, 0)
    plsc.subcore_barrier()

    stripe = pl.ds(s * STRIPE, STRIPE)

    @pl.when(c == 0)
    def _():
        pltpu.sync_copy(agg_sh.at[stripe], out0.at[stripe])

    @pl.when(c == 1)
    def _():
        pltpu.sync_copy(agg_sh.at[stripe], out1.at[stripe])


@functools.cache
def _sc_scatter_kernel():
    return pl.kernel(
        _sc_scatter_body,
        out_type=[
            jax.ShapeDtypeStruct((NP, H), _f32),
            jax.ShapeDtypeStruct((NP, H), _f32),
        ],
        mesh=_mesh(),
        scratch_types=[
            pltpu.VMEM((HALF, CHUNK), jnp.int32),
            pltpu.VMEM((HALF, CHUNK), jnp.int32),
            pltpu.VMEM((CHUNK, H), _f32),
            pltpu.VMEM((CHUNK, H), _f32),
            pltpu.VMEM_SHARED((NP, H), _f32),
            pltpu.SemaphoreType.DMA,
            pltpu.SemaphoreType.DMA,
        ],
    )


def _sc_scatter(src, dst, z):
    return _sc_scatter_kernel()(src, dst, z)


BN = 400
NB = N // BN


def _dot(a, b):
    return jnp.dot(a, b, preferred_element_type=_f32,
                   precision=lax.Precision.HIGHEST)


def _ln(x, g, b, eps=1e-5):
    m = jnp.mean(x, axis=-1, keepdims=True)
    xc = x - m
    v = jnp.mean(xc * xc, axis=-1, keepdims=True)
    return xc * lax.rsqrt(v + eps) * g + b


def _gelu(x):
    return 0.5 * x * (1.0 + lax.erf(x * 0.7071067811865476))


def _nz(x):
    return jnp.where(jnp.isnan(x), 0.0, x)


def _row(h=H):
    return pl.BlockSpec((1, h), lambda i: (0, 0))


def _mat(r=H, h=H):
    return pl.BlockSpec((r, h), lambda i: (0, 0))


def _blk(h=H):
    return pl.BlockSpec((BN, h), lambda i: (i, 0))


def _tc_enc_body(x_ref, evec_ref, eval_ref, eps_ref,
                 encw_ref, encb_ref, ing_ref, inb_ref,
                 pw1_ref, pw2_ref, rw1_ref, rb1_ref, rw2_ref, rb2_ref,
                 h_ref):
    x = x_ref[...]
    h = _ln(_dot(x, encw_ref[...]) + encb_ref[...], ing_ref[...], inb_ref[...])

    w1a = pw1_ref[0:1, :]
    w1b = pw1_ref[1:2, :]
    acc = jnp.zeros((BN, H), _f32)
    evec = _nz(evec_ref[...])
    evl = _nz(eval_ref[...] + eps_ref[...])
    for p in range(PE):
        t = evec[:, p:p + 1] * w1a + evl[:, p:p + 1] * w1b
        acc = acc + jnp.maximum(t, 0.0)
    pe = _dot(acc, pw2_ref[...])
    pe = _dot(jnp.maximum(_dot(pe, rw1_ref[...]) + rb1_ref[...], 0.0),
              rw2_ref[...]) + rb2_ref[...]
    h_ref[...] = h + pe


def _tc_enc(x, evec, evl, eps, encw, encb, ing, inb, pw1, pw2, rw1, rb1,
            rw2, rb2):
    return pl.pallas_call(
        _tc_enc_body,
        grid=(NB,),
        in_specs=[_blk(H), _blk(PE), _blk(PE), _row(PE),
                  _mat(), _row(), _row(), _row(),
                  _mat(2, H), _mat(), _mat(), _row(), _mat(), _row()],
        out_specs=_blk(H),
        out_shape=jax.ShapeDtypeStruct((N, H), _f32),
    )(x, evec, evl, eps, encw, encb, ing, inb, pw1, pw2, rw1, rb1, rw2, rb2)


def _tc_z_body(h_ref, d0_ref, d1_ref, w_ref, z_ref, dinv_ref):
    deg = d0_ref[:, 0:1] + d1_ref[:, 0:1] + 1.0
    dinv = lax.rsqrt(deg)
    z_ref[...] = _dot(h_ref[...], w_ref[...]) * dinv
    dinv_ref[...] = dinv


def _tc_z(h, deg0, deg1, w):
    return pl.pallas_call(
        _tc_z_body,
        grid=(NB,),
        in_specs=[_blk(H), _blk(DW), _blk(DW), _mat()],
        out_specs=[_blk(H), _blk(1)],
        out_shape=[jax.ShapeDtypeStruct((N, H), _f32),
                   jax.ShapeDtypeStruct((N, 1), _f32)],
    )(h, deg0, deg1, w)


def _tc_update_body(h_ref, z_ref, s0_ref, s1_ref, dinv_ref,
                    cb_ref, ng_ref, nb_ref, w_ref,
                    h_out_ref, z_out_ref):
    dinv = dinv_ref[...]
    agg = dinv * (s0_ref[...] + s1_ref[...] + z_ref[...]) + cb_ref[...]
    hh = _ln(_gelu(agg), ng_ref[...], nb_ref[...])
    h_new = h_ref[...] + hh
    h_out_ref[...] = h_new
    z_out_ref[...] = _dot(h_new, w_ref[...]) * dinv_ref[...]


def _tc_update(h, z, s0, s1, dinv, cb, ng, nb, w):
    return pl.pallas_call(
        _tc_update_body,
        grid=(NB,),
        in_specs=[_blk(H), _blk(H), _blk(H), _blk(H), _blk(1),
                  _row(), _row(), _row(), _mat()],
        out_specs=[_blk(H), _blk(H)],
        out_shape=[jax.ShapeDtypeStruct((N, H), _f32),
                   jax.ShapeDtypeStruct((N, H), _f32)],
    )(h, z, s0, s1, dinv, cb, ng, nb, w)


def _tc_head_body(h_ref, z_ref, s0_ref, s1_ref, dinv_ref,
                  cb_ref, ng_ref, nb_ref,
                  hw1_ref, hb1_ref, hg_ref, hbn_ref, hw2_ref, hb2_ref,
                  out_ref):
    dinv = dinv_ref[...]
    agg = dinv * (s0_ref[...] + s1_ref[...] + z_ref[...]) + cb_ref[...]
    hh = _ln(_gelu(agg), ng_ref[...], nb_ref[...])
    h_new = h_ref[...] + hh
    y = _gelu(_dot(h_new, hw1_ref[...]) + hb1_ref[...])
    y = _ln(y, hg_ref[...], hbn_ref[...])
    out_ref[...] = _dot(y, hw2_ref[...]) + hb2_ref[...]


def _tc_head(h, z, s0, s1, dinv, cb, ng, nb, hw1, hb1, hg, hbn, hw2, hb2):
    return pl.pallas_call(
        _tc_head_body,
        grid=(NB,),
        in_specs=[_blk(H), _blk(H), _blk(H), _blk(H), _blk(1),
                  _row(), _row(), _row(),
                  _mat(), _row(), _row(), _row(), _mat(H, C), _row(C)],
        out_specs=_blk(C),
        out_shape=jax.ShapeDtypeStruct((N, C), _f32),
    )(h, z, s0, s1, dinv, cb, ng, nb, hw1, hb1, hg, hbn, hw2, hb2)


def kernel(x, edge_index, eigvecs, eigvals, params):
    p = params
    src = edge_index[0].astype(jnp.int32).reshape(ROWS, CHUNK)
    dst = edge_index[1].astype(jnp.int32).reshape(ROWS, CHUNK)

    def r2(v):
        return v.reshape(1, -1)

    deg0, deg1 = _sc_deg(dst)

    h = _tc_enc(x, eigvecs, eigvals, p["eps"],
                p["enc_W"], r2(p["enc_b"]), r2(p["in_g"]), r2(p["in_b"]),
                p["phi_W1"], p["phi_W2"], p["rho_W1"], r2(p["rho_b1"]),
                p["rho_W2"], r2(p["rho_b2"]))

    z, dinv = _tc_z(h, deg0, deg1, p["conv_W"][0])

    for i in range(L):
        s0, s1 = _sc_scatter(src, dst, z)
        if i < L - 1:
            h, z = _tc_update(h, z, s0, s1, dinv,
                              r2(p["conv_b"][i]), r2(p["norm_g"][i]),
                              r2(p["norm_b"][i]), p["conv_W"][i + 1])
        else:
            out = _tc_head(h, z, s0, s1, dinv,
                           r2(p["conv_b"][i]), r2(p["norm_g"][i]),
                           r2(p["norm_b"][i]),
                           p["head_W1"], r2(p["head_b1"]), r2(p["head_g"]),
                           r2(p["head_bn"]), p["head_W2"], r2(p["head_b2"]))
    return out

# --- scband reference (transcript-rebuilt; emitter-appended) ---
"""Pipeline reference for scband-gcn-12567074308294 (READ-ONLY COPY).

The authoritative reference and input builder live on the scoring server;
editing this copy changes nothing except your own understanding.
"""

import jax, jax.numpy as jnp
import numpy as np

N = 10000
E = 320000
D = 128
H = 128
C = 40
PE = 16
L = 3


def layer_norm(x, g, b, eps=1e-5):
    m = jnp.mean(x, axis=-1, keepdims=True)
    v = jnp.var(x, axis=-1, keepdims=True)
    return (x - m) / jnp.sqrt(v + eps) * g + b


def gelu(x):
    return jax.nn.gelu(x, approximate=False)


def setup_inputs(seed: int = 0) -> dict:
    key = jax.random.key(seed)
    ks = jax.random.split(key, 32)
    x = jax.random.normal(ks[0], (N, D), dtype=jnp.float32)
    edge_index = jax.random.randint(ks[1], (2, E), 0, N, dtype=jnp.int64)
    eigvecs = jax.random.normal(ks[2], (N, PE), dtype=jnp.float32)
    eigvals = jax.random.uniform(ks[3], (N, PE), dtype=jnp.float32)

    def lin(k, fan_in, shape):
        return jax.random.normal(k, shape, dtype=jnp.float32) / np.sqrt(fan_in)

    params = {
        "enc_W": lin(ks[4], D, (D, H)),
        "enc_b": jnp.zeros((H,), jnp.float32),
        "phi_W1": lin(ks[5], 2, (2, H)),
        "phi_W2": lin(ks[6], H, (H, H)),
        "rho_W1": lin(ks[7], H, (H, H)),
        "rho_b1": jnp.zeros((H,), jnp.float32),
        "rho_W2": lin(ks[8], H, (H, H)),
        "rho_b2": jnp.zeros((H,), jnp.float32),
        "eps": (1e-12 * jnp.arange(PE, dtype=jnp.float32))[None, :],
        "in_g": jnp.ones((H,), jnp.float32),
        "in_b": jnp.zeros((H,), jnp.float32),
        "conv_W": jnp.stack([lin(jax.random.fold_in(ks[9], i), H, (H, H)) for i in range(L)]),
        "conv_b": jnp.zeros((L, H), jnp.float32),
        "norm_g": jnp.ones((L, H), jnp.float32),
        "norm_b": jnp.zeros((L, H), jnp.float32),
        "head_W1": lin(ks[10], H, (H, H)),
        "head_b1": jnp.zeros((H,), jnp.float32),
        "head_g": jnp.ones((H,), jnp.float32),
        "head_bn": jnp.zeros((H,), jnp.float32),
        "head_W2": lin(ks[11], H, (H, C)),
        "head_b2": jnp.zeros((C,), jnp.float32),
    }
    return {"x": x, "edge_index": edge_index, "eigvecs": eigvecs, "eigvals": eigvals, "params": params}


def reference(x, edge_index, eigvecs, eigvals, params):
    p = params
    # node encoder + input norm
    h = layer_norm(x @ p["enc_W"] + p["enc_b"], p["in_g"], p["in_b"])

    # LapPE encoder (eval mode: no sign flip)
    ev = eigvals[:, :PE] + p["eps"][:, :PE]
    s = jnp.stack((eigvecs[:, :PE], ev), axis=2)  # [N, PE, 2]
    s = jnp.where(jnp.isnan(s), 0.0, s)
    phi = jax.nn.relu(s @ p["phi_W1"]) @ p["phi_W2"]  # [N, PE, H]
    pe = phi.sum(axis=1)
    pe = jax.nn.relu(pe @ p["rho_W1"] + p["rho_b1"]) @ p["rho_W2"] + p["rho_b2"]
    h = h + pe

    # GCN normalization with self-loops (computed once; same graph each layer)
    loop = jnp.arange(N, dtype=edge_index.dtype)
    src = jnp.concatenate([edge_index[0], loop])
    dst = jnp.concatenate([edge_index[1], loop])
    deg = jnp.zeros((N,), jnp.float32).at[dst].add(1.0)
    dinv = jnp.where(deg > 0, 1.0 / jnp.sqrt(deg), 0.0)
    norm = dinv[src] * dinv[dst]  # [E+N]

    for i in range(L):
        z = h @ p["conv_W"][i]  # [N, H]
        msg = z[src] * norm[:, None]
        agg = jnp.zeros((N, H), jnp.float32).at[dst].add(msg) + p["conv_b"][i]
        hh = layer_norm(gelu(agg), p["norm_g"][i], p["norm_b"][i])
        # dropout is identity in eval mode
        h = h + hh

    y = gelu(h @ p["head_W1"] + p["head_b1"])
    y = layer_norm(y, p["head_g"], p["head_bn"])
    out = y @ p["head_W2"] + p["head_b2"]
    return out

if __name__ == "__main__":
    import jax
    _d = setup_inputs()
    print(jax.jit(kernel)(*tuple(_d.values())))

</pallas_src>

<mosaic_0001>
#map = affine_map<(d0, d1) -> (0, 0)>
module attributes {stable_mosaic.version = 14 : i64} {
  func.func @_sc_scatter_body(%arg0: i32, %arg1: i32, %arg2: memref<2560x125xi32, #tpu.memory_space<hbm>>, %arg3: memref<2560x125xi32, #tpu.memory_space<hbm>>, %arg4: memref<10000x128xf32, #tpu.memory_space<hbm>>, %arg5: memref<10240x128xf32, #tpu.memory_space<hbm>>, %arg6: memref<10240x128xf32, #tpu.memory_space<hbm>>, %arg7: memref<40x125xi32, #tpu.memory_space<vmem>>, %arg8: memref<40x125xi32, #tpu.memory_space<vmem>>, %arg9: memref<125x128xf32, #tpu.memory_space<vmem>>, %arg10: memref<125x128xf32, #tpu.memory_space<vmem>>, %arg11: memref<10240x128xf32, #tpu.memory_space<vmem_shared>>, %arg12: memref<!tpu.dma_semaphore, #tpu.memory_space<semaphore_mem>>, %arg13: memref<!tpu.dma_semaphore, #tpu.memory_space<semaphore_mem>>) attributes {dimension_semantics = [#tpu.dimension_semantics<core_parallel>, #tpu.dimension_semantics<subcore_parallel>], iteration_bounds = array<i64: 2, 16>, scalar_prefetch = 0 : i64, scratch_operands = 7 : i64, tpu.core_type = #tpu.core_type<sc_vector_subcore>, window_params = [{transform_indices = #map}, {transform_indices = #map}, {transform_indices = #map}, {transform_indices = #map}, {transform_indices = #map}]} {
    %broadcast_in_dim3A = arith.constant 0.000000e+00 : f32
    %broadcast_in_dim3A_0 = vector.broadcast %broadcast_in_dim3A : f32 to vector<16xf32>
    %scan3A = arith.constant 0 : i32
    %scan3A_1 = arith.constant 0 : i32
    %scan3A_2 = arith.constant 80 : i32
    %scan3A_3 = arith.addi %scan3A_1, %scan3A_2 : i32
    %scan3A_4 = arith.constant 1 : i32
    %scan3A_5 = scf.for %scan3A_87 = %scan3A_1 to %scan3A_3 step %scan3A_4 iter_args(%scan3A_88 = %scan3A) -> (i32)  : i32 {
      %swap3A = arith.index_cast %scan3A_87 : i32 to index
      %swap3A_89 = arith.constant 0 : index
      %swap3A_90 = tpu.vector_load %arg9[%swap3A, %swap3A_89] {strides = array<i32>} : memref<125x128xf32, #tpu.memory_space<vmem>>, vector<1x16xf32>,
      %swap3A_91 = vector.shape_cast %swap3A_90 : vector<1x16xf32> to vector<16xf32>
      %swap3A_92 = vector.shape_cast %broadcast_in_dim3A_0 : vector<16xf32> to vector<1x16xf32>
      tpu.vector_store %arg9[%swap3A, %swap3A_89], %swap3A_92 {strides = array<i32>} : memref<125x128xf32, #tpu.memory_space<vmem>>, vector<1x16xf32>,
      %swap3A_93 = arith.index_cast %scan3A_87 : i32 to index
      %swap3A_94 = arith.constant 16 : index
      %swap3A_95 = tpu.vector_load %arg9[%swap3A_93, %swap3A_94] {strides = array<i32>} : memref<125x128xf32, #tpu.memory_space<vmem>>, vector<1x16xf32>,
      %swap3A_96 = vector.shape_cast %swap3A_95 : vector<1x16xf32> to vector<16xf32>
      %swap3A_97 = vector.shape_cast %broadcast_in_dim3A_0 : vector<16xf32> to vector<1x16xf32>
      tpu.vector_store %arg9[%swap3A_93, %swap3A_94], %swap3A_97 {strides = array<i32>} : memref<125x128xf32, #tpu.memory_space<vmem>>, vector<1x16xf32>,
      %swap3A_98 = arith.index_cast %scan3A_87 : i32 to index
      %swap3A_99 = arith.constant 32 : index
      %swap3A_100 = tpu.vector_load %arg9[%swap3A_98, %swap3A_99] {strides = array<i32>} : memref<125x128xf32, #tpu.memory_space<vmem>>, vector<1x16xf32>,
      %swap3A_101 = vector.shape_cast %swap3A_100 : vector<1x16xf32> to vector<16xf32>
      %swap3A_102 = vector.shape_cast %broadcast_in_dim3A_0 : vector<16xf32> to vector<1x16xf32>
      tpu.vector_store %arg9[%swap3A_98, %swap3A_99], %swap3A_102 {strides = array<i32>} : memref<125x128xf32, #tpu.memory_space<vmem>>, vector<1x16xf32>,
      %swap3A_103 = arith.index_cast %scan3A_87 : i32 to index
      %swap3A_104 = arith.constant 48 : index
      %swap3A_105 = tpu.vector_load %arg9[%swap3A_103, %swap3A_104] {strides = array<i32>} : memref<125x128xf32, #tpu.memory_space<vmem>>, vector<1x16xf32>,
      %swap3A_106 = vector.shape_cast %swap3A_105 : vector<1x16xf32> to vector<16xf32>
      %swap3A_107 = vector.shape_cast %broadcast_in_dim3A_0 : vector<16xf32> to vector<1x16xf32>
      tpu.vector_store %arg9[%swap3A_103, %swap3A_104], %swap3A_107 {strides = array<i32>} : memref<125x128xf32, #tpu.memory_space<vmem>>, vector<1x16xf32>,
      %swap3A_108 = arith.index_cast %scan3A_87 : i32 to index
      %swap3A_109 = arith.constant 64 : index
      %swap3A_110 = tpu.vector_load %arg9[%swap3A_108, %swap3A_109] {strides = array<i32>} : memref<125x128xf32, #tpu.memory_space<vmem>>, vector<1x16xf32>,
      %swap3A_111 = vector.shape_cast %swap3A_110 : vector<1x16xf32> to vector<16xf32>
      %swap3A_112 = vector.shape_cast %broadcast_in_dim3A_0 : vector<16xf32> to vector<1x16xf32>
      tpu.vector_store %arg9[%swap3A_108, %swap3A_109], %swap3A_112 {strides = array<i32>} : memref<125x128xf32, #tpu.memory_space<vmem>>, vector<1x16xf32>,
      %swap3A_113 = arith.index_cast %scan3A_87 : i32 to index
      %swap3A_114 = arith.constant 80 : index
      %swap3A_115 = tpu.vector_load %arg9[%swap3A_113, %swap3A_114] {strides = array<i32>} : memref<125x128xf32, #tpu.memory_space<vmem>>, vector<1x16xf32>,
      %swap3A_116 = vector.shape_cast %swap3A_115 : vector<1x16xf32> to vector<16xf32>
      %swap3A_117 = vector.shape_cast %broadcast_in_dim3A_0 : vector<16xf32> to vector<1x16xf32>
      tpu.vector_store %arg9[%swap3A_113, %swap3A_114], %swap3A_117 {strides = array<i32>} : memref<125x128xf32, #tpu.memory_space<vmem>>, vector<1x16xf32>,
      %swap3A_118 = arith.index_cast %scan3A_87 : i32 to index
      %swap3A_119 = arith.constant 96 : index
      %swap3A_120 = tpu.vector_load %arg9[%swap3A_118, %swap3A_119] {strides = array<i32>} : memref<125x128xf32, #tpu.memory_space<vmem>>, vector<1x16xf32>,
      %swap3A_121 = vector.shape_cast %swap3A_120 : vector<1x16xf32> to vector<16xf32>
      %swap3A_122 = vector.shape_cast %broadcast_in_dim3A_0 : vector<16xf32> to vector<1x16xf32>
      tpu.vector_store %arg9[%swap3A_118, %swap3A_119], %swap3A_122 {strides = array<i32>} : memref<125x128xf32, #tpu.memory_space<vmem>>, vector<1x16xf32>,
      %swap3A_123 = arith.index_cast %scan3A_87 : i32 to index
      %swap3A_124 = arith.constant 112 : index
      %swap3A_125 = tpu.vector_load %arg9[%swap3A_123, %swap3A_124] {strides = array<i32>} : memref<125x128xf32, #tpu.memory_space<vmem>>, vector<1x16xf32>,
      %swap3A_126 = vector.shape_cast %swap3A_125 : vector<1x16xf32> to vector<16xf32>
      %swap3A_127 = vector.shape_cast %broadcast_in_dim3A_0 : vector<16xf32> to vector<1x16xf32>
      tpu.vector_store %arg9[%swap3A_123, %swap3A_124], %swap3A_127 {strides = array<i32>} : memref<125x128xf32, #tpu.memory_space<vmem>>, vector<1x16xf32>,
      %scan3A_128 = arith.constant 0 : i32
      scf.yield %scan3A_128 : i32
    }
    %scan3A_6 = arith.constant 80 : i32
    %mul3A = arith.constant 640 : i32
    %mul3A_7 = arith.muli %arg1, %mul3A : i32
    %add3A = arith.constant 0 : i32
    %add3A_8 = arith.addi %mul3A_7, %add3A : i32
    "tpu.region"() ({
      %run_scoped3A = tpu.sem_alloc : memref<!tpu.dma_semaphore, #tpu.memory_space<semaphore_mem>>
      %dma_start3A_87 = arith.constant 0 : i32
      %dma_start3A_88 = arith.constant 0 : i32
      %dma_start3A_89 = tpu.memref_slice %arg9[%dma_start3A_87, %dma_start3A_88] : memref<125x128xf32, #tpu.memory_space<vmem>> -> memref<80x128xf32, #tpu.memory_space<vmem>>
      %dma_start3A_90 = arith.constant 0 : i32
      %dma_start3A_91 = tpu.memref_slice %arg11[%add3A_8, %dma_start3A_90] : memref<10240x128xf32, #tpu.memory_space<vmem_shared>> -> memref<80x128xf32, #tpu.memory_space<vmem_shared>>
      %dma_start3A_92 = arith.constant 0 : i32
      %dma_start3A_93 = tpu.memref_slice %arg11[%add3A_8, %dma_start3A_92] : memref<10240x128xf32, #tpu.memory_space<vmem_shared>> -> memref<80x128xf32, #tpu.memory_space<vmem_shared>>
      %dma_start3A_94 = arith.constant 0 : i32
      %dma_start3A_95 = arith.constant 0 : i32
      %dma_start3A_96 = tpu.memref_slice %arg9[%dma_start3A_94, %dma_start3A_95] : memref<125x128xf32, #tpu.memory_space<vmem>> -> memref<80x128xf32, #tpu.memory_space<vmem>>
      tpu.enqueue_dma source(%dma_start3A_96 : memref<80x128xf32, #tpu.memory_space<vmem>>) target(%dma_start3A_93 : memref<80x128xf32, #tpu.memory_space<vmem_shared>>) target_semaphore(%run_scoped3A : memref<!tpu.dma_semaphore, #tpu.memory_space<semaphore_mem>>)
      %dma_wait3A = arith.constant 0 : i32
      %dma_wait3A_97 = arith.constant 0 : i32
      %dma_wait3A_98 = tpu.memref_slice %arg9[%dma_wait3A, %dma_wait3A_97] : memref<125x128xf32, #tpu.memory_space<vmem>> -> memref<80x128xf32, #tpu.memory_space<vmem>>
      %dma_wait3A_99 = arith.constant 0 : i32
      %dma_wait3A_100 = tpu.memref_slice %arg11[%add3A_8, %dma_wait3A_99] : memref<10240x128xf32, #tpu.memory_space<vmem_shared>> -> memref<80x128xf32, #tpu.memory_space<vmem_shared>>
      %dma_wait3A_101 = arith.constant 0 : i32
      %dma_wait3A_102 = tpu.memref_slice %arg11[%add3A_8, %dma_wait3A_101] : memref<10240x128xf32, #tpu.memory_space<vmem_shared>> -> memref<80x128xf32, #tpu.memory_space<vmem_shared>>
      %dma_wait3A_103 = arith.constant 0 : i32
      %dma_wait3A_104 = arith.constant 0 : i32
      %dma_wait3A_105 = tpu.memref_slice %arg9[%dma_wait3A_103, %dma_wait3A_104] : memref<125x128xf32, #tpu.memory_space<vmem>> -> memref<80x128xf32, #tpu.memory_space<vmem>>
      tpu.wait_dma2 semaphore(%run_scoped3A : memref<!tpu.dma_semaphore, #tpu.memory_space<semaphore_mem>>) src(%dma_wait3A_105 : memref<80x128xf32, #tpu.memory_space<vmem>>) dst(%dma_wait3A_102 : memref<80x128xf32, #tpu.memory_space<vmem_shared>>)
      tpu.yield
    }) : () -> ()
    %mul3A_9 = arith.constant 640 : i32
    %mul3A_10 = arith.muli %arg1, %mul3A_9 : i32
    %add3A_11 = arith.constant 80 : i32
    %add3A_12 = arith.addi %mul3A_10, %add3A_11 : i32
    "tpu.region"() ({
      %run_scoped3A = tpu.sem_alloc : memref<!tpu.dma_semaphore, #tpu.memory_space<semaphore_mem>>
      %dma_start3A_87 = arith.constant 0 : i32
      %dma_start3A_88 = arith.constant 0 : i32
      %dma_start3A_89 = tpu.memref_slice %arg9[%dma_start3A_87, %dma_start3A_88] : memref<125x128xf32, #tpu.memory_space<vmem>> -> memref<80x128xf32, #tpu.memory_space<vmem>>
      %dma_start3A_90 = arith.constant 0 : i32
      %dma_start3A_91 = tpu.memref_slice %arg11[%add3A_12, %dma_start3A_90] : memref<10240x128xf32, #tpu.memory_space<vmem_shared>> -> memref<80x128xf32, #tpu.memory_space<vmem_shared>>
      %dma_start3A_92 = arith.constant 0 : i32
      %dma_start3A_93 = tpu.memref_slice %arg11[%add3A_12, %dma_start3A_92] : memref<10240x128xf32, #tpu.memory_space<vmem_shared>> -> memref<80x128xf32, #tpu.memory_space<vmem_shared>>
      %dma_start3A_94 = arith.constant 0 : i32
      %dma_start3A_95 = arith.constant 0 : i32
      %dma_start3A_96 = tpu.memref_slice %arg9[%dma_start3A_94, %dma_start3A_95] : memref<125x128xf32, #tpu.memory_space<vmem>> -> memref<80x128xf32, #tpu.memory_space<vmem>>
      tpu.enqueue_dma source(%dma_start3A_96 : memref<80x128xf32, #tpu.memory_space<vmem>>) target(%dma_start3A_93 : memref<80x128xf32, #tpu.memory_space<vmem_shared>>) target_semaphore(%run_scoped3A : memref<!tpu.dma_semaphore, #tpu.memory_space<semaphore_mem>>)
      %dma_wait3A = arith.constant 0 : i32
      %dma_wait3A_97 = arith.constant 0 : i32
      %dma_wait3A_98 = tpu.memref_slice %arg9[%dma_wait3A, %dma_wait3A_97] : memref<125x128xf32, #tpu.memory_space<vmem>> -> memref<80x128xf32, #tpu.memory_space<vmem>>
      %dma_wait3A_99 = arith.constant 0 : i32
      %dma_wait3A_100 = tpu.memref_slice %arg11[%add3A_12, %dma_wait3A_99] : memref<10240x128xf32, #tpu.memory_space<vmem_shared>> -> memref<80x128xf32, #tpu.memory_space<vmem_shared>>
      %dma_wait3A_101 = arith.constant 0 : i32
      %dma_wait3A_102 = tpu.memref_slice %arg11[%add3A_12, %dma_wait3A_101] : memref<10240x128xf32, #tpu.memory_space<vmem_shared>> -> memref<80x128xf32, #tpu.memory_space<vmem_shared>>
      %dma_wait3A_103 = arith.constant 0 : i32
      %dma_wait3A_104 = arith.constant 0 : i32
      %dma_wait3A_105 = tpu.memref_slice %arg9[%dma_wait3A_103, %dma_wait3A_104] : memref<125x128xf32, #tpu.memory_space<vmem>> -> memref<80x128xf32, #tpu.memory_space<vmem>>
      tpu.wait_dma2 semaphore(%run_scoped3A : memref<!tpu.dma_semaphore, #tpu.memory_space<semaphore_mem>>) src(%dma_wait3A_105 : memref<80x128xf32, #tpu.memory_space<vmem>>) dst(%dma_wait3A_102 : memref<80x128xf32, #tpu.memory_space<vmem_shared>>)
      tpu.yield
    }) : () -> ()
    %mul3A_13 = arith.constant 640 : i32
    %mul3A_14 = arith.muli %arg1, %mul3A_13 : i32
    %add3A_15 = arith.constant 160 : i32
    %add3A_16 = arith.addi %mul3A_14, %add3A_15 : i32
    "tpu.region"() ({
      %run_scoped3A = tpu.sem_alloc : memref<!tpu.dma_semaphore, #tpu.memory_space<semaphore_mem>>
      %dma_start3A_87 = arith.constant 0 : i32
      %dma_start3A_88 = arith.constant 0 : i32
      %dma_start3A_89 = tpu.memref_slice %arg9[%dma_start3A_87, %dma_start3A_88] : memref<125x128xf32, #tpu.memory_space<vmem>> -> memref<80x128xf32, #tpu.memory_space<vmem>>
      %dma_start3A_90 = arith.constant 0 : i32
      %dma_start3A_91 = tpu.memref_slice %arg11[%add3A_16, %dma_start3A_90] : memref<10240x128xf32, #tpu.memory_space<vmem_shared>> -> memref<80x128xf32, #tpu.memory_space<vmem_shared>>
      %dma_start3A_92 = arith.constant 0 : i32
      %dma_start3A_93 = tpu.memref_slice %arg11[%add3A_16, %dma_start3A_92] : memref<10240x128xf32, #tpu.memory_space<vmem_shared>> -> memref<80x128xf32, #tpu.memory_space<vmem_shared>>
      %dma_start3A_94 = arith.constant 0 : i32
      %dma_start3A_95 = arith.constant 0 : i32
      %dma_start3A_96 = tpu.memref_slice %arg9[%dma_start3A_94, %dma_start3A_95] : memref<125x128xf32, #tpu.memory_space<vmem>> -> memref<80x128xf32, #tpu.memory_space<vmem>>
      tpu.enqueue_dma source(%dma_start3A_96 : memref<80x128xf32, #tpu.memory_space<vmem>>) target(%dma_start3A_93 : memref<80x128xf32, #tpu.memory_space<vmem_shared>>) target_semaphore(%run_scoped3A : memref<!tpu.dma_semaphore, #tpu.memory_space<semaphore_mem>>)
      %dma_wait3A = arith.constant 0 : i32
      %dma_wait3A_97 = arith.constant 0 : i32
      %dma_wait3A_98 = tpu.memref_slice %arg9[%dma_wait3A, %dma_wait3A_97] : memref<125x128xf32, #tpu.memory_space<vmem>> -> memref<80x128xf32, #tpu.memory_space<vmem>>
      %dma_wait3A_99 = arith.constant 0 : i32
      %dma_wait3A_100 = tpu.memref_slice %arg11[%add3A_16, %dma_wait3A_99] : memref<10240x128xf32, #tpu.memory_space<vmem_shared>> -> memref<80x128xf32, #tpu.memory_space<vmem_shared>>
      %dma_wait3A_101 = arith.constant 0 : i32
      %dma_wait3A_102 = tpu.memref_slice %arg11[%add3A_16, %dma_wait3A_101] : memref<10240x128xf32, #tpu.memory_space<vmem_shared>> -> memref<80x128xf32, #tpu.memory_space<vmem_shared>>
      %dma_wait3A_103 = arith.constant 0 : i32
      %dma_wait3A_104 = arith.constant 0 : i32
      %dma_wait3A_105 = tpu.memref_slice %arg9[%dma_wait3A_103, %dma_wait3A_104] : memref<125x128xf32, #tpu.memory_space<vmem>> -> memref<80x128xf32, #tpu.memory_space<vmem>>
      tpu.wait_dma2 semaphore(%run_scoped3A : memref<!tpu.dma_semaphore, #tpu.memory_space<semaphore_mem>>) src(%dma_wait3A_105 : memref<80x128xf32, #tpu.memory_space<vmem>>) dst(%dma_wait3A_102 : memref<80x128xf32, #tpu.memory_space<vmem_shared>>)
      tpu.yield
    }) : () -> ()
    %mul3A_17 = arith.constant 640 : i32
    %mul3A_18 = arith.muli %arg1, %mul3A_17 : i32
    %add3A_19 = arith.constant 240 : i32
    %add3A_20 = arith.addi %mul3A_18, %add3A_19 : i32
    "tpu.region"() ({
      %run_scoped3A = tpu.sem_alloc : memref<!tpu.dma_semaphore, #tpu.memory_space<semaphore_mem>>
      %dma_start3A_87 = arith.constant 0 : i32
      %dma_start3A_88 = arith.constant 0 : i32
      %dma_start3A_89 = tpu.memref_slice %arg9[%dma_start3A_87, %dma_start3A_88] : memref<125x128xf32, #tpu.memory_space<vmem>> -> memref<80x128xf32, #tpu.memory_space<vmem>>
      %dma_start3A_90 = arith.constant 0 : i32
      %dma_start3A_91 = tpu.memref_slice %arg11[%add3A_20, %dma_start3A_90] : memref<10240x128xf32, #tpu.memory_space<vmem_shared>> -> memref<80x128xf32, #tpu.memory_space<vmem_shared>>
      %dma_start3A_92 = arith.constant 0 : i32
      %dma_start3A_93 = tpu.memref_slice %arg11[%add3A_20, %dma_start3A_92] : memref<10240x128xf32, #tpu.memory_space<vmem_shared>> -> memref<80x128xf32, #tpu.memory_space<vmem_shared>>
      %dma_start3A_94 = arith.constant 0 : i32
      %dma_start3A_95 = arith.constant 0 : i32
      %dma_start3A_96 = tpu.memref_slice %arg9[%dma_start3A_94, %dma_start3A_95] : memref<125x128xf32, #tpu.memory_space<vmem>> -> memref<80x128xf32, #tpu.memory_space<vmem>>
      tpu.enqueue_dma source(%dma_start3A_96 : memref<80x128xf32, #tpu.memory_space<vmem>>) target(%dma_start3A_93 : memref<80x128xf32, #tpu.memory_space<vmem_shared>>) target_semaphore(%run_scoped3A : memref<!tpu.dma_semaphore, #tpu.memory_space<semaphore_mem>>)
      %dma_wait3A = arith.constant 0 : i32
      %dma_wait3A_97 = arith.constant 0 : i32
      %dma_wait3A_98 = tpu.memref_slice %arg9[%dma_wait3A, %dma_wait3A_97] : memref<125x128xf32, #tpu.memory_space<vmem>> -> memref<80x128xf32, #tpu.memory_space<vmem>>
      %dma_wait3A_99 = arith.constant 0 : i32
      %dma_wait3A_100 = tpu.memref_slice %arg11[%add3A_20, %dma_wait3A_99] : memref<10240x128xf32, #tpu.memory_space<vmem_shared>> -> memref<80x128xf32, #tpu.memory_space<vmem_shared>>
      %dma_wait3A_101 = arith.constant 0 : i32
      %dma_wait3A_102 = tpu.memref_slice %arg11[%add3A_20, %dma_wait3A_101] : memref<10240x128xf32, #tpu.memory_space<vmem_shared>> -> memref<80x128xf32, #tpu.memory_space<vmem_shared>>
      %dma_wait3A_103 = arith.constant 0 : i32
      %dma_wait3A_104 = arith.constant 0 : i32
      %dma_wait3A_105 = tpu.memref_slice %arg9[%dma_wait3A_103, %dma_wait3A_104] : memref<125x128xf32, #tpu.memory_space<vmem>> -> memref<80x128xf32, #tpu.memory_space<vmem>>
      tpu.wait_dma2 semaphore(%run_scoped3A : memref<!tpu.dma_semaphore, #tpu.memory_space<semaphore_mem>>) src(%dma_wait3A_105 : memref<80x128xf32, #tpu.memory_space<vmem>>) dst(%dma_wait3A_102 : memref<80x128xf32, #tpu.memory_space<vmem_shared>>)
      tpu.yield
    }) : () -> ()
    %mul3A_21 = arith.constant 640 : i32
    %mul3A_22 = arith.muli %arg1, %mul3A_21 : i32
    %add3A_23 = arith.constant 320 : i32
    %add3A_24 = arith.addi %mul3A_22, %add3A_23 : i32
    "tpu.region"() ({
      %run_scoped3A = tpu.sem_alloc : memref<!tpu.dma_semaphore, #tpu.memory_space<semaphore_mem>>
      %dma_start3A_87 = arith.constant 0 : i32
      %dma_start3A_88 = arith.constant 0 : i32
      %dma_start3A_89 = tpu.memref_slice %arg9[%dma_start3A_87, %dma_start3A_88] : memref<125x128xf32, #tpu.memory_space<vmem>> -> memref<80x128xf32, #tpu.memory_space<vmem>>
      %dma_start3A_90 = arith.constant 0 : i32
      %dma_start3A_91 = tpu.memref_slice %arg11[%add3A_24, %dma_start3A_90] : memref<10240x128xf32, #tpu.memory_space<vmem_shared>> -> memref<80x128xf32, #tpu.memory_space<vmem_shared>>
      %dma_start3A_92 = arith.constant 0 : i32
      %dma_start3A_93 = tpu.memref_slice %arg11[%add3A_24, %dma_start3A_92] : memref<10240x128xf32, #tpu.memory_space<vmem_shared>> -> memref<80x128xf32, #tpu.memory_space<vmem_shared>>
      %dma_start3A_94 = arith.constant 0 : i32
      %dma_start3A_95 = arith.constant 0 : i32
      %dma_start3A_96 = tpu.memref_slice %arg9[%dma_start3A_94, %dma_start3A_95] : memref<125x128xf32, #tpu.memory_space<vmem>> -> memref<80x128xf32, #tpu.memory_space<vmem>>
      tpu.enqueue_dma source(%dma_start3A_96 : memref<80x128xf32, #tpu.memory_space<vmem>>) target(%dma_start3A_93 : memref<80x128xf32, #tpu.memory_space<vmem_shared>>) target_semaphore(%run_scoped3A : memref<!tpu.dma_semaphore, #tpu.memory_space<semaphore_mem>>)
      %dma_wait3A = arith.constant 0 : i32
      %dma_wait3A_97 = arith.constant 0 : i32
      %dma_wait3A_98 = tpu.memref_slice %arg9[%dma_wait3A, %dma_wait3A_97] : memref<125x128xf32, #tpu.memory_space<vmem>> -> memref<80x128xf32, #tpu.memory_space<vmem>>
      %dma_wait3A_99 = arith.constant 0 : i32
      %dma_wait3A_100 = tpu.memref_slice %arg11[%add3A_24, %dma_wait3A_99] : memref<10240x128xf32, #tpu.memory_space<vmem_shared>> -> memref<80x128xf32, #tpu.memory_space<vmem_shared>>
      %dma_wait3A_101 = arith.constant 0 : i32
      %dma_wait3A_102 = tpu.memref_slice %arg11[%add3A_24, %dma_wait3A_101] : memref<10240x128xf32, #tpu.memory_space<vmem_shared>> -> memref<80x128xf32, #tpu.memory_space<vmem_shared>>
      %dma_wait3A_103 = arith.constant 0 : i32
      %dma_wait3A_104 = arith.constant 0 : i32
      %dma_wait3A_105 = tpu.memref_slice %arg9[%dma_wait3A_103, %dma_wait3A_104] : memref<125x128xf32, #tpu.memory_space<vmem>> -> memref<80x128xf32, #tpu.memory_space<vmem>>
      tpu.wait_dma2 semaphore(%run_scoped3A : memref<!tpu.dma_semaphore, #tpu.memory_space<semaphore_mem>>) src(%dma_wait3A_105 : memref<80x128xf32, #tpu.memory_space<vmem>>) dst(%dma_wait3A_102 : memref<80x128xf32, #tpu.memory_space<vmem_shared>>)
      tpu.yield
    }) : () -> ()
    %mul3A_25 = arith.constant 640 : i32
    %mul3A_26 = arith.muli %arg1, %mul3A_25 : i32
    %add3A_27 = arith.constant 400 : i32
    %add3A_28 = arith.addi %mul3A_26, %add3A_27 : i32
    "tpu.region"() ({
      %run_scoped3A = tpu.sem_alloc : memref<!tpu.dma_semaphore, #tpu.memory_space<semaphore_mem>>
      %dma_start3A_87 = arith.constant 0 : i32
      %dma_start3A_88 = arith.constant 0 : i32
      %dma_start3A_89 = tpu.memref_slice %arg9[%dma_start3A_87, %dma_start3A_88] : memref<125x128xf32, #tpu.memory_space<vmem>> -> memref<80x128xf32, #tpu.memory_space<vmem>>
      %dma_start3A_90 = arith.constant 0 : i32
      %dma_start3A_91 = tpu.memref_slice %arg11[%add3A_28, %dma_start3A_90] : memref<10240x128xf32, #tpu.memory_space<vmem_shared>> -> memref<80x128xf32, #tpu.memory_space<vmem_shared>>
      %dma_start3A_92 = arith.constant 0 : i32
      %dma_start3A_93 = tpu.memref_slice %arg11[%add3A_28, %dma_start3A_92] : memref<10240x128xf32, #tpu.memory_space<vmem_shared>> -> memref<80x128xf32, #tpu.memory_space<vmem_shared>>
      %dma_start3A_94 = arith.constant 0 : i32
      %dma_start3A_95 = arith.constant 0 : i32
      %dma_start3A_96 = tpu.memref_slice %arg9[%dma_start3A_94, %dma_start3A_95] : memref<125x128xf32, #tpu.memory_space<vmem>> -> memref<80x128xf32, #tpu.memory_space<vmem>>
      tpu.enqueue_dma source(%dma_start3A_96 : memref<80x128xf32, #tpu.memory_space<vmem>>) target(%dma_start3A_93 : memref<80x128xf32, #tpu.memory_space<vmem_shared>>) target_semaphore(%run_scoped3A : memref<!tpu.dma_semaphore, #tpu.memory_space<semaphore_mem>>)
      %dma_wait3A = arith.constant 0 : i32
      %dma_wait3A_97 = arith.constant 0 : i32
      %dma_wait3A_98 = tpu.memref_slice %arg9[%dma_wait3A, %dma_wait3A_97] : memref<125x128xf32, #tpu.memory_space<vmem>> -> memref<80x128xf32, #tpu.memory_space<vmem>>
      %dma_wait3A_99 = arith.constant 0 : i32
      %dma_wait3A_100 = tpu.memref_slice %arg11[%add3A_28, %dma_wait3A_99] : memref<10240x128xf32, #tpu.memory_space<vmem_shared>> -> memref<80x128xf32, #tpu.memory_space<vmem_shared>>
      %dma_wait3A_101 = arith.constant 0 : i32
      %dma_wait3A_102 = tpu.memref_slice %arg11[%add3A_28, %dma_wait3A_101] : memref<10240x128xf32, #tpu.memory_space<vmem_shared>> -> memref<80x128xf32, #tpu.memory_space<vmem_shared>>
      %dma_wait3A_103 = arith.constant 0 : i32
      %dma_wait3A_104 = arith.constant 0 : i32
      %dma_wait3A_105 = tpu.memref_slice %arg9[%dma_wait3A_103, %dma_wait3A_104] : memref<125x128xf32, #tpu.memory_space<vmem>> -> memref<80x128xf32, #tpu.memory_space<vmem>>
      tpu.wait_dma2 semaphore(%run_scoped3A : memref<!tpu.dma_semaphore, #tpu.memory_space<semaphore_mem>>) src(%dma_wait3A_105 : memref<80x128xf32, #tpu.memory_space<vmem>>) dst(%dma_wait3A_102 : memref<80x128xf32, #tpu.memory_space<vmem_shared>>)
      tpu.yield
    }) : () -> ()
    %mul3A_29 = arith.constant 640 : i32
    %mul3A_30 = arith.muli %arg1, %mul3A_29 : i32
    %add3A_31 = arith.constant 480 : i32
    %add3A_32 = arith.addi %mul3A_30, %add3A_31 : i32
    "tpu.region"() ({
      %run_scoped3A = tpu.sem_alloc : memref<!tpu.dma_semaphore, #tpu.memory_space<semaphore_mem>>
      %dma_start3A_87 = arith.constant 0 : i32
      %dma_start3A_88 = arith.constant 0 : i32
      %dma_start3A_89 = tpu.memref_slice %arg9[%dma_start3A_87, %dma_start3A_88] : memref<125x128xf32, #tpu.memory_space<vmem>> -> memref<80x128xf32, #tpu.memory_space<vmem>>
      %dma_start3A_90 = arith.constant 0 : i32
      %dma_start3A_91 = tpu.memref_slice %arg11[%add3A_32, %dma_start3A_90] : memref<10240x128xf32, #tpu.memory_space<vmem_shared>> -> memref<80x128xf32, #tpu.memory_space<vmem_shared>>
      %dma_start3A_92 = arith.constant 0 : i32
      %dma_start3A_93 = tpu.memref_slice %arg11[%add3A_32, %dma_start3A_92] : memref<10240x128xf32, #tpu.memory_space<vmem_shared>> -> memref<80x128xf32, #tpu.memory_space<vmem_shared>>
      %dma_start3A_94 = arith.constant 0 : i32
      %dma_start3A_95 = arith.constant 0 : i32
      %dma_start3A_96 = tpu.memref_slice %arg9[%dma_start3A_94, %dma_start3A_95] : memref<125x128xf32, #tpu.memory_space<vmem>> -> memref<80x128xf32, #tpu.memory_space<vmem>>
      tpu.enqueue_dma source(%dma_start3A_96 : memref<80x128xf32, #tpu.memory_space<vmem>>) target(%dma_start3A_93 : memref<80x128xf32, #tpu.memory_space<vmem_shared>>) target_semaphore(%run_scoped3A : memref<!tpu.dma_semaphore, #tpu.memory_space<semaphore_mem>>)
      %dma_wait3A = arith.constant 0 : i32
      %dma_wait3A_97 = arith.constant 0 : i32
      %dma_wait3A_98 = tpu.memref_slice %arg9[%dma_wait3A, %dma_wait3A_97] : memref<125x128xf32, #tpu.memory_space<vmem>> -> memref<80x128xf32, #tpu.memory_space<vmem>>
      %dma_wait3A_99 = arith.constant 0 : i32
      %dma_wait3A_100 = tpu.memref_slice %arg11[%add3A_32, %dma_wait3A_99] : memref<10240x128xf32, #tpu.memory_space<vmem_shared>> -> memref<80x128xf32, #tpu.memory_space<vmem_shared>>
      %dma_wait3A_101 = arith.constant 0 : i32
      %dma_wait3A_102 = tpu.memref_slice %arg11[%add3A_32, %dma_wait3A_101] : memref<10240x128xf32, #tpu.memory_space<vmem_shared>> -> memref<80x128xf32, #tpu.memory_space<vmem_shared>>
      %dma_wait3A_103 = arith.constant 0 : i32
      %dma_wait3A_104 = arith.constant 0 : i32
      %dma_wait3A_105 = tpu.memref_slice %arg9[%dma_wait3A_103, %dma_wait3A_104] : memref<125x128xf32, #tpu.memory_space<vmem>> -> memref<80x128xf32, #tpu.memory_space<vmem>>
      tpu.wait_dma2 semaphore(%run_scoped3A : memref<!tpu.dma_semaphore, #tpu.memory_space<semaphore_mem>>) src(%dma_wait3A_105 : memref<80x128xf32, #tpu.memory_space<vmem>>) dst(%dma_wait3A_102 : memref<80x128xf32, #tpu.memory_space<vmem_shared>>)
      tpu.yield
    }) : () -> ()
    %mul3A_33 = arith.constant 640 : i32
    %mul3A_34 = arith.muli %arg1, %mul3A_33 : i32
    %add3A_35 = arith.constant 560 : i32
    %add3A_36 = arith.addi %mul3A_34, %add3A_35 : i32
    "tpu.region"() ({
      %run_scoped3A = tpu.sem_alloc : memref<!tpu.dma_semaphore, #tpu.memory_space<semaphore_mem>>
      %dma_start3A_87 = arith.constant 0 : i32
      %dma_start3A_88 = arith.constant 0 : i32
      %dma_start3A_89 = tpu.memref_slice %arg9[%dma_start3A_87, %dma_start3A_88] : memref<125x128xf32, #tpu.memory_space<vmem>> -> memref<80x128xf32, #tpu.memory_space<vmem>>
      %dma_start3A_90 = arith.constant 0 : i32
      %dma_start3A_91 = tpu.memref_slice %arg11[%add3A_36, %dma_start3A_90] : memref<10240x128xf32, #tpu.memory_space<vmem_shared>> -> memref<80x128xf32, #tpu.memory_space<vmem_shared>>
      %dma_start3A_92 = arith.constant 0 : i32
      %dma_start3A_93 = tpu.memref_slice %arg11[%add3A_36, %dma_start3A_92] : memref<10240x128xf32, #tpu.memory_space<vmem_shared>> -> memref<80x128xf32, #tpu.memory_space<vmem_shared>>
      %dma_start3A_94 = arith.constant 0 : i32
      %dma_start3A_95 = arith.constant 0 : i32
      %dma_start3A_96 = tpu.memref_slice %arg9[%dma_start3A_94, %dma_start3A_95] : memref<125x128xf32, #tpu.memory_space<vmem>> -> memref<80x128xf32, #tpu.memory_space<vmem>>
      tpu.enqueue_dma source(%dma_start3A_96 : memref<80x128xf32, #tpu.memory_space<vmem>>) target(%dma_start3A_93 : memref<80x128xf32, #tpu.memory_space<vmem_shared>>) target_semaphore(%run_scoped3A : memref<!tpu.dma_semaphore, #tpu.memory_space<semaphore_mem>>)
      %dma_wait3A = arith.constant 0 : i32
      %dma_wait3A_97 = arith.constant 0 : i32
      %dma_wait3A_98 = tpu.memref_slice %arg9[%dma_wait3A, %dma_wait3A_97] : memref<125x128xf32, #tpu.memory_space<vmem>> -> memref<80x128xf32, #tpu.memory_space<vmem>>
      %dma_wait3A_99 = arith.constant 0 : i32
      %dma_wait3A_100 = tpu.memref_slice %arg11[%add3A_36, %dma_wait3A_99] : memref<10240x128xf32, #tpu.memory_space<vmem_shared>> -> memref<80x128xf32, #tpu.memory_space<vmem_shared>>
      %dma_wait3A_101 = arith.constant 0 : i32
      %dma_wait3A_102 = tpu.memref_slice %arg11[%add3A_36, %dma_wait3A_101] : memref<10240x128xf32, #tpu.memory_space<vmem_shared>> -> memref<80x128xf32, #tpu.memory_space<vmem_shared>>
      %dma_wait3A_103 = arith.constant 0 : i32
      %dma_wait3A_104 = arith.constant 0 : i32
      %dma_wait3A_105 = tpu.memref_slice %arg9[%dma_wait3A_103, %dma_wait3A_104] : memref<125x128xf32, #tpu.memory_space<vmem>> -> memref<80x128xf32, #tpu.memory_space<vmem>>
      tpu.wait_dma2 semaphore(%run_scoped3A : memref<!tpu.dma_semaphore, #tpu.memory_space<semaphore_mem>>) src(%dma_wait3A_105 : memref<80x128xf32, #tpu.memory_space<vmem>>) dst(%dma_wait3A_102 : memref<80x128xf32, #tpu.memory_space<vmem_shared>>)
      tpu.yield
    }) : () -> ()
    %barrier3A = arith.constant 0 : index
    tpu.barrier barrier_id(%barrier3A)
    %mul3A_37 = arith.constant 16 : i32
    %mul3A_38 = arith.muli %arg0, %mul3A_37 : i32
    %add3A_39 = arith.addi %mul3A_38, %arg1 : i32
    %mul3A_40 = arith.constant 80 : i32
    %mul3A_41 = arith.muli %add3A_39, %mul3A_40 : i32
    %add3A_42 = arith.constant 0 : i32
    %add3A_43 = arith.addi %mul3A_41, %add3A_42 : i32
    "tpu.region"() ({
      %run_scoped3A = tpu.sem_alloc : memref<!tpu.dma_semaphore, #tpu.memory_space<semaphore_mem>>
      %dma_start3A_87 = arith.constant 0 : i32
      %dma_start3A_88 = tpu.memref_slice %arg2[%add3A_43, %dma_start3A_87] : memref<2560x125xi32, #tpu.memory_space<hbm>> -> memref<40x125xi32, #tpu.memory_space<hbm>>
      %dma_start3A_89 = arith.constant 0 : i32
      %dma_start3A_90 = tpu.memref_slice %arg2[%add3A_43, %dma_start3A_89] : memref<2560x125xi32, #tpu.memory_space<hbm>> -> memref<40x125xi32, #tpu.memory_space<hbm>>
      tpu.enqueue_dma source(%dma_start3A_90 : memref<40x125xi32, #tpu.memory_space<hbm>>) target(%arg7 : memref<40x125xi32, #tpu.memory_space<vmem>>) target_semaphore(%run_scoped3A : memref<!tpu.dma_semaphore, #tpu.memory_space<semaphore_mem>>)
      %dma_wait3A = arith.constant 0 : i32
      %dma_wait3A_91 = tpu.memref_slice %arg2[%add3A_43, %dma_wait3A] : memref<2560x125xi32, #tpu.memory_space<hbm>> -> memref<40x125xi32, #tpu.memory_space<hbm>>
      %dma_wait3A_92 = arith.constant 0 : i32
      %dma_wait3A_93 = tpu.memref_slice %arg2[%add3A_43, %dma_wait3A_92] : memref<2560x125xi32, #tpu.memory_space<hbm>> -> memref<40x125xi32, #tpu.memory_space<hbm>>
      tpu.wait_dma2 semaphore(%run_scoped3A : memref<!tpu.dma_semaphore, #tpu.memory_space<semaphore_mem>>) src(%dma_wait3A_93 : memref<40x125xi32, #tpu.memory_space<hbm>>) dst(%arg7 : memref<40x125xi32, #tpu.memory_space<vmem>>)
      tpu.yield
    }) : () -> ()
    %add3A_44 = arith.constant 0 : i32
    %add3A_45 = arith.addi %mul3A_41, %add3A_44 : i32
    "tpu.region"() ({
      %run_scoped3A = tpu.sem_alloc : memref<!tpu.dma_semaphore, #tpu.memory_space<semaphore_mem>>
      %dma_start3A_87 = arith.constant 0 : i32
      %dma_start3A_88 = tpu.memref_slice %arg3[%add3A_45, %dma_start3A_87] : memref<2560x125xi32, #tpu.memory_space<hbm>> -> memref<40x125xi32, #tpu.memory_space<hbm>>
      %dma_start3A_89 = arith.constant 0 : i32
      %dma_start3A_90 = tpu.memref_slice %arg3[%add3A_45, %dma_start3A_89] : memref<2560x125xi32, #tpu.memory_space<hbm>> -> memref<40x125xi32, #tpu.memory_space<hbm>>
      tpu.enqueue_dma source(%dma_start3A_90 : memref<40x125xi32, #tpu.memory_space<hbm>>) target(%arg8 : memref<40x125xi32, #tpu.memory_space<vmem>>) target_semaphore(%run_scoped3A : memref<!tpu.dma_semaphore, #tpu.memory_space<semaphore_mem>>)
      %dma_wait3A = arith.constant 0 : i32
      %dma_wait3A_91 = tpu.memref_slice %arg3[%add3A_45, %dma_wait3A] : memref<2560x125xi32, #tpu.memory_space<hbm>> -> memref<40x125xi32, #tpu.memory_space<hbm>>
      %dma_wait3A_92 = arith.constant 0 : i32
      %dma_wait3A_93 = tpu.memref_slice %arg3[%add3A_45, %dma_wait3A_92] : memref<2560x125xi32, #tpu.memory_space<hbm>> -> memref<40x125xi32, #tpu.memory_space<hbm>>
      tpu.wait_dma2 semaphore(%run_scoped3A : memref<!tpu.dma_semaphore, #tpu.memory_space<semaphore_mem>>) src(%dma_wait3A_93 : memref<40x125xi32, #tpu.memory_space<hbm>>) dst(%arg8 : memref<40x125xi32, #tpu.memory_space<vmem>>)
      tpu.yield
    }) : () -> ()
    %dma_start3A = arith.constant 0 : i32
    %dma_start3A_46 = arith.constant 0 : i32
    %dma_start3A_47 = tpu.memref_slice %arg7[%dma_start3A, %dma_start3A_46] : memref<40x125xi32, #tpu.memory_space<vmem>> -> memref<1x125xi32, #tpu.memory_space<vmem>>
    %dma_start3A_48 = tpu.memref_squeeze %dma_start3A_47 : memref<1x125xi32, #tpu.memory_space<vmem>> -> memref<125xi32, #tpu.memory_space<vmem>>
    %dma_start3A_49 = arith.constant 0 : i32
    %dma_start3A_50 = arith.constant 0 : i32
    %dma_start3A_51 = tpu.memref_slice %arg4[%dma_start3A_49, %dma_start3A_50] : memref<10000x128xf32, #tpu.memory_space<hbm>> -> memref<10000x128xf32, #tpu.memory_space<hbm>>
    tpu.enqueue_indirect_dma source(%dma_start3A_51 : memref<10000x128xf32, #tpu.memory_space<hbm>>) target(%arg9 : memref<125x128xf32, #tpu.memory_space<vmem>>) offsets(%dma_start3A_48 : memref<125xi32, #tpu.memory_space<vmem>>) semaphore(%arg12 : memref<!tpu.dma_semaphore, #tpu.memory_space<semaphore_mem>>)
    %scan3A_52 = arith.constant 0 : i32
    %scan3A_53 = arith.constant 0 : i32
    %scan3A_54 = arith.constant 20 : i32
    %scan3A_55 = arith.addi %scan3A_53, %scan3A_54 : i32
    %scan3A_56 = arith.constant 1 : i32
    %scan3A_57 = scf.for %scan3A_87 = %scan3A_53 to %scan3A_55 step %scan3A_56 iter_args(%scan3A_88 = %scan3A_52) -> (i32)  : i32 {
      %mul3A_89 = arith.constant 2 : i32
      %mul3A_90 = arith.muli %scan3A_87, %mul3A_89 : i32
      %add3A_91 = arith.constant 0 : i32
      %add3A_92 = arith.addi %mul3A_90, %add3A_91 : i32
      %add3A_93 = arith.constant 1 : i32
      %add3A_94 = arith.addi %add3A_92, %add3A_93 : i32
      %lt3A = arith.constant 40 : i32
      %lt3A_95 = arith.cmpi slt, %add3A_94, %lt3A : i32
      %convert_element_type3A_96 = arith.extui %lt3A_95 : i1 to i32
      %cond3A_97 = arith.constant 0 : i32
      %cond3A_98 = arith.cmpi ne, %convert_element_type3A_96, %cond3A_97 : i32
      scf.if %cond3A_98 {
        %add3A_122 = arith.constant 1 : i32
        %add3A_123 = arith.addi %add3A_92, %add3A_122 : i32
        %dma_start3A_124 = arith.constant 0 : i32
        %dma_start3A_125 = tpu.memref_slice %arg7[%add3A_123, %dma_start3A_124] : memref<40x125xi32, #tpu.memory_space<vmem>> -> memref<1x125xi32, #tpu.memory_space<vmem>>
        %dma_start3A_126 = tpu.memref_squeeze %dma_start3A_125 : memref<1x125xi32, #tpu.memory_space<vmem>> -> memref<125xi32, #tpu.memory_space<vmem>>
        %dma_start3A_127 = arith.constant 0 : i32
        %dma_start3A_128 = arith.constant 0 : i32
        %dma_start3A_129 = tpu.memref_slice %arg4[%dma_start3A_127, %dma_start3A_128] : memref<10000x128xf32, #tpu.memory_space<hbm>> -> memref<10000x128xf32, #tpu.memory_space<hbm>>
        tpu.enqueue_indirect_dma source(%dma_start3A_129 : memref<10000x128xf32, #tpu.memory_space<hbm>>) target(%arg10 : memref<125x128xf32, #tpu.memory_space<vmem>>) offsets(%dma_start3A_126 : memref<125xi32, #tpu.memory_space<vmem>>) semaphore(%arg13 : memref<!tpu.dma_semaphore, #tpu.memory_space<semaphore_mem>>)
      } else {
      }
      %dma_wait3A = arith.constant 0 : i32
      %dma_wait3A_99 = tpu.memref_slice %arg7[%add3A_92, %dma_wait3A] : memref<40x125xi32, #tpu.memory_space<vmem>> -> memref<1x125xi32, #tpu.memory_space<vmem>>
      %dma_wait3A_100 = tpu.memref_squeeze %dma_wait3A_99 : memref<1x125xi32, #tpu.memory_space<vmem>> -> memref<125xi32, #tpu.memory_space<vmem>>
      %dma_wait3A_101 = arith.constant 0 : i32
      %dma_wait3A_102 = arith.constant 0 : i32
      %dma_wait3A_103 = tpu.memref_slice %arg4[%dma_wait3A_101, %dma_wait3A_102] : memref<10000x128xf32, #tpu.memory_space<hbm>> -> memref<10000x128xf32, #tpu.memory_space<hbm>>
      tpu.wait_indirect_dma semaphore(%arg12 : memref<!tpu.dma_semaphore, #tpu.memory_space<semaphore_mem>>) src(%dma_wait3A_103 : memref<10000x128xf32, #tpu.memory_space<hbm>>) dst(%arg9 : memref<125x128xf32, #tpu.memory_space<vmem>>)
      "tpu.region"() ({
        %run_scoped3A = tpu.sem_alloc : memref<!tpu.dma_semaphore, #tpu.memory_space<semaphore_mem>>
        %dma_start3A_122 = arith.constant 0 : i32
        %dma_start3A_123 = tpu.memref_slice %arg8[%add3A_92, %dma_start3A_122] : memref<40x125xi32, #tpu.memory_space<vmem>> -> memref<1x125xi32, #tpu.memory_space<vmem>>
        %dma_start3A_124 = tpu.memref_squeeze %dma_start3A_123 : memref<1x125xi32, #tpu.memory_space<vmem>> -> memref<125xi32, #tpu.memory_space<vmem>>
        %dma_start3A_125 = arith.constant 0 : i32
        %dma_start3A_126 = arith.constant 0 : i32
        %dma_start3A_127 = tpu.memref_slice %arg11[%dma_start3A_125, %dma_start3A_126] : memref<10240x128xf32, #tpu.memory_space<vmem_shared>> -> memref<10240x128xf32, #tpu.memory_space<vmem_shared>>
        tpu.enqueue_indirect_dma source(%arg9 : memref<125x128xf32, #tpu.memory_space<vmem>>) target(%dma_start3A_127 : memref<10240x128xf32, #tpu.memory_space<vmem_shared>>) offsets(%dma_start3A_124 : memref<125xi32, #tpu.memory_space<vmem>>) semaphore(%run_scoped3A : memref<!tpu.dma_semaphore, #tpu.memory_space<semaphore_mem>>) {add = true}
        %dma_wait3A_128 = arith.constant 0 : i32
        %dma_wait3A_129 = tpu.memref_slice %arg8[%add3A_92, %dma_wait3A_128] : memref<40x125xi32, #tpu.memory_space<vmem>> -> memref<1x125xi32, #tpu.memory_space<vmem>>
        %dma_wait3A_130 = tpu.memref_squeeze %dma_wait3A_129 : memref<1x125xi32, #tpu.memory_space<vmem>> -> memref<125xi32, #tpu.memory_space<vmem>>
        %dma_wait3A_131 = arith.constant 0 : i32
        %dma_wait3A_132 = arith.constant 0 : i32
        %dma_wait3A_133 = tpu.memref_slice %arg11[%dma_wait3A_131, %dma_wait3A_132] : memref<10240x128xf32, #tpu.memory_space<vmem_shared>> -> memref<10240x128xf32, #tpu.memory_space<vmem_shared>>
        tpu.wait_indirect_dma semaphore(%run_scoped3A : memref<!tpu.dma_semaphore, #tpu.memory_space<semaphore_mem>>) src(%arg9 : memref<125x128xf32, #tpu.memory_space<vmem>>) dst(%dma_wait3A_133 : memref<10240x128xf32, #tpu.memory_space<vmem_shared>>)
        tpu.yield
      }) : () -> ()
      %mul3A_104 = arith.constant 2 : i32
      %mul3A_105 = arith.muli %scan3A_87, %mul3A_104 : i32
      %add3A_106 = arith.constant 1 : i32
      %add3A_107 = arith.addi %mul3A_105, %add3A_106 : i32
      %add3A_108 = arith.constant 1 : i32
      %add3A_109 = arith.addi %add3A_107, %add3A_108 : i32
      %lt3A_110 = arith.constant 40 : i32
      %lt3A_111 = arith.cmpi slt, %add3A_109, %lt3A_110 : i32
      %convert_element_type3A_112 = arith.extui %lt3A_111 : i1 to i32
      %cond3A_113 = arith.constant 0 : i32
      %cond3A_114 = arith.cmpi ne, %convert_element_type3A_112, %cond3A_113 : i32
      scf.if %cond3A_114 {
        %add3A_122 = arith.constant 1 : i32
        %add3A_123 = arith.addi %add3A_107, %add3A_122 : i32
        %dma_start3A_124 = arith.constant 0 : i32
        %dma_start3A_125 = tpu.memref_slice %arg7[%add3A_123, %dma_start3A_124] : memref<40x125xi32, #tpu.memory_space<vmem>> -> memref<1x125xi32, #tpu.memory_space<vmem>>
        %dma_start3A_126 = tpu.memref_squeeze %dma_start3A_125 : memref<1x125xi32, #tpu.memory_space<vmem>> -> memref<125xi32, #tpu.memory_space<vmem>>
        %dma_start3A_127 = arith.constant 0 : i32
        %dma_start3A_128 = arith.constant 0 : i32
        %dma_start3A_129 = tpu.memref_slice %arg4[%dma_start3A_127, %dma_start3A_128] : memref<10000x128xf32, #tpu.memory_space<hbm>> -> memref<10000x128xf32, #tpu.memory_space<hbm>>
        tpu.enqueue_indirect_dma source(%dma_start3A_129 : memref<10000x128xf32, #tpu.memory_space<hbm>>) target(%arg9 : memref<125x128xf32, #tpu.memory_space<vmem>>) offsets(%dma_start3A_126 : memref<125xi32, #tpu.memory_space<vmem>>) semaphore(%arg12 : memref<!tpu.dma_semaphore, #tpu.memory_space<semaphore_mem>>)
      } else {
      }
      %dma_wait3A_115 = arith.constant 0 : i32
      %dma_wait3A_116 = tpu.memref_slice %arg7[%add3A_107, %dma_wait3A_115] : memref<40x125xi32, #tpu.memory_space<vmem>> -> memref<1x125xi32, #tpu.memory_space<vmem>>
      %dma_wait3A_117 = tpu.memref_squeeze %dma_wait3A_116 : memref<1x125xi32, #tpu.memory_space<vmem>> -> memref<125xi32, #tpu.memory_space<vmem>>
      %dma_wait3A_118 = arith.constant 0 : i32
      %dma_wait3A_119 = arith.constant 0 : i32
      %dma_wait3A_120 = tpu.memref_slice %arg4[%dma_wait3A_118, %dma_wait3A_119] : memref<10000x128xf32, #tpu.memory_space<hbm>> -> memref<10000x128xf32, #tpu.memory_space<hbm>>
      tpu.wait_indirect_dma semaphore(%arg13 : memref<!tpu.dma_semaphore, #tpu.memory_space<semaphore_mem>>) src(%dma_wait3A_120 : memref<10000x128xf32, #tpu.memory_space<hbm>>) dst(%arg10 : memref<125x128xf32, #tpu.memory_space<vmem>>)
      "tpu.region"() ({
        %run_scoped3A = tpu.sem_alloc : memref<!tpu.dma_semaphore, #tpu.memory_space<semaphore_mem>>
        %dma_start3A_122 = arith.constant 0 : i32
        %dma_start3A_123 = tpu.memref_slice %arg8[%add3A_107, %dma_start3A_122] : memref<40x125xi32, #tpu.memory_space<vmem>> -> memref<1x125xi32, #tpu.memory_space<vmem>>
        %dma_start3A_124 = tpu.memref_squeeze %dma_start3A_123 : memref<1x125xi32, #tpu.memory_space<vmem>> -> memref<125xi32, #tpu.memory_space<vmem>>
        %dma_start3A_125 = arith.constant 0 : i32
        %dma_start3A_126 = arith.constant 0 : i32
        %dma_start3A_127 = tpu.memref_slice %arg11[%dma_start3A_125, %dma_start3A_126] : memref<10240x128xf32, #tpu.memory_space<vmem_shared>> -> memref<10240x128xf32, #tpu.memory_space<vmem_shared>>
        tpu.enqueue_indirect_dma source(%arg10 : memref<125x128xf32, #tpu.memory_space<vmem>>) target(%dma_start3A_127 : memref<10240x128xf32, #tpu.memory_space<vmem_shared>>) offsets(%dma_start3A_124 : memref<125xi32, #tpu.memory_space<vmem>>) semaphore(%run_scoped3A : memref<!tpu.dma_semaphore, #tpu.memory_space<semaphore_mem>>) {add = true}
        %dma_wait3A_128 = arith.constant 0 : i32
        %dma_wait3A_129 = tpu.memref_slice %arg8[%add3A_107, %dma_wait3A_128] : memref<40x125xi32, #tpu.memory_space<vmem>> -> memref<1x125xi32, #tpu.memory_space<vmem>>
        %dma_wait3A_130 = tpu.memref_squeeze %dma_wait3A_129 : memref<1x125xi32, #tpu.memory_space<vmem>> -> memref<125xi32, #tpu.memory_space<vmem>>
        %dma_wait3A_131 = arith.constant 0 : i32
        %dma_wait3A_132 = arith.constant 0 : i32
        %dma_wait3A_133 = tpu.memref_slice %arg11[%dma_wait3A_131, %dma_wait3A_132] : memref<10240x128xf32, #tpu.memory_space<vmem_shared>> -> memref<10240x128xf32, #tpu.memory_space<vmem_shared>>
        tpu.wait_indirect_dma semaphore(%run_scoped3A : memref<!tpu.dma_semaphore, #tpu.memory_space<semaphore_mem>>) src(%arg10 : memref<125x128xf32, #tpu.memory_space<vmem>>) dst(%dma_wait3A_133 : memref<10240x128xf32, #tpu.memory_space<vmem_shared>>)
        tpu.yield
      }) : () -> ()
      %scan3A_121 = arith.constant 0 : i32
      scf.yield %scan3A_121 : i32
    }
    %scan3A_58 = arith.constant 20 : i32
    %add3A_59 = arith.constant 40 : i32
    %add3A_60 = arith.addi %mul3A_41, %add3A_59 : i32
    "tpu.region"() ({
      %run_scoped3A = tpu.sem_alloc : memref<!tpu.dma_semaphore, #tpu.memory_space<semaphore_mem>>
      %dma_start3A_87 = arith.constant 0 : i32
      %dma_start3A_88 = tpu.memref_slice %arg2[%add3A_60, %dma_start3A_87] : memref<2560x125xi32, #tpu.memory_space<hbm>> -> memref<40x125xi32, #tpu.memory_space<hbm>>
      %dma_start3A_89 = arith.constant 0 : i32
      %dma_start3A_90 = tpu.memref_slice %arg2[%add3A_60, %dma_start3A_89] : memref<2560x125xi32, #tpu.memory_space<hbm>> -> memref<40x125xi32, #tpu.memory_space<hbm>>
      tpu.enqueue_dma source(%dma_start3A_90 : memref<40x125xi32, #tpu.memory_space<hbm>>) target(%arg7 : memref<40x125xi32, #tpu.memory_space<vmem>>) target_semaphore(%run_scoped3A : memref<!tpu.dma_semaphore, #tpu.memory_space<semaphore_mem>>)
      %dma_wait3A = arith.constant 0 : i32
      %dma_wait3A_91 = tpu.memref_slice %arg2[%add3A_60, %dma_wait3A] : memref<2560x125xi32, #tpu.memory_space<hbm>> -> memref<40x125xi32, #tpu.memory_space<hbm>>
      %dma_wait3A_92 = arith.constant 0 : i32
      %dma_wait3A_93 = tpu.memref_slice %arg2[%add3A_60, %dma_wait3A_92] : memref<2560x125xi32, #tpu.memory_space<hbm>> -> memref<40x125xi32, #tpu.memory_space<hbm>>
      tpu.wait_dma2 semaphore(%run_scoped3A : memref<!tpu.dma_semaphore, #tpu.memory_space<semaphore_mem>>) src(%dma_wait3A_93 : memref<40x125xi32, #tpu.memory_space<hbm>>) dst(%arg7 : memref<40x125xi32, #tpu.memory_space<vmem>>)
      tpu.yield
    }) : () -> ()
    %add3A_61 = arith.constant 40 : i32
    %add3A_62 = arith.addi %mul3A_41, %add3A_61 : i32
    "tpu.region"() ({
      %run_scoped3A = tpu.sem_alloc : memref<!tpu.dma_semaphore, #tpu.memory_space<semaphore_mem>>
      %dma_start3A_87 = arith.constant 0 : i32
      %dma_start3A_88 = tpu.memref_slice %arg3[%add3A_62, %dma_start3A_87] : memref<2560x125xi32, #tpu.memory_space<hbm>> -> memref<40x125xi32, #tpu.memory_space<hbm>>
      %dma_start3A_89 = arith.constant 0 : i32
      %dma_start3A_90 = tpu.memref_slice %arg3[%add3A_62, %dma_start3A_89] : memref<2560x125xi32, #tpu.memory_space<hbm>> -> memref<40x125xi32, #tpu.memory_space<hbm>>
      tpu.enqueue_dma source(%dma_start3A_90 : memref<40x125xi32, #tpu.memory_space<hbm>>) target(%arg8 : memref<40x125xi32, #tpu.memory_space<vmem>>) target_semaphore(%run_scoped3A : memref<!tpu.dma_semaphore, #tpu.memory_space<semaphore_mem>>)
      %dma_wait3A = arith.constant 0 : i32
      %dma_wait3A_91 = tpu.memref_slice %arg3[%add3A_62, %dma_wait3A] : memref<2560x125xi32, #tpu.memory_space<hbm>> -> memref<40x125xi32, #tpu.memory_space<hbm>>
      %dma_wait3A_92 = arith.constant 0 : i32
      %dma_wait3A_93 = tpu.memref_slice %arg3[%add3A_62, %dma_wait3A_92] : memref<2560x125xi32, #tpu.memory_space<hbm>> -> memref<40x125xi32, #tpu.memory_space<hbm>>
      tpu.wait_dma2 semaphore(%run_scoped3A : memref<!tpu.dma_semaphore, #tpu.memory_space<semaphore_mem>>) src(%dma_wait3A_93 : memref<40x125xi32, #tpu.memory_space<hbm>>) dst(%arg8 : memref<40x125xi32, #tpu.memory_space<vmem>>)
      tpu.yield
    }) : () -> ()
    %dma_start3A_63 = arith.constant 0 : i32
    %dma_start3A_64 = arith.constant 0 : i32
    %dma_start3A_65 = tpu.memref_slice %arg7[%dma_start3A_63, %dma_start3A_64] : memref<40x125xi32, #tpu.memory_space<vmem>> -> memref<1x125xi32, #tpu.memory_space<vmem>>
    %dma_start3A_66 = tpu.memref_squeeze %dma_start3A_65 : memref<1x125xi32, #tpu.memory_space<vmem>> -> memref<125xi32, #tpu.memory_space<vmem>>
    %dma_start3A_67 = arith.constant 0 : i32
    %dma_start3A_68 = arith.constant 0 : i32
    %dma_start3A_69 = tpu.memref_slice %arg4[%dma_start3A_67, %dma_start3A_68] : memref<10000x128xf32, #tpu.memory_space<hbm>> -> memref<10000x128xf32, #tpu.memory_space<hbm>>
    tpu.enqueue_indirect_dma source(%dma_start3A_69 : memref<10000x128xf32, #tpu.memory_space<hbm>>) target(%arg9 : memref<125x128xf32, #tpu.memory_space<vmem>>) offsets(%dma_start3A_66 : memref<125xi32, #tpu.memory_space<vmem>>) semaphore(%arg12 : memref<!tpu.dma_semaphore, #tpu.memory_space<semaphore_mem>>)
    %scan3A_70 = arith.constant 0 : i32
    %scan3A_71 = arith.constant 0 : i32
    %scan3A_72 = arith.constant 20 : i32
    %scan3A_73 = arith.addi %scan3A_71, %scan3A_72 : i32
    %scan3A_74 = arith.constant 1 : i32
    %scan3A_75 = scf.for %scan3A_87 = %scan3A_71 to %scan3A_73 step %scan3A_74 iter_args(%scan3A_88 = %scan3A_70) -> (i32)  : i32 {
      %mul3A_89 = arith.constant 2 : i32
      %mul3A_90 = arith.muli %scan3A_87, %mul3A_89 : i32
      %add3A_91 = arith.constant 0 : i32
      %add3A_92 = arith.addi %mul3A_90, %add3A_91 : i32
      %add3A_93 = arith.constant 1 : i32
      %add3A_94 = arith.addi %add3A_92, %add3A_93 : i32
      %lt3A = arith.constant 40 : i32
      %lt3A_95 = arith.cmpi slt, %add3A_94, %lt3A : i32
      %convert_element_type3A_96 = arith.extui %lt3A_95 : i1 to i32
      %cond3A_97 = arith.constant 0 : i32
      %cond3A_98 = arith.cmpi ne, %convert_element_type3A_96, %cond3A_97 : i32
      scf.if %cond3A_98 {
        %add3A_122 = arith.constant 1 : i32
        %add3A_123 = arith.addi %add3A_92, %add3A_122 : i32
        %dma_start3A_124 = arith.constant 0 : i32
        %dma_start3A_125 = tpu.memref_slice %arg7[%add3A_123, %dma_start3A_124] : memref<40x125xi32, #tpu.memory_space<vmem>> -> memref<1x125xi32, #tpu.memory_space<vmem>>
        %dma_start3A_126 = tpu.memref_squeeze %dma_start3A_125 : memref<1x125xi32, #tpu.memory_space<vmem>> -> memref<125xi32, #tpu.memory_space<vmem>>
        %dma_start3A_127 = arith.constant 0 : i32
        %dma_start3A_128 = arith.constant 0 : i32
        %dma_start3A_129 = tpu.memref_slice %arg4[%dma_start3A_127, %dma_start3A_128] : memref<10000x128xf32, #tpu.memory_space<hbm>> -> memref<10000x128xf32, #tpu.memory_space<hbm>>
        tpu.enqueue_indirect_dma source(%dma_start3A_129 : memref<10000x128xf32, #tpu.memory_space<hbm>>) target(%arg10 : memref<125x128xf32, #tpu.memory_space<vmem>>) offsets(%dma_start3A_126 : memref<125xi32, #tpu.memory_space<vmem>>) semaphore(%arg13 : memref<!tpu.dma_semaphore, #tpu.memory_space<semaphore_mem>>)
      } else {
      }
      %dma_wait3A = arith.constant 0 : i32
      %dma_wait3A_99 = tpu.memref_slice %arg7[%add3A_92, %dma_wait3A] : memref<40x125xi32, #tpu.memory_space<vmem>> -> memref<1x125xi32, #tpu.memory_space<vmem>>
      %dma_wait3A_100 = tpu.memref_squeeze %dma_wait3A_99 : memref<1x125xi32, #tpu.memory_space<vmem>> -> memref<125xi32, #tpu.memory_space<vmem>>
      %dma_wait3A_101 = arith.constant 0 : i32
      %dma_wait3A_102 = arith.constant 0 : i32
      %dma_wait3A_103 = tpu.memref_slice %arg4[%dma_wait3A_101, %dma_wait3A_102] : memref<10000x128xf32, #tpu.memory_space<hbm>> -> memref<10000x128xf32, #tpu.memory_space<hbm>>
      tpu.wait_indirect_dma semaphore(%arg12 : memref<!tpu.dma_semaphore, #tpu.memory_space<semaphore_mem>>) src(%dma_wait3A_103 : memref<10000x128xf32, #tpu.memory_space<hbm>>) dst(%arg9 : memref<125x128xf32, #tpu.memory_space<vmem>>)
      "tpu.region"() ({
        %run_scoped3A = tpu.sem_alloc : memref<!tpu.dma_semaphore, #tpu.memory_space<semaphore_mem>>
        %dma_start3A_122 = arith.constant 0 : i32
        %dma_start3A_123 = tpu.memref_slice %arg8[%add3A_92, %dma_start3A_122] : memref<40x125xi32, #tpu.memory_space<vmem>> -> memref<1x125xi32, #tpu.memory_space<vmem>>
        %dma_start3A_124 = tpu.memref_squeeze %dma_start3A_123 : memref<1x125xi32, #tpu.memory_space<vmem>> -> memref<125xi32, #tpu.memory_space<vmem>>
        %dma_start3A_125 = arith.constant 0 : i32
        %dma_start3A_126 = arith.constant 0 : i32
        %dma_start3A_127 = tpu.memref_slice %arg11[%dma_start3A_125, %dma_start3A_126] : memref<10240x128xf32, #tpu.memory_space<vmem_shared>> -> memref<10240x128xf32, #tpu.memory_space<vmem_shared>>
        tpu.enqueue_indirect_dma source(%arg9 : memref<125x128xf32, #tpu.memory_space<vmem>>) target(%dma_start3A_127 : memref<10240x128xf32, #tpu.memory_space<vmem_shared>>) offsets(%dma_start3A_124 : memref<125xi32, #tpu.memory_space<vmem>>) semaphore(%run_scoped3A : memref<!tpu.dma_semaphore, #tpu.memory_space<semaphore_mem>>) {add = true}
        %dma_wait3A_128 = arith.constant 0 : i32
        %dma_wait3A_129 = tpu.memref_slice %arg8[%add3A_92, %dma_wait3A_128] : memref<40x125xi32, #tpu.memory_space<vmem>> -> memref<1x125xi32, #tpu.memory_space<vmem>>
        %dma_wait3A_130 = tpu.memref_squeeze %dma_wait3A_129 : memref<1x125xi32, #tpu.memory_space<vmem>> -> memref<125xi32, #tpu.memory_space<vmem>>
        %dma_wait3A_131 = arith.constant 0 : i32
        %dma_wait3A_132 = arith.constant 0 : i32
        %dma_wait3A_133 = tpu.memref_slice %arg11[%dma_wait3A_131, %dma_wait3A_132] : memref<10240x128xf32, #tpu.memory_space<vmem_shared>> -> memref<10240x128xf32, #tpu.memory_space<vmem_shared>>
        tpu.wait_indirect_dma semaphore(%run_scoped3A : memref<!tpu.dma_semaphore, #tpu.memory_space<semaphore_mem>>) src(%arg9 : memref<125x128xf32, #tpu.memory_space<vmem>>) dst(%dma_wait3A_133 : memref<10240x128xf32, #tpu.memory_space<vmem_shared>>)
        tpu.yield
      }) : () -> ()
      %mul3A_104 = arith.constant 2 : i32
      %mul3A_105 = arith.muli %scan3A_87, %mul3A_104 : i32
      %add3A_106 = arith.constant 1 : i32
      %add3A_107 = arith.addi %mul3A_105, %add3A_106 : i32
      %add3A_108 = arith.constant 1 : i32
      %add3A_109 = arith.addi %add3A_107, %add3A_108 : i32
      %lt3A_110 = arith.constant 40 : i32
      %lt3A_111 = arith.cmpi slt, %add3A_109, %lt3A_110 : i32
      %convert_element_type3A_112 = arith.extui %lt3A_111 : i1 to i32
      %cond3A_113 = arith.constant 0 : i32
      %cond3A_114 = arith.cmpi ne, %convert_element_type3A_112, %cond3A_113 : i32
      scf.if %cond3A_114 {
        %add3A_122 = arith.constant 1 : i32
        %add3A_123 = arith.addi %add3A_107, %add3A_122 : i32
        %dma_start3A_124 = arith.constant 0 : i32
        %dma_start3A_125 = tpu.memref_slice %arg7[%add3A_123, %dma_start3A_124] : memref<40x125xi32, #tpu.memory_space<vmem>> -> memref<1x125xi32, #tpu.memory_space<vmem>>
        %dma_start3A_126 = tpu.memref_squeeze %dma_start3A_125 : memref<1x125xi32, #tpu.memory_space<vmem>> -> memref<125xi32, #tpu.memory_space<vmem>>
        %dma_start3A_127 = arith.constant 0 : i32
        %dma_start3A_128 = arith.constant 0 : i32
        %dma_start3A_129 = tpu.memref_slice %arg4[%dma_start3A_127, %dma_start3A_128] : memref<10000x128xf32, #tpu.memory_space<hbm>> -> memref<10000x128xf32, #tpu.memory_space<hbm>>
        tpu.enqueue_indirect_dma source(%dma_start3A_129 : memref<10000x128xf32, #tpu.memory_space<hbm>>) target(%arg9 : memref<125x128xf32, #tpu.memory_space<vmem>>) offsets(%dma_start3A_126 : memref<125xi32, #tpu.memory_space<vmem>>) semaphore(%arg12 : memref<!tpu.dma_semaphore, #tpu.memory_space<semaphore_mem>>)
      } else {
      }
      %dma_wait3A_115 = arith.constant 0 : i32
      %dma_wait3A_116 = tpu.memref_slice %arg7[%add3A_107, %dma_wait3A_115] : memref<40x125xi32, #tpu.memory_space<vmem>> -> memref<1x125xi32, #tpu.memory_space<vmem>>
      %dma_wait3A_117 = tpu.memref_squeeze %dma_wait3A_116 : memref<1x125xi32, #tpu.memory_space<vmem>> -> memref<125xi32, #tpu.memory_space<vmem>>
      %dma_wait3A_118 = arith.constant 0 : i32
      %dma_wait3A_119 = arith.constant 0 : i32
      %dma_wait3A_120 = tpu.memref_slice %arg4[%dma_wait3A_118, %dma_wait3A_119] : memref<10000x128xf32, #tpu.memory_space<hbm>> -> memref<10000x128xf32, #tpu.memory_space<hbm>>
      tpu.wait_indirect_dma semaphore(%arg13 : memref<!tpu.dma_semaphore, #tpu.memory_space<semaphore_mem>>) src(%dma_wait3A_120 : memref<10000x128xf32, #tpu.memory_space<hbm>>) dst(%arg10 : memref<125x128xf32, #tpu.memory_space<vmem>>)
      "tpu.region"() ({
        %run_scoped3A = tpu.sem_alloc : memref<!tpu.dma_semaphore, #tpu.memory_space<semaphore_mem>>
        %dma_start3A_122 = arith.constant 0 : i32
        %dma_start3A_123 = tpu.memref_slice %arg8[%add3A_107, %dma_start3A_122] : memref<40x125xi32, #tpu.memory_space<vmem>> -> memref<1x125xi32, #tpu.memory_space<vmem>>
        %dma_start3A_124 = tpu.memref_squeeze %dma_start3A_123 : memref<1x125xi32, #tpu.memory_space<vmem>> -> memref<125xi32, #tpu.memory_space<vmem>>
        %dma_start3A_125 = arith.constant 0 : i32
        %dma_start3A_126 = arith.constant 0 : i32
        %dma_start3A_127 = tpu.memref_slice %arg11[%dma_start3A_125, %dma_start3A_126] : memref<10240x128xf32, #tpu.memory_space<vmem_shared>> -> memref<10240x128xf32, #tpu.memory_space<vmem_shared>>
        tpu.enqueue_indirect_dma source(%arg10 : memref<125x128xf32, #tpu.memory_space<vmem>>) target(%dma_start3A_127 : memref<10240x128xf32, #tpu.memory_space<vmem_shared>>) offsets(%dma_start3A_124 : memref<125xi32, #tpu.memory_space<vmem>>) semaphore(%run_scoped3A : memref<!tpu.dma_semaphore, #tpu.memory_space<semaphore_mem>>) {add = true}
        %dma_wait3A_128 = arith.constant 0 : i32
        %dma_wait3A_129 = tpu.memref_slice %arg8[%add3A_107, %dma_wait3A_128] : memref<40x125xi32, #tpu.memory_space<vmem>> -> memref<1x125xi32, #tpu.memory_space<vmem>>
        %dma_wait3A_130 = tpu.memref_squeeze %dma_wait3A_129 : memref<1x125xi32, #tpu.memory_space<vmem>> -> memref<125xi32, #tpu.memory_space<vmem>>
        %dma_wait3A_131 = arith.constant 0 : i32
        %dma_wait3A_132 = arith.constant 0 : i32
        %dma_wait3A_133 = tpu.memref_slice %arg11[%dma_wait3A_131, %dma_wait3A_132] : memref<10240x128xf32, #tpu.memory_space<vmem_shared>> -> memref<10240x128xf32, #tpu.memory_space<vmem_shared>>
        tpu.wait_indirect_dma semaphore(%run_scoped3A : memref<!tpu.dma_semaphore, #tpu.memory_space<semaphore_mem>>) src(%arg10 : memref<125x128xf32, #tpu.memory_space<vmem>>) dst(%dma_wait3A_133 : memref<10240x128xf32, #tpu.memory_space<vmem_shared>>)
        tpu.yield
      }) : () -> ()
      %scan3A_121 = arith.constant 0 : i32
      scf.yield %scan3A_121 : i32
    }
    %scan3A_76 = arith.constant 20 : i32
    %barrier3A_77 = arith.constant 0 : index
    tpu.barrier barrier_id(%barrier3A_77)
    %mul3A_78 = arith.constant 640 : i32
    %mul3A_79 = arith.muli %arg1, %mul3A_78 : i32
    %eq3A = arith.constant 0 : i32
    %eq3A_80 = arith.cmpi eq, %arg0, %eq3A : i32
    %convert_element_type3A = arith.extui %eq3A_80 : i1 to i32
    %cond3A = arith.constant 0 : i32
    %cond3A_81 = arith.cmpi ne, %convert_element_type3A, %cond3A : i32
    scf.if %cond3A_81 {
      "tpu.region"() ({
        %run_scoped3A = tpu.sem_alloc : memref<!tpu.dma_semaphore, #tpu.memory_space<semaphore_mem>>
        %dma_start3A_87 = arith.constant 0 : i32
        %dma_start3A_88 = tpu.memref_slice %arg5[%mul3A_79, %dma_start3A_87] : memref<10240x128xf32, #tpu.memory_space<hbm>> -> memref<640x128xf32, #tpu.memory_space<hbm>>
        %dma_start3A_89 = arith.constant 0 : i32
        %dma_start3A_90 = tpu.memref_slice %arg11[%mul3A_79, %dma_start3A_89] : memref<10240x128xf32, #tpu.memory_space<vmem_shared>> -> memref<640x128xf32, #tpu.memory_space<vmem_shared>>
        tpu.enqueue_dma source(%dma_start3A_90 : memref<640x128xf32, #tpu.memory_space<vmem_shared>>) target(%dma_start3A_88 : memref<640x128xf32, #tpu.memory_space<hbm>>) target_semaphore(%run_scoped3A : memref<!tpu.dma_semaphore, #tpu.memory_space<semaphore_mem>>)
        %dma_wait3A = arith.constant 0 : i32
        %dma_wait3A_91 = tpu.memref_slice %arg5[%mul3A_79, %dma_wait3A] : memref<10240x128xf32, #tpu.memory_space<hbm>> -> memref<640x128xf32, #tpu.memory_space<hbm>>
        %dma_wait3A_92 = arith.constant 0 : i32
        %dma_wait3A_93 = tpu.memref_slice %arg11[%mul3A_79, %dma_wait3A_92] : memref<10240x128xf32, #tpu.memory_space<vmem_shared>> -> memref<640x128xf32, #tpu.memory_space<vmem_shared>>
        tpu.wait_dma2 semaphore(%run_scoped3A : memref<!tpu.dma_semaphore, #tpu.memory_space<semaphore_mem>>) src(%dma_wait3A_93 : memref<640x128xf32, #tpu.memory_space<vmem_shared>>) dst(%dma_wait3A_91 : memref<640x128xf32, #tpu.memory_space<hbm>>)
        tpu.yield
      }) : () -> ()
    } else {
    }
    %eq3A_82 = arith.constant 1 : i32
    %eq3A_83 = arith.cmpi eq, %arg0, %eq3A_82 : i32
    %convert_element_type3A_84 = arith.extui %eq3A_83 : i1 to i32
    %cond3A_85 = arith.constant 0 : i32
    %cond3A_86 = arith.cmpi ne, %convert_element_type3A_84, %cond3A_85 : i32
    scf.if %cond3A_86 {
      "tpu.region"() ({
        %run_scoped3A = tpu.sem_alloc : memref<!tpu.dma_semaphore, #tpu.memory_space<semaphore_mem>>
        %dma_start3A_87 = arith.constant 0 : i32
        %dma_start3A_88 = tpu.memref_slice %arg6[%mul3A_79, %dma_start3A_87] : memref<10240x128xf32, #tpu.memory_space<hbm>> -> memref<640x128xf32, #tpu.memory_space<hbm>>
        %dma_start3A_89 = arith.constant 0 : i32
        %dma_start3A_90 = tpu.memref_slice %arg11[%mul3A_79, %dma_start3A_89] : memref<10240x128xf32, #tpu.memory_space<vmem_shared>> -> memref<640x128xf32, #tpu.memory_space<vmem_shared>>
        tpu.enqueue_dma source(%dma_start3A_90 : memref<640x128xf32, #tpu.memory_space<vmem_shared>>) target(%dma_start3A_88 : memref<640x128xf32, #tpu.memory_space<hbm>>) target_semaphore(%run_scoped3A : memref<!tpu.dma_semaphore, #tpu.memory_space<semaphore_mem>>)
        %dma_wait3A = arith.constant 0 : i32
        %dma_wait3A_91 = tpu.memref_slice %arg6[%mul3A_79, %dma_wait3A] : memref<10240x128xf32, #tpu.memory_space<hbm>> -> memref<640x128xf32, #tpu.memory_space<hbm>>
        %dma_wait3A_92 = arith.constant 0 : i32
        %dma_wait3A_93 = tpu.memref_slice %arg11[%mul3A_79, %dma_wait3A_92] : memref<10240x128xf32, #tpu.memory_space<vmem_shared>> -> memref<640x128xf32, #tpu.memory_space<vmem_shared>>
        tpu.wait_dma2 semaphore(%run_scoped3A : memref<!tpu.dma_semaphore, #tpu.memory_space<semaphore_mem>>) src(%dma_wait3A_93 : memref<640x128xf32, #tpu.memory_space<vmem_shared>>) dst(%dma_wait3A_91 : memref<640x128xf32, #tpu.memory_space<hbm>>)
        tpu.yield
      }) : () -> ()
    } else {
    }
    return
  }
}

#map = affine_map<(d0, d1) -> (0, 0)>
module attributes {stable_mosaic.version = 14 : i64} {
  func.func @_sc_scatter_body(%arg0: i32, %arg1: i32, %arg2: memref<2560x125xi32, #tpu.memory_space<hbm>>, %arg3: memref<2560x125xi32, #tpu.memory_space<hbm>>, %arg4: memref<10000x128xf32, #tpu.memory_space<hbm>>, %arg5: memref<10240x128xf32, #tpu.memory_space<hbm>>, %arg6: memref<10240x128xf32, #tpu.memory_space<hbm>>, %arg7: memref<40x125xi32, #tpu.memory_space<vmem>>, %arg8: memref<40x125xi32, #tpu.memory_space<vmem>>, %arg9: memref<125x128xf32, #tpu.memory_space<vmem>>, %arg10: memref<125x128xf32, #tpu.memory_space<vmem>>, %arg11: memref<10240x128xf32, #tpu.memory_space<vmem_shared>>, %arg12: memref<!tpu.dma_semaphore, #tpu.memory_space<semaphore_mem>>, %arg13: memref<!tpu.dma_semaphore, #tpu.memory_space<semaphore_mem>>) attributes {dimension_semantics = [#tpu.dimension_semantics<core_parallel>, #tpu.dimension_semantics<subcore_parallel>], iteration_bounds = array<i64: 2, 16>, scalar_prefetch = 0 : i64, scratch_operands = 7 : i64, tpu.core_type = #tpu.core_type<sc_vector_subcore>, window_params = [{transform_indices = #map}, {transform_indices = #map}, {transform_indices = #map}, {transform_indices = #map}, {transform_indices = #map}]} {
    %broadcast_in_dim3A = arith.constant 0.000000e+00 : f32
    %broadcast_in_dim3A_0 = vector.broadcast %broadcast_in_dim3A : f32 to vector<16xf32>
    %scan3A = arith.constant 0 : i32
    %scan3A_1 = arith.constant 0 : i32
    %scan3A_2 = arith.constant 80 : i32
    %scan3A_3 = arith.addi %scan3A_1, %scan3A_2 : i32
    %scan3A_4 = arith.constant 1 : i32
    %scan3A_5 = scf.for %scan3A_87 = %scan3A_1 to %scan3A_3 step %scan3A_4 iter_args(%scan3A_88 = %scan3A) -> (i32)  : i32 {
      %swap3A = arith.index_cast %scan3A_87 : i32 to index
      %swap3A_89 = arith.constant 0 : index
      %swap3A_90 = tpu.vector_load %arg9[%swap3A, %swap3A_89] {strides = array<i32>} : memref<125x128xf32, #tpu.memory_space<vmem>>, vector<1x16xf32>,
      %swap3A_91 = vector.shape_cast %swap3A_90 : vector<1x16xf32> to vector<16xf32>
      %swap3A_92 = vector.shape_cast %broadcast_in_dim3A_0 : vector<16xf32> to vector<1x16xf32>
      tpu.vector_store %arg9[%swap3A, %swap3A_89], %swap3A_92 {strides = array<i32>} : memref<125x128xf32, #tpu.memory_space<vmem>>, vector<1x16xf32>,
      %swap3A_93 = arith.index_cast %scan3A_87 : i32 to index
      %swap3A_94 = arith.constant 16 : index
      %swap3A_95 = tpu.vector_load %arg9[%swap3A_93, %swap3A_94] {strides = array<i32>} : memref<125x128xf32, #tpu.memory_space<vmem>>, vector<1x16xf32>,
      %swap3A_96 = vector.shape_cast %swap3A_95 : vector<1x16xf32> to vector<16xf32>
      %swap3A_97 = vector.shape_cast %broadcast_in_dim3A_0 : vector<16xf32> to vector<1x16xf32>
      tpu.vector_store %arg9[%swap3A_93, %swap3A_94], %swap3A_97 {strides = array<i32>} : memref<125x128xf32, #tpu.memory_space<vmem>>, vector<1x16xf32>,
      %swap3A_98 = arith.index_cast %scan3A_87 : i32 to index
      %swap3A_99 = arith.constant 32 : index
      %swap3A_100 = tpu.vector_load %arg9[%swap3A_98, %swap3A_99] {strides = array<i32>} : memref<125x128xf32, #tpu.memory_space<vmem>>, vector<1x16xf32>,
      %swap3A_101 = vector.shape_cast %swap3A_100 : vector<1x16xf32> to vector<16xf32>
      %swap3A_102 = vector.shape_cast %broadcast_in_dim3A_0 : vector<16xf32> to vector<1x16xf32>
      tpu.vector_store %arg9[%swap3A_98, %swap3A_99], %swap3A_102 {strides = array<i32>} : memref<125x128xf32, #tpu.memory_space<vmem>>, vector<1x16xf32>,
      %swap3A_103 = arith.index_cast %scan3A_87 : i32 to index
      %swap3A_104 = arith.constant 48 : index
      %swap3A_105 = tpu.vector_load %arg9[%swap3A_103, %swap3A_104] {strides = array<i32>} : memref<125x128xf32, #tpu.memory_space<vmem>>, vector<1x16xf32>,
      %swap3A_106 = vector.shape_cast %swap3A_105 : vector<1x16xf32> to vector<16xf32>
      %swap3A_107 = vector.shape_cast %broadcast_in_dim3A_0 : vector<16xf32> to vector<1x16xf32>
      tpu.vector_store %arg9[%swap3A_103, %swap3A_104], %swap3A_107 {strides = array<i32>} : memref<125x128xf32, #tpu.memory_space<vmem>>, vector<1x16xf32>,
      %swap3A_108 = arith.index_cast %scan3A_87 : i32 to index
      %swap3A_109 = arith.constant 64 : index
      %swap3A_110 = tpu.vector_load %arg9[%swap3A_108, %swap3A_109] {strides = array<i32>} : memref<125x128xf32, #tpu.memory_space<vmem>>, vector<1x16xf32>,
      %swap3A_111 = vector.shape_cast %swap3A_110 : vector<1x16xf32> to vector<16xf32>
      %swap3A_112 = vector.shape_cast %broadcast_in_dim3A_0 : vector<16xf32> to vector<1x16xf32>
      tpu.vector_store %arg9[%swap3A_108, %swap3A_109], %swap3A_112 {strides = array<i32>} : memref<125x128xf32, #tpu.memory_space<vmem>>, vector<1x16xf32>,
      %swap3A_113 = arith.index_cast %scan3A_87 : i32 to index
      %swap3A_114 = arith.constant 80 : index
      %swap3A_115 = tpu.vector_load %arg9[%swap3A_113, %swap3A_114] {strides = array<i32>} : memref<125x128xf32, #tpu.memory_space<vmem>>, vector<1x16xf32>,
      %swap3A_116 = vector.shape_cast %swap3A_115 : vector<1x16xf32> to vector<16xf32>
      %swap3A_117 = vector.shape_cast %broadcast_in_dim3A_0 : vector<16xf32> to vector<1x16xf32>
      tpu.vector_store %arg9[%swap3A_113, %swap3A_114], %swap3A_117 {strides = array<i32>} : memref<125x128xf32, #tpu.memory_space<vmem>>, vector<1x16xf32>,
      %swap3A_118 = arith.index_cast %scan3A_87 : i32 to index
      %swap3A_119 = arith.constant 96 : index
      %swap3A_120 = tpu.vector_load %arg9[%swap3A_118, %swap3A_119] {strides = array<i32>} : memref<125x128xf32, #tpu.memory_space<vmem>>, vector<1x16xf32>,
      %swap3A_121 = vector.shape_cast %swap3A_120 : vector<1x16xf32> to vector<16xf32>
      %swap3A_122 = vector.shape_cast %broadcast_in_dim3A_0 : vector<16xf32> to vector<1x16xf32>
      tpu.vector_store %arg9[%swap3A_118, %swap3A_119], %swap3A_122 {strides = array<i32>} : memref<125x128xf32, #tpu.memory_space<vmem>>, vector<1x16xf32>,
      %swap3A_123 = arith.index_cast %scan3A_87 : i32 to index
      %swap3A_124 = arith.constant 112 : index
      %swap3A_125 = tpu.vector_load %arg9[%swap3A_123, %swap3A_124] {strides = array<i32>} : memref<125x128xf32, #tpu.memory_space<vmem>>, vector<1x16xf32>,
      %swap3A_126 = vector.shape_cast %swap3A_125 : vector<1x16xf32> to vector<16xf32>
      %swap3A_127 = vector.shape_cast %broadcast_in_dim3A_0 : vector<16xf32> to vector<1x16xf32>
      tpu.vector_store %arg9[%swap3A_123, %swap3A_124], %swap3A_127 {strides = array<i32>} : memref<125x128xf32, #tpu.memory_space<vmem>>, vector<1x16xf32>,
      %scan3A_128 = arith.constant 0 : i32
      scf.yield %scan3A_128 : i32
    }
    %scan3A_6 = arith.constant 80 : i32
    %mul3A = arith.constant 640 : i32
    %mul3A_7 = arith.muli %arg1, %mul3A : i32
    %add3A = arith.constant 0 : i32
    %add3A_8 = arith.addi %mul3A_7, %add3A : i32
    "tpu.region"() ({
      %run_scoped3A = tpu.sem_alloc : memref<!tpu.dma_semaphore, #tpu.memory_space<semaphore_mem>>
      %dma_start3A_87 = arith.constant 0 : i32
      %dma_start3A_88 = arith.constant 0 : i32
      %dma_start3A_89 = tpu.memref_slice %arg9[%dma_start3A_87, %dma_start3A_88] : memref<125x128xf32, #tpu.memory_space<vmem>> -> memref<80x128xf32, #tpu.memory_space<vmem>>
      %dma_start3A_90 = arith.constant 0 : i32
      %dma_start3A_91 = tpu.memref_slice %arg11[%add3A_8, %dma_start3A_90] : memref<10240x128xf32, #tpu.memory_space<vmem_shared>> -> memref<80x128xf32, #tpu.memory_space<vmem_shared>>
      %dma_start3A_92 = arith.constant 0 : i32
      %dma_start3A_93 = tpu.memref_slice %arg11[%add3A_8, %dma_start3A_92] : memref<10240x128xf32, #tpu.memory_space<vmem_shared>> -> memref<80x128xf32, #tpu.memory_space<vmem_shared>>
      %dma_start3A_94 = arith.constant 0 : i32
      %dma_start3A_95 = arith.constant 0 : i32
      %dma_start3A_96 = tpu.memref_slice %arg9[%dma_start3A_94, %dma_start3A_95] : memref<125x128xf32, #tpu.memory_space<vmem>> -> memref<80x128xf32, #tpu.memory_space<vmem>>
      tpu.enqueue_dma source(%dma_start3A_96 : memref<80x128xf32, #tpu.memory_space<vmem>>) target(%dma_start3A_93 : memref<80x128xf32, #tpu.memory_space<vmem_shared>>) target_semaphore(%run_scoped3A : memref<!tpu.dma_semaphore, #tpu.memory_space<semaphore_mem>>)
      %dma_wait3A = arith.constant 0 : i32
      %dma_wait3A_97 = arith.constant 0 : i32
      %dma_wait3A_98 = tpu.memref_slice %arg9[%dma_wait3A, %dma_wait3A_97] : memref<125x128xf32, #tpu.memory_space<vmem>> -> memref<80x128xf32, #tpu.memory_space<vmem>>
      %dma_wait3A_99 = arith.constant 0 : i32
      %dma_wait3A_100 = tpu.memref_slice %arg11[%add3A_8, %dma_wait3A_99] : memref<10240x128xf32, #tpu.memory_space<vmem_shared>> -> memref<80x128xf32, #tpu.memory_space<vmem_shared>>
      %dma_wait3A_101 = arith.constant 0 : i32
      %dma_wait3A_102 = tpu.memref_slice %arg11[%add3A_8, %dma_wait3A_101] : memref<10240x128xf32, #tpu.memory_space<vmem_shared>> -> memref<80x128xf32, #tpu.memory_space<vmem_shared>>
      %dma_wait3A_103 = arith.constant 0 : i32
      %dma_wait3A_104 = arith.constant 0 : i32
      %dma_wait3A_105 = tpu.memref_slice %arg9[%dma_wait3A_103, %dma_wait3A_104] : memref<125x128xf32, #tpu.memory_space<vmem>> -> memref<80x128xf32, #tpu.memory_space<vmem>>
      tpu.wait_dma2 semaphore(%run_scoped3A : memref<!tpu.dma_semaphore, #tpu.memory_space<semaphore_mem>>) src(%dma_wait3A_105 : memref<80x128xf32, #tpu.memory_space<vmem>>) dst(%dma_wait3A_102 : memref<80x128xf32, #tpu.memory_space<vmem_shared>>)
      tpu.yield
    }) : () -> ()
    %mul3A_9 = arith.constant 640 : i32
    %mul3A_10 = arith.muli %arg1, %mul3A_9 : i32
    %add3A_11 = arith.constant 80 : i32
    %add3A_12 = arith.addi %mul3A_10, %add3A_11 : i32
    "tpu.region"() ({
      %run_scoped3A = tpu.sem_alloc : memref<!tpu.dma_semaphore, #tpu.memory_space<semaphore_mem>>
      %dma_start3A_87 = arith.constant 0 : i32
      %dma_start3A_88 = arith.constant 0 : i32
      %dma_start3A_89 = tpu.memref_slice %arg9[%dma_start3A_87, %dma_start3A_88] : memref<125x128xf32, #tpu.memory_space<vmem>> -> memref<80x128xf32, #tpu.memory_space<vmem>>
      %dma_start3A_90 = arith.constant 0 : i32
      %dma_start3A_91 = tpu.memref_slice %arg11[%add3A_12, %dma_start3A_90] : memref<10240x128xf32, #tpu.memory_space<vmem_shared>> -> memref<80x128xf32, #tpu.memory_space<vmem_shared>>
      %dma_start3A_92 = arith.constant 0 : i32
      %dma_start3A_93 = tpu.memref_slice %arg11[%add3A_12, %dma_start3A_92] : memref<10240x128xf32, #tpu.memory_space<vmem_shared>> -> memref<80x128xf32, #tpu.memory_space<vmem_shared>>
      %dma_start3A_94 = arith.constant 0 : i32
      %dma_start3A_95 = arith.constant 0 : i32
      %dma_start3A_96 = tpu.memref_slice %arg9[%dma_start3A_94, %dma_start3A_95] : memref<125x128xf32, #tpu.memory_space<vmem>> -> memref<80x128xf32, #tpu.memory_space<vmem>>
      tpu.enqueue_dma source(%dma_start3A_96 : memref<80x128xf32, #tpu.memory_space<vmem>>) target(%dma_start3A_93 : memref<80x128xf32, #tpu.memory_space<vmem_shared>>) target_semaphore(%run_scoped3A : memref<!tpu.dma_semaphore, #tpu.memory_space<semaphore_mem>>)
      %dma_wait3A = arith.constant 0 : i32
      %dma_wait3A_97 = arith.constant 0 : i32
      %dma_wait3A_98 = tpu.memref_slice %arg9[%dma_wait3A, %dma_wait3A_97] : memref<125x128xf32, #tpu.memory_space<vmem>> -> memref<80x128xf32, #tpu.memory_space<vmem>>
      %dma_wait3A_99 = arith.constant 0 : i32
      %dma_wait3A_100 = tpu.memref_slice %arg11[%add3A_12, %dma_wait3A_99] : memref<10240x128xf32, #tpu.memory_space<vmem_shared>> -> memref<80x128xf32, #tpu.memory_space<vmem_shared>>
      %dma_wait3A_101 = arith.constant 0 : i32
      %dma_wait3A_102 = tpu.memref_slice %arg11[%add3A_12, %dma_wait3A_101] : memref<10240x128xf32, #tpu.memory_space<vmem_shared>> -> memref<80x128xf32, #tpu.memory_space<vmem_shared>>
      %dma_wait3A_103 = arith.constant 0 : i32
      %dma_wait3A_104 = arith.constant 0 : i32
      %dma_wait3A_105 = tpu.memref_slice %arg9[%dma_wait3A_103, %dma_wait3A_104] : memref<125x128xf32, #tpu.memory_space<vmem>> -> memref<80x128xf32, #tpu.memory_space<vmem>>
      tpu.wait_dma2 semaphore(%run_scoped3A : memref<!tpu.dma_semaphore, #tpu.memory_space<semaphore_mem>>) src(%dma_wait3A_105 : memref<80x128xf32, #tpu.memory_space<vmem>>) dst(%dma_wait3A_102 : memref<80x128xf32, #tpu.memory_space<vmem_shared>>)
      tpu.yield
    }) : () -> ()
    %mul3A_13 = arith.constant 640 : i32
    %mul3A_14 = arith.muli %arg1, %mul3A_13 : i32
    %add3A_15 = arith.constant 160 : i32
    %add3A_16 = arith.addi %mul3A_14, %add3A_15 : i32
    "tpu.region"() ({
      %run_scoped3A = tpu.sem_alloc : memref<!tpu.dma_semaphore, #tpu.memory_space<semaphore_mem>>
      %dma_start3A_87 = arith.constant 0 : i32
      %dma_start3A_88 = arith.constant 0 : i32
      %dma_start3A_89 = tpu.memref_slice %arg9[%dma_start3A_87, %dma_start3A_88] : memref<125x128xf32, #tpu.memory_space<vmem>> -> memref<80x128xf32, #tpu.memory_space<vmem>>
      %dma_start3A_90 = arith.constant 0 : i32
      %dma_start3A_91 = tpu.memref_slice %arg11[%add3A_16, %dma_start3A_90] : memref<10240x128xf32, #tpu.memory_space<vmem_shared>> -> memref<80x128xf32, #tpu.memory_space<vmem_shared>>
      %dma_start3A_92 = arith.constant 0 : i32
      %dma_start3A_93 = tpu.memref_slice %arg11[%add3A_16, %dma_start3A_92] : memref<10240x128xf32, #tpu.memory_space<vmem_shared>> -> memref<80x128xf32, #tpu.memory_space<vmem_shared>>
      %dma_start3A_94 = arith.constant 0 : i32
      %dma_start3A_95 = arith.constant 0 : i32
      %dma_start3A_96 = tpu.memref_slice %arg9[%dma_start3A_94, %dma_start3A_95] : memref<125x128xf32, #tpu.memory_space<vmem>> -> memref<80x128xf32, #tpu.memory_space<vmem>>
      tpu.enqueue_dma source(%dma_start3A_96 : memref<80x128xf32, #tpu.memory_space<vmem>>) target(%dma_start3A_93 : memref<80x128xf32, #tpu.memory_space<vmem_shared>>) target_semaphore(%run_scoped3A : memref<!tpu.dma_semaphore, #tpu.memory_space<semaphore_mem>>)
      %dma_wait3A = arith.constant 0 : i32
      %dma_wait3A_97 = arith.constant 0 : i32
      %dma_wait3A_98 = tpu.memref_slice %arg9[%dma_wait3A, %dma_wait3A_97] : memref<125x128xf32, #tpu.memory_space<vmem>> -> memref<80x128xf32, #tpu.memory_space<vmem>>
      %dma_wait3A_99 = arith.constant 0 : i32
      %dma_wait3A_100 = tpu.memref_slice %arg11[%add3A_16, %dma_wait3A_99] : memref<10240x128xf32, #tpu.memory_space<vmem_shared>> -> memref<80x128xf32, #tpu.memory_space<vmem_shared>>
      %dma_wait3A_101 = arith.constant 0 : i32
      %dma_wait3A_102 = tpu.memref_slice %arg11[%add3A_16, %dma_wait3A_101] : memref<10240x128xf32, #tpu.memory_space<vmem_shared>> -> memref<80x128xf32, #tpu.memory_space<vmem_shared>>
      %dma_wait3A_103 = arith.constant 0 : i32
      %dma_wait3A_104 = arith.constant 0 : i32
      %dma_wait3A_105 = tpu.memref_slice %arg9[%dma_wait3A_103, %dma_wait3A_104] : memref<125x128xf32, #tpu.memory_space<vmem>> -> memref<80x128xf32, #tpu.memory_space<vmem>>
      tpu.wait_dma2 semaphore(%run_scoped3A : memref<!tpu.dma_semaphore, #tpu.memory_space<semaphore_mem>>) src(%dma_wait3A_105 : memref<80x128xf32, #tpu.memory_space<vmem>>) dst(%dma_wait3A_102 : memref<80x128xf32, #tpu.memory_space<vmem_shared>>)
      tpu.yield
    }) : () -> ()
    %mul3A_17 = arith.constant 640 : i32
    %mul3A_18 = arith.muli %arg1, %mul3A_17 : i32
    %add3A_19 = arith.constant 240 : i32
    %add3A_20 = arith.addi %mul3A_18, %add3A_19 : i32
    "tpu.region"() ({
      %run_scoped3A = tpu.sem_alloc : memref<!tpu.dma_semaphore, #tpu.memory_space<semaphore_mem>>
      %dma_start3A_87 = arith.constant 0 : i32
      %dma_start3A_88 = arith.constant 0 : i32
      %dma_start3A_89 = tpu.memref_slice %arg9[%dma_start3A_87, %dma_start3A_88] : memref<125x128xf32, #tpu.memory_space<vmem>> -> memref<80x128xf32, #tpu.memory_space<vmem>>
      %dma_start3A_90 = arith.constant 0 : i32
      %dma_start3A_91 = tpu.memref_slice %arg11[%add3A_20, %dma_start3A_90] : memref<10240x128xf32, #tpu.memory_space<vmem_shared>> -> memref<80x128xf32, #tpu.memory_space<vmem_shared>>
      %dma_start3A_92 = arith.constant 0 : i32
      %dma_start3A_93 = tpu.memref_slice %arg11[%add3A_20, %dma_start3A_92] : memref<10240x128xf32, #tpu.memory_space<vmem_shared>> -> memref<80x128xf32, #tpu.memory_space<vmem_shared>>
      %dma_start3A_94 = arith.constant 0 : i32
      %dma_start3A_95 = arith.constant 0 : i32
      %dma_start3A_96 = tpu.memref_slice %arg9[%dma_start3A_94, %dma_start3A_95] : memref<125x128xf32, #tpu.memory_space<vmem>> -> memref<80x128xf32, #tpu.memory_space<vmem>>
      tpu.enqueue_dma source(%dma_start3A_96 : memref<80x128xf32, #tpu.memory_space<vmem>>) target(%dma_start3A_93 : memref<80x128xf32, #tpu.memory_space<vmem_shared>>) target_semaphore(%run_scoped3A : memref<!tpu.dma_semaphore, #tpu.memory_space<semaphore_mem>>)
      %dma_wait3A = arith.constant 0 : i32
      %dma_wait3A_97 = arith.constant 0 : i32
      %dma_wait3A_98 = tpu.memref_slice %arg9[%dma_wait3A, %dma_wait3A_97] : memref<125x128xf32, #tpu.memory_space<vmem>> -> memref<80x128xf32, #tpu.memory_space<vmem>>
      %dma_wait3A_99 = arith.constant 0 : i32
      %dma_wait3A_100 = tpu.memref_slice %arg11[%add3A_20, %dma_wait3A_99] : memref<10240x128xf32, #tpu.memory_space<vmem_shared>> -> memref<80x128xf32, #tpu.memory_space<vmem_shared>>
      %dma_wait3A_101 = arith.constant 0 : i32
      %dma_wait3A_102 = tpu.memref_slice %arg11[%add3A_20, %dma_wait3A_101] : memref<10240x128xf32, #tpu.memory_space<vmem_shared>> -> memref<80x128xf32, #tpu.memory_space<vmem_shared>>
      %dma_wait3A_103 = arith.constant 0 : i32
      %dma_wait3A_104 = arith.constant 0 : i32
      %dma_wait3A_105 = tpu.memref_slice %arg9[%dma_wait3A_103, %dma_wait3A_104] : memref<125x128xf32, #tpu.memory_space<vmem>> -> memref<80x128xf32, #tpu.memory_space<vmem>>
      tpu.wait_dma2 semaphore(%run_scoped3A : memref<!tpu.dma_semaphore, #tpu.memory_space<semaphore_mem>>) src(%dma_wait3A_105 : memref<80x128xf32, #tpu.memory_space<vmem>>) dst(%dma_wait3A_102 : memref<80x128xf32, #tpu.memory_space<vmem_shared>>)
      tpu.yield
    }) : () -> ()
    %mul3A_21 = arith.constant 640 : i32
    %mul3A_22 = arith.muli %arg1, %mul3A_21 : i32
    %add3A_23 = arith.constant 320 : i32
    %add3A_24 = arith.addi %mul3A_22, %add3A_23 : i32
    "tpu.region"() ({
      %run_scoped3A = tpu.sem_alloc : memref<!tpu.dma_semaphore, #tpu.memory_space<semaphore_mem>>
      %dma_start3A_87 = arith.constant 0 : i32
      %dma_start3A_88 = arith.constant 0 : i32
      %dma_start3A_89 = tpu.memref_slice %arg9[%dma_start3A_87, %dma_start3A_88] : memref<125x128xf32, #tpu.memory_space<vmem>> -> memref<80x128xf32, #tpu.memory_space<vmem>>
      %dma_start3A_90 = arith.constant 0 : i32
      %dma_start3A_91 = tpu.memref_slice %arg11[%add3A_24, %dma_start3A_90] : memref<10240x128xf32, #tpu.memory_space<vmem_shared>> -> memref<80x128xf32, #tpu.memory_space<vmem_shared>>
      %dma_start3A_92 = arith.constant 0 : i32
      %dma_start3A_93 = tpu.memref_slice %arg11[%add3A_24, %dma_start3A_92] : memref<10240x128xf32, #tpu.memory_space<vmem_shared>> -> memref<80x128xf32, #tpu.memory_space<vmem_shared>>
      %dma_start3A_94 = arith.constant 0 : i32
      %dma_start3A_95 = arith.constant 0 : i32
      %dma_start3A_96 = tpu.memref_slice %arg9[%dma_start3A_94, %dma_start3A_95] : memref<125x128xf32, #tpu.memory_space<vmem>> -> memref<80x128xf32, #tpu.memory_space<vmem>>
      tpu.enqueue_dma source(%dma_start3A_96 : memref<80x128xf32, #tpu.memory_space<vmem>>) target(%dma_start3A_93 : memref<80x128xf32, #tpu.memory_space<vmem_shared>>) target_semaphore(%run_scoped3A : memref<!tpu.dma_semaphore, #tpu.memory_space<semaphore_mem>>)
      %dma_wait3A = arith.constant 0 : i32
      %dma_wait3A_97 = arith.constant 0 : i32
      %dma_wait3A_98 = tpu.memref_slice %arg9[%dma_wait3A, %dma_wait3A_97] : memref<125x128xf32, #tpu.memory_space<vmem>> -> memref<80x128xf32, #tpu.memory_space<vmem>>
      %dma_wait3A_99 = arith.constant 0 : i32
      %dma_wait3A_100 = tpu.memref_slice %arg11[%add3A_24, %dma_wait3A_99] : memref<10240x128xf32, #tpu.memory_space<vmem_shared>> -> memref<80x128xf32, #tpu.memory_space<vmem_shared>>
      %dma_wait3A_101 = arith.constant 0 : i32
      %dma_wait3A_102 = tpu.memref_slice %arg11[%add3A_24, %dma_wait3A_101] : memref<10240x128xf32, #tpu.memory_space<vmem_shared>> -> memref<80x128xf32, #tpu.memory_space<vmem_shared>>
      %dma_wait3A_103 = arith.constant 0 : i32
      %dma_wait3A_104 = arith.constant 0 : i32
      %dma_wait3A_105 = tpu.memref_slice %arg9[%dma_wait3A_103, %dma_wait3A_104] : memref<125x128xf32, #tpu.memory_space<vmem>> -> memref<80x128xf32, #tpu.memory_space<vmem>>
      tpu.wait_dma2 semaphore(%run_scoped3A : memref<!tpu.dma_semaphore, #tpu.memory_space<semaphore_mem>>) src(%dma_wait3A_105 : memref<80x128xf32, #tpu.memory_space<vmem>>) dst(%dma_wait3A_102 : memref<80x128xf32, #tpu.memory_space<vmem_shared>>)
      tpu.yield
    }) : () -> ()
    %mul3A_25 = arith.constant 640 : i32
    %mul3A_26 = arith.muli %arg1, %mul3A_25 : i32
    %add3A_27 = arith.constant 400 : i32
    %add3A_28 = arith.addi %mul3A_26, %add3A_27 : i32
    "tpu.region"() ({
      %run_scoped3A = tpu.sem_alloc : memref<!tpu.dma_semaphore, #tpu.memory_space<semaphore_mem>>
      %dma_start3A_87 = arith.constant 0 : i32
      %dma_start3A_88 = arith.constant 0 : i32
      %dma_start3A_89 = tpu.memref_slice %arg9[%dma_start3A_87, %dma_start3A_88] : memref<125x128xf32, #tpu.memory_space<vmem>> -> memref<80x128xf32, #tpu.memory_space<vmem>>
      %dma_start3A_90 = arith.constant 0 : i32
      %dma_start3A_91 = tpu.memref_slice %arg11[%add3A_28, %dma_start3A_90] : memref<10240x128xf32, #tpu.memory_space<vmem_shared>> -> memref<80x128xf32, #tpu.memory_space<vmem_shared>>
      %dma_start3A_92 = arith.constant 0 : i32
      %dma_start3A_93 = tpu.memref_slice %arg11[%add3A_28, %dma_start3A_92] : memref<10240x128xf32, #tpu.memory_space<vmem_shared>> -> memref<80x128xf32, #tpu.memory_space<vmem_shared>>
      %dma_start3A_94 = arith.constant 0 : i32
      %dma_start3A_95 = arith.constant 0 : i32
      %dma_start3A_96 = tpu.memref_slice %arg9[%dma_start3A_94, %dma_start3A_95] : memref<125x128xf32, #tpu.memory_space<vmem>> -> memref<80x128xf32, #tpu.memory_space<vmem>>
      tpu.enqueue_dma source(%dma_start3A_96 : memref<80x128xf32, #tpu.memory_space<vmem>>) target(%dma_start3A_93 : memref<80x128xf32, #tpu.memory_space<vmem_shared>>) target_semaphore(%run_scoped3A : memref<!tpu.dma_semaphore, #tpu.memory_space<semaphore_mem>>)
      %dma_wait3A = arith.constant 0 : i32
      %dma_wait3A_97 = arith.constant 0 : i32
      %dma_wait3A_98 = tpu.memref_slice %arg9[%dma_wait3A, %dma_wait3A_97] : memref<125x128xf32, #tpu.memory_space<vmem>> -> memref<80x128xf32, #tpu.memory_space<vmem>>
      %dma_wait3A_99 = arith.constant 0 : i32
      %dma_wait3A_100 = tpu.memref_slice %arg11[%add3A_28, %dma_wait3A_99] : memref<10240x128xf32, #tpu.memory_space<vmem_shared>> -> memref<80x128xf32, #tpu.memory_space<vmem_shared>>
      %dma_wait3A_101 = arith.constant 0 : i32
      %dma_wait3A_102 = tpu.memref_slice %arg11[%add3A_28, %dma_wait3A_101] : memref<10240x128xf32, #tpu.memory_space<vmem_shared>> -> memref<80x128xf32, #tpu.memory_space<vmem_shared>>
      %dma_wait3A_103 = arith.constant 0 : i32
      %dma_wait3A_104 = arith.constant 0 : i32
      %dma_wait3A_105 = tpu.memref_slice %arg9[%dma_wait3A_103, %dma_wait3A_104] : memref<125x128xf32, #tpu.memory_space<vmem>> -> memref<80x128xf32, #tpu.memory_space<vmem>>
      tpu.wait_dma2 semaphore(%run_scoped3A : memref<!tpu.dma_semaphore, #tpu.memory_space<semaphore_mem>>) src(%dma_wait3A_105 : memref<80x128xf32, #tpu.memory_space<vmem>>) dst(%dma_wait3A_102 : memref<80x128xf32, #tpu.memory_space<vmem_shared>>)
      tpu.yield
    }) : () -> ()
    %mul3A_29 = arith.constant 640 : i32
    %mul3A_30 = arith.muli %arg1, %mul3A_29 : i32
    %add3A_31 = arith.constant 480 : i32
    %add3A_32 = arith.addi %mul3A_30, %add3A_31 : i32
    "tpu.region"() ({
      %run_scoped3A = tpu.sem_alloc : memref<!tpu.dma_semaphore, #tpu.memory_space<semaphore_mem>>
      %dma_start3A_87 = arith.constant 0 : i32
      %dma_start3A_88 = arith.constant 0 : i32
      %dma_start3A_89 = tpu.memref_slice %arg9[%dma_start3A_87, %dma_start3A_88] : memref<125x128xf32, #tpu.memory_space<vmem>> -> memref<80x128xf32, #tpu.memory_space<vmem>>
      %dma_start3A_90 = arith.constant 0 : i32
      %dma_start3A_91 = tpu.memref_slice %arg11[%add3A_32, %dma_start3A_90] : memref<10240x128xf32, #tpu.memory_space<vmem_shared>> -> memref<80x128xf32, #tpu.memory_space<vmem_shared>>
      %dma_start3A_92 = arith.constant 0 : i32
      %dma_start3A_93 = tpu.memref_slice %arg11[%add3A_32, %dma_start3A_92] : memref<10240x128xf32, #tpu.memory_space<vmem_shared>> -> memref<80x128xf32, #tpu.memory_space<vmem_shared>>
      %dma_start3A_94 = arith.constant 0 : i32
      %dma_start3A_95 = arith.constant 0 : i32
      %dma_start3A_96 = tpu.memref_slice %arg9[%dma_start3A_94, %dma_start3A_95] : memref<125x128xf32, #tpu.memory_space<vmem>> -> memref<80x128xf32, #tpu.memory_space<vmem>>
      tpu.enqueue_dma source(%dma_start3A_96 : memref<80x128xf32, #tpu.memory_space<vmem>>) target(%dma_start3A_93 : memref<80x128xf32, #tpu.memory_space<vmem_shared>>) target_semaphore(%run_scoped3A : memref<!tpu.dma_semaphore, #tpu.memory_space<semaphore_mem>>)
      %dma_wait3A = arith.constant 0 : i32
      %dma_wait3A_97 = arith.constant 0 : i32
      %dma_wait3A_98 = tpu.memref_slice %arg9[%dma_wait3A, %dma_wait3A_97] : memref<125x128xf32, #tpu.memory_space<vmem>> -> memref<80x128xf32, #tpu.memory_space<vmem>>
      %dma_wait3A_99 = arith.constant 0 : i32
      %dma_wait3A_100 = tpu.memref_slice %arg11[%add3A_32, %dma_wait3A_99] : memref<10240x128xf32, #tpu.memory_space<vmem_shared>> -> memref<80x128xf32, #tpu.memory_space<vmem_shared>>
      %dma_wait3A_101 = arith.constant 0 : i32
      %dma_wait3A_102 = tpu.memref_slice %arg11[%add3A_32, %dma_wait3A_101] : memref<10240x128xf32, #tpu.memory_space<vmem_shared>> -> memref<80x128xf32, #tpu.memory_space<vmem_shared>>
      %dma_wait3A_103 = arith.constant 0 : i32
      %dma_wait3A_104 = arith.constant 0 : i32
      %dma_wait3A_105 = tpu.memref_slice %arg9[%dma_wait3A_103, %dma_wait3A_104] : memref<125x128xf32, #tpu.memory_space<vmem>> -> memref<80x128xf32, #tpu.memory_space<vmem>>
      tpu.wait_dma2 semaphore(%run_scoped3A : memref<!tpu.dma_semaphore, #tpu.memory_space<semaphore_mem>>) src(%dma_wait3A_105 : memref<80x128xf32, #tpu.memory_space<vmem>>) dst(%dma_wait3A_102 : memref<80x128xf32, #tpu.memory_space<vmem_shared>>)
      tpu.yield
    }) : () -> ()
    %mul3A_33 = arith.constant 640 : i32
    %mul3A_34 = arith.muli %arg1, %mul3A_33 : i32
    %add3A_35 = arith.constant 560 : i32
    %add3A_36 = arith.addi %mul3A_34, %add3A_35 : i32
    "tpu.region"() ({
      %run_scoped3A = tpu.sem_alloc : memref<!tpu.dma_semaphore, #tpu.memory_space<semaphore_mem>>
      %dma_start3A_87 = arith.constant 0 : i32
      %dma_start3A_88 = arith.constant 0 : i32
      %dma_start3A_89 = tpu.memref_slice %arg9[%dma_start3A_87, %dma_start3A_88] : memref<125x128xf32, #tpu.memory_space<vmem>> -> memref<80x128xf32, #tpu.memory_space<vmem>>
      %dma_start3A_90 = arith.constant 0 : i32
      %dma_start3A_91 = tpu.memref_slice %arg11[%add3A_36, %dma_start3A_90] : memref<10240x128xf32, #tpu.memory_space<vmem_shared>> -> memref<80x128xf32, #tpu.memory_space<vmem_shared>>
      %dma_start3A_92 = arith.constant 0 : i32
      %dma_start3A_93 = tpu.memref_slice %arg11[%add3A_36, %dma_start3A_92] : memref<10240x128xf32, #tpu.memory_space<vmem_shared>> -> memref<80x128xf32, #tpu.memory_space<vmem_shared>>
      %dma_start3A_94 = arith.constant 0 : i32
      %dma_start3A_95 = arith.constant 0 : i32
      %dma_start3A_96 = tpu.memref_slice %arg9[%dma_start3A_94, %dma_start3A_95] : memref<125x128xf32, #tpu.memory_space<vmem>> -> memref<80x128xf32, #tpu.memory_space<vmem>>
      tpu.enqueue_dma source(%dma_start3A_96 : memref<80x128xf32, #tpu.memory_space<vmem>>) target(%dma_start3A_93 : memref<80x128xf32, #tpu.memory_space<vmem_shared>>) target_semaphore(%run_scoped3A : memref<!tpu.dma_semaphore, #tpu.memory_space<semaphore_mem>>)
      %dma_wait3A = arith.constant 0 : i32
      %dma_wait3A_97 = arith.constant 0 : i32
      %dma_wait3A_98 = tpu.memref_slice %arg9[%dma_wait3A, %dma_wait3A_97] : memref<125x128xf32, #tpu.memory_space<vmem>> -> memref<80x128xf32, #tpu.memory_space<vmem>>
      %dma_wait3A_99 = arith.constant 0 : i32
      %dma_wait3A_100 = tpu.memref_slice %arg11[%add3A_36, %dma_wait3A_99] : memref<10240x128xf32, #tpu.memory_space<vmem_shared>> -> memref<80x128xf32, #tpu.memory_space<vmem_shared>>
      %dma_wait3A_101 = arith.constant 0 : i32
      %dma_wait3A_102 = tpu.memref_slice %arg11[%add3A_36, %dma_wait3A_101] : memref<10240x128xf32, #tpu.memory_space<vmem_shared>> -> memref<80x128xf32, #tpu.memory_space<vmem_shared>>
      %dma_wait3A_103 = arith.constant 0 : i32
      %dma_wait3A_104 = arith.constant 0 : i32
      %dma_wait3A_105 = tpu.memref_slice %arg9[%dma_wait3A_103, %dma_wait3A_104] : memref<125x128xf32, #tpu.memory_space<vmem>> -> memref<80x128xf32, #tpu.memory_space<vmem>>
      tpu.wait_dma2 semaphore(%run_scoped3A : memref<!tpu.dma_semaphore, #tpu.memory_space<semaphore_mem>>) src(%dma_wait3A_105 : memref<80x128xf32, #tpu.memory_space<vmem>>) dst(%dma_wait3A_102 : memref<80x128xf32, #tpu.memory_space<vmem_shared>>)
      tpu.yield
    }) : () -> ()
    %barrier3A = arith.constant 0 : index
    tpu.barrier barrier_id(%barrier3A)
    %mul3A_37 = arith.constant 16 : i32
    %mul3A_38 = arith.muli %arg0, %mul3A_37 : i32
    %add3A_39 = arith.addi %mul3A_38, %arg1 : i32
    %mul3A_40 = arith.constant 80 : i32
    %mul3A_41 = arith.muli %add3A_39, %mul3A_40 : i32
    %add3A_42 = arith.constant 0 : i32
    %add3A_43 = arith.addi %mul3A_41, %add3A_42 : i32
    "tpu.region"() ({
      %run_scoped3A = tpu.sem_alloc : memref<!tpu.dma_semaphore, #tpu.memory_space<semaphore_mem>>
      %dma_start3A_87 = arith.constant 0 : i32
      %dma_start3A_88 = tpu.memref_slice %arg2[%add3A_43, %dma_start3A_87] : memref<2560x125xi32, #tpu.memory_space<hbm>> -> memref<40x125xi32, #tpu.memory_space<hbm>>
      %dma_start3A_89 = arith.constant 0 : i32
      %dma_start3A_90 = tpu.memref_slice %arg2[%add3A_43, %dma_start3A_89] : memref<2560x125xi32, #tpu.memory_space<hbm>> -> memref<40x125xi32, #tpu.memory_space<hbm>>
      tpu.enqueue_dma source(%dma_start3A_90 : memref<40x125xi32, #tpu.memory_space<hbm>>) target(%arg7 : memref<40x125xi32, #tpu.memory_space<vmem>>) target_semaphore(%run_scoped3A : memref<!tpu.dma_semaphore, #tpu.memory_space<semaphore_mem>>)
      %dma_wait3A = arith.constant 0 : i32
      %dma_wait3A_91 = tpu.memref_slice %arg2[%add3A_43, %dma_wait3A] : memref<2560x125xi32, #tpu.memory_space<hbm>> -> memref<40x125xi32, #tpu.memory_space<hbm>>
      %dma_wait3A_92 = arith.constant 0 : i32
      %dma_wait3A_93 = tpu.memref_slice %arg2[%add3A_43, %dma_wait3A_92] : memref<2560x125xi32, #tpu.memory_space<hbm>> -> memref<40x125xi32, #tpu.memory_space<hbm>>
      tpu.wait_dma2 semaphore(%run_scoped3A : memref<!tpu.dma_semaphore, #tpu.memory_space<semaphore_mem>>) src(%dma_wait3A_93 : memref<40x125xi32, #tpu.memory_space<hbm>>) dst(%arg7 : memref<40x125xi32, #tpu.memory_space<vmem>>)
      tpu.yield
    }) : () -> ()
    %add3A_44 = arith.constant 0 : i32
    %add3A_45 = arith.addi %mul3A_41, %add3A_44 : i32
    "tpu.region"() ({
      %run_scoped3A = tpu.sem_alloc : memref<!tpu.dma_semaphore, #tpu.memory_space<semaphore_mem>>
      %dma_start3A_87 = arith.constant 0 : i32
      %dma_start3A_88 = tpu.memref_slice %arg3[%add3A_45, %dma_start3A_87] : memref<2560x125xi32, #tpu.memory_space<hbm>> -> memref<40x125xi32, #tpu.memory_space<hbm>>
      %dma_start3A_89 = arith.constant 0 : i32
      %dma_start3A_90 = tpu.memref_slice %arg3[%add3A_45, %dma_start3A_89] : memref<2560x125xi32, #tpu.memory_space<hbm>> -> memref<40x125xi32, #tpu.memory_space<hbm>>
      tpu.enqueue_dma source(%dma_start3A_90 : memref<40x125xi32, #tpu.memory_space<hbm>>) target(%arg8 : memref<40x125xi32, #tpu.memory_space<vmem>>) target_semaphore(%run_scoped3A : memref<!tpu.dma_semaphore, #tpu.memory_space<semaphore_mem>>)
      %dma_wait3A = arith.constant 0 : i32
      %dma_wait3A_91 = tpu.memref_slice %arg3[%add3A_45, %dma_wait3A] : memref<2560x125xi32, #tpu.memory_space<hbm>> -> memref<40x125xi32, #tpu.memory_space<hbm>>
      %dma_wait3A_92 = arith.constant 0 : i32
      %dma_wait3A_93 = tpu.memref_slice %arg3[%add3A_45, %dma_wait3A_92] : memref<2560x125xi32, #tpu.memory_space<hbm>> -> memref<40x125xi32, #tpu.memory_space<hbm>>
      tpu.wait_dma2 semaphore(%run_scoped3A : memref<!tpu.dma_semaphore, #tpu.memory_space<semaphore_mem>>) src(%dma_wait3A_93 : memref<40x125xi32, #tpu.memory_space<hbm>>) dst(%arg8 : memref<40x125xi32, #tpu.memory_space<vmem>>)
      tpu.yield
    }) : () -> ()
    %dma_start3A = arith.constant 0 : i32
    %dma_start3A_46 = arith.constant 0 : i32
    %dma_start3A_47 = tpu.memref_slice %arg7[%dma_start3A, %dma_start3A_46] : memref<40x125xi32, #tpu.memory_space<vmem>> -> memref<1x125xi32, #tpu.memory_space<vmem>>
    %dma_start3A_48 = tpu.memref_squeeze %dma_start3A_47 : memref<1x125xi32, #tpu.memory_space<vmem>> -> memref<125xi32, #tpu.memory_space<vmem>>
    %dma_start3A_49 = arith.constant 0 : i32
    %dma_start3A_50 = arith.constant 0 : i32
    %dma_start3A_51 = tpu.memref_slice %arg4[%dma_start3A_49, %dma_start3A_50] : memref<10000x128xf32, #tpu.memory_space<hbm>> -> memref<10000x128xf32, #tpu.memory_space<hbm>>
    tpu.enqueue_indirect_dma source(%dma_start3A_51 : memref<10000x128xf32, #tpu.memory_space<hbm>>) target(%arg9 : memref<125x128xf32, #tpu.memory_space<vmem>>) offsets(%dma_start3A_48 : memref<125xi32, #tpu.memory_space<vmem>>) semaphore(%arg12 : memref<!tpu.dma_semaphore, #tpu.memory_space<semaphore_mem>>)
    %scan3A_52 = arith.constant 0 : i32
    %scan3A_53 = arith.constant 0 : i32
    %scan3A_54 = arith.constant 20 : i32
    %scan3A_55 = arith.addi %scan3A_53, %scan3A_54 : i32
    %scan3A_56 = arith.constant 1 : i32
    %scan3A_57 = scf.for %scan3A_87 = %scan3A_53 to %scan3A_55 step %scan3A_56 iter_args(%scan3A_88 = %scan3A_52) -> (i32)  : i32 {
      %mul3A_89 = arith.constant 2 : i32
      %mul3A_90 = arith.muli %scan3A_87, %mul3A_89 : i32
      %add3A_91 = arith.constant 0 : i32
      %add3A_92 = arith.addi %mul3A_90, %add3A_91 : i32
      %add3A_93 = arith.constant 1 : i32
      %add3A_94 = arith.addi %add3A_92, %add3A_93 : i32
      %lt3A = arith.constant 40 : i32
      %lt3A_95 = arith.cmpi slt, %add3A_94, %lt3A : i32
      %convert_element_type3A_96 = arith.extui %lt3A_95 : i1 to i32
      %cond3A_97 = arith.constant 0 : i32
      %cond3A_98 = arith.cmpi ne, %convert_element_type3A_96, %cond3A_97 : i32
      scf.if %cond3A_98 {
        %add3A_122 = arith.constant 1 : i32
        %add3A_123 = arith.addi %add3A_92, %add3A_122 : i32
        %dma_start3A_124 = arith.constant 0 : i32
        %dma_start3A_125 = tpu.memref_slice %arg7[%add3A_123, %dma_start3A_124] : memref<40x125xi32, #tpu.memory_space<vmem>> -> memref<1x125xi32, #tpu.memory_space<vmem>>
        %dma_start3A_126 = tpu.memref_squeeze %dma_start3A_125 : memref<1x125xi32, #tpu.memory_space<vmem>> -> memref<125xi32, #tpu.memory_space<vmem>>
        %dma_start3A_127 = arith.constant 0 : i32
        %dma_start3A_128 = arith.constant 0 : i32
        %dma_start3A_129 = tpu.memref_slice %arg4[%dma_start3A_127, %dma_start3A_128] : memref<10000x128xf32, #tpu.memory_space<hbm>> -> memref<10000x128xf32, #tpu.memory_space<hbm>>
        tpu.enqueue_indirect_dma source(%dma_start3A_129 : memref<10000x128xf32, #tpu.memory_space<hbm>>) target(%arg10 : memref<125x128xf32, #tpu.memory_space<vmem>>) offsets(%dma_start3A_126 : memref<125xi32, #tpu.memory_space<vmem>>) semaphore(%arg13 : memref<!tpu.dma_semaphore, #tpu.memory_space<semaphore_mem>>)
      } else {
      }
      %dma_wait3A = arith.constant 0 : i32
      %dma_wait3A_99 = tpu.memref_slice %arg7[%add3A_92, %dma_wait3A] : memref<40x125xi32, #tpu.memory_space<vmem>> -> memref<1x125xi32, #tpu.memory_space<vmem>>
      %dma_wait3A_100 = tpu.memref_squeeze %dma_wait3A_99 : memref<1x125xi32, #tpu.memory_space<vmem>> -> memref<125xi32, #tpu.memory_space<vmem>>
      %dma_wait3A_101 = arith.constant 0 : i32
      %dma_wait3A_102 = arith.constant 0 : i32
      %dma_wait3A_103 = tpu.memref_slice %arg4[%dma_wait3A_101, %dma_wait3A_102] : memref<10000x128xf32, #tpu.memory_space<hbm>> -> memref<10000x128xf32, #tpu.memory_space<hbm>>
      tpu.wait_indirect_dma semaphore(%arg12 : memref<!tpu.dma_semaphore, #tpu.memory_space<semaphore_mem>>) src(%dma_wait3A_103 : memref<10000x128xf32, #tpu.memory_space<hbm>>) dst(%arg9 : memref<125x128xf32, #tpu.memory_space<vmem>>)
      "tpu.region"() ({
        %run_scoped3A = tpu.sem_alloc : memref<!tpu.dma_semaphore, #tpu.memory_space<semaphore_mem>>
        %dma_start3A_122 = arith.constant 0 : i32
        %dma_start3A_123 = tpu.memref_slice %arg8[%add3A_92, %dma_start3A_122] : memref<40x125xi32, #tpu.memory_space<vmem>> -> memref<1x125xi32, #tpu.memory_space<vmem>>
        %dma_start3A_124 = tpu.memref_squeeze %dma_start3A_123 : memref<1x125xi32, #tpu.memory_space<vmem>> -> memref<125xi32, #tpu.memory_space<vmem>>
        %dma_start3A_125 = arith.constant 0 : i32
        %dma_start3A_126 = arith.constant 0 : i32
        %dma_start3A_127 = tpu.memref_slice %arg11[%dma_start3A_125, %dma_start3A_126] : memref<10240x128xf32, #tpu.memory_space<vmem_shared>> -> memref<10240x128xf32, #tpu.memory_space<vmem_shared>>
        tpu.enqueue_indirect_dma source(%arg9 : memref<125x128xf32, #tpu.memory_space<vmem>>) target(%dma_start3A_127 : memref<10240x128xf32, #tpu.memory_space<vmem_shared>>) offsets(%dma_start3A_124 : memref<125xi32, #tpu.memory_space<vmem>>) semaphore(%run_scoped3A : memref<!tpu.dma_semaphore, #tpu.memory_space<semaphore_mem>>) {add = true}
        %dma_wait3A_128 = arith.constant 0 : i32
        %dma_wait3A_129 = tpu.memref_slice %arg8[%add3A_92, %dma_wait3A_128] : memref<40x125xi32, #tpu.memory_space<vmem>> -> memref<1x125xi32, #tpu.memory_space<vmem>>
        %dma_wait3A_130 = tpu.memref_squeeze %dma_wait3A_129 : memref<1x125xi32, #tpu.memory_space<vmem>> -> memref<125xi32, #tpu.memory_space<vmem>>
        %dma_wait3A_131 = arith.constant 0 : i32
        %dma_wait3A_132 = arith.constant 0 : i32
        %dma_wait3A_133 = tpu.memref_slice %arg11[%dma_wait3A_131, %dma_wait3A_132] : memref<10240x128xf32, #tpu.memory_space<vmem_shared>> -> memref<10240x128xf32, #tpu.memory_space<vmem_shared>>
        tpu.wait_indirect_dma semaphore(%run_scoped3A : memref<!tpu.dma_semaphore, #tpu.memory_space<semaphore_mem>>) src(%arg9 : memref<125x128xf32, #tpu.memory_space<vmem>>) dst(%dma_wait3A_133 : memref<10240x128xf32, #tpu.memory_space<vmem_shared>>)
        tpu.yield
      }) : () -> ()
      %mul3A_104 = arith.constant 2 : i32
      %mul3A_105 = arith.muli %scan3A_87, %mul3A_104 : i32
      %add3A_106 = arith.constant 1 : i32
      %add3A_107 = arith.addi %mul3A_105, %add3A_106 : i32
      %add3A_108 = arith.constant 1 : i32
      %add3A_109 = arith.addi %add3A_107, %add3A_108 : i32
      %lt3A_110 = arith.constant 40 : i32
      %lt3A_111 = arith.cmpi slt, %add3A_109, %lt3A_110 : i32
      %convert_element_type3A_112 = arith.extui %lt3A_111 : i1 to i32
      %cond3A_113 = arith.constant 0 : i32
      %cond3A_114 = arith.cmpi ne, %convert_element_type3A_112, %cond3A_113 : i32
      scf.if %cond3A_114 {
        %add3A_122 = arith.constant 1 : i32
        %add3A_123 = arith.addi %add3A_107, %add3A_122 : i32
        %dma_start3A_124 = arith.constant 0 : i32
        %dma_start3A_125 = tpu.memref_slice %arg7[%add3A_123, %dma_start3A_124] : memref<40x125xi32, #tpu.memory_space<vmem>> -> memref<1x125xi32, #tpu.memory_space<vmem>>
        %dma_start3A_126 = tpu.memref_squeeze %dma_start3A_125 : memref<1x125xi32, #tpu.memory_space<vmem>> -> memref<125xi32, #tpu.memory_space<vmem>>
        %dma_start3A_127 = arith.constant 0 : i32
        %dma_start3A_128 = arith.constant 0 : i32
        %dma_start3A_129 = tpu.memref_slice %arg4[%dma_start3A_127, %dma_start3A_128] : memref<10000x128xf32, #tpu.memory_space<hbm>> -> memref<10000x128xf32, #tpu.memory_space<hbm>>
        tpu.enqueue_indirect_dma source(%dma_start3A_129 : memref<10000x128xf32, #tpu.memory_space<hbm>>) target(%arg9 : memref<125x128xf32, #tpu.memory_space<vmem>>) offsets(%dma_start3A_126 : memref<125xi32, #tpu.memory_space<vmem>>) semaphore(%arg12 : memref<!tpu.dma_semaphore, #tpu.memory_space<semaphore_mem>>)
      } else {
      }
      %dma_wait3A_115 = arith.constant 0 : i32
      %dma_wait3A_116 = tpu.memref_slice %arg7[%add3A_107, %dma_wait3A_115] : memref<40x125xi32, #tpu.memory_space<vmem>> -> memref<1x125xi32, #tpu.memory_space<vmem>>
      %dma_wait3A_117 = tpu.memref_squeeze %dma_wait3A_116 : memref<1x125xi32, #tpu.memory_space<vmem>> -> memref<125xi32, #tpu.memory_space<vmem>>
      %dma_wait3A_118 = arith.constant 0 : i32
      %dma_wait3A_119 = arith.constant 0 : i32
      %dma_wait3A_120 = tpu.memref_slice %arg4[%dma_wait3A_118, %dma_wait3A_119] : memref<10000x128xf32, #tpu.memory_space<hbm>> -> memref<10000x128xf32, #tpu.memory_space<hbm>>
      tpu.wait_indirect_dma semaphore(%arg13 : memref<!tpu.dma_semaphore, #tpu.memory_space<semaphore_mem>>) src(%dma_wait3A_120 : memref<10000x128xf32, #tpu.memory_space<hbm>>) dst(%arg10 : memref<125x128xf32, #tpu.memory_space<vmem>>)
      "tpu.region"() ({
        %run_scoped3A = tpu.sem_alloc : memref<!tpu.dma_semaphore, #tpu.memory_space<semaphore_mem>>
        %dma_start3A_122 = arith.constant 0 : i32
        %dma_start3A_123 = tpu.memref_slice %arg8[%add3A_107, %dma_start3A_122] : memref<40x125xi32, #tpu.memory_space<vmem>> -> memref<1x125xi32, #tpu.memory_space<vmem>>
        %dma_start3A_124 = tpu.memref_squeeze %dma_start3A_123 : memref<1x125xi32, #tpu.memory_space<vmem>> -> memref<125xi32, #tpu.memory_space<vmem>>
        %dma_start3A_125 = arith.constant 0 : i32
        %dma_start3A_126 = arith.constant 0 : i32
        %dma_start3A_127 = tpu.memref_slice %arg11[%dma_start3A_125, %dma_start3A_126] : memref<10240x128xf32, #tpu.memory_space<vmem_shared>> -> memref<10240x128xf32, #tpu.memory_space<vmem_shared>>
        tpu.enqueue_indirect_dma source(%arg10 : memref<125x128xf32, #tpu.memory_space<vmem>>) target(%dma_start3A_127 : memref<10240x128xf32, #tpu.memory_space<vmem_shared>>) offsets(%dma_start3A_124 : memref<125xi32, #tpu.memory_space<vmem>>) semaphore(%run_scoped3A : memref<!tpu.dma_semaphore, #tpu.memory_space<semaphore_mem>>) {add = true}
        %dma_wait3A_128 = arith.constant 0 : i32
        %dma_wait3A_129 = tpu.memref_slice %arg8[%add3A_107, %dma_wait3A_128] : memref<40x125xi32, #tpu.memory_space<vmem>> -> memref<1x125xi32, #tpu.memory_space<vmem>>
        %dma_wait3A_130 = tpu.memref_squeeze %dma_wait3A_129 : memref<1x125xi32, #tpu.memory_space<vmem>> -> memref<125xi32, #tpu.memory_space<vmem>>
        %dma_wait3A_131 = arith.constant 0 : i32
        %dma_wait3A_132 = arith.constant 0 : i32
        %dma_wait3A_133 = tpu.memref_slice %arg11[%dma_wait3A_131, %dma_wait3A_132] : memref<10240x128xf32, #tpu.memory_space<vmem_shared>> -> memref<10240x128xf32, #tpu.memory_space<vmem_shared>>
        tpu.wait_indirect_dma semaphore(%run_scoped3A : memref<!tpu.dma_semaphore, #tpu.memory_space<semaphore_mem>>) src(%arg10 : memref<125x128xf32, #tpu.memory_space<vmem>>) dst(%dma_wait3A_133 : memref<10240x128xf32, #tpu.memory_space<vmem_shared>>)
        tpu.yield
      }) : () -> ()
      %scan3A_121 = arith.constant 0 : i32
      scf.yield %scan3A_121 : i32
    }
    %scan3A_58 = arith.constant 20 : i32
    %add3A_59 = arith.constant 40 : i32
    %add3A_60 = arith.addi %mul3A_41, %add3A_59 : i32
    "tpu.region"() ({
      %run_scoped3A = tpu.sem_alloc : memref<!tpu.dma_semaphore, #tpu.memory_space<semaphore_mem>>
      %dma_start3A_87 = arith.constant 0 : i32
      %dma_start3A_88 = tpu.memref_slice %arg2[%add3A_60, %dma_start3A_87] : memref<2560x125xi32, #tpu.memory_space<hbm>> -> memref<40x125xi32, #tpu.memory_space<hbm>>
      %dma_start3A_89 = arith.constant 0 : i32
      %dma_start3A_90 = tpu.memref_slice %arg2[%add3A_60, %dma_start3A_89] : memref<2560x125xi32, #tpu.memory_space<hbm>> -> memref<40x125xi32, #tpu.memory_space<hbm>>
      tpu.enqueue_dma source(%dma_start3A_90 : memref<40x125xi32, #tpu.memory_space<hbm>>) target(%arg7 : memref<40x125xi32, #tpu.memory_space<vmem>>) target_semaphore(%run_scoped3A : memref<!tpu.dma_semaphore, #tpu.memory_space<semaphore_mem>>)
      %dma_wait3A = arith.constant 0 : i32
      %dma_wait3A_91 = tpu.memref_slice %arg2[%add3A_60, %dma_wait3A] : memref<2560x125xi32, #tpu.memory_space<hbm>> -> memref<40x125xi32, #tpu.memory_space<hbm>>
      %dma_wait3A_92 = arith.constant 0 : i32
      %dma_wait3A_93 = tpu.memref_slice %arg2[%add3A_60, %dma_wait3A_92] : memref<2560x125xi32, #tpu.memory_space<hbm>> -> memref<40x125xi32, #tpu.memory_space<hbm>>
      tpu.wait_dma2 semaphore(%run_scoped3A : memref<!tpu.dma_semaphore, #tpu.memory_space<semaphore_mem>>) src(%dma_wait3A_93 : memref<40x125xi32, #tpu.memory_space<hbm>>) dst(%arg7 : memref<40x125xi32, #tpu.memory_space<vmem>>)
      tpu.yield
    }) : () -> ()
    %add3A_61 = arith.constant 40 : i32
    %add3A_62 = arith.addi %mul3A_41, %add3A_61 : i32
    "tpu.region"() ({
      %run_scoped3A = tpu.sem_alloc : memref<!tpu.dma_semaphore, #tpu.memory_space<semaphore_mem>>
      %dma_start3A_87 = arith.constant 0 : i32
      %dma_start3A_88 = tpu.memref_slice %arg3[%add3A_62, %dma_start3A_87] : memref<2560x125xi32, #tpu.memory_space<hbm>> -> memref<40x125xi32, #tpu.memory_space<hbm>>
      %dma_start3A_89 = arith.constant 0 : i32
      %dma_start3A_90 = tpu.memref_slice %arg3[%add3A_62, %dma_start3A_89] : memref<2560x125xi32, #tpu.memory_space<hbm>> -> memref<40x125xi32, #tpu.memory_space<hbm>>
      tpu.enqueue_dma source(%dma_start3A_90 : memref<40x125xi32, #tpu.memory_space<hbm>>) target(%arg8 : memref<40x125xi32, #tpu.memory_space<vmem>>) target_semaphore(%run_scoped3A : memref<!tpu.dma_semaphore, #tpu.memory_space<semaphore_mem>>)
      %dma_wait3A = arith.constant 0 : i32
      %dma_wait3A_91 = tpu.memref_slice %arg3[%add3A_62, %dma_wait3A] : memref<2560x125xi32, #tpu.memory_space<hbm>> -> memref<40x125xi32, #tpu.memory_space<hbm>>
      %dma_wait3A_92 = arith.constant 0 : i32
      %dma_wait3A_93 = tpu.memref_slice %arg3[%add3A_62, %dma_wait3A_92] : memref<2560x125xi32, #tpu.memory_space<hbm>> -> memref<40x125xi32, #tpu.memory_space<hbm>>
      tpu.wait_dma2 semaphore(%run_scoped3A : memref<!tpu.dma_semaphore, #tpu.memory_space<semaphore_mem>>) src(%dma_wait3A_93 : memref<40x125xi32, #tpu.memory_space<hbm>>) dst(%arg8 : memref<40x125xi32, #tpu.memory_space<vmem>>)
      tpu.yield
    }) : () -> ()
    %dma_start3A_63 = arith.constant 0 : i32
    %dma_start3A_64 = arith.constant 0 : i32
    %dma_start3A_65 = tpu.memref_slice %arg7[%dma_start3A_63, %dma_start3A_64] : memref<40x125xi32, #tpu.memory_space<vmem>> -> memref<1x125xi32, #tpu.memory_space<vmem>>
    %dma_start3A_66 = tpu.memref_squeeze %dma_start3A_65 : memref<1x125xi32, #tpu.memory_space<vmem>> -> memref<125xi32, #tpu.memory_space<vmem>>
    %dma_start3A_67 = arith.constant 0 : i32
    %dma_start3A_68 = arith.constant 0 : i32
    %dma_start3A_69 = tpu.memref_slice %arg4[%dma_start3A_67, %dma_start3A_68] : memref<10000x128xf32, #tpu.memory_space<hbm>> -> memref<10000x128xf32, #tpu.memory_space<hbm>>
    tpu.enqueue_indirect_dma source(%dma_start3A_69 : memref<10000x128xf32, #tpu.memory_space<hbm>>) target(%arg9 : memref<125x128xf32, #tpu.memory_space<vmem>>) offsets(%dma_start3A_66 : memref<125xi32, #tpu.memory_space<vmem>>) semaphore(%arg12 : memref<!tpu.dma_semaphore, #tpu.memory_space<semaphore_mem>>)
    %scan3A_70 = arith.constant 0 : i32
    %scan3A_71 = arith.constant 0 : i32
    %scan3A_72 = arith.constant 20 : i32
    %scan3A_73 = arith.addi %scan3A_71, %scan3A_72 : i32
    %scan3A_74 = arith.constant 1 : i32
    %scan3A_75 = scf.for %scan3A_87 = %scan3A_71 to %scan3A_73 step %scan3A_74 iter_args(%scan3A_88 = %scan3A_70) -> (i32)  : i32 {
      %mul3A_89 = arith.constant 2 : i32
      %mul3A_90 = arith.muli %scan3A_87, %mul3A_89 : i32
      %add3A_91 = arith.constant 0 : i32
      %add3A_92 = arith.addi %mul3A_90, %add3A_91 : i32
      %add3A_93 = arith.constant 1 : i32
      %add3A_94 = arith.addi %add3A_92, %add3A_93 : i32
      %lt3A = arith.constant 40 : i32
      %lt3A_95 = arith.cmpi slt, %add3A_94, %lt3A : i32
      %convert_element_type3A_96 = arith.extui %lt3A_95 : i1 to i32
      %cond3A_97 = arith.constant 0 : i32
      %cond3A_98 = arith.cmpi ne, %convert_element_type3A_96, %cond3A_97 : i32
      scf.if %cond3A_98 {
        %add3A_122 = arith.constant 1 : i32
        %add3A_123 = arith.addi %add3A_92, %add3A_122 : i32
        %dma_start3A_124 = arith.constant 0 : i32
        %dma_start3A_125 = tpu.memref_slice %arg7[%add3A_123, %dma_start3A_124] : memref<40x125xi32, #tpu.memory_space<vmem>> -> memref<1x125xi32, #tpu.memory_space<vmem>>
        %dma_start3A_126 = tpu.memref_squeeze %dma_start3A_125 : memref<1x125xi32, #tpu.memory_space<vmem>> -> memref<125xi32, #tpu.memory_space<vmem>>
        %dma_start3A_127 = arith.constant 0 : i32
        %dma_start3A_128 = arith.constant 0 : i32
        %dma_start3A_129 = tpu.memref_slice %arg4[%dma_start3A_127, %dma_start3A_128] : memref<10000x128xf32, #tpu.memory_space<hbm>> -> memref<10000x128xf32, #tpu.memory_space<hbm>>
        tpu.enqueue_indirect_dma source(%dma_start3A_129 : memref<10000x128xf32, #tpu.memory_space<hbm>>) target(%arg10 : memref<125x128xf32, #tpu.memory_space<vmem>>) offsets(%dma_start3A_126 : memref<125xi32, #tpu.memory_space<vmem>>) semaphore(%arg13 : memref<!tpu.dma_semaphore, #tpu.memory_space<semaphore_mem>>)
      } else {
      }
      %dma_wait3A = arith.constant 0 : i32
      %dma_wait3A_99 = tpu.memref_slice %arg7[%add3A_92, %dma_wait3A] : memref<40x125xi32, #tpu.memory_space<vmem>> -> memref<1x125xi32, #tpu.memory_space<vmem>>
      %dma_wait3A_100 = tpu.memref_squeeze %dma_wait3A_99 : memref<1x125xi32, #tpu.memory_space<vmem>> -> memref<125xi32, #tpu.memory_space<vmem>>
      %dma_wait3A_101 = arith.constant 0 : i32
      %dma_wait3A_102 = arith.constant 0 : i32
      %dma_wait3A_103 = tpu.memref_slice %arg4[%dma_wait3A_101, %dma_wait3A_102] : memref<10000x128xf32, #tpu.memory_space<hbm>> -> memref<10000x128xf32, #tpu.memory_space<hbm>>
      tpu.wait_indirect_dma semaphore(%arg12 : memref<!tpu.dma_semaphore, #tpu.memory_space<semaphore_mem>>) src(%dma_wait3A_103 : memref<10000x128xf32, #tpu.memory_space<hbm>>) dst(%arg9 : memref<125x128xf32, #tpu.memory_space<vmem>>)
      "tpu.region"() ({
        %run_scoped3A = tpu.sem_alloc : memref<!tpu.dma_semaphore, #tpu.memory_space<semaphore_mem>>
        %dma_start3A_122 = arith.constant 0 : i32
        %dma_start3A_123 = tpu.memref_slice %arg8[%add3A_92, %dma_start3A_122] : memref<40x125xi32, #tpu.memory_space<vmem>> -> memref<1x125xi32, #tpu.memory_space<vmem>>
        %dma_start3A_124 = tpu.memref_squeeze %dma_start3A_123 : memref<1x125xi32, #tpu.memory_space<vmem>> -> memref<125xi32, #tpu.memory_space<vmem>>
        %dma_start3A_125 = arith.constant 0 : i32
        %dma_start3A_126 = arith.constant 0 : i32
        %dma_start3A_127 = tpu.memref_slice %arg11[%dma_start3A_125, %dma_start3A_126] : memref<10240x128xf32, #tpu.memory_space<vmem_shared>> -> memref<10240x128xf32, #tpu.memory_space<vmem_shared>>
        tpu.enqueue_indirect_dma source(%arg9 : memref<125x128xf32, #tpu.memory_space<vmem>>) target(%dma_start3A_127 : memref<10240x128xf32, #tpu.memory_space<vmem_shared>>) offsets(%dma_start3A_124 : memref<125xi32, #tpu.memory_space<vmem>>) semaphore(%run_scoped3A : memref<!tpu.dma_semaphore, #tpu.memory_space<semaphore_mem>>) {add = true}
        %dma_wait3A_128 = arith.constant 0 : i32
        %dma_wait3A_129 = tpu.memref_slice %arg8[%add3A_92, %dma_wait3A_128] : memref<40x125xi32, #tpu.memory_space<vmem>> -> memref<1x125xi32, #tpu.memory_space<vmem>>
        %dma_wait3A_130 = tpu.memref_squeeze %dma_wait3A_129 : memref<1x125xi32, #tpu.memory_space<vmem>> -> memref<125xi32, #tpu.memory_space<vmem>>
        %dma_wait3A_131 = arith.constant 0 : i32
        %dma_wait3A_132 = arith.constant 0 : i32
        %dma_wait3A_133 = tpu.memref_slice %arg11[%dma_wait3A_131, %dma_wait3A_132] : memref<10240x128xf32, #tpu.memory_space<vmem_shared>> -> memref<10240x128xf32, #tpu.memory_space<vmem_shared>>
        tpu.wait_indirect_dma semaphore(%run_scoped3A : memref<!tpu.dma_semaphore, #tpu.memory_space<semaphore_mem>>) src(%arg9 : memref<125x128xf32, #tpu.memory_space<vmem>>) dst(%dma_wait3A_133 : memref<10240x128xf32, #tpu.memory_space<vmem_shared>>)
        tpu.yield
      }) : () -> ()
      %mul3A_104 = arith.constant 2 : i32
      %mul3A_105 = arith.muli %scan3A_87, %mul3A_104 : i32
      %add3A_106 = arith.constant 1 : i32
      %add3A_107 = arith.addi %mul3A_105, %add3A_106 : i32
      %add3A_108 = arith.constant 1 : i32
      %add3A_109 = arith.addi %add3A_107, %add3A_108 : i32
      %lt3A_110 = arith.constant 40 : i32
      %lt3A_111 = arith.cmpi slt, %add3A_109, %lt3A_110 : i32
      %convert_element_type3A_112 = arith.extui %lt3A_111 : i1 to i32
      %cond3A_113 = arith.constant 0 : i32
      %cond3A_114 = arith.cmpi ne, %convert_element_type3A_112, %cond3A_113 : i32
      scf.if %cond3A_114 {
        %add3A_122 = arith.constant 1 : i32
        %add3A_123 = arith.addi %add3A_107, %add3A_122 : i32
        %dma_start3A_124 = arith.constant 0 : i32
        %dma_start3A_125 = tpu.memref_slice %arg7[%add3A_123, %dma_start3A_124] : memref<40x125xi32, #tpu.memory_space<vmem>> -> memref<1x125xi32, #tpu.memory_space<vmem>>
        %dma_start3A_126 = tpu.memref_squeeze %dma_start3A_125 : memref<1x125xi32, #tpu.memory_space<vmem>> -> memref<125xi32, #tpu.memory_space<vmem>>
        %dma_start3A_127 = arith.constant 0 : i32
        %dma_start3A_128 = arith.constant 0 : i32
        %dma_start3A_129 = tpu.memref_slice %arg4[%dma_start3A_127, %dma_start3A_128] : memref<10000x128xf32, #tpu.memory_space<hbm>> -> memref<10000x128xf32, #tpu.memory_space<hbm>>
        tpu.enqueue_indirect_dma source(%dma_start3A_129 : memref<10000x128xf32, #tpu.memory_space<hbm>>) target(%arg9 : memref<125x128xf32, #tpu.memory_space<vmem>>) offsets(%dma_start3A_126 : memref<125xi32, #tpu.memory_space<vmem>>) semaphore(%arg12 : memref<!tpu.dma_semaphore, #tpu.memory_space<semaphore_mem>>)
      } else {
      }
      %dma_wait3A_115 = arith.constant 0 : i32
      %dma_wait3A_116 = tpu.memref_slice %arg7[%add3A_107, %dma_wait3A_115] : memref<40x125xi32, #tpu.memory_space<vmem>> -> memref<1x125xi32, #tpu.memory_space<vmem>>
      %dma_wait3A_117 = tpu.memref_squeeze %dma_wait3A_116 : memref<1x125xi32, #tpu.memory_space<vmem>> -> memref<125xi32, #tpu.memory_space<vmem>>
      %dma_wait3A_118 = arith.constant 0 : i32
      %dma_wait3A_119 = arith.constant 0 : i32
      %dma_wait3A_120 = tpu.memref_slice %arg4[%dma_wait3A_118, %dma_wait3A_119] : memref<10000x128xf32, #tpu.memory_space<hbm>> -> memref<10000x128xf32, #tpu.memory_space<hbm>>
      tpu.wait_indirect_dma semaphore(%arg13 : memref<!tpu.dma_semaphore, #tpu.memory_space<semaphore_mem>>) src(%dma_wait3A_120 : memref<10000x128xf32, #tpu.memory_space<hbm>>) dst(%arg10 : memref<125x128xf32, #tpu.memory_space<vmem>>)
      "tpu.region"() ({
        %run_scoped3A = tpu.sem_alloc : memref<!tpu.dma_semaphore, #tpu.memory_space<semaphore_mem>>
        %dma_start3A_122 = arith.constant 0 : i32
        %dma_start3A_123 = tpu.memref_slice %arg8[%add3A_107, %dma_start3A_122] : memref<40x125xi32, #tpu.memory_space<vmem>> -> memref<1x125xi32, #tpu.memory_space<vmem>>
        %dma_start3A_124 = tpu.memref_squeeze %dma_start3A_123 : memref<1x125xi32, #tpu.memory_space<vmem>> -> memref<125xi32, #tpu.memory_space<vmem>>
        %dma_start3A_125 = arith.constant 0 : i32
        %dma_start3A_126 = arith.constant 0 : i32
        %dma_start3A_127 = tpu.memref_slice %arg11[%dma_start3A_125, %dma_start3A_126] : memref<10240x128xf32, #tpu.memory_space<vmem_shared>> -> memref<10240x128xf32, #tpu.memory_space<vmem_shared>>
        tpu.enqueue_indirect_dma source(%arg10 : memref<125x128xf32, #tpu.memory_space<vmem>>) target(%dma_start3A_127 : memref<10240x128xf32, #tpu.memory_space<vmem_shared>>) offsets(%dma_start3A_124 : memref<125xi32, #tpu.memory_space<vmem>>) semaphore(%run_scoped3A : memref<!tpu.dma_semaphore, #tpu.memory_space<semaphore_mem>>) {add = true}
        %dma_wait3A_128 = arith.constant 0 : i32
        %dma_wait3A_129 = tpu.memref_slice %arg8[%add3A_107, %dma_wait3A_128] : memref<40x125xi32, #tpu.memory_space<vmem>> -> memref<1x125xi32, #tpu.memory_space<vmem>>
        %dma_wait3A_130 = tpu.memref_squeeze %dma_wait3A_129 : memref<1x125xi32, #tpu.memory_space<vmem>> -> memref<125xi32, #tpu.memory_space<vmem>>
        %dma_wait3A_131 = arith.constant 0 : i32
        %dma_wait3A_132 = arith.constant 0 : i32
        %dma_wait3A_133 = tpu.memref_slice %arg11[%dma_wait3A_131, %dma_wait3A_132] : memref<10240x128xf32, #tpu.memory_space<vmem_shared>> -> memref<10240x128xf32, #tpu.memory_space<vmem_shared>>
        tpu.wait_indirect_dma semaphore(%run_scoped3A : memref<!tpu.dma_semaphore, #tpu.memory_space<semaphore_mem>>) src(%arg10 : memref<125x128xf32, #tpu.memory_space<vmem>>) dst(%dma_wait3A_133 : memref<10240x128xf32, #tpu.memory_space<vmem_shared>>)
        tpu.yield
      }) : () -> ()
      %scan3A_121 = arith.constant 0 : i32
      scf.yield %scan3A_121 : i32
    }
    %scan3A_76 = arith.constant 20 : i32
    %barrier3A_77 = arith.constant 0 : index
    tpu.barrier barrier_id(%barrier3A_77)
    %mul3A_78 = arith.constant 640 : i32
    %mul3A_79 = arith.muli %arg1, %mul3A_78 : i32
    %eq3A = arith.constant 0 : i32
    %eq3A_80 = arith.cmpi eq, %arg0, %eq3A : i32
    %convert_element_type3A = arith.extui %eq3A_80 : i1 to i32
    %cond3A = arith.constant 0 : i32
    %cond3A_81 = arith.cmpi ne, %convert_element_type3A, %cond3A : i32
    scf.if %cond3A_81 {
      "tpu.region"() ({
        %run_scoped3A = tpu.sem_alloc : memref<!tpu.dma_semaphore, #tpu.memory_space<semaphore_mem>>
        %dma_start3A_87 = arith.constant 0 : i32
        %dma_start3A_88 = tpu.memref_slice %arg5[%mul3A_79, %dma_start3A_87] : memref<10240x128xf32, #tpu.memory_space<hbm>> -> memref<640x128xf32, #tpu.memory_space<hbm>>
        %dma_start3A_89 = arith.constant 0 : i32
        %dma_start3A_90 = tpu.memref_slice %arg11[%mul3A_79, %dma_start3A_89] : memref<10240x128xf32, #tpu.memory_space<vmem_shared>> -> memref<640x128xf32, #tpu.memory_space<vmem_shared>>
        tpu.enqueue_dma source(%dma_start3A_90 : memref<640x128xf32, #tpu.memory_space<vmem_shared>>) target(%dma_start3A_88 : memref<640x128xf32, #tpu.memory_space<hbm>>) target_semaphore(%run_scoped3A : memref<!tpu.dma_semaphore, #tpu.memory_space<semaphore_mem>>)
        %dma_wait3A = arith.constant 0 : i32
        %dma_wait3A_91 = tpu.memref_slice %arg5[%mul3A_79, %dma_wait3A] : memref<10240x128xf32, #tpu.memory_space<hbm>> -> memref<640x128xf32, #tpu.memory_space<hbm>>
        %dma_wait3A_92 = arith.constant 0 : i32
        %dma_wait3A_93 = tpu.memref_slice %arg11[%mul3A_79, %dma_wait3A_92] : memref<10240x128xf32, #tpu.memory_space<vmem_shared>> -> memref<640x128xf32, #tpu.memory_space<vmem_shared>>
        tpu.wait_dma2 semaphore(%run_scoped3A : memref<!tpu.dma_semaphore, #tpu.memory_space<semaphore_mem>>) src(%dma_wait3A_93 : memref<640x128xf32, #tpu.memory_space<vmem_shared>>) dst(%dma_wait3A_91 : memref<640x128xf32, #tpu.memory_space<hbm>>)
        tpu.yield
      }) : () -> ()
    } else {
    }
    %eq3A_82 = arith.constant 1 : i32
    %eq3A_83 = arith.cmpi eq, %arg0, %eq3A_82 : i32
    %convert_element_type3A_84 = arith.extui %eq3A_83 : i1 to i32
    %cond3A_85 = arith.constant 0 : i32
    %cond3A_86 = arith.cmpi ne, %convert_element_type3A_84, %cond3A_85 : i32
    scf.if %cond3A_86 {
      "tpu.region"() ({
        %run_scoped3A = tpu.sem_alloc : memref<!tpu.dma_semaphore, #tpu.memory_space<semaphore_mem>>
        %dma_start3A_87 = arith.constant 0 : i32
        %dma_start3A_88 = tpu.memref_slice %arg6[%mul3A_79, %dma_start3A_87] : memref<10240x128xf32, #tpu.memory_space<hbm>> -> memref<640x128xf32, #tpu.memory_space<hbm>>
        %dma_start3A_89 = arith.constant 0 : i32
        %dma_start3A_90 = tpu.memref_slice %arg11[%mul3A_79, %dma_start3A_89] : memref<10240x128xf32, #tpu.memory_space<vmem_shared>> -> memref<640x128xf32, #tpu.memory_space<vmem_shared>>
        tpu.enqueue_dma source(%dma_start3A_90 : memref<640x128xf32, #tpu.memory_space<vmem_shared>>) target(%dma_start3A_88 : memref<640x128xf32, #tpu.memory_space<hbm>>) target_semaphore(%run_scoped3A : memref<!tpu.dma_semaphore, #tpu.memory_space<semaphore_mem>>)
        %dma_wait3A = arith.constant 0 : i32
        %dma_wait3A_91 = tpu.memref_slice %arg6[%mul3A_79, %dma_wait3A] : memref<10240x128xf32, #tpu.memory_space<hbm>> -> memref<640x128xf32, #tpu.memory_space<hbm>>
        %dma_wait3A_92 = arith.constant 0 : i32
        %dma_wait3A_93 = tpu.memref_slice %arg11[%mul3A_79, %dma_wait3A_92] : memref<10240x128xf32, #tpu.memory_space<vmem_shared>> -> memref<640x128xf32, #tpu.memory_space<vmem_shared>>
        tpu.wait_dma2 semaphore(%run_scoped3A : memref<!tpu.dma_semaphore, #tpu.memory_space<semaphore_mem>>) src(%dma_wait3A_93 : memref<640x128xf32, #tpu.memory_space<vmem_shared>>) dst(%dma_wait3A_91 : memref<640x128xf32, #tpu.memory_space<hbm>>)
        tpu.yield
      }) : () -> ()
    } else {
    }
    return
  }
}

#map = affine_map<(d0, d1) -> (0, 0)>
module attributes {stable_mosaic.version = 14 : i64} {
  func.func @_sc_deg_body(%arg0: i32, %arg1: i32, %arg2: memref<2560x125xi32, #tpu.memory_space<hbm>>, %arg3: memref<10240x128xf32, #tpu.memory_space<hbm>>, %arg4: memref<10240x128xf32, #tpu.memory_space<hbm>>, %arg5: memref<40x125xi32, #tpu.memory_space<vmem>>, %arg6: memref<125x128xf32, #tpu.memory_space<vmem>>, %arg7: memref<10240x128xf32, #tpu.memory_space<vmem_shared>>) attributes {dimension_semantics = [#tpu.dimension_semantics<core_parallel>, #tpu.dimension_semantics<subcore_parallel>], iteration_bounds = array<i64: 2, 16>, scalar_prefetch = 0 : i64, scratch_operands = 3 : i64, tpu.core_type = #tpu.core_type<sc_vector_subcore>, window_params = [{transform_indices = #map}, {transform_indices = #map}, {transform_indices = #map}]} {
    %broadcast_in_dim3A = arith.constant 1.000000e+00 : f32
    %broadcast_in_dim3A_0 = vector.broadcast %broadcast_in_dim3A : f32 to vector<16xf32>
    %broadcast_in_dim3A_1 = arith.constant 0.000000e+00 : f32
    %broadcast_in_dim3A_2 = vector.broadcast %broadcast_in_dim3A_1 : f32 to vector<16xf32>
    %scan3A = arith.constant 0 : i32
    %scan3A_3 = arith.constant 0 : i32
    %scan3A_4 = arith.constant 80 : i32
    %scan3A_5 = arith.addi %scan3A_3, %scan3A_4 : i32
    %scan3A_6 = arith.constant 1 : i32
    %scan3A_7 = scf.for %scan3A_79 = %scan3A_3 to %scan3A_5 step %scan3A_6 iter_args(%scan3A_80 = %scan3A) -> (i32)  : i32 {
      %swap3A = arith.index_cast %scan3A_79 : i32 to index
      %swap3A_81 = arith.constant 0 : index
      %swap3A_82 = tpu.vector_load %arg6[%swap3A, %swap3A_81] {strides = array<i32>} : memref<125x128xf32, #tpu.memory_space<vmem>>, vector<1x16xf32>,
      %swap3A_83 = vector.shape_cast %swap3A_82 : vector<1x16xf32> to vector<16xf32>
      %swap3A_84 = vector.shape_cast %broadcast_in_dim3A_2 : vector<16xf32> to vector<1x16xf32>
      tpu.vector_store %arg6[%swap3A, %swap3A_81], %swap3A_84 {strides = array<i32>} : memref<125x128xf32, #tpu.memory_space<vmem>>, vector<1x16xf32>,
      %swap3A_85 = arith.index_cast %scan3A_79 : i32 to index
      %swap3A_86 = arith.constant 16 : index
      %swap3A_87 = tpu.vector_load %arg6[%swap3A_85, %swap3A_86] {strides = array<i32>} : memref<125x128xf32, #tpu.memory_space<vmem>>, vector<1x16xf32>,
      %swap3A_88 = vector.shape_cast %swap3A_87 : vector<1x16xf32> to vector<16xf32>
      %swap3A_89 = vector.shape_cast %broadcast_in_dim3A_2 : vector<16xf32> to vector<1x16xf32>
      tpu.vector_store %arg6[%swap3A_85, %swap3A_86], %swap3A_89 {strides = array<i32>} : memref<125x128xf32, #tpu.memory_space<vmem>>, vector<1x16xf32>,
      %swap3A_90 = arith.index_cast %scan3A_79 : i32 to index
      %swap3A_91 = arith.constant 32 : index
      %swap3A_92 = tpu.vector_load %arg6[%swap3A_90, %swap3A_91] {strides = array<i32>} : memref<125x128xf32, #tpu.memory_space<vmem>>, vector<1x16xf32>,
      %swap3A_93 = vector.shape_cast %swap3A_92 : vector<1x16xf32> to vector<16xf32>
      %swap3A_94 = vector.shape_cast %broadcast_in_dim3A_2 : vector<16xf32> to vector<1x16xf32>
      tpu.vector_store %arg6[%swap3A_90, %swap3A_91], %swap3A_94 {strides = array<i32>} : memref<125x128xf32, #tpu.memory_space<vmem>>, vector<1x16xf32>,
      %swap3A_95 = arith.index_cast %scan3A_79 : i32 to index
      %swap3A_96 = arith.constant 48 : index
      %swap3A_97 = tpu.vector_load %arg6[%swap3A_95, %swap3A_96] {strides = array<i32>} : memref<125x128xf32, #tpu.memory_space<vmem>>, vector<1x16xf32>,
      %swap3A_98 = vector.shape_cast %swap3A_97 : vector<1x16xf32> to vector<16xf32>
      %swap3A_99 = vector.shape_cast %broadcast_in_dim3A_2 : vector<16xf32> to vector<1x16xf32>
      tpu.vector_store %arg6[%swap3A_95, %swap3A_96], %swap3A_99 {strides = array<i32>} : memref<125x128xf32, #tpu.memory_space<vmem>>, vector<1x16xf32>,
      %swap3A_100 = arith.index_cast %scan3A_79 : i32 to index
      %swap3A_101 = arith.constant 64 : index
      %swap3A_102 = tpu.vector_load %arg6[%swap3A_100, %swap3A_101] {strides = array<i32>} : memref<125x128xf32, #tpu.memory_space<vmem>>, vector<1x16xf32>,
      %swap3A_103 = vector.shape_cast %swap3A_102 : vector<1x16xf32> to vector<16xf32>
      %swap3A_104 = vector.shape_cast %broadcast_in_dim3A_2 : vector<16xf32> to vector<1x16xf32>
      tpu.vector_store %arg6[%swap3A_100, %swap3A_101], %swap3A_104 {strides = array<i32>} : memref<125x128xf32, #tpu.memory_space<vmem>>, vector<1x16xf32>,
      %swap3A_105 = arith.index_cast %scan3A_79 : i32 to index
      %swap3A_106 = arith.constant 80 : index
      %swap3A_107 = tpu.vector_load %arg6[%swap3A_105, %swap3A_106] {strides = array<i32>} : memref<125x128xf32, #tpu.memory_space<vmem>>, vector<1x16xf32>,
      %swap3A_108 = vector.shape_cast %swap3A_107 : vector<1x16xf32> to vector<16xf32>
      %swap3A_109 = vector.shape_cast %broadcast_in_dim3A_2 : vector<16xf32> to vector<1x16xf32>
      tpu.vector_store %arg6[%swap3A_105, %swap3A_106], %swap3A_109 {strides = array<i32>} : memref<125x128xf32, #tpu.memory_space<vmem>>, vector<1x16xf32>,
      %swap3A_110 = arith.index_cast %scan3A_79 : i32 to index
      %swap3A_111 = arith.constant 96 : index
      %swap3A_112 = tpu.vector_load %arg6[%swap3A_110, %swap3A_111] {strides = array<i32>} : memref<125x128xf32, #tpu.memory_space<vmem>>, vector<1x16xf32>,
      %swap3A_113 = vector.shape_cast %swap3A_112 : vector<1x16xf32> to vector<16xf32>
      %swap3A_114 = vector.shape_cast %broadcast_in_dim3A_2 : vector<16xf32> to vector<1x16xf32>
      tpu.vector_store %arg6[%swap3A_110, %swap3A_111], %swap3A_114 {strides = array<i32>} : memref<125x128xf32, #tpu.memory_space<vmem>>, vector<1x16xf32>,
      %swap3A_115 = arith.index_cast %scan3A_79 : i32 to index
      %swap3A_116 = arith.constant 112 : index
      %swap3A_117 = tpu.vector_load %arg6[%swap3A_115, %swap3A_116] {strides = array<i32>} : memref<125x128xf32, #tpu.memory_space<vmem>>, vector<1x16xf32>,
      %swap3A_118 = vector.shape_cast %swap3A_117 : vector<1x16xf32> to vector<16xf32>
      %swap3A_119 = vector.shape_cast %broadcast_in_dim3A_2 : vector<16xf32> to vector<1x16xf32>
      tpu.vector_store %arg6[%swap3A_115, %swap3A_116], %swap3A_119 {strides = array<i32>} : memref<125x128xf32, #tpu.memory_space<vmem>>, vector<1x16xf32>,
      %scan3A_120 = arith.constant 0 : i32
      scf.yield %scan3A_120 : i32
    }
    %scan3A_8 = arith.constant 80 : i32
    %mul3A = arith.constant 640 : i32
    %mul3A_9 = arith.muli %arg1, %mul3A : i32
    %add3A = arith.constant 0 : i32
    %add3A_10 = arith.addi %mul3A_9, %add3A : i32
    "tpu.region"() ({
      %run_scoped3A = tpu.sem_alloc : memref<!tpu.dma_semaphore, #tpu.memory_space<semaphore_mem>>
      %dma_start3A = arith.constant 0 : i32
      %dma_start3A_79 = arith.constant 0 : i32
      %dma_start3A_80 = tpu.memref_slice %arg6[%dma_start3A, %dma_start3A_79] : memref<125x128xf32, #tpu.memory_space<vmem>> -> memref<80x128xf32, #tpu.memory_space<vmem>>
      %dma_start3A_81 = arith.constant 0 : i32
      %dma_start3A_82 = tpu.memref_slice %arg7[%add3A_10, %dma_start3A_81] : memref<10240x128xf32, #tpu.memory_space<vmem_shared>> -> memref<80x128xf32, #tpu.memory_space<vmem_shared>>
      %dma_start3A_83 = arith.constant 0 : i32
      %dma_start3A_84 = tpu.memref_slice %arg7[%add3A_10, %dma_start3A_83] : memref<10240x128xf32, #tpu.memory_space<vmem_shared>> -> memref<80x128xf32, #tpu.memory_space<vmem_shared>>
      %dma_start3A_85 = arith.constant 0 : i32
      %dma_start3A_86 = arith.constant 0 : i32
      %dma_start3A_87 = tpu.memref_slice %arg6[%dma_start3A_85, %dma_start3A_86] : memref<125x128xf32, #tpu.memory_space<vmem>> -> memref<80x128xf32, #tpu.memory_space<vmem>>
      tpu.enqueue_dma source(%dma_start3A_87 : memref<80x128xf32, #tpu.memory_space<vmem>>) target(%dma_start3A_84 : memref<80x128xf32, #tpu.memory_space<vmem_shared>>) target_semaphore(%run_scoped3A : memref<!tpu.dma_semaphore, #tpu.memory_space<semaphore_mem>>)
      %dma_wait3A = arith.constant 0 : i32
      %dma_wait3A_88 = arith.constant 0 : i32
      %dma_wait3A_89 = tpu.memref_slice %arg6[%dma_wait3A, %dma_wait3A_88] : memref<125x128xf32, #tpu.memory_space<vmem>> -> memref<80x128xf32, #tpu.memory_space<vmem>>
      %dma_wait3A_90 = arith.constant 0 : i32
      %dma_wait3A_91 = tpu.memref_slice %arg7[%add3A_10, %dma_wait3A_90] : memref<10240x128xf32, #tpu.memory_space<vmem_shared>> -> memref<80x128xf32, #tpu.memory_space<vmem_shared>>
      %dma_wait3A_92 = arith.constant 0 : i32
      %dma_wait3A_93 = tpu.memref_slice %arg7[%add3A_10, %dma_wait3A_92] : memref<10240x128xf32, #tpu.memory_space<vmem_shared>> -> memref<80x128xf32, #tpu.memory_space<vmem_shared>>
      %dma_wait3A_94 = arith.constant 0 : i32
      %dma_wait3A_95 = arith.constant 0 : i32
      %dma_wait3A_96 = tpu.memref_slice %arg6[%dma_wait3A_94, %dma_wait3A_95] : memref<125x128xf32, #tpu.memory_space<vmem>> -> memref<80x128xf32, #tpu.memory_space<vmem>>
      tpu.wait_dma2 semaphore(%run_scoped3A : memref<!tpu.dma_semaphore, #tpu.memory_space<semaphore_mem>>) src(%dma_wait3A_96 : memref<80x128xf32, #tpu.memory_space<vmem>>) dst(%dma_wait3A_93 : memref<80x128xf32, #tpu.memory_space<vmem_shared>>)
      tpu.yield
    }) : () -> ()
    %mul3A_11 = arith.constant 640 : i32
    %mul3A_12 = arith.muli %arg1, %mul3A_11 : i32
    %add3A_13 = arith.constant 80 : i32
    %add3A_14 = arith.addi %mul3A_12, %add3A_13 : i32
    "tpu.region"() ({
      %run_scoped3A = tpu.sem_alloc : memref<!tpu.dma_semaphore, #tpu.memory_space<semaphore_mem>>
      %dma_start3A = arith.constant 0 : i32
      %dma_start3A_79 = arith.constant 0 : i32
      %dma_start3A_80 = tpu.memref_slice %arg6[%dma_start3A, %dma_start3A_79] : memref<125x128xf32, #tpu.memory_space<vmem>> -> memref<80x128xf32, #tpu.memory_space<vmem>>
      %dma_start3A_81 = arith.constant 0 : i32
      %dma_start3A_82 = tpu.memref_slice %arg7[%add3A_14, %dma_start3A_81] : memref<10240x128xf32, #tpu.memory_space<vmem_shared>> -> memref<80x128xf32, #tpu.memory_space<vmem_shared>>
      %dma_start3A_83 = arith.constant 0 : i32
      %dma_start3A_84 = tpu.memref_slice %arg7[%add3A_14, %dma_start3A_83] : memref<10240x128xf32, #tpu.memory_space<vmem_shared>> -> memref<80x128xf32, #tpu.memory_space<vmem_shared>>
      %dma_start3A_85 = arith.constant 0 : i32
      %dma_start3A_86 = arith.constant 0 : i32
      %dma_start3A_87 = tpu.memref_slice %arg6[%dma_start3A_85, %dma_start3A_86] : memref<125x128xf32, #tpu.memory_space<vmem>> -> memref<80x128xf32, #tpu.memory_space<vmem>>
      tpu.enqueue_dma source(%dma_start3A_87 : memref<80x128xf32, #tpu.memory_space<vmem>>) target(%dma_start3A_84 : memref<80x128xf32, #tpu.memory_space<vmem_shared>>) target_semaphore(%run_scoped3A : memref<!tpu.dma_semaphore, #tpu.memory_space<semaphore_mem>>)
      %dma_wait3A = arith.constant 0 : i32
      %dma_wait3A_88 = arith.constant 0 : i32
      %dma_wait3A_89 = tpu.memref_slice %arg6[%dma_wait3A, %dma_wait3A_88] : memref<125x128xf32, #tpu.memory_space<vmem>> -> memref<80x128xf32, #tpu.memory_space<vmem>>
      %dma_wait3A_90 = arith.constant 0 : i32
      %dma_wait3A_91 = tpu.memref_slice %arg7[%add3A_14, %dma_wait3A_90] : memref<10240x128xf32, #tpu.memory_space<vmem_shared>> -> memref<80x128xf32, #tpu.memory_space<vmem_shared>>
      %dma_wait3A_92 = arith.constant 0 : i32
      %dma_wait3A_93 = tpu.memref_slice %arg7[%add3A_14, %dma_wait3A_92] : memref<10240x128xf32, #tpu.memory_space<vmem_shared>> -> memref<80x128xf32, #tpu.memory_space<vmem_shared>>
      %dma_wait3A_94 = arith.constant 0 : i32
      %dma_wait3A_95 = arith.constant 0 : i32
      %dma_wait3A_96 = tpu.memref_slice %arg6[%dma_wait3A_94, %dma_wait3A_95] : memref<125x128xf32, #tpu.memory_space<vmem>> -> memref<80x128xf32, #tpu.memory_space<vmem>>
      tpu.wait_dma2 semaphore(%run_scoped3A : memref<!tpu.dma_semaphore, #tpu.memory_space<semaphore_mem>>) src(%dma_wait3A_96 : memref<80x128xf32, #tpu.memory_space<vmem>>) dst(%dma_wait3A_93 : memref<80x128xf32, #tpu.memory_space<vmem_shared>>)
      tpu.yield
    }) : () -> ()
    %mul3A_15 = arith.constant 640 : i32
    %mul3A_16 = arith.muli %arg1, %mul3A_15 : i32
    %add3A_17 = arith.constant 160 : i32
    %add3A_18 = arith.addi %mul3A_16, %add3A_17 : i32
    "tpu.region"() ({
      %run_scoped3A = tpu.sem_alloc : memref<!tpu.dma_semaphore, #tpu.memory_space<semaphore_mem>>
      %dma_start3A = arith.constant 0 : i32
      %dma_start3A_79 = arith.constant 0 : i32
      %dma_start3A_80 = tpu.memref_slice %arg6[%dma_start3A, %dma_start3A_79] : memref<125x128xf32, #tpu.memory_space<vmem>> -> memref<80x128xf32, #tpu.memory_space<vmem>>
      %dma_start3A_81 = arith.constant 0 : i32
      %dma_start3A_82 = tpu.memref_slice %arg7[%add3A_18, %dma_start3A_81] : memref<10240x128xf32, #tpu.memory_space<vmem_shared>> -> memref<80x128xf32, #tpu.memory_space<vmem_shared>>
      %dma_start3A_83 = arith.constant 0 : i32
      %dma_start3A_84 = tpu.memref_slice %arg7[%add3A_18, %dma_start3A_83] : memref<10240x128xf32, #tpu.memory_space<vmem_shared>> -> memref<80x128xf32, #tpu.memory_space<vmem_shared>>
      %dma_start3A_85 = arith.constant 0 : i32
      %dma_start3A_86 = arith.constant 0 : i32
      %dma_start3A_87 = tpu.memref_slice %arg6[%dma_start3A_85, %dma_start3A_86] : memref<125x128xf32, #tpu.memory_space<vmem>> -> memref<80x128xf32, #tpu.memory_space<vmem>>
      tpu.enqueue_dma source(%dma_start3A_87 : memref<80x128xf32, #tpu.memory_space<vmem>>) target(%dma_start3A_84 : memref<80x128xf32, #tpu.memory_space<vmem_shared>>) target_semaphore(%run_scoped3A : memref<!tpu.dma_semaphore, #tpu.memory_space<semaphore_mem>>)
      %dma_wait3A = arith.constant 0 : i32
      %dma_wait3A_88 = arith.constant 0 : i32
      %dma_wait3A_89 = tpu.memref_slice %arg6[%dma_wait3A, %dma_wait3A_88] : memref<125x128xf32, #tpu.memory_space<vmem>> -> memref<80x128xf32, #tpu.memory_space<vmem>>
      %dma_wait3A_90 = arith.constant 0 : i32
      %dma_wait3A_91 = tpu.memref_slice %arg7[%add3A_18, %dma_wait3A_90] : memref<10240x128xf32, #tpu.memory_space<vmem_shared>> -> memref<80x128xf32, #tpu.memory_space<vmem_shared>>
      %dma_wait3A_92 = arith.constant 0 : i32
      %dma_wait3A_93 = tpu.memref_slice %arg7[%add3A_18, %dma_wait3A_92] : memref<10240x128xf32, #tpu.memory_space<vmem_shared>> -> memref<80x128xf32, #tpu.memory_space<vmem_shared>>
      %dma_wait3A_94 = arith.constant 0 : i32
      %dma_wait3A_95 = arith.constant 0 : i32
      %dma_wait3A_96 = tpu.memref_slice %arg6[%dma_wait3A_94, %dma_wait3A_95] : memref<125x128xf32, #tpu.memory_space<vmem>> -> memref<80x128xf32, #tpu.memory_space<vmem>>
      tpu.wait_dma2 semaphore(%run_scoped3A : memref<!tpu.dma_semaphore, #tpu.memory_space<semaphore_mem>>) src(%dma_wait3A_96 : memref<80x128xf32, #tpu.memory_space<vmem>>) dst(%dma_wait3A_93 : memref<80x128xf32, #tpu.memory_space<vmem_shared>>)
      tpu.yield
    }) : () -> ()
    %mul3A_19 = arith.constant 640 : i32
    %mul3A_20 = arith.muli %arg1, %mul3A_19 : i32
    %add3A_21 = arith.constant 240 : i32
    %add3A_22 = arith.addi %mul3A_20, %add3A_21 : i32
    "tpu.region"() ({
      %run_scoped3A = tpu.sem_alloc : memref<!tpu.dma_semaphore, #tpu.memory_space<semaphore_mem>>
      %dma_start3A = arith.constant 0 : i32
      %dma_start3A_79 = arith.constant 0 : i32
      %dma_start3A_80 = tpu.memref_slice %arg6[%dma_start3A, %dma_start3A_79] : memref<125x128xf32, #tpu.memory_space<vmem>> -> memref<80x128xf32, #tpu.memory_space<vmem>>
      %dma_start3A_81 = arith.constant 0 : i32
      %dma_start3A_82 = tpu.memref_slice %arg7[%add3A_22, %dma_start3A_81] : memref<10240x128xf32, #tpu.memory_space<vmem_shared>> -> memref<80x128xf32, #tpu.memory_space<vmem_shared>>
      %dma_start3A_83 = arith.constant 0 : i32
      %dma_start3A_84 = tpu.memref_slice %arg7[%add3A_22, %dma_start3A_83] : memref<10240x128xf32, #tpu.memory_space<vmem_shared>> -> memref<80x128xf32, #tpu.memory_space<vmem_shared>>
      %dma_start3A_85 = arith.constant 0 : i32
      %dma_start3A_86 = arith.constant 0 : i32
      %dma_start3A_87 = tpu.memref_slice %arg6[%dma_start3A_85, %dma_start3A_86] : memref<125x128xf32, #tpu.memory_space<vmem>> -> memref<80x128xf32, #tpu.memory_space<vmem>>
      tpu.enqueue_dma source(%dma_start3A_87 : memref<80x128xf32, #tpu.memory_space<vmem>>) target(%dma_start3A_84 : memref<80x128xf32, #tpu.memory_space<vmem_shared>>) target_semaphore(%run_scoped3A : memref<!tpu.dma_semaphore, #tpu.memory_space<semaphore_mem>>)
      %dma_wait3A = arith.constant 0 : i32
      %dma_wait3A_88 = arith.constant 0 : i32
      %dma_wait3A_89 = tpu.memref_slice %arg6[%dma_wait3A, %dma_wait3A_88] : memref<125x128xf32, #tpu.memory_space<vmem>> -> memref<80x128xf32, #tpu.memory_space<vmem>>
      %dma_wait3A_90 = arith.constant 0 : i32
      %dma_wait3A_91 = tpu.memref_slice %arg7[%add3A_22, %dma_wait3A_90] : memref<10240x128xf32, #tpu.memory_space<vmem_shared>> -> memref<80x128xf32, #tpu.memory_space<vmem_shared>>
      %dma_wait3A_92 = arith.constant 0 : i32
      %dma_wait3A_93 = tpu.memref_slice %arg7[%add3A_22, %dma_wait3A_92] : memref<10240x128xf32, #tpu.memory_space<vmem_shared>> -> memref<80x128xf32, #tpu.memory_space<vmem_shared>>
      %dma_wait3A_94 = arith.constant 0 : i32
      %dma_wait3A_95 = arith.constant 0 : i32
      %dma_wait3A_96 = tpu.memref_slice %arg6[%dma_wait3A_94, %dma_wait3A_95] : memref<125x128xf32, #tpu.memory_space<vmem>> -> memref<80x128xf32, #tpu.memory_space<vmem>>
      tpu.wait_dma2 semaphore(%run_scoped3A : memref<!tpu.dma_semaphore, #tpu.memory_space<semaphore_mem>>) src(%dma_wait3A_96 : memref<80x128xf32, #tpu.memory_space<vmem>>) dst(%dma_wait3A_93 : memref<80x128xf32, #tpu.memory_space<vmem_shared>>)
      tpu.yield
    }) : () -> ()
    %mul3A_23 = arith.constant 640 : i32
    %mul3A_24 = arith.muli %arg1, %mul3A_23 : i32
    %add3A_25 = arith.constant 320 : i32
    %add3A_26 = arith.addi %mul3A_24, %add3A_25 : i32
    "tpu.region"() ({
      %run_scoped3A = tpu.sem_alloc : memref<!tpu.dma_semaphore, #tpu.memory_space<semaphore_mem>>
      %dma_start3A = arith.constant 0 : i32
      %dma_start3A_79 = arith.constant 0 : i32
      %dma_start3A_80 = tpu.memref_slice %arg6[%dma_start3A, %dma_start3A_79] : memref<125x128xf32, #tpu.memory_space<vmem>> -> memref<80x128xf32, #tpu.memory_space<vmem>>
      %dma_start3A_81 = arith.constant 0 : i32
      %dma_start3A_82 = tpu.memref_slice %arg7[%add3A_26, %dma_start3A_81] : memref<10240x128xf32, #tpu.memory_space<vmem_shared>> -> memref<80x128xf32, #tpu.memory_space<vmem_shared>>
      %dma_start3A_83 = arith.constant 0 : i32
      %dma_start3A_84 = tpu.memref_slice %arg7[%add3A_26, %dma_start3A_83] : memref<10240x128xf32, #tpu.memory_space<vmem_shared>> -> memref<80x128xf32, #tpu.memory_space<vmem_shared>>
      %dma_start3A_85 = arith.constant 0 : i32
      %dma_start3A_86 = arith.constant 0 : i32
      %dma_start3A_87 = tpu.memref_slice %arg6[%dma_start3A_85, %dma_start3A_86] : memref<125x128xf32, #tpu.memory_space<vmem>> -> memref<80x128xf32, #tpu.memory_space<vmem>>
      tpu.enqueue_dma source(%dma_start3A_87 : memref<80x128xf32, #tpu.memory_space<vmem>>) target(%dma_start3A_84 : memref<80x128xf32, #tpu.memory_space<vmem_shared>>) target_semaphore(%run_scoped3A : memref<!tpu.dma_semaphore, #tpu.memory_space<semaphore_mem>>)
      %dma_wait3A = arith.constant 0 : i32
      %dma_wait3A_88 = arith.constant 0 : i32
      %dma_wait3A_89 = tpu.memref_slice %arg6[%dma_wait3A, %dma_wait3A_88] : memref<125x128xf32, #tpu.memory_space<vmem>> -> memref<80x128xf32, #tpu.memory_space<vmem>>
      %dma_wait3A_90 = arith.constant 0 : i32
      %dma_wait3A_91 = tpu.memref_slice %arg7[%add3A_26, %dma_wait3A_90] : memref<10240x128xf32, #tpu.memory_space<vmem_shared>> -> memref<80x128xf32, #tpu.memory_space<vmem_shared>>
      %dma_wait3A_92 = arith.constant 0 : i32
      %dma_wait3A_93 = tpu.memref_slice %arg7[%add3A_26, %dma_wait3A_92] : memref<10240x128xf32, #tpu.memory_space<vmem_shared>> -> memref<80x128xf32, #tpu.memory_space<vmem_shared>>
      %dma_wait3A_94 = arith.constant 0 : i32
      %dma_wait3A_95 = arith.constant 0 : i32
      %dma_wait3A_96 = tpu.memref_slice %arg6[%dma_wait3A_94, %dma_wait3A_95] : memref<125x128xf32, #tpu.memory_space<vmem>> -> memref<80x128xf32, #tpu.memory_space<vmem>>
      tpu.wait_dma2 semaphore(%run_scoped3A : memref<!tpu.dma_semaphore, #tpu.memory_space<semaphore_mem>>) src(%dma_wait3A_96 : memref<80x128xf32, #tpu.memory_space<vmem>>) dst(%dma_wait3A_93 : memref<80x128xf32, #tpu.memory_space<vmem_shared>>)
      tpu.yield
    }) : () -> ()
    %mul3A_27 = arith.constant 640 : i32
    %mul3A_28 = arith.muli %arg1, %mul3A_27 : i32
    %add3A_29 = arith.constant 400 : i32
    %add3A_30 = arith.addi %mul3A_28, %add3A_29 : i32
    "tpu.region"() ({
      %run_scoped3A = tpu.sem_alloc : memref<!tpu.dma_semaphore, #tpu.memory_space<semaphore_mem>>
      %dma_start3A = arith.constant 0 : i32
      %dma_start3A_79 = arith.constant 0 : i32
      %dma_start3A_80 = tpu.memref_slice %arg6[%dma_start3A, %dma_start3A_79] : memref<125x128xf32, #tpu.memory_space<vmem>> -> memref<80x128xf32, #tpu.memory_space<vmem>>
      %dma_start3A_81 = arith.constant 0 : i32
      %dma_start3A_82 = tpu.memref_slice %arg7[%add3A_30, %dma_start3A_81] : memref<10240x128xf32, #tpu.memory_space<vmem_shared>> -> memref<80x128xf32, #tpu.memory_space<vmem_shared>>
      %dma_start3A_83 = arith.constant 0 : i32
      %dma_start3A_84 = tpu.memref_slice %arg7[%add3A_30, %dma_start3A_83] : memref<10240x128xf32, #tpu.memory_space<vmem_shared>> -> memref<80x128xf32, #tpu.memory_space<vmem_shared>>
      %dma_start3A_85 = arith.constant 0 : i32
      %dma_start3A_86 = arith.constant 0 : i32
      %dma_start3A_87 = tpu.memref_slice %arg6[%dma_start3A_85, %dma_start3A_86] : memref<125x128xf32, #tpu.memory_space<vmem>> -> memref<80x128xf32, #tpu.memory_space<vmem>>
      tpu.enqueue_dma source(%dma_start3A_87 : memref<80x128xf32, #tpu.memory_space<vmem>>) target(%dma_start3A_84 : memref<80x128xf32, #tpu.memory_space<vmem_shared>>) target_semaphore(%run_scoped3A : memref<!tpu.dma_semaphore, #tpu.memory_space<semaphore_mem>>)
      %dma_wait3A = arith.constant 0 : i32
      %dma_wait3A_88 = arith.constant 0 : i32
      %dma_wait3A_89 = tpu.memref_slice %arg6[%dma_wait3A, %dma_wait3A_88] : memref<125x128xf32, #tpu.memory_space<vmem>> -> memref<80x128xf32, #tpu.memory_space<vmem>>
      %dma_wait3A_90 = arith.constant 0 : i32
      %dma_wait3A_91 = tpu.memref_slice %arg7[%add3A_30, %dma_wait3A_90] : memref<10240x128xf32, #tpu.memory_space<vmem_shared>> -> memref<80x128xf32, #tpu.memory_space<vmem_shared>>
      %dma_wait3A_92 = arith.constant 0 : i32
      %dma_wait3A_93 = tpu.memref_slice %arg7[%add3A_30, %dma_wait3A_92] : memref<10240x128xf32, #tpu.memory_space<vmem_shared>> -> memref<80x128xf32, #tpu.memory_space<vmem_shared>>
      %dma_wait3A_94 = arith.constant 0 : i32
      %dma_wait3A_95 = arith.constant 0 : i32
      %dma_wait3A_96 = tpu.memref_slice %arg6[%dma_wait3A_94, %dma_wait3A_95] : memref<125x128xf32, #tpu.memory_space<vmem>> -> memref<80x128xf32, #tpu.memory_space<vmem>>
      tpu.wait_dma2 semaphore(%run_scoped3A : memref<!tpu.dma_semaphore, #tpu.memory_space<semaphore_mem>>) src(%dma_wait3A_96 : memref<80x128xf32, #tpu.memory_space<vmem>>) dst(%dma_wait3A_93 : memref<80x128xf32, #tpu.memory_space<vmem_shared>>)
      tpu.yield
    }) : () -> ()
    %mul3A_31 = arith.constant 640 : i32
    %mul3A_32 = arith.muli %arg1, %mul3A_31 : i32
    %add3A_33 = arith.constant 480 : i32
    %add3A_34 = arith.addi %mul3A_32, %add3A_33 : i32
    "tpu.region"() ({
      %run_scoped3A = tpu.sem_alloc : memref<!tpu.dma_semaphore, #tpu.memory_space<semaphore_mem>>
      %dma_start3A = arith.constant 0 : i32
      %dma_start3A_79 = arith.constant 0 : i32
      %dma_start3A_80 = tpu.memref_slice %arg6[%dma_start3A, %dma_start3A_79] : memref<125x128xf32, #tpu.memory_space<vmem>> -> memref<80x128xf32, #tpu.memory_space<vmem>>
      %dma_start3A_81 = arith.constant 0 : i32
      %dma_start3A_82 = tpu.memref_slice %arg7[%add3A_34, %dma_start3A_81] : memref<10240x128xf32, #tpu.memory_space<vmem_shared>> -> memref<80x128xf32, #tpu.memory_space<vmem_shared>>
      %dma_start3A_83 = arith.constant 0 : i32
      %dma_start3A_84 = tpu.memref_slice %arg7[%add3A_34, %dma_start3A_83] : memref<10240x128xf32, #tpu.memory_space<vmem_shared>> -> memref<80x128xf32, #tpu.memory_space<vmem_shared>>
      %dma_start3A_85 = arith.constant 0 : i32
      %dma_start3A_86 = arith.constant 0 : i32
      %dma_start3A_87 = tpu.memref_slice %arg6[%dma_start3A_85, %dma_start3A_86] : memref<125x128xf32, #tpu.memory_space<vmem>> -> memref<80x128xf32, #tpu.memory_space<vmem>>
      tpu.enqueue_dma source(%dma_start3A_87 : memref<80x128xf32, #tpu.memory_space<vmem>>) target(%dma_start3A_84 : memref<80x128xf32, #tpu.memory_space<vmem_shared>>) target_semaphore(%run_scoped3A : memref<!tpu.dma_semaphore, #tpu.memory_space<semaphore_mem>>)
      %dma_wait3A = arith.constant 0 : i32
      %dma_wait3A_88 = arith.constant 0 : i32
      %dma_wait3A_89 = tpu.memref_slice %arg6[%dma_wait3A, %dma_wait3A_88] : memref<125x128xf32, #tpu.memory_space<vmem>> -> memref<80x128xf32, #tpu.memory_space<vmem>>
      %dma_wait3A_90 = arith.constant 0 : i32
      %dma_wait3A_91 = tpu.memref_slice %arg7[%add3A_34, %dma_wait3A_90] : memref<10240x128xf32, #tpu.memory_space<vmem_shared>> -> memref<80x128xf32, #tpu.memory_space<vmem_shared>>
      %dma_wait3A_92 = arith.constant 0 : i32
      %dma_wait3A_93 = tpu.memref_slice %arg7[%add3A_34, %dma_wait3A_92] : memref<10240x128xf32, #tpu.memory_space<vmem_shared>> -> memref<80x128xf32, #tpu.memory_space<vmem_shared>>
      %dma_wait3A_94 = arith.constant 0 : i32
      %dma_wait3A_95 = arith.constant 0 : i32
      %dma_wait3A_96 = tpu.memref_slice %arg6[%dma_wait3A_94, %dma_wait3A_95] : memref<125x128xf32, #tpu.memory_space<vmem>> -> memref<80x128xf32, #tpu.memory_space<vmem>>
      tpu.wait_dma2 semaphore(%run_scoped3A : memref<!tpu.dma_semaphore, #tpu.memory_space<semaphore_mem>>) src(%dma_wait3A_96 : memref<80x128xf32, #tpu.memory_space<vmem>>) dst(%dma_wait3A_93 : memref<80x128xf32, #tpu.memory_space<vmem_shared>>)
      tpu.yield
    }) : () -> ()
    %mul3A_35 = arith.constant 640 : i32
    %mul3A_36 = arith.muli %arg1, %mul3A_35 : i32
    %add3A_37 = arith.constant 560 : i32
    %add3A_38 = arith.addi %mul3A_36, %add3A_37 : i32
    "tpu.region"() ({
      %run_scoped3A = tpu.sem_alloc : memref<!tpu.dma_semaphore, #tpu.memory_space<semaphore_mem>>
      %dma_start3A = arith.constant 0 : i32
      %dma_start3A_79 = arith.constant 0 : i32
      %dma_start3A_80 = tpu.memref_slice %arg6[%dma_start3A, %dma_start3A_79] : memref<125x128xf32, #tpu.memory_space<vmem>> -> memref<80x128xf32, #tpu.memory_space<vmem>>
      %dma_start3A_81 = arith.constant 0 : i32
      %dma_start3A_82 = tpu.memref_slice %arg7[%add3A_38, %dma_start3A_81] : memref<10240x128xf32, #tpu.memory_space<vmem_shared>> -> memref<80x128xf32, #tpu.memory_space<vmem_shared>>
      %dma_start3A_83 = arith.constant 0 : i32
      %dma_start3A_84 = tpu.memref_slice %arg7[%add3A_38, %dma_start3A_83] : memref<10240x128xf32, #tpu.memory_space<vmem_shared>> -> memref<80x128xf32, #tpu.memory_space<vmem_shared>>
      %dma_start3A_85 = arith.constant 0 : i32
      %dma_start3A_86 = arith.constant 0 : i32
      %dma_start3A_87 = tpu.memref_slice %arg6[%dma_start3A_85, %dma_start3A_86] : memref<125x128xf32, #tpu.memory_space<vmem>> -> memref<80x128xf32, #tpu.memory_space<vmem>>
      tpu.enqueue_dma source(%dma_start3A_87 : memref<80x128xf32, #tpu.memory_space<vmem>>) target(%dma_start3A_84 : memref<80x128xf32, #tpu.memory_space<vmem_shared>>) target_semaphore(%run_scoped3A : memref<!tpu.dma_semaphore, #tpu.memory_space<semaphore_mem>>)
      %dma_wait3A = arith.constant 0 : i32
      %dma_wait3A_88 = arith.constant 0 : i32
      %dma_wait3A_89 = tpu.memref_slice %arg6[%dma_wait3A, %dma_wait3A_88] : memref<125x128xf32, #tpu.memory_space<vmem>> -> memref<80x128xf32, #tpu.memory_space<vmem>>
      %dma_wait3A_90 = arith.constant 0 : i32
      %dma_wait3A_91 = tpu.memref_slice %arg7[%add3A_38, %dma_wait3A_90] : memref<10240x128xf32, #tpu.memory_space<vmem_shared>> -> memref<80x128xf32, #tpu.memory_space<vmem_shared>>
      %dma_wait3A_92 = arith.constant 0 : i32
      %dma_wait3A_93 = tpu.memref_slice %arg7[%add3A_38, %dma_wait3A_92] : memref<10240x128xf32, #tpu.memory_space<vmem_shared>> -> memref<80x128xf32, #tpu.memory_space<vmem_shared>>
      %dma_wait3A_94 = arith.constant 0 : i32
      %dma_wait3A_95 = arith.constant 0 : i32
      %dma_wait3A_96 = tpu.memref_slice %arg6[%dma_wait3A_94, %dma_wait3A_95] : memref<125x128xf32, #tpu.memory_space<vmem>> -> memref<80x128xf32, #tpu.memory_space<vmem>>
      tpu.wait_dma2 semaphore(%run_scoped3A : memref<!tpu.dma_semaphore, #tpu.memory_space<semaphore_mem>>) src(%dma_wait3A_96 : memref<80x128xf32, #tpu.memory_space<vmem>>) dst(%dma_wait3A_93 : memref<80x128xf32, #tpu.memory_space<vmem_shared>>)
      tpu.yield
    }) : () -> ()
    %scan3A_39 = arith.constant 0 : i32
    %scan3A_40 = arith.constant 0 : i32
    %scan3A_41 = arith.constant 125 : i32
    %scan3A_42 = arith.addi %scan3A_40, %scan3A_41 : i32
    %scan3A_43 = arith.constant 1 : i32
    %scan3A_44 = scf.for %scan3A_79 = %scan3A_40 to %scan3A_42 step %scan3A_43 iter_args(%scan3A_80 = %scan3A_39) -> (i32)  : i32 {
      %swap3A = arith.index_cast %scan3A_79 : i32 to index
      %swap3A_81 = arith.constant 0 : index
      %swap3A_82 = tpu.vector_load %arg6[%swap3A, %swap3A_81] {strides = array<i32>} : memref<125x128xf32, #tpu.memory_space<vmem>>, vector<1x16xf32>,
      %swap3A_83 = vector.shape_cast %swap3A_82 : vector<1x16xf32> to vector<16xf32>
      %swap3A_84 = vector.shape_cast %broadcast_in_dim3A_0 : vector<16xf32> to vector<1x16xf32>
      tpu.vector_store %arg6[%swap3A, %swap3A_81], %swap3A_84 {strides = array<i32>} : memref<125x128xf32, #tpu.memory_space<vmem>>, vector<1x16xf32>,
      %swap3A_85 = arith.index_cast %scan3A_79 : i32 to index
      %swap3A_86 = arith.constant 16 : index
      %swap3A_87 = tpu.vector_load %arg6[%swap3A_85, %swap3A_86] {strides = array<i32>} : memref<125x128xf32, #tpu.memory_space<vmem>>, vector<1x16xf32>,
      %swap3A_88 = vector.shape_cast %swap3A_87 : vector<1x16xf32> to vector<16xf32>
      %swap3A_89 = vector.shape_cast %broadcast_in_dim3A_0 : vector<16xf32> to vector<1x16xf32>
      tpu.vector_store %arg6[%swap3A_85, %swap3A_86], %swap3A_89 {strides = array<i32>} : memref<125x128xf32, #tpu.memory_space<vmem>>, vector<1x16xf32>,
      %swap3A_90 = arith.index_cast %scan3A_79 : i32 to index
      %swap3A_91 = arith.constant 32 : index
      %swap3A_92 = tpu.vector_load %arg6[%swap3A_90, %swap3A_91] {strides = array<i32>} : memref<125x128xf32, #tpu.memory_space<vmem>>, vector<1x16xf32>,
      %swap3A_93 = vector.shape_cast %swap3A_92 : vector<1x16xf32> to vector<16xf32>
      %swap3A_94 = vector.shape_cast %broadcast_in_dim3A_0 : vector<16xf32> to vector<1x16xf32>
      tpu.vector_store %arg6[%swap3A_90, %swap3A_91], %swap3A_94 {strides = array<i32>} : memref<125x128xf32, #tpu.memory_space<vmem>>, vector<1x16xf32>,
      %swap3A_95 = arith.index_cast %scan3A_79 : i32 to index
      %swap3A_96 = arith.constant 48 : index
      %swap3A_97 = tpu.vector_load %arg6[%swap3A_95, %swap3A_96] {strides = array<i32>} : memref<125x128xf32, #tpu.memory_space<vmem>>, vector<1x16xf32>,
      %swap3A_98 = vector.shape_cast %swap3A_97 : vector<1x16xf32> to vector<16xf32>
      %swap3A_99 = vector.shape_cast %broadcast_in_dim3A_0 : vector<16xf32> to vector<1x16xf32>
      tpu.vector_store %arg6[%swap3A_95, %swap3A_96], %swap3A_99 {strides = array<i32>} : memref<125x128xf32, #tpu.memory_space<vmem>>, vector<1x16xf32>,
      %swap3A_100 = arith.index_cast %scan3A_79 : i32 to index
      %swap3A_101 = arith.constant 64 : index
      %swap3A_102 = tpu.vector_load %arg6[%swap3A_100, %swap3A_101] {strides = array<i32>} : memref<125x128xf32, #tpu.memory_space<vmem>>, vector<1x16xf32>,
      %swap3A_103 = vector.shape_cast %swap3A_102 : vector<1x16xf32> to vector<16xf32>
      %swap3A_104 = vector.shape_cast %broadcast_in_dim3A_0 : vector<16xf32> to vector<1x16xf32>
      tpu.vector_store %arg6[%swap3A_100, %swap3A_101], %swap3A_104 {strides = array<i32>} : memref<125x128xf32, #tpu.memory_space<vmem>>, vector<1x16xf32>,
      %swap3A_105 = arith.index_cast %scan3A_79 : i32 to index
      %swap3A_106 = arith.constant 80 : index
      %swap3A_107 = tpu.vector_load %arg6[%swap3A_105, %swap3A_106] {strides = array<i32>} : memref<125x128xf32, #tpu.memory_space<vmem>>, vector<1x16xf32>,
      %swap3A_108 = vector.shape_cast %swap3A_107 : vector<1x16xf32> to vector<16xf32>
      %swap3A_109 = vector.shape_cast %broadcast_in_dim3A_0 : vector<16xf32> to vector<1x16xf32>
      tpu.vector_store %arg6[%swap3A_105, %swap3A_106], %swap3A_109 {strides = array<i32>} : memref<125x128xf32, #tpu.memory_space<vmem>>, vector<1x16xf32>,
      %swap3A_110 = arith.index_cast %scan3A_79 : i32 to index
      %swap3A_111 = arith.constant 96 : index
      %swap3A_112 = tpu.vector_load %arg6[%swap3A_110, %swap3A_111] {strides = array<i32>} : memref<125x128xf32, #tpu.memory_space<vmem>>, vector<1x16xf32>,
      %swap3A_113 = vector.shape_cast %swap3A_112 : vector<1x16xf32> to vector<16xf32>
      %swap3A_114 = vector.shape_cast %broadcast_in_dim3A_0 : vector<16xf32> to vector<1x16xf32>
      tpu.vector_store %arg6[%swap3A_110, %swap3A_111], %swap3A_114 {strides = array<i32>} : memref<125x128xf32, #tpu.memory_space<vmem>>, vector<1x16xf32>,
      %swap3A_115 = arith.index_cast %scan3A_79 : i32 to index
      %swap3A_116 = arith.constant 112 : index
      %swap3A_117 = tpu.vector_load %arg6[%swap3A_115, %swap3A_116] {strides = array<i32>} : memref<125x128xf32, #tpu.memory_space<vmem>>, vector<1x16xf32>,
      %swap3A_118 = vector.shape_cast %swap3A_117 : vector<1x16xf32> to vector<16xf32>
      %swap3A_119 = vector.shape_cast %broadcast_in_dim3A_0 : vector<16xf32> to vector<1x16xf32>
      tpu.vector_store %arg6[%swap3A_115, %swap3A_116], %swap3A_119 {strides = array<i32>} : memref<125x128xf32, #tpu.memory_space<vmem>>, vector<1x16xf32>,
      %scan3A_120 = arith.constant 0 : i32
      scf.yield %scan3A_120 : i32
    }
    %scan3A_45 = arith.constant 125 : i32
    %barrier3A = arith.constant 0 : index
    tpu.barrier barrier_id(%barrier3A)
    %mul3A_46 = arith.constant 16 : i32
    %mul3A_47 = arith.muli %arg0, %mul3A_46 : i32
    %add3A_48 = arith.addi %mul3A_47, %arg1 : i32
    %mul3A_49 = arith.constant 80 : i32
    %mul3A_50 = arith.muli %add3A_48, %mul3A_49 : i32
    %add3A_51 = arith.constant 0 : i32
    %add3A_52 = arith.addi %mul3A_50, %add3A_51 : i32
    "tpu.region"() ({
      %run_scoped3A = tpu.sem_alloc : memref<!tpu.dma_semaphore, #tpu.memory_space<semaphore_mem>>
      %dma_start3A = arith.constant 0 : i32
      %dma_start3A_79 = tpu.memref_slice %arg2[%add3A_52, %dma_start3A] : memref<2560x125xi32, #tpu.memory_space<hbm>> -> memref<40x125xi32, #tpu.memory_space<hbm>>
      %dma_start3A_80 = arith.constant 0 : i32
      %dma_start3A_81 = tpu.memref_slice %arg2[%add3A_52, %dma_start3A_80] : memref<2560x125xi32, #tpu.memory_space<hbm>> -> memref<40x125xi32, #tpu.memory_space<hbm>>
      tpu.enqueue_dma source(%dma_start3A_81 : memref<40x125xi32, #tpu.memory_space<hbm>>) target(%arg5 : memref<40x125xi32, #tpu.memory_space<vmem>>) target_semaphore(%run_scoped3A : memref<!tpu.dma_semaphore, #tpu.memory_space<semaphore_mem>>)
      %dma_wait3A = arith.constant 0 : i32
      %dma_wait3A_82 = tpu.memref_slice %arg2[%add3A_52, %dma_wait3A] : memref<2560x125xi32, #tpu.memory_space<hbm>> -> memref<40x125xi32, #tpu.memory_space<hbm>>
      %dma_wait3A_83 = arith.constant 0 : i32
      %dma_wait3A_84 = tpu.memref_slice %arg2[%add3A_52, %dma_wait3A_83] : memref<2560x125xi32, #tpu.memory_space<hbm>> -> memref<40x125xi32, #tpu.memory_space<hbm>>
      tpu.wait_dma2 semaphore(%run_scoped3A : memref<!tpu.dma_semaphore, #tpu.memory_space<semaphore_mem>>) src(%dma_wait3A_84 : memref<40x125xi32, #tpu.memory_space<hbm>>) dst(%arg5 : memref<40x125xi32, #tpu.memory_space<vmem>>)
      tpu.yield
    }) : () -> ()
    %scan3A_53 = arith.constant 0 : i32
    %scan3A_54 = arith.constant 0 : i32
    %scan3A_55 = arith.constant 40 : i32
    %scan3A_56 = arith.addi %scan3A_54, %scan3A_55 : i32
    %scan3A_57 = arith.constant 1 : i32
    %scan3A_58 = scf.for %scan3A_79 = %scan3A_54 to %scan3A_56 step %scan3A_57 iter_args(%scan3A_80 = %scan3A_53) -> (i32)  : i32 {
      "tpu.region"() ({
        %run_scoped3A = tpu.sem_alloc : memref<!tpu.dma_semaphore, #tpu.memory_space<semaphore_mem>>
        %dma_start3A = arith.constant 0 : i32
        %dma_start3A_82 = tpu.memref_slice %arg5[%scan3A_79, %dma_start3A] : memref<40x125xi32, #tpu.memory_space<vmem>> -> memref<1x125xi32, #tpu.memory_space<vmem>>
        %dma_start3A_83 = tpu.memref_squeeze %dma_start3A_82 : memref<1x125xi32, #tpu.memory_space<vmem>> -> memref<125xi32, #tpu.memory_space<vmem>>
        %dma_start3A_84 = arith.constant 0 : i32
        %dma_start3A_85 = arith.constant 0 : i32
        %dma_start3A_86 = tpu.memref_slice %arg7[%dma_start3A_84, %dma_start3A_85] : memref<10240x128xf32, #tpu.memory_space<vmem_shared>> -> memref<10240x128xf32, #tpu.memory_space<vmem_shared>>
        tpu.enqueue_indirect_dma source(%arg6 : memref<125x128xf32, #tpu.memory_space<vmem>>) target(%dma_start3A_86 : memref<10240x128xf32, #tpu.memory_space<vmem_shared>>) offsets(%dma_start3A_83 : memref<125xi32, #tpu.memory_space<vmem>>) semaphore(%run_scoped3A : memref<!tpu.dma_semaphore, #tpu.memory_space<semaphore_mem>>) {add = true}
        %dma_wait3A = arith.constant 0 : i32
        %dma_wait3A_87 = tpu.memref_slice %arg5[%scan3A_79, %dma_wait3A] : memref<40x125xi32, #tpu.memory_space<vmem>> -> memref<1x125xi32, #tpu.memory_space<vmem>>
        %dma_wait3A_88 = tpu.memref_squeeze %dma_wait3A_87 : memref<1x125xi32, #tpu.memory_space<vmem>> -> memref<125xi32, #tpu.memory_space<vmem>>
        %dma_wait3A_89 = arith.constant 0 : i32
        %dma_wait3A_90 = arith.constant 0 : i32
        %dma_wait3A_91 = tpu.memref_slice %arg7[%dma_wait3A_89, %dma_wait3A_90] : memref<10240x128xf32, #tpu.memory_space<vmem_shared>> -> memref<10240x128xf32, #tpu.memory_space<vmem_shared>>
        tpu.wait_indirect_dma semaphore(%run_scoped3A : memref<!tpu.dma_semaphore, #tpu.memory_space<semaphore_mem>>) src(%arg6 : memref<125x128xf32, #tpu.memory_space<vmem>>) dst(%dma_wait3A_91 : memref<10240x128xf32, #tpu.memory_space<vmem_shared>>)
        tpu.yield
      }) : () -> ()
      %scan3A_81 = arith.constant 0 : i32
      scf.yield %scan3A_81 : i32
    }
    %scan3A_59 = arith.constant 40 : i32
    %add3A_60 = arith.constant 40 : i32
    %add3A_61 = arith.addi %mul3A_50, %add3A_60 : i32
    "tpu.region"() ({
      %run_scoped3A = tpu.sem_alloc : memref<!tpu.dma_semaphore, #tpu.memory_space<semaphore_mem>>
      %dma_start3A = arith.constant 0 : i32
      %dma_start3A_79 = tpu.memref_slice %arg2[%add3A_61, %dma_start3A] : memref<2560x125xi32, #tpu.memory_space<hbm>> -> memref<40x125xi32, #tpu.memory_space<hbm>>
      %dma_start3A_80 = arith.constant 0 : i32
      %dma_start3A_81 = tpu.memref_slice %arg2[%add3A_61, %dma_start3A_80] : memref<2560x125xi32, #tpu.memory_space<hbm>> -> memref<40x125xi32, #tpu.memory_space<hbm>>
      tpu.enqueue_dma source(%dma_start3A_81 : memref<40x125xi32, #tpu.memory_space<hbm>>) target(%arg5 : memref<40x125xi32, #tpu.memory_space<vmem>>) target_semaphore(%run_scoped3A : memref<!tpu.dma_semaphore, #tpu.memory_space<semaphore_mem>>)
      %dma_wait3A = arith.constant 0 : i32
      %dma_wait3A_82 = tpu.memref_slice %arg2[%add3A_61, %dma_wait3A] : memref<2560x125xi32, #tpu.memory_space<hbm>> -> memref<40x125xi32, #tpu.memory_space<hbm>>
      %dma_wait3A_83 = arith.constant 0 : i32
      %dma_wait3A_84 = tpu.memref_slice %arg2[%add3A_61, %dma_wait3A_83] : memref<2560x125xi32, #tpu.memory_space<hbm>> -> memref<40x125xi32, #tpu.memory_space<hbm>>
      tpu.wait_dma2 semaphore(%run_scoped3A : memref<!tpu.dma_semaphore, #tpu.memory_space<semaphore_mem>>) src(%dma_wait3A_84 : memref<40x125xi32, #tpu.memory_space<hbm>>) dst(%arg5 : memref<40x125xi32, #tpu.memory_space<vmem>>)
      tpu.yield
    }) : () -> ()
    %scan3A_62 = arith.constant 0 : i32
    %scan3A_63 = arith.constant 0 : i32
    %scan3A_64 = arith.constant 40 : i32
    %scan3A_65 = arith.addi %scan3A_63, %scan3A_64 : i32
    %scan3A_66 = arith.constant 1 : i32
    %scan3A_67 = scf.for %scan3A_79 = %scan3A_63 to %scan3A_65 step %scan3A_66 iter_args(%scan3A_80 = %scan3A_62) -> (i32)  : i32 {
      "tpu.region"() ({
        %run_scoped3A = tpu.sem_alloc : memref<!tpu.dma_semaphore, #tpu.memory_space<semaphore_mem>>
        %dma_start3A = arith.constant 0 : i32
        %dma_start3A_82 = tpu.memref_slice %arg5[%scan3A_79, %dma_start3A] : memref<40x125xi32, #tpu.memory_space<vmem>> -> memref<1x125xi32, #tpu.memory_space<vmem>>
        %dma_start3A_83 = tpu.memref_squeeze %dma_start3A_82 : memref<1x125xi32, #tpu.memory_space<vmem>> -> memref<125xi32, #tpu.memory_space<vmem>>
        %dma_start3A_84 = arith.constant 0 : i32
        %dma_start3A_85 = arith.constant 0 : i32
        %dma_start3A_86 = tpu.memref_slice %arg7[%dma_start3A_84, %dma_start3A_85] : memref<10240x128xf32, #tpu.memory_space<vmem_shared>> -> memref<10240x128xf32, #tpu.memory_space<vmem_shared>>
        tpu.enqueue_indirect_dma source(%arg6 : memref<125x128xf32, #tpu.memory_space<vmem>>) target(%dma_start3A_86 : memref<10240x128xf32, #tpu.memory_space<vmem_shared>>) offsets(%dma_start3A_83 : memref<125xi32, #tpu.memory_space<vmem>>) semaphore(%run_scoped3A : memref<!tpu.dma_semaphore, #tpu.memory_space<semaphore_mem>>) {add = true}
        %dma_wait3A = arith.constant 0 : i32
        %dma_wait3A_87 = tpu.memref_slice %arg5[%scan3A_79, %dma_wait3A] : memref<40x125xi32, #tpu.memory_space<vmem>> -> memref<1x125xi32, #tpu.memory_space<vmem>>
        %dma_wait3A_88 = tpu.memref_squeeze %dma_wait3A_87 : memref<1x125xi32, #tpu.memory_space<vmem>> -> memref<125xi32, #tpu.memory_space<vmem>>
        %dma_wait3A_89 = arith.constant 0 : i32
        %dma_wait3A_90 = arith.constant 0 : i32
        %dma_wait3A_91 = tpu.memref_slice %arg7[%dma_wait3A_89, %dma_wait3A_90] : memref<10240x128xf32, #tpu.memory_space<vmem_shared>> -> memref<10240x128xf32, #tpu.memory_space<vmem_shared>>
        tpu.wait_indirect_dma semaphore(%run_scoped3A : memref<!tpu.dma_semaphore, #tpu.memory_space<semaphore_mem>>) src(%arg6 : memref<125x128xf32, #tpu.memory_space<vmem>>) dst(%dma_wait3A_91 : memref<10240x128xf32, #tpu.memory_space<vmem_shared>>)
        tpu.yield
      }) : () -> ()
      %scan3A_81 = arith.constant 0 : i32
      scf.yield %scan3A_81 : i32
    }
    %scan3A_68 = arith.constant 40 : i32
    %barrier3A_69 = arith.constant 0 : index
    tpu.barrier barrier_id(%barrier3A_69)
    %mul3A_70 = arith.constant 640 : i32
    %mul3A_71 = arith.muli %arg1, %mul3A_70 : i32
    %eq3A = arith.constant 0 : i32
    %eq3A_72 = arith.cmpi eq, %arg0, %eq3A : i32
    %convert_element_type3A = arith.extui %eq3A_72 : i1 to i32
    %cond3A = arith.constant 0 : i32
    %cond3A_73 = arith.cmpi ne, %convert_element_type3A, %cond3A : i32
    scf.if %cond3A_73 {
      "tpu.region"() ({
        %run_scoped3A = tpu.sem_alloc : memref<!tpu.dma_semaphore, #tpu.memory_space<semaphore_mem>>
        %dma_start3A = arith.constant 0 : i32
        %dma_start3A_79 = tpu.memref_slice %arg3[%mul3A_71, %dma_start3A] : memref<10240x128xf32, #tpu.memory_space<hbm>> -> memref<640x128xf32, #tpu.memory_space<hbm>>
        %dma_start3A_80 = arith.constant 0 : i32
        %dma_start3A_81 = tpu.memref_slice %arg7[%mul3A_71, %dma_start3A_80] : memref<10240x128xf32, #tpu.memory_space<vmem_shared>> -> memref<640x128xf32, #tpu.memory_space<vmem_shared>>
        tpu.enqueue_dma source(%dma_start3A_81 : memref<640x128xf32, #tpu.memory_space<vmem_shared>>) target(%dma_start3A_79 : memref<640x128xf32, #tpu.memory_space<hbm>>) target_semaphore(%run_scoped3A : memref<!tpu.dma_semaphore, #tpu.memory_space<semaphore_mem>>)
        %dma_wait3A = arith.constant 0 : i32
        %dma_wait3A_82 = tpu.memref_slice %arg3[%mul3A_71, %dma_wait3A] : memref<10240x128xf32, #tpu.memory_space<hbm>> -> memref<640x128xf32, #tpu.memory_space<hbm>>
        %dma_wait3A_83 = arith.constant 0 : i32
        %dma_wait3A_84 = tpu.memref_slice %arg7[%mul3A_71, %dma_wait3A_83] : memref<10240x128xf32, #tpu.memory_space<vmem_shared>> -> memref<640x128xf32, #tpu.memory_space<vmem_shared>>
        tpu.wait_dma2 semaphore(%run_scoped3A : memref<!tpu.dma_semaphore, #tpu.memory_space<semaphore_mem>>) src(%dma_wait3A_84 : memref<640x128xf32, #tpu.memory_space<vmem_shared>>) dst(%dma_wait3A_82 : memref<640x128xf32, #tpu.memory_space<hbm>>)
        tpu.yield
      }) : () -> ()
    } else {
    }
    %eq3A_74 = arith.constant 1 : i32
    %eq3A_75 = arith.cmpi eq, %arg0, %eq3A_74 : i32
    %convert_element_type3A_76 = arith.extui %eq3A_75 : i1 to i32
    %cond3A_77 = arith.constant 0 : i32
    %cond3A_78 = arith.cmpi ne, %convert_element_type3A_76, %cond3A_77 : i32
    scf.if %cond3A_78 {
      "tpu.region"() ({
        %run_scoped3A = tpu.sem_alloc : memref<!tpu.dma_semaphore, #tpu.memory_space<semaphore_mem>>
        %dma_start3A = arith.constant 0 : i32
        %dma_start3A_79 = tpu.memref_slice %arg4[%mul3A_71, %dma_start3A] : memref<10240x128xf32, #tpu.memory_space<hbm>> -> memref<640x128xf32, #tpu.memory_space<hbm>>
        %dma_start3A_80 = arith.constant 0 : i32
        %dma_start3A_81 = tpu.memref_slice %arg7[%mul3A_71, %dma_start3A_80] : memref<10240x128xf32, #tpu.memory_space<vmem_shared>> -> memref<640x128xf32, #tpu.memory_space<vmem_shared>>
        tpu.enqueue_dma source(%dma_start3A_81 : memref<640x128xf32, #tpu.memory_space<vmem_shared>>) target(%dma_start3A_79 : memref<640x128xf32, #tpu.memory_space<hbm>>) target_semaphore(%run_scoped3A : memref<!tpu.dma_semaphore, #tpu.memory_space<semaphore_mem>>)
        %dma_wait3A = arith.constant 0 : i32
        %dma_wait3A_82 = tpu.memref_slice %arg4[%mul3A_71, %dma_wait3A] : memref<10240x128xf32, #tpu.memory_space<hbm>> -> memref<640x128xf32, #tpu.memory_space<hbm>>
        %dma_wait3A_83 = arith.constant 0 : i32
        %dma_wait3A_84 = tpu.memref_slice %arg7[%mul3A_71, %dma_wait3A_83] : memref<10240x128xf32, #tpu.memory_space<vmem_shared>> -> memref<640x128xf32, #tpu.memory_space<vmem_shared>>
        tpu.wait_dma2 semaphore(%run_scoped3A : memref<!tpu.dma_semaphore, #tpu.memory_space<semaphore_mem>>) src(%dma_wait3A_84 : memref<640x128xf32, #tpu.memory_space<vmem_shared>>) dst(%dma_wait3A_82 : memref<640x128xf32, #tpu.memory_space<hbm>>)
        tpu.yield
      }) : () -> ()
    } else {
    }
    return
  }
}

#map = affine_map<(d0, d1) -> (0, 0)>
module attributes {stable_mosaic.version = 14 : i64} {
  func.func @_sc_scatter_body(%arg0: i32, %arg1: i32, %arg2: memref<2560x125xi32, #tpu.memory_space<hbm>>, %arg3: memref<2560x125xi32, #tpu.memory_space<hbm>>, %arg4: memref<10000x128xf32, #tpu.memory_space<hbm>>, %arg5: memref<10240x128xf32, #tpu.memory_space<hbm>>, %arg6: memref<10240x128xf32, #tpu.memory_space<hbm>>, %arg7: memref<40x125xi32, #tpu.memory_space<vmem>>, %arg8: memref<40x125xi32, #tpu.memory_space<vmem>>, %arg9: memref<125x128xf32, #tpu.memory_space<vmem>>, %arg10: memref<125x128xf32, #tpu.memory_space<vmem>>, %arg11: memref<10240x128xf32, #tpu.memory_space<vmem_shared>>, %arg12: memref<!tpu.dma_semaphore, #tpu.memory_space<semaphore_mem>>, %arg13: memref<!tpu.dma_semaphore, #tpu.memory_space<semaphore_mem>>) attributes {dimension_semantics = [#tpu.dimension_semantics<core_parallel>, #tpu.dimension_semantics<subcore_parallel>], iteration_bounds = array<i64: 2, 16>, scalar_prefetch = 0 : i64, scratch_operands = 7 : i64, tpu.core_type = #tpu.core_type<sc_vector_subcore>, window_params = [{transform_indices = #map}, {transform_indices = #map}, {transform_indices = #map}, {transform_indices = #map}, {transform_indices = #map}]} {
    %broadcast_in_dim3A = arith.constant 0.000000e+00 : f32
    %broadcast_in_dim3A_0 = vector.broadcast %broadcast_in_dim3A : f32 to vector<16xf32>
    %scan3A = arith.constant 0 : i32
    %scan3A_1 = arith.constant 0 : i32
    %scan3A_2 = arith.constant 80 : i32
    %scan3A_3 = arith.addi %scan3A_1, %scan3A_2 : i32
    %scan3A_4 = arith.constant 1 : i32
    %scan3A_5 = scf.for %scan3A_87 = %scan3A_1 to %scan3A_3 step %scan3A_4 iter_args(%scan3A_88 = %scan3A) -> (i32)  : i32 {
      %swap3A = arith.index_cast %scan3A_87 : i32 to index
      %swap3A_89 = arith.constant 0 : index
      %swap3A_90 = tpu.vector_load %arg9[%swap3A, %swap3A_89] {strides = array<i32>} : memref<125x128xf32, #tpu.memory_space<vmem>>, vector<1x16xf32>,
      %swap3A_91 = vector.shape_cast %swap3A_90 : vector<1x16xf32> to vector<16xf32>
      %swap3A_92 = vector.shape_cast %broadcast_in_dim3A_0 : vector<16xf32> to vector<1x16xf32>
      tpu.vector_store %arg9[%swap3A, %swap3A_89], %swap3A_92 {strides = array<i32>} : memref<125x128xf32, #tpu.memory_space<vmem>>, vector<1x16xf32>,
      %swap3A_93 = arith.index_cast %scan3A_87 : i32 to index
      %swap3A_94 = arith.constant 16 : index
      %swap3A_95 = tpu.vector_load %arg9[%swap3A_93, %swap3A_94] {strides = array<i32>} : memref<125x128xf32, #tpu.memory_space<vmem>>, vector<1x16xf32>,
      %swap3A_96 = vector.shape_cast %swap3A_95 : vector<1x16xf32> to vector<16xf32>
      %swap3A_97 = vector.shape_cast %broadcast_in_dim3A_0 : vector<16xf32> to vector<1x16xf32>
      tpu.vector_store %arg9[%swap3A_93, %swap3A_94], %swap3A_97 {strides = array<i32>} : memref<125x128xf32, #tpu.memory_space<vmem>>, vector<1x16xf32>,
      %swap3A_98 = arith.index_cast %scan3A_87 : i32 to index
      %swap3A_99 = arith.constant 32 : index
      %swap3A_100 = tpu.vector_load %arg9[%swap3A_98, %swap3A_99] {strides = array<i32>} : memref<125x128xf32, #tpu.memory_space<vmem>>, vector<1x16xf32>,
      %swap3A_101 = vector.shape_cast %swap3A_100 : vector<1x16xf32> to vector<16xf32>
      %swap3A_102 = vector.shape_cast %broadcast_in_dim3A_0 : vector<16xf32> to vector<1x16xf32>
      tpu.vector_store %arg9[%swap3A_98, %swap3A_99], %swap3A_102 {strides = array<i32>} : memref<125x128xf32, #tpu.memory_space<vmem>>, vector<1x16xf32>,
      %swap3A_103 = arith.index_cast %scan3A_87 : i32 to index
      %swap3A_104 = arith.constant 48 : index
      %swap3A_105 = tpu.vector_load %arg9[%swap3A_103, %swap3A_104] {strides = array<i32>} : memref<125x128xf32, #tpu.memory_space<vmem>>, vector<1x16xf32>,
      %swap3A_106 = vector.shape_cast %swap3A_105 : vector<1x16xf32> to vector<16xf32>
      %swap3A_107 = vector.shape_cast %broadcast_in_dim3A_0 : vector<16xf32> to vector<1x16xf32>
      tpu.vector_store %arg9[%swap3A_103, %swap3A_104], %swap3A_107 {strides = array<i32>} : memref<125x128xf32, #tpu.memory_space<vmem>>, vector<1x16xf32>,
      %swap3A_108 = arith.index_cast %scan3A_87 : i32 to index
      %swap3A_109 = arith.constant 64 : index
      %swap3A_110 = tpu.vector_load %arg9[%swap3A_108, %swap3A_109] {strides = array<i32>} : memref<125x128xf32, #tpu.memory_space<vmem>>, vector<1x16xf32>,
      %swap3A_111 = vector.shape_cast %swap3A_110 : vector<1x16xf32> to vector<16xf32>
      %swap3A_112 = vector.shape_cast %broadcast_in_dim3A_0 : vector<16xf32> to vector<1x16xf32>
      tpu.vector_store %arg9[%swap3A_108, %swap3A_109], %swap3A_112 {strides = array<i32>} : memref<125x128xf32, #tpu.memory_space<vmem>>, vector<1x16xf32>,
      %swap3A_113 = arith.index_cast %scan3A_87 : i32 to index
      %swap3A_114 = arith.constant 80 : index
      %swap3A_115 = tpu.vector_load %arg9[%swap3A_113, %swap3A_114] {strides = array<i32>} : memref<125x128xf32, #tpu.memory_space<vmem>>, vector<1x16xf32>,
      %swap3A_116 = vector.shape_cast %swap3A_115 : vector<1x16xf32> to vector<16xf32>
      %swap3A_117 = vector.shape_cast %broadcast_in_dim3A_0 : vector<16xf32> to vector<1x16xf32>
      tpu.vector_store %arg9[%swap3A_113, %swap3A_114], %swap3A_117 {strides = array<i32>} : memref<125x128xf32, #tpu.memory_space<vmem>>, vector<1x16xf32>,
      %swap3A_118 = arith.index_cast %scan3A_87 : i32 to index
      %swap3A_119 = arith.constant 96 : index
      %swap3A_120 = tpu.vector_load %arg9[%swap3A_118, %swap3A_119] {strides = array<i32>} : memref<125x128xf32, #tpu.memory_space<vmem>>, vector<1x16xf32>,
      %swap3A_121 = vector.shape_cast %swap3A_120 : vector<1x16xf32> to vector<16xf32>
      %swap3A_122 = vector.shape_cast %broadcast_in_dim3A_0 : vector<16xf32> to vector<1x16xf32>
      tpu.vector_store %arg9[%swap3A_118, %swap3A_119], %swap3A_122 {strides = array<i32>} : memref<125x128xf32, #tpu.memory_space<vmem>>, vector<1x16xf32>,
      %swap3A_123 = arith.index_cast %scan3A_87 : i32 to index
      %swap3A_124 = arith.constant 112 : index
      %swap3A_125 = tpu.vector_load %arg9[%swap3A_123, %swap3A_124] {strides = array<i32>} : memref<125x128xf32, #tpu.memory_space<vmem>>, vector<1x16xf32>,
      %swap3A_126 = vector.shape_cast %swap3A_125 : vector<1x16xf32> to vector<16xf32>
      %swap3A_127 = vector.shape_cast %broadcast_in_dim3A_0 : vector<16xf32> to vector<1x16xf32>
      tpu.vector_store %arg9[%swap3A_123, %swap3A_124], %swap3A_127 {strides = array<i32>} : memref<125x128xf32, #tpu.memory_space<vmem>>, vector<1x16xf32>,
      %scan3A_128 = arith.constant 0 : i32
      scf.yield %scan3A_128 : i32
    }
    %scan3A_6 = arith.constant 80 : i32
    %mul3A = arith.constant 640 : i32
    %mul3A_7 = arith.muli %arg1, %mul3A : i32
    %add3A = arith.constant 0 : i32
    %add3A_8 = arith.addi %mul3A_7, %add3A : i32
    "tpu.region"() ({
      %run_scoped3A = tpu.sem_alloc : memref<!tpu.dma_semaphore, #tpu.memory_space<semaphore_mem>>
      %dma_start3A_87 = arith.constant 0 : i32
      %dma_start3A_88 = arith.constant 0 : i32
      %dma_start3A_89 = tpu.memref_slice %arg9[%dma_start3A_87, %dma_start3A_88] : memref<125x128xf32, #tpu.memory_space<vmem>> -> memref<80x128xf32, #tpu.memory_space<vmem>>
      %dma_start3A_90 = arith.constant 0 : i32
      %dma_start3A_91 = tpu.memref_slice %arg11[%add3A_8, %dma_start3A_90] : memref<10240x128xf32, #tpu.memory_space<vmem_shared>> -> memref<80x128xf32, #tpu.memory_space<vmem_shared>>
      %dma_start3A_92 = arith.constant 0 : i32
      %dma_start3A_93 = tpu.memref_slice %arg11[%add3A_8, %dma_start3A_92] : memref<10240x128xf32, #tpu.memory_space<vmem_shared>> -> memref<80x128xf32, #tpu.memory_space<vmem_shared>>
      %dma_start3A_94 = arith.constant 0 : i32
      %dma_start3A_95 = arith.constant 0 : i32
      %dma_start3A_96 = tpu.memref_slice %arg9[%dma_start3A_94, %dma_start3A_95] : memref<125x128xf32, #tpu.memory_space<vmem>> -> memref<80x128xf32, #tpu.memory_space<vmem>>
      tpu.enqueue_dma source(%dma_start3A_96 : memref<80x128xf32, #tpu.memory_space<vmem>>) target(%dma_start3A_93 : memref<80x128xf32, #tpu.memory_space<vmem_shared>>) target_semaphore(%run_scoped3A : memref<!tpu.dma_semaphore, #tpu.memory_space<semaphore_mem>>)
      %dma_wait3A = arith.constant 0 : i32
      %dma_wait3A_97 = arith.constant 0 : i32
      %dma_wait3A_98 = tpu.memref_slice %arg9[%dma_wait3A, %dma_wait3A_97] : memref<125x128xf32, #tpu.memory_space<vmem>> -> memref<80x128xf32, #tpu.memory_space<vmem>>
      %dma_wait3A_99 = arith.constant 0 : i32
      %dma_wait3A_100 = tpu.memref_slice %arg11[%add3A_8, %dma_wait3A_99] : memref<10240x128xf32, #tpu.memory_space<vmem_shared>> -> memref<80x128xf32, #tpu.memory_space<vmem_shared>>
      %dma_wait3A_101 = arith.constant 0 : i32
      %dma_wait3A_102 = tpu.memref_slice %arg11[%add3A_8, %dma_wait3A_101] : memref<10240x128xf32, #tpu.memory_space<vmem_shared>> -> memref<80x128xf32, #tpu.memory_space<vmem_shared>>
      %dma_wait3A_103 = arith.constant 0 : i32
      %dma_wait3A_104 = arith.constant 0 : i32
      %dma_wait3A_105 = tpu.memref_slice %arg9[%dma_wait3A_103, %dma_wait3A_104] : memref<125x128xf32, #tpu.memory_space<vmem>> -> memref<80x128xf32, #tpu.memory_space<vmem>>
      tpu.wait_dma2 semaphore(%run_scoped3A : memref<!tpu.dma_semaphore, #tpu.memory_space<semaphore_mem>>) src(%dma_wait3A_105 : memref<80x128xf32, #tpu.memory_space<vmem>>) dst(%dma_wait3A_102 : memref<80x128xf32, #tpu.memory_space<vmem_shared>>)
      tpu.yield
    }) : () -> ()
    %mul3A_9 = arith.constant 640 : i32
    %mul3A_10 = arith.muli %arg1, %mul3A_9 : i32
    %add3A_11 = arith.constant 80 : i32
    %add3A_12 = arith.addi %mul3A_10, %add3A_11 : i32
    "tpu.region"() ({
      %run_scoped3A = tpu.sem_alloc : memref<!tpu.dma_semaphore, #tpu.memory_space<semaphore_mem>>
      %dma_start3A_87 = arith.constant 0 : i32
      %dma_start3A_88 = arith.constant 0 : i32
      %dma_start3A_89 = tpu.memref_slice %arg9[%dma_start3A_87, %dma_start3A_88] : memref<125x128xf32, #tpu.memory_space<vmem>> -> memref<80x128xf32, #tpu.memory_space<vmem>>
      %dma_start3A_90 = arith.constant 0 : i32
      %dma_start3A_91 = tpu.memref_slice %arg11[%add3A_12, %dma_start3A_90] : memref<10240x128xf32, #tpu.memory_space<vmem_shared>> -> memref<80x128xf32, #tpu.memory_space<vmem_shared>>
      %dma_start3A_92 = arith.constant 0 : i32
      %dma_start3A_93 = tpu.memref_slice %arg11[%add3A_12, %dma_start3A_92] : memref<10240x128xf32, #tpu.memory_space<vmem_shared>> -> memref<80x128xf32, #tpu.memory_space<vmem_shared>>
      %dma_start3A_94 = arith.constant 0 : i32
      %dma_start3A_95 = arith.constant 0 : i32
      %dma_start3A_96 = tpu.memref_slice %arg9[%dma_start3A_94, %dma_start3A_95] : memref<125x128xf32, #tpu.memory_space<vmem>> -> memref<80x128xf32, #tpu.memory_space<vmem>>
      tpu.enqueue_dma source(%dma_start3A_96 : memref<80x128xf32, #tpu.memory_space<vmem>>) target(%dma_start3A_93 : memref<80x128xf32, #tpu.memory_space<vmem_shared>>) target_semaphore(%run_scoped3A : memref<!tpu.dma_semaphore, #tpu.memory_space<semaphore_mem>>)
      %dma_wait3A = arith.constant 0 : i32
      %dma_wait3A_97 = arith.constant 0 : i32
      %dma_wait3A_98 = tpu.memref_slice %arg9[%dma_wait3A, %dma_wait3A_97] : memref<125x128xf32, #tpu.memory_space<vmem>> -> memref<80x128xf32, #tpu.memory_space<vmem>>
      %dma_wait3A_99 = arith.constant 0 : i32
      %dma_wait3A_100 = tpu.memref_slice %arg11[%add3A_12, %dma_wait3A_99] : memref<10240x128xf32, #tpu.memory_space<vmem_shared>> -> memref<80x128xf32, #tpu.memory_space<vmem_shared>>
      %dma_wait3A_101 = arith.constant 0 : i32
      %dma_wait3A_102 = tpu.memref_slice %arg11[%add3A_12, %dma_wait3A_101] : memref<10240x128xf32, #tpu.memory_space<vmem_shared>> -> memref<80x128xf32, #tpu.memory_space<vmem_shared>>
      %dma_wait3A_103 = arith.constant 0 : i32
      %dma_wait3A_104 = arith.constant 0 : i32
      %dma_wait3A_105 = tpu.memref_slice %arg9[%dma_wait3A_103, %dma_wait3A_104] : memref<125x128xf32, #tpu.memory_space<vmem>> -> memref<80x128xf32, #tpu.memory_space<vmem>>
      tpu.wait_dma2 semaphore(%run_scoped3A : memref<!tpu.dma_semaphore, #tpu.memory_space<semaphore_mem>>) src(%dma_wait3A_105 : memref<80x128xf32, #tpu.memory_space<vmem>>) dst(%dma_wait3A_102 : memref<80x128xf32, #tpu.memory_space<vmem_shared>>)
      tpu.yield
    }) : () -> ()
    %mul3A_13 = arith.constant 640 : i32
    %mul3A_14 = arith.muli %arg1, %mul3A_13 : i32
    %add3A_15 = arith.constant 160 : i32
    %add3A_16 = arith.addi %mul3A_14, %add3A_15 : i32
    "tpu.region"() ({
      %run_scoped3A = tpu.sem_alloc : memref<!tpu.dma_semaphore, #tpu.memory_space<semaphore_mem>>
      %dma_start3A_87 = arith.constant 0 : i32
      %dma_start3A_88 = arith.constant 0 : i32
      %dma_start3A_89 = tpu.memref_slice %arg9[%dma_start3A_87, %dma_start3A_88] : memref<125x128xf32, #tpu.memory_space<vmem>> -> memref<80x128xf32, #tpu.memory_space<vmem>>
      %dma_start3A_90 = arith.constant 0 : i32
      %dma_start3A_91 = tpu.memref_slice %arg11[%add3A_16, %dma_start3A_90] : memref<10240x128xf32, #tpu.memory_space<vmem_shared>> -> memref<80x128xf32, #tpu.memory_space<vmem_shared>>
      %dma_start3A_92 = arith.constant 0 : i32
      %dma_start3A_93 = tpu.memref_slice %arg11[%add3A_16, %dma_start3A_92] : memref<10240x128xf32, #tpu.memory_space<vmem_shared>> -> memref<80x128xf32, #tpu.memory_space<vmem_shared>>
      %dma_start3A_94 = arith.constant 0 : i32
      %dma_start3A_95 = arith.constant 0 : i32
      %dma_start3A_96 = tpu.memref_slice %arg9[%dma_start3A_94, %dma_start3A_95] : memref<125x128xf32, #tpu.memory_space<vmem>> -> memref<80x128xf32, #tpu.memory_space<vmem>>
      tpu.enqueue_dma source(%dma_start3A_96 : memref<80x128xf32, #tpu.memory_space<vmem>>) target(%dma_start3A_93 : memref<80x128xf32, #tpu.memory_space<vmem_shared>>) target_semaphore(%run_scoped3A : memref<!tpu.dma_semaphore, #tpu.memory_space<semaphore_mem>>)
      %dma_wait3A = arith.constant 0 : i32
      %dma_wait3A_97 = arith.constant 0 : i32
      %dma_wait3A_98 = tpu.memref_slice %arg9[%dma_wait3A, %dma_wait3A_97] : memref<125x128xf32, #tpu.memory_space<vmem>> -> memref<80x128xf32, #tpu.memory_space<vmem>>
      %dma_wait3A_99 = arith.constant 0 : i32
      %dma_wait3A_100 = tpu.memref_slice %arg11[%add3A_16, %dma_wait3A_99] : memref<10240x128xf32, #tpu.memory_space<vmem_shared>> -> memref<80x128xf32, #tpu.memory_space<vmem_shared>>
      %dma_wait3A_101 = arith.constant 0 : i32
      %dma_wait3A_102 = tpu.memref_slice %arg11[%add3A_16, %dma_wait3A_101] : memref<10240x128xf32, #tpu.memory_space<vmem_shared>> -> memref<80x128xf32, #tpu.memory_space<vmem_shared>>
      %dma_wait3A_103 = arith.constant 0 : i32
      %dma_wait3A_104 = arith.constant 0 : i32
      %dma_wait3A_105 = tpu.memref_slice %arg9[%dma_wait3A_103, %dma_wait3A_104] : memref<125x128xf32, #tpu.memory_space<vmem>> -> memref<80x128xf32, #tpu.memory_space<vmem>>
      tpu.wait_dma2 semaphore(%run_scoped3A : memref<!tpu.dma_semaphore, #tpu.memory_space<semaphore_mem>>) src(%dma_wait3A_105 : memref<80x128xf32, #tpu.memory_space<vmem>>) dst(%dma_wait3A_102 : memref<80x128xf32, #tpu.memory_space<vmem_shared>>)
      tpu.yield
    }) : () -> ()
    %mul3A_17 = arith.constant 640 : i32
    %mul3A_18 = arith.muli %arg1, %mul3A_17 : i32
    %add3A_19 = arith.constant 240 : i32
    %add3A_20 = arith.addi %mul3A_18, %add3A_19 : i32
    "tpu.region"() ({
      %run_scoped3A = tpu.sem_alloc : memref<!tpu.dma_semaphore, #tpu.memory_space<semaphore_mem>>
      %dma_start3A_87 = arith.constant 0 : i32
      %dma_start3A_88 = arith.constant 0 : i32
      %dma_start3A_89 = tpu.memref_slice %arg9[%dma_start3A_87, %dma_start3A_88] : memref<125x128xf32, #tpu.memory_space<vmem>> -> memref<80x128xf32, #tpu.memory_space<vmem>>
      %dma_start3A_90 = arith.constant 0 : i32
      %dma_start3A_91 = tpu.memref_slice %arg11[%add3A_20, %dma_start3A_90] : memref<10240x128xf32, #tpu.memory_space<vmem_shared>> -> memref<80x128xf32, #tpu.memory_space<vmem_shared>>
      %dma_start3A_92 = arith.constant 0 : i32
      %dma_start3A_93 = tpu.memref_slice %arg11[%add3A_20, %dma_start3A_92] : memref<10240x128xf32, #tpu.memory_space<vmem_shared>> -> memref<80x128xf32, #tpu.memory_space<vmem_shared>>
      %dma_start3A_94 = arith.constant 0 : i32
      %dma_start3A_95 = arith.constant 0 : i32
      %dma_start3A_96 = tpu.memref_slice %arg9[%dma_start3A_94, %dma_start3A_95] : memref<125x128xf32, #tpu.memory_space<vmem>> -> memref<80x128xf32, #tpu.memory_space<vmem>>
      tpu.enqueue_dma source(%dma_start3A_96 : memref<80x128xf32, #tpu.memory_space<vmem>>) target(%dma_start3A_93 : memref<80x128xf32, #tpu.memory_space<vmem_shared>>) target_semaphore(%run_scoped3A : memref<!tpu.dma_semaphore, #tpu.memory_space<semaphore_mem>>)
      %dma_wait3A = arith.constant 0 : i32
      %dma_wait3A_97 = arith.constant 0 : i32
      %dma_wait3A_98 = tpu.memref_slice %arg9[%dma_wait3A, %dma_wait3A_97] : memref<125x128xf32, #tpu.memory_space<vmem>> -> memref<80x128xf32, #tpu.memory_space<vmem>>
      %dma_wait3A_99 = arith.constant 0 : i32
      %dma_wait3A_100 = tpu.memref_slice %arg11[%add3A_20, %dma_wait3A_99] : memref<10240x128xf32, #tpu.memory_space<vmem_shared>> -> memref<80x128xf32, #tpu.memory_space<vmem_shared>>
      %dma_wait3A_101 = arith.constant 0 : i32
      %dma_wait3A_102 = tpu.memref_slice %arg11[%add3A_20, %dma_wait3A_101] : memref<10240x128xf32, #tpu.memory_space<vmem_shared>> -> memref<80x128xf32, #tpu.memory_space<vmem_shared>>
      %dma_wait3A_103 = arith.constant 0 : i32
      %dma_wait3A_104 = arith.constant 0 : i32
      %dma_wait3A_105 = tpu.memref_slice %arg9[%dma_wait3A_103, %dma_wait3A_104] : memref<125x128xf32, #tpu.memory_space<vmem>> -> memref<80x128xf32, #tpu.memory_space<vmem>>
      tpu.wait_dma2 semaphore(%run_scoped3A : memref<!tpu.dma_semaphore, #tpu.memory_space<semaphore_mem>>) src(%dma_wait3A_105 : memref<80x128xf32, #tpu.memory_space<vmem>>) dst(%dma_wait3A_102 : memref<80x128xf32, #tpu.memory_space<vmem_shared>>)
      tpu.yield
    }) : () -> ()
    %mul3A_21 = arith.constant 640 : i32
    %mul3A_22 = arith.muli %arg1, %mul3A_21 : i32
    %add3A_23 = arith.constant 320 : i32
    %add3A_24 = arith.addi %mul3A_22, %add3A_23 : i32
    "tpu.region"() ({
      %run_scoped3A = tpu.sem_alloc : memref<!tpu.dma_semaphore, #tpu.memory_space<semaphore_mem>>
      %dma_start3A_87 = arith.constant 0 : i32
      %dma_start3A_88 = arith.constant 0 : i32
      %dma_start3A_89 = tpu.memref_slice %arg9[%dma_start3A_87, %dma_start3A_88] : memref<125x128xf32, #tpu.memory_space<vmem>> -> memref<80x128xf32, #tpu.memory_space<vmem>>
      %dma_start3A_90 = arith.constant 0 : i32
      %dma_start3A_91 = tpu.memref_slice %arg11[%add3A_24, %dma_start3A_90] : memref<10240x128xf32, #tpu.memory_space<vmem_shared>> -> memref<80x128xf32, #tpu.memory_space<vmem_shared>>
      %dma_start3A_92 = arith.constant 0 : i32
      %dma_start3A_93 = tpu.memref_slice %arg11[%add3A_24, %dma_start3A_92] : memref<10240x128xf32, #tpu.memory_space<vmem_shared>> -> memref<80x128xf32, #tpu.memory_space<vmem_shared>>
      %dma_start3A_94 = arith.constant 0 : i32
      %dma_start3A_95 = arith.constant 0 : i32
      %dma_start3A_96 = tpu.memref_slice %arg9[%dma_start3A_94, %dma_start3A_95] : memref<125x128xf32, #tpu.memory_space<vmem>> -> memref<80x128xf32, #tpu.memory_space<vmem>>
      tpu.enqueue_dma source(%dma_start3A_96 : memref<80x128xf32, #tpu.memory_space<vmem>>) target(%dma_start3A_93 : memref<80x128xf32, #tpu.memory_space<vmem_shared>>) target_semaphore(%run_scoped3A : memref<!tpu.dma_semaphore, #tpu.memory_space<semaphore_mem>>)
      %dma_wait3A = arith.constant 0 : i32
      %dma_wait3A_97 = arith.constant 0 : i32
      %dma_wait3A_98 = tpu.memref_slice %arg9[%dma_wait3A, %dma_wait3A_97] : memref<125x128xf32, #tpu.memory_space<vmem>> -> memref<80x128xf32, #tpu.memory_space<vmem>>
      %dma_wait3A_99 = arith.constant 0 : i32
      %dma_wait3A_100 = tpu.memref_slice %arg11[%add3A_24, %dma_wait3A_99] : memref<10240x128xf32, #tpu.memory_space<vmem_shared>> -> memref<80x128xf32, #tpu.memory_space<vmem_shared>>
      %dma_wait3A_101 = arith.constant 0 : i32
      %dma_wait3A_102 = tpu.memref_slice %arg11[%add3A_24, %dma_wait3A_101] : memref<10240x128xf32, #tpu.memory_space<vmem_shared>> -> memref<80x128xf32, #tpu.memory_space<vmem_shared>>
      %dma_wait3A_103 = arith.constant 0 : i32
      %dma_wait3A_104 = arith.constant 0 : i32
      %dma_wait3A_105 = tpu.memref_slice %arg9[%dma_wait3A_103, %dma_wait3A_104] : memref<125x128xf32, #tpu.memory_space<vmem>> -> memref<80x128xf32, #tpu.memory_space<vmem>>
      tpu.wait_dma2 semaphore(%run_scoped3A : memref<!tpu.dma_semaphore, #tpu.memory_space<semaphore_mem>>) src(%dma_wait3A_105 : memref<80x128xf32, #tpu.memory_space<vmem>>) dst(%dma_wait3A_102 : memref<80x128xf32, #tpu.memory_space<vmem_shared>>)
      tpu.yield
    }) : () -> ()
    %mul3A_25 = arith.constant 640 : i32
    %mul3A_26 = arith.muli %arg1, %mul3A_25 : i32
    %add3A_27 = arith.constant 400 : i32
    %add3A_28 = arith.addi %mul3A_26, %add3A_27 : i32
    "tpu.region"() ({
      %run_scoped3A = tpu.sem_alloc : memref<!tpu.dma_semaphore, #tpu.memory_space<semaphore_mem>>
      %dma_start3A_87 = arith.constant 0 : i32
      %dma_start3A_88 = arith.constant 0 : i32
      %dma_start3A_89 = tpu.memref_slice %arg9[%dma_start3A_87, %dma_start3A_88] : memref<125x128xf32, #tpu.memory_space<vmem>> -> memref<80x128xf32, #tpu.memory_space<vmem>>
      %dma_start3A_90 = arith.constant 0 : i32
      %dma_start3A_91 = tpu.memref_slice %arg11[%add3A_28, %dma_start3A_90] : memref<10240x128xf32, #tpu.memory_space<vmem_shared>> -> memref<80x128xf32, #tpu.memory_space<vmem_shared>>
      %dma_start3A_92 = arith.constant 0 : i32
      %dma_start3A_93 = tpu.memref_slice %arg11[%add3A_28, %dma_start3A_92] : memref<10240x128xf32, #tpu.memory_space<vmem_shared>> -> memref<80x128xf32, #tpu.memory_space<vmem_shared>>
      %dma_start3A_94 = arith.constant 0 : i32
      %dma_start3A_95 = arith.constant 0 : i32
      %dma_start3A_96 = tpu.memref_slice %arg9[%dma_start3A_94, %dma_start3A_95] : memref<125x128xf32, #tpu.memory_space<vmem>> -> memref<80x128xf32, #tpu.memory_space<vmem>>
      tpu.enqueue_dma source(%dma_start3A_96 : memref<80x128xf32, #tpu.memory_space<vmem>>) target(%dma_start3A_93 : memref<80x128xf32, #tpu.memory_space<vmem_shared>>) target_semaphore(%run_scoped3A : memref<!tpu.dma_semaphore, #tpu.memory_space<semaphore_mem>>)
      %dma_wait3A = arith.constant 0 : i32
      %dma_wait3A_97 = arith.constant 0 : i32
      %dma_wait3A_98 = tpu.memref_slice %arg9[%dma_wait3A, %dma_wait3A_97] : memref<125x128xf32, #tpu.memory_space<vmem>> -> memref<80x128xf32, #tpu.memory_space<vmem>>
      %dma_wait3A_99 = arith.constant 0 : i32
      %dma_wait3A_100 = tpu.memref_slice %arg11[%add3A_28, %dma_wait3A_99] : memref<10240x128xf32, #tpu.memory_space<vmem_shared>> -> memref<80x128xf32, #tpu.memory_space<vmem_shared>>
      %dma_wait3A_101 = arith.constant 0 : i32
      %dma_wait3A_102 = tpu.memref_slice %arg11[%add3A_28, %dma_wait3A_101] : memref<10240x128xf32, #tpu.memory_space<vmem_shared>> -> memref<80x128xf32, #tpu.memory_space<vmem_shared>>
      %dma_wait3A_103 = arith.constant 0 : i32
      %dma_wait3A_104 = arith.constant 0 : i32
      %dma_wait3A_105 = tpu.memref_slice %arg9[%dma_wait3A_103, %dma_wait3A_104] : memref<125x128xf32, #tpu.memory_space<vmem>> -> memref<80x128xf32, #tpu.memory_space<vmem>>
      tpu.wait_dma2 semaphore(%run_scoped3A : memref<!tpu.dma_semaphore, #tpu.memory_space<semaphore_mem>>) src(%dma_wait3A_105 : memref<80x128xf32, #tpu.memory_space<vmem>>) dst(%dma_wait3A_102 : memref<80x128xf32, #tpu.memory_space<vmem_shared>>)
      tpu.yield
    }) : () -> ()
    %mul3A_29 = arith.constant 640 : i32
    %mul3A_30 = arith.muli %arg1, %mul3A_29 : i32
    %add3A_31 = arith.constant 480 : i32
    %add3A_32 = arith.addi %mul3A_30, %add3A_31 : i32
    "tpu.region"() ({
      %run_scoped3A = tpu.sem_alloc : memref<!tpu.dma_semaphore, #tpu.memory_space<semaphore_mem>>
      %dma_start3A_87 = arith.constant 0 : i32
      %dma_start3A_88 = arith.constant 0 : i32
      %dma_start3A_89 = tpu.memref_slice %arg9[%dma_start3A_87, %dma_start3A_88] : memref<125x128xf32, #tpu.memory_space<vmem>> -> memref<80x128xf32, #tpu.memory_space<vmem>>
      %dma_start3A_90 = arith.constant 0 : i32
      %dma_start3A_91 = tpu.memref_slice %arg11[%add3A_32, %dma_start3A_90] : memref<10240x128xf32, #tpu.memory_space<vmem_shared>> -> memref<80x128xf32, #tpu.memory_space<vmem_shared>>
      %dma_start3A_92 = arith.constant 0 : i32
      %dma_start3A_93 = tpu.memref_slice %arg11[%add3A_32, %dma_start3A_92] : memref<10240x128xf32, #tpu.memory_space<vmem_shared>> -> memref<80x128xf32, #tpu.memory_space<vmem_shared>>
      %dma_start3A_94 = arith.constant 0 : i32
      %dma_start3A_95 = arith.constant 0 : i32
      %dma_start3A_96 = tpu.memref_slice %arg9[%dma_start3A_94, %dma_start3A_95] : memref<125x128xf32, #tpu.memory_space<vmem>> -> memref<80x128xf32, #tpu.memory_space<vmem>>
      tpu.enqueue_dma source(%dma_start3A_96 : memref<80x128xf32, #tpu.memory_space<vmem>>) target(%dma_start3A_93 : memref<80x128xf32, #tpu.memory_space<vmem_shared>>) target_semaphore(%run_scoped3A : memref<!tpu.dma_semaphore, #tpu.memory_space<semaphore_mem>>)
      %dma_wait3A = arith.constant 0 : i32
      %dma_wait3A_97 = arith.constant 0 : i32
      %dma_wait3A_98 = tpu.memref_slice %arg9[%dma_wait3A, %dma_wait3A_97] : memref<125x128xf32, #tpu.memory_space<vmem>> -> memref<80x128xf32, #tpu.memory_space<vmem>>
      %dma_wait3A_99 = arith.constant 0 : i32
      %dma_wait3A_100 = tpu.memref_slice %arg11[%add3A_32, %dma_wait3A_99] : memref<10240x128xf32, #tpu.memory_space<vmem_shared>> -> memref<80x128xf32, #tpu.memory_space<vmem_shared>>
      %dma_wait3A_101 = arith.constant 0 : i32
      %dma_wait3A_102 = tpu.memref_slice %arg11[%add3A_32, %dma_wait3A_101] : memref<10240x128xf32, #tpu.memory_space<vmem_shared>> -> memref<80x128xf32, #tpu.memory_space<vmem_shared>>
      %dma_wait3A_103 = arith.constant 0 : i32
      %dma_wait3A_104 = arith.constant 0 : i32
      %dma_wait3A_105 = tpu.memref_slice %arg9[%dma_wait3A_103, %dma_wait3A_104] : memref<125x128xf32, #tpu.memory_space<vmem>> -> memref<80x128xf32, #tpu.memory_space<vmem>>
      tpu.wait_dma2 semaphore(%run_scoped3A : memref<!tpu.dma_semaphore, #tpu.memory_space<semaphore_mem>>) src(%dma_wait3A_105 : memref<80x128xf32, #tpu.memory_space<vmem>>) dst(%dma_wait3A_102 : memref<80x128xf32, #tpu.memory_space<vmem_shared>>)
      tpu.yield
    }) : () -> ()
    %mul3A_33 = arith.constant 640 : i32
    %mul3A_34 = arith.muli %arg1, %mul3A_33 : i32
    %add3A_35 = arith.constant 560 : i32
    %add3A_36 = arith.addi %mul3A_34, %add3A_35 : i32
    "tpu.region"() ({
      %run_scoped3A = tpu.sem_alloc : memref<!tpu.dma_semaphore, #tpu.memory_space<semaphore_mem>>
      %dma_start3A_87 = arith.constant 0 : i32
      %dma_start3A_88 = arith.constant 0 : i32
      %dma_start3A_89 = tpu.memref_slice %arg9[%dma_start3A_87, %dma_start3A_88] : memref<125x128xf32, #tpu.memory_space<vmem>> -> memref<80x128xf32, #tpu.memory_space<vmem>>
      %dma_start3A_90 = arith.constant 0 : i32
      %dma_start3A_91 = tpu.memref_slice %arg11[%add3A_36, %dma_start3A_90] : memref<10240x128xf32, #tpu.memory_space<vmem_shared>> -> memref<80x128xf32, #tpu.memory_space<vmem_shared>>
      %dma_start3A_92 = arith.constant 0 : i32
      %dma_start3A_93 = tpu.memref_slice %arg11[%add3A_36, %dma_start3A_92] : memref<10240x128xf32, #tpu.memory_space<vmem_shared>> -> memref<80x128xf32, #tpu.memory_space<vmem_shared>>
      %dma_start3A_94 = arith.constant 0 : i32
      %dma_start3A_95 = arith.constant 0 : i32
      %dma_start3A_96 = tpu.memref_slice %arg9[%dma_start3A_94, %dma_start3A_95] : memref<125x128xf32, #tpu.memory_space<vmem>> -> memref<80x128xf32, #tpu.memory_space<vmem>>
      tpu.enqueue_dma source(%dma_start3A_96 : memref<80x128xf32, #tpu.memory_space<vmem>>) target(%dma_start3A_93 : memref<80x128xf32, #tpu.memory_space<vmem_shared>>) target_semaphore(%run_scoped3A : memref<!tpu.dma_semaphore, #tpu.memory_space<semaphore_mem>>)
      %dma_wait3A = arith.constant 0 : i32
      %dma_wait3A_97 = arith.constant 0 : i32
      %dma_wait3A_98 = tpu.memref_slice %arg9[%dma_wait3A, %dma_wait3A_97] : memref<125x128xf32, #tpu.memory_space<vmem>> -> memref<80x128xf32, #tpu.memory_space<vmem>>
      %dma_wait3A_99 = arith.constant 0 : i32
      %dma_wait3A_100 = tpu.memref_slice %arg11[%add3A_36, %dma_wait3A_99] : memref<10240x128xf32, #tpu.memory_space<vmem_shared>> -> memref<80x128xf32, #tpu.memory_space<vmem_shared>>
      %dma_wait3A_101 = arith.constant 0 : i32
      %dma_wait3A_102 = tpu.memref_slice %arg11[%add3A_36, %dma_wait3A_101] : memref<10240x128xf32, #tpu.memory_space<vmem_shared>> -> memref<80x128xf32, #tpu.memory_space<vmem_shared>>
      %dma_wait3A_103 = arith.constant 0 : i32
      %dma_wait3A_104 = arith.constant 0 : i32
      %dma_wait3A_105 = tpu.memref_slice %arg9[%dma_wait3A_103, %dma_wait3A_104] : memref<125x128xf32, #tpu.memory_space<vmem>> -> memref<80x128xf32, #tpu.memory_space<vmem>>
      tpu.wait_dma2 semaphore(%run_scoped3A : memref<!tpu.dma_semaphore, #tpu.memory_space<semaphore_mem>>) src(%dma_wait3A_105 : memref<80x128xf32, #tpu.memory_space<vmem>>) dst(%dma_wait3A_102 : memref<80x128xf32, #tpu.memory_space<vmem_shared>>)
      tpu.yield
    }) : () -> ()
    %barrier3A = arith.constant 0 : index
    tpu.barrier barrier_id(%barrier3A)
    %mul3A_37 = arith.constant 16 : i32
    %mul3A_38 = arith.muli %arg0, %mul3A_37 : i32
    %add3A_39 = arith.addi %mul3A_38, %arg1 : i32
    %mul3A_40 = arith.constant 80 : i32
    %mul3A_41 = arith.muli %add3A_39, %mul3A_40 : i32
    %add3A_42 = arith.constant 0 : i32
    %add3A_43 = arith.addi %mul3A_41, %add3A_42 : i32
    "tpu.region"() ({
      %run_scoped3A = tpu.sem_alloc : memref<!tpu.dma_semaphore, #tpu.memory_space<semaphore_mem>>
      %dma_start3A_87 = arith.constant 0 : i32
      %dma_start3A_88 = tpu.memref_slice %arg2[%add3A_43, %dma_start3A_87] : memref<2560x125xi32, #tpu.memory_space<hbm>> -> memref<40x125xi32, #tpu.memory_space<hbm>>
      %dma_start3A_89 = arith.constant 0 : i32
      %dma_start3A_90 = tpu.memref_slice %arg2[%add3A_43, %dma_start3A_89] : memref<2560x125xi32, #tpu.memory_space<hbm>> -> memref<40x125xi32, #tpu.memory_space<hbm>>
      tpu.enqueue_dma source(%dma_start3A_90 : memref<40x125xi32, #tpu.memory_space<hbm>>) target(%arg7 : memref<40x125xi32, #tpu.memory_space<vmem>>) target_semaphore(%run_scoped3A : memref<!tpu.dma_semaphore, #tpu.memory_space<semaphore_mem>>)
      %dma_wait3A = arith.constant 0 : i32
      %dma_wait3A_91 = tpu.memref_slice %arg2[%add3A_43, %dma_wait3A] : memref<2560x125xi32, #tpu.memory_space<hbm>> -> memref<40x125xi32, #tpu.memory_space<hbm>>
      %dma_wait3A_92 = arith.constant 0 : i32
      %dma_wait3A_93 = tpu.memref_slice %arg2[%add3A_43, %dma_wait3A_92] : memref<2560x125xi32, #tpu.memory_space<hbm>> -> memref<40x125xi32, #tpu.memory_space<hbm>>
      tpu.wait_dma2 semaphore(%run_scoped3A : memref<!tpu.dma_semaphore, #tpu.memory_space<semaphore_mem>>) src(%dma_wait3A_93 : memref<40x125xi32, #tpu.memory_space<hbm>>) dst(%arg7 : memref<40x125xi32, #tpu.memory_space<vmem>>)
      tpu.yield
    }) : () -> ()
    %add3A_44 = arith.constant 0 : i32
    %add3A_45 = arith.addi %mul3A_41, %add3A_44 : i32
    "tpu.region"() ({
      %run_scoped3A = tpu.sem_alloc : memref<!tpu.dma_semaphore, #tpu.memory_space<semaphore_mem>>
      %dma_start3A_87 = arith.constant 0 : i32
      %dma_start3A_88 = tpu.memref_slice %arg3[%add3A_45, %dma_start3A_87] : memref<2560x125xi32, #tpu.memory_space<hbm>> -> memref<40x125xi32, #tpu.memory_space<hbm>>
      %dma_start3A_89 = arith.constant 0 : i32
      %dma_start3A_90 = tpu.memref_slice %arg3[%add3A_45, %dma_start3A_89] : memref<2560x125xi32, #tpu.memory_space<hbm>> -> memref<40x125xi32, #tpu.memory_space<hbm>>
      tpu.enqueue_dma source(%dma_start3A_90 : memref<40x125xi32, #tpu.memory_space<hbm>>) target(%arg8 : memref<40x125xi32, #tpu.memory_space<vmem>>) target_semaphore(%run_scoped3A : memref<!tpu.dma_semaphore, #tpu.memory_space<semaphore_mem>>)
      %dma_wait3A = arith.constant 0 : i32
      %dma_wait3A_91 = tpu.memref_slice %arg3[%add3A_45, %dma_wait3A] : memref<2560x125xi32, #tpu.memory_space<hbm>> -> memref<40x125xi32, #tpu.memory_space<hbm>>
      %dma_wait3A_92 = arith.constant 0 : i32
      %dma_wait3A_93 = tpu.memref_slice %arg3[%add3A_45, %dma_wait3A_92] : memref<2560x125xi32, #tpu.memory_space<hbm>> -> memref<40x125xi32, #tpu.memory_space<hbm>>
      tpu.wait_dma2 semaphore(%run_scoped3A : memref<!tpu.dma_semaphore, #tpu.memory_space<semaphore_mem>>) src(%dma_wait3A_93 : memref<40x125xi32, #tpu.memory_space<hbm>>) dst(%arg8 : memref<40x125xi32, #tpu.memory_space<vmem>>)
      tpu.yield
    }) : () -> ()
    %dma_start3A = arith.constant 0 : i32
    %dma_start3A_46 = arith.constant 0 : i32
    %dma_start3A_47 = tpu.memref_slice %arg7[%dma_start3A, %dma_start3A_46] : memref<40x125xi32, #tpu.memory_space<vmem>> -> memref<1x125xi32, #tpu.memory_space<vmem>>
    %dma_start3A_48 = tpu.memref_squeeze %dma_start3A_47 : memref<1x125xi32, #tpu.memory_space<vmem>> -> memref<125xi32, #tpu.memory_space<vmem>>
    %dma_start3A_49 = arith.constant 0 : i32
    %dma_start3A_50 = arith.constant 0 : i32
    %dma_start3A_51 = tpu.memref_slice %arg4[%dma_start3A_49, %dma_start3A_50] : memref<10000x128xf32, #tpu.memory_space<hbm>> -> memref<10000x128xf32, #tpu.memory_space<hbm>>
    tpu.enqueue_indirect_dma source(%dma_start3A_51 : memref<10000x128xf32, #tpu.memory_space<hbm>>) target(%arg9 : memref<125x128xf32, #tpu.memory_space<vmem>>) offsets(%dma_start3A_48 : memref<125xi32, #tpu.memory_space<vmem>>) semaphore(%arg12 : memref<!tpu.dma_semaphore, #tpu.memory_space<semaphore_mem>>)
    %scan3A_52 = arith.constant 0 : i32
    %scan3A_53 = arith.constant 0 : i32
    %scan3A_54 = arith.constant 20 : i32
    %scan3A_55 = arith.addi %scan3A_53, %scan3A_54 : i32
    %scan3A_56 = arith.constant 1 : i32
    %scan3A_57 = scf.for %scan3A_87 = %scan3A_53 to %scan3A_55 step %scan3A_56 iter_args(%scan3A_88 = %scan3A_52) -> (i32)  : i32 {
      %mul3A_89 = arith.constant 2 : i32
      %mul3A_90 = arith.muli %scan3A_87, %mul3A_89 : i32
      %add3A_91 = arith.constant 0 : i32
      %add3A_92 = arith.addi %mul3A_90, %add3A_91 : i32
      %add3A_93 = arith.constant 1 : i32
      %add3A_94 = arith.addi %add3A_92, %add3A_93 : i32
      %lt3A = arith.constant 40 : i32
      %lt3A_95 = arith.cmpi slt, %add3A_94, %lt3A : i32
      %convert_element_type3A_96 = arith.extui %lt3A_95 : i1 to i32
      %cond3A_97 = arith.constant 0 : i32
      %cond3A_98 = arith.cmpi ne, %convert_element_type3A_96, %cond3A_97 : i32
      scf.if %cond3A_98 {
        %add3A_122 = arith.constant 1 : i32
        %add3A_123 = arith.addi %add3A_92, %add3A_122 : i32
        %dma_start3A_124 = arith.constant 0 : i32
        %dma_start3A_125 = tpu.memref_slice %arg7[%add3A_123, %dma_start3A_124] : memref<40x125xi32, #tpu.memory_space<vmem>> -> memref<1x125xi32, #tpu.memory_space<vmem>>
        %dma_start3A_126 = tpu.memref_squeeze %dma_start3A_125 : memref<1x125xi32, #tpu.memory_space<vmem>> -> memref<125xi32, #tpu.memory_space<vmem>>
        %dma_start3A_127 = arith.constant 0 : i32
        %dma_start3A_128 = arith.constant 0 : i32
        %dma_start3A_129 = tpu.memref_slice %arg4[%dma_start3A_127, %dma_start3A_128] : memref<10000x128xf32, #tpu.memory_space<hbm>> -> memref<10000x128xf32, #tpu.memory_space<hbm>>
        tpu.enqueue_indirect_dma source(%dma_start3A_129 : memref<10000x128xf32, #tpu.memory_space<hbm>>) target(%arg10 : memref<125x128xf32, #tpu.memory_space<vmem>>) offsets(%dma_start3A_126 : memref<125xi32, #tpu.memory_space<vmem>>) semaphore(%arg13 : memref<!tpu.dma_semaphore, #tpu.memory_space<semaphore_mem>>)
      } else {
      }
      %dma_wait3A = arith.constant 0 : i32
      %dma_wait3A_99 = tpu.memref_slice %arg7[%add3A_92, %dma_wait3A] : memref<40x125xi32, #tpu.memory_space<vmem>> -> memref<1x125xi32, #tpu.memory_space<vmem>>
      %dma_wait3A_100 = tpu.memref_squeeze %dma_wait3A_99 : memref<1x125xi32, #tpu.memory_space<vmem>> -> memref<125xi32, #tpu.memory_space<vmem>>
      %dma_wait3A_101 = arith.constant 0 : i32
      %dma_wait3A_102 = arith.constant 0 : i32
      %dma_wait3A_103 = tpu.memref_slice %arg4[%dma_wait3A_101, %dma_wait3A_102] : memref<10000x128xf32, #tpu.memory_space<hbm>> -> memref<10000x128xf32, #tpu.memory_space<hbm>>
      tpu.wait_indirect_dma semaphore(%arg12 : memref<!tpu.dma_semaphore, #tpu.memory_space<semaphore_mem>>) src(%dma_wait3A_103 : memref<10000x128xf32, #tpu.memory_space<hbm>>) dst(%arg9 : memref<125x128xf32, #tpu.memory_space<vmem>>)
      "tpu.region"() ({
        %run_scoped3A = tpu.sem_alloc : memref<!tpu.dma_semaphore, #tpu.memory_space<semaphore_mem>>
        %dma_start3A_122 = arith.constant 0 : i32
        %dma_start3A_123 = tpu.memref_slice %arg8[%add3A_92, %dma_start3A_122] : memref<40x125xi32, #tpu.memory_space<vmem>> -> memref<1x125xi32, #tpu.memory_space<vmem>>
        %dma_start3A_124 = tpu.memref_squeeze %dma_start3A_123 : memref<1x125xi32, #tpu.memory_space<vmem>> -> memref<125xi32, #tpu.memory_space<vmem>>
        %dma_start3A_125 = arith.constant 0 : i32
        %dma_start3A_126 = arith.constant 0 : i32
        %dma_start3A_127 = tpu.memref_slice %arg11[%dma_start3A_125, %dma_start3A_126] : memref<10240x128xf32, #tpu.memory_space<vmem_shared>> -> memref<10240x128xf32, #tpu.memory_space<vmem_shared>>
        tpu.enqueue_indirect_dma source(%arg9 : memref<125x128xf32, #tpu.memory_space<vmem>>) target(%dma_start3A_127 : memref<10240x128xf32, #tpu.memory_space<vmem_shared>>) offsets(%dma_start3A_124 : memref<125xi32, #tpu.memory_space<vmem>>) semaphore(%run_scoped3A : memref<!tpu.dma_semaphore, #tpu.memory_space<semaphore_mem>>) {add = true}
        %dma_wait3A_128 = arith.constant 0 : i32
        %dma_wait3A_129 = tpu.memref_slice %arg8[%add3A_92, %dma_wait3A_128] : memref<40x125xi32, #tpu.memory_space<vmem>> -> memref<1x125xi32, #tpu.memory_space<vmem>>
        %dma_wait3A_130 = tpu.memref_squeeze %dma_wait3A_129 : memref<1x125xi32, #tpu.memory_space<vmem>> -> memref<125xi32, #tpu.memory_space<vmem>>
        %dma_wait3A_131 = arith.constant 0 : i32
        %dma_wait3A_132 = arith.constant 0 : i32
        %dma_wait3A_133 = tpu.memref_slice %arg11[%dma_wait3A_131, %dma_wait3A_132] : memref<10240x128xf32, #tpu.memory_space<vmem_shared>> -> memref<10240x128xf32, #tpu.memory_space<vmem_shared>>
        tpu.wait_indirect_dma semaphore(%run_scoped3A : memref<!tpu.dma_semaphore, #tpu.memory_space<semaphore_mem>>) src(%arg9 : memref<125x128xf32, #tpu.memory_space<vmem>>) dst(%dma_wait3A_133 : memref<10240x128xf32, #tpu.memory_space<vmem_shared>>)
        tpu.yield
      }) : () -> ()
      %mul3A_104 = arith.constant 2 : i32
      %mul3A_105 = arith.muli %scan3A_87, %mul3A_104 : i32
      %add3A_106 = arith.constant 1 : i32
      %add3A_107 = arith.addi %mul3A_105, %add3A_106 : i32
      %add3A_108 = arith.constant 1 : i32
      %add3A_109 = arith.addi %add3A_107, %add3A_108 : i32
      %lt3A_110 = arith.constant 40 : i32
      %lt3A_111 = arith.cmpi slt, %add3A_109, %lt3A_110 : i32
      %convert_element_type3A_112 = arith.extui %lt3A_111 : i1 to i32
      %cond3A_113 = arith.constant 0 : i32
      %cond3A_114 = arith.cmpi ne, %convert_element_type3A_112, %cond3A_113 : i32
      scf.if %cond3A_114 {
        %add3A_122 = arith.constant 1 : i32
        %add3A_123 = arith.addi %add3A_107, %add3A_122 : i32
        %dma_start3A_124 = arith.constant 0 : i32
        %dma_start3A_125 = tpu.memref_slice %arg7[%add3A_123, %dma_start3A_124] : memref<40x125xi32, #tpu.memory_space<vmem>> -> memref<1x125xi32, #tpu.memory_space<vmem>>
        %dma_start3A_126 = tpu.memref_squeeze %dma_start3A_125 : memref<1x125xi32, #tpu.memory_space<vmem>> -> memref<125xi32, #tpu.memory_space<vmem>>
        %dma_start3A_127 = arith.constant 0 : i32
        %dma_start3A_128 = arith.constant 0 : i32
        %dma_start3A_129 = tpu.memref_slice %arg4[%dma_start3A_127, %dma_start3A_128] : memref<10000x128xf32, #tpu.memory_space<hbm>> -> memref<10000x128xf32, #tpu.memory_space<hbm>>
        tpu.enqueue_indirect_dma source(%dma_start3A_129 : memref<10000x128xf32, #tpu.memory_space<hbm>>) target(%arg9 : memref<125x128xf32, #tpu.memory_space<vmem>>) offsets(%dma_start3A_126 : memref<125xi32, #tpu.memory_space<vmem>>) semaphore(%arg12 : memref<!tpu.dma_semaphore, #tpu.memory_space<semaphore_mem>>)
      } else {
      }
      %dma_wait3A_115 = arith.constant 0 : i32
      %dma_wait3A_116 = tpu.memref_slice %arg7[%add3A_107, %dma_wait3A_115] : memref<40x125xi32, #tpu.memory_space<vmem>> -> memref<1x125xi32, #tpu.memory_space<vmem>>
      %dma_wait3A_117 = tpu.memref_squeeze %dma_wait3A_116 : memref<1x125xi32, #tpu.memory_space<vmem>> -> memref<125xi32, #tpu.memory_space<vmem>>
      %dma_wait3A_118 = arith.constant 0 : i32
      %dma_wait3A_119 = arith.constant 0 : i32
      %dma_wait3A_120 = tpu.memref_slice %arg4[%dma_wait3A_118, %dma_wait3A_119] : memref<10000x128xf32, #tpu.memory_space<hbm>> -> memref<10000x128xf32, #tpu.memory_space<hbm>>
      tpu.wait_indirect_dma semaphore(%arg13 : memref<!tpu.dma_semaphore, #tpu.memory_space<semaphore_mem>>) src(%dma_wait3A_120 : memref<10000x128xf32, #tpu.memory_space<hbm>>) dst(%arg10 : memref<125x128xf32, #tpu.memory_space<vmem>>)
      "tpu.region"() ({
        %run_scoped3A = tpu.sem_alloc : memref<!tpu.dma_semaphore, #tpu.memory_space<semaphore_mem>>
        %dma_start3A_122 = arith.constant 0 : i32
        %dma_start3A_123 = tpu.memref_slice %arg8[%add3A_107, %dma_start3A_122] : memref<40x125xi32, #tpu.memory_space<vmem>> -> memref<1x125xi32, #tpu.memory_space<vmem>>
        %dma_start3A_124 = tpu.memref_squeeze %dma_start3A_123 : memref<1x125xi32, #tpu.memory_space<vmem>> -> memref<125xi32, #tpu.memory_space<vmem>>
        %dma_start3A_125 = arith.constant 0 : i32
        %dma_start3A_126 = arith.constant 0 : i32
        %dma_start3A_127 = tpu.memref_slice %arg11[%dma_start3A_125, %dma_start3A_126] : memref<10240x128xf32, #tpu.memory_space<vmem_shared>> -> memref<10240x128xf32, #tpu.memory_space<vmem_shared>>
        tpu.enqueue_indirect_dma source(%arg10 : memref<125x128xf32, #tpu.memory_space<vmem>>) target(%dma_start3A_127 : memref<10240x128xf32, #tpu.memory_space<vmem_shared>>) offsets(%dma_start3A_124 : memref<125xi32, #tpu.memory_space<vmem>>) semaphore(%run_scoped3A : memref<!tpu.dma_semaphore, #tpu.memory_space<semaphore_mem>>) {add = true}
        %dma_wait3A_128 = arith.constant 0 : i32
        %dma_wait3A_129 = tpu.memref_slice %arg8[%add3A_107, %dma_wait3A_128] : memref<40x125xi32, #tpu.memory_space<vmem>> -> memref<1x125xi32, #tpu.memory_space<vmem>>
        %dma_wait3A_130 = tpu.memref_squeeze %dma_wait3A_129 : memref<1x125xi32, #tpu.memory_space<vmem>> -> memref<125xi32, #tpu.memory_space<vmem>>
        %dma_wait3A_131 = arith.constant 0 : i32
        %dma_wait3A_132 = arith.constant 0 : i32
        %dma_wait3A_133 = tpu.memref_slice %arg11[%dma_wait3A_131, %dma_wait3A_132] : memref<10240x128xf32, #tpu.memory_space<vmem_shared>> -> memref<10240x128xf32, #tpu.memory_space<vmem_shared>>
        tpu.wait_indirect_dma semaphore(%run_scoped3A : memref<!tpu.dma_semaphore, #tpu.memory_space<semaphore_mem>>) src(%arg10 : memref<125x128xf32, #tpu.memory_space<vmem>>) dst(%dma_wait3A_133 : memref<10240x128xf32, #tpu.memory_space<vmem_shared>>)
        tpu.yield
      }) : () -> ()
      %scan3A_121 = arith.constant 0 : i32
      scf.yield %scan3A_121 : i32
    }
    %scan3A_58 = arith.constant 20 : i32
    %add3A_59 = arith.constant 40 : i32
    %add3A_60 = arith.addi %mul3A_41, %add3A_59 : i32
    "tpu.region"() ({
      %run_scoped3A = tpu.sem_alloc : memref<!tpu.dma_semaphore, #tpu.memory_space<semaphore_mem>>
      %dma_start3A_87 = arith.constant 0 : i32
      %dma_start3A_88 = tpu.memref_slice %arg2[%add3A_60, %dma_start3A_87] : memref<2560x125xi32, #tpu.memory_space<hbm>> -> memref<40x125xi32, #tpu.memory_space<hbm>>
      %dma_start3A_89 = arith.constant 0 : i32
      %dma_start3A_90 = tpu.memref_slice %arg2[%add3A_60, %dma_start3A_89] : memref<2560x125xi32, #tpu.memory_space<hbm>> -> memref<40x125xi32, #tpu.memory_space<hbm>>
      tpu.enqueue_dma source(%dma_start3A_90 : memref<40x125xi32, #tpu.memory_space<hbm>>) target(%arg7 : memref<40x125xi32, #tpu.memory_space<vmem>>) target_semaphore(%run_scoped3A : memref<!tpu.dma_semaphore, #tpu.memory_space<semaphore_mem>>)
      %dma_wait3A = arith.constant 0 : i32
      %dma_wait3A_91 = tpu.memref_slice %arg2[%add3A_60, %dma_wait3A] : memref<2560x125xi32, #tpu.memory_space<hbm>> -> memref<40x125xi32, #tpu.memory_space<hbm>>
      %dma_wait3A_92 = arith.constant 0 : i32
      %dma_wait3A_93 = tpu.memref_slice %arg2[%add3A_60, %dma_wait3A_92] : memref<2560x125xi32, #tpu.memory_space<hbm>> -> memref<40x125xi32, #tpu.memory_space<hbm>>
      tpu.wait_dma2 semaphore(%run_scoped3A : memref<!tpu.dma_semaphore, #tpu.memory_space<semaphore_mem>>) src(%dma_wait3A_93 : memref<40x125xi32, #tpu.memory_space<hbm>>) dst(%arg7 : memref<40x125xi32, #tpu.memory_space<vmem>>)
      tpu.yield
    }) : () -> ()
    %add3A_61 = arith.constant 40 : i32
    %add3A_62 = arith.addi %mul3A_41, %add3A_61 : i32
    "tpu.region"() ({
      %run_scoped3A = tpu.sem_alloc : memref<!tpu.dma_semaphore, #tpu.memory_space<semaphore_mem>>
      %dma_start3A_87 = arith.constant 0 : i32
      %dma_start3A_88 = tpu.memref_slice %arg3[%add3A_62, %dma_start3A_87] : memref<2560x125xi32, #tpu.memory_space<hbm>> -> memref<40x125xi32, #tpu.memory_space<hbm>>
      %dma_start3A_89 = arith.constant 0 : i32
      %dma_start3A_90 = tpu.memref_slice %arg3[%add3A_62, %dma_start3A_89] : memref<2560x125xi32, #tpu.memory_space<hbm>> -> memref<40x125xi32, #tpu.memory_space<hbm>>
      tpu.enqueue_dma source(%dma_start3A_90 : memref<40x125xi32, #tpu.memory_space<hbm>>) target(%arg8 : memref<40x125xi32, #tpu.memory_space<vmem>>) target_semaphore(%run_scoped3A : memref<!tpu.dma_semaphore, #tpu.memory_space<semaphore_mem>>)
      %dma_wait3A = arith.constant 0 : i32
      %dma_wait3A_91 = tpu.memref_slice %arg3[%add3A_62, %dma_wait3A] : memref<2560x125xi32, #tpu.memory_space<hbm>> -> memref<40x125xi32, #tpu.memory_space<hbm>>
      %dma_wait3A_92 = arith.constant 0 : i32
      %dma_wait3A_93 = tpu.memref_slice %arg3[%add3A_62, %dma_wait3A_92] : memref<2560x125xi32, #tpu.memory_space<hbm>> -> memref<40x125xi32, #tpu.memory_space<hbm>>
      tpu.wait_dma2 semaphore(%run_scoped3A : memref<!tpu.dma_semaphore, #tpu.memory_space<semaphore_mem>>) src(%dma_wait3A_93 : memref<40x125xi32, #tpu.memory_space<hbm>>) dst(%arg8 : memref<40x125xi32, #tpu.memory_space<vmem>>)
      tpu.yield
    }) : () -> ()
    %dma_start3A_63 = arith.constant 0 : i32
    %dma_start3A_64 = arith.constant 0 : i32
    %dma_start3A_65 = tpu.memref_slice %arg7[%dma_start3A_63, %dma_start3A_64] : memref<40x125xi32, #tpu.memory_space<vmem>> -> memref<1x125xi32, #tpu.memory_space<vmem>>
    %dma_start3A_66 = tpu.memref_squeeze %dma_start3A_65 : memref<1x125xi32, #tpu.memory_space<vmem>> -> memref<125xi32, #tpu.memory_space<vmem>>
    %dma_start3A_67 = arith.constant 0 : i32
    %dma_start3A_68 = arith.constant 0 : i32
    %dma_start3A_69 = tpu.memref_slice %arg4[%dma_start3A_67, %dma_start3A_68] : memref<10000x128xf32, #tpu.memory_space<hbm>> -> memref<10000x128xf32, #tpu.memory_space<hbm>>
    tpu.enqueue_indirect_dma source(%dma_start3A_69 : memref<10000x128xf32, #tpu.memory_space<hbm>>) target(%arg9 : memref<125x128xf32, #tpu.memory_space<vmem>>) offsets(%dma_start3A_66 : memref<125xi32, #tpu.memory_space<vmem>>) semaphore(%arg12 : memref<!tpu.dma_semaphore, #tpu.memory_space<semaphore_mem>>)
    %scan3A_70 = arith.constant 0 : i32
    %scan3A_71 = arith.constant 0 : i32
    %scan3A_72 = arith.constant 20 : i32
    %scan3A_73 = arith.addi %scan3A_71, %scan3A_72 : i32
    %scan3A_74 = arith.constant 1 : i32
    %scan3A_75 = scf.for %scan3A_87 = %scan3A_71 to %scan3A_73 step %scan3A_74 iter_args(%scan3A_88 = %scan3A_70) -> (i32)  : i32 {
      %mul3A_89 = arith.constant 2 : i32
      %mul3A_90 = arith.muli %scan3A_87, %mul3A_89 : i32
      %add3A_91 = arith.constant 0 : i32
      %add3A_92 = arith.addi %mul3A_90, %add3A_91 : i32
      %add3A_93 = arith.constant 1 : i32
      %add3A_94 = arith.addi %add3A_92, %add3A_93 : i32
      %lt3A = arith.constant 40 : i32
      %lt3A_95 = arith.cmpi slt, %add3A_94, %lt3A : i32
      %convert_element_type3A_96 = arith.extui %lt3A_95 : i1 to i32
      %cond3A_97 = arith.constant 0 : i32
      %cond3A_98 = arith.cmpi ne, %convert_element_type3A_96, %cond3A_97 : i32
      scf.if %cond3A_98 {
        %add3A_122 = arith.constant 1 : i32
        %add3A_123 = arith.addi %add3A_92, %add3A_122 : i32
        %dma_start3A_124 = arith.constant 0 : i32
        %dma_start3A_125 = tpu.memref_slice %arg7[%add3A_123, %dma_start3A_124] : memref<40x125xi32, #tpu.memory_space<vmem>> -> memref<1x125xi32, #tpu.memory_space<vmem>>
        %dma_start3A_126 = tpu.memref_squeeze %dma_start3A_125 : memref<1x125xi32, #tpu.memory_space<vmem>> -> memref<125xi32, #tpu.memory_space<vmem>>
        %dma_start3A_127 = arith.constant 0 : i32
        %dma_start3A_128 = arith.constant 0 : i32
        %dma_start3A_129 = tpu.memref_slice %arg4[%dma_start3A_127, %dma_start3A_128] : memref<10000x128xf32, #tpu.memory_space<hbm>> -> memref<10000x128xf32, #tpu.memory_space<hbm>>
        tpu.enqueue_indirect_dma source(%dma_start3A_129 : memref<10000x128xf32, #tpu.memory_space<hbm>>) target(%arg10 : memref<125x128xf32, #tpu.memory_space<vmem>>) offsets(%dma_start3A_126 : memref<125xi32, #tpu.memory_space<vmem>>) semaphore(%arg13 : memref<!tpu.dma_semaphore, #tpu.memory_space<semaphore_mem>>)
      } else {
      }
      %dma_wait3A = arith.constant 0 : i32
      %dma_wait3A_99 = tpu.memref_slice %arg7[%add3A_92, %dma_wait3A] : memref<40x125xi32, #tpu.memory_space<vmem>> -> memref<1x125xi32, #tpu.memory_space<vmem>>
      %dma_wait3A_100 = tpu.memref_squeeze %dma_wait3A_99 : memref<1x125xi32, #tpu.memory_space<vmem>> -> memref<125xi32, #tpu.memory_space<vmem>>
      %dma_wait3A_101 = arith.constant 0 : i32
      %dma_wait3A_102 = arith.constant 0 : i32
      %dma_wait3A_103 = tpu.memref_slice %arg4[%dma_wait3A_101, %dma_wait3A_102] : memref<10000x128xf32, #tpu.memory_space<hbm>> -> memref<10000x128xf32, #tpu.memory_space<hbm>>
      tpu.wait_indirect_dma semaphore(%arg12 : memref<!tpu.dma_semaphore, #tpu.memory_space<semaphore_mem>>) src(%dma_wait3A_103 : memref<10000x128xf32, #tpu.memory_space<hbm>>) dst(%arg9 : memref<125x128xf32, #tpu.memory_space<vmem>>)
      "tpu.region"() ({
        %run_scoped3A = tpu.sem_alloc : memref<!tpu.dma_semaphore, #tpu.memory_space<semaphore_mem>>
        %dma_start3A_122 = arith.constant 0 : i32
        %dma_start3A_123 = tpu.memref_slice %arg8[%add3A_92, %dma_start3A_122] : memref<40x125xi32, #tpu.memory_space<vmem>> -> memref<1x125xi32, #tpu.memory_space<vmem>>
        %dma_start3A_124 = tpu.memref_squeeze %dma_start3A_123 : memref<1x125xi32, #tpu.memory_space<vmem>> -> memref<125xi32, #tpu.memory_space<vmem>>
        %dma_start3A_125 = arith.constant 0 : i32
        %dma_start3A_126 = arith.constant 0 : i32
        %dma_start3A_127 = tpu.memref_slice %arg11[%dma_start3A_125, %dma_start3A_126] : memref<10240x128xf32, #tpu.memory_space<vmem_shared>> -> memref<10240x128xf32, #tpu.memory_space<vmem_shared>>
        tpu.enqueue_indirect_dma source(%arg9 : memref<125x128xf32, #tpu.memory_space<vmem>>) target(%dma_start3A_127 : memref<10240x128xf32, #tpu.memory_space<vmem_shared>>) offsets(%dma_start3A_124 : memref<125xi32, #tpu.memory_space<vmem>>) semaphore(%run_scoped3A : memref<!tpu.dma_semaphore, #tpu.memory_space<semaphore_mem>>) {add = true}
        %dma_wait3A_128 = arith.constant 0 : i32
        %dma_wait3A_129 = tpu.memref_slice %arg8[%add3A_92, %dma_wait3A_128] : memref<40x125xi32, #tpu.memory_space<vmem>> -> memref<1x125xi32, #tpu.memory_space<vmem>>
        %dma_wait3A_130 = tpu.memref_squeeze %dma_wait3A_129 : memref<1x125xi32, #tpu.memory_space<vmem>> -> memref<125xi32, #tpu.memory_space<vmem>>
        %dma_wait3A_131 = arith.constant 0 : i32
        %dma_wait3A_132 = arith.constant 0 : i32
        %dma_wait3A_133 = tpu.memref_slice %arg11[%dma_wait3A_131, %dma_wait3A_132] : memref<10240x128xf32, #tpu.memory_space<vmem_shared>> -> memref<10240x128xf32, #tpu.memory_space<vmem_shared>>
        tpu.wait_indirect_dma semaphore(%run_scoped3A : memref<!tpu.dma_semaphore, #tpu.memory_space<semaphore_mem>>) src(%arg9 : memref<125x128xf32, #tpu.memory_space<vmem>>) dst(%dma_wait3A_133 : memref<10240x128xf32, #tpu.memory_space<vmem_shared>>)
        tpu.yield
      }) : () -> ()
      %mul3A_104 = arith.constant 2 : i32
      %mul3A_105 = arith.muli %scan3A_87, %mul3A_104 : i32
      %add3A_106 = arith.constant 1 : i32
      %add3A_107 = arith.addi %mul3A_105, %add3A_106 : i32
      %add3A_108 = arith.constant 1 : i32
      %add3A_109 = arith.addi %add3A_107, %add3A_108 : i32
      %lt3A_110 = arith.constant 40 : i32
      %lt3A_111 = arith.cmpi slt, %add3A_109, %lt3A_110 : i32
      %convert_element_type3A_112 = arith.extui %lt3A_111 : i1 to i32
      %cond3A_113 = arith.constant 0 : i32
      %cond3A_114 = arith.cmpi ne, %convert_element_type3A_112, %cond3A_113 : i32
      scf.if %cond3A_114 {
        %add3A_122 = arith.constant 1 : i32
        %add3A_123 = arith.addi %add3A_107, %add3A_122 : i32
        %dma_start3A_124 = arith.constant 0 : i32
        %dma_start3A_125 = tpu.memref_slice %arg7[%add3A_123, %dma_start3A_124] : memref<40x125xi32, #tpu.memory_space<vmem>> -> memref<1x125xi32, #tpu.memory_space<vmem>>
        %dma_start3A_126 = tpu.memref_squeeze %dma_start3A_125 : memref<1x125xi32, #tpu.memory_space<vmem>> -> memref<125xi32, #tpu.memory_space<vmem>>
        %dma_start3A_127 = arith.constant 0 : i32
        %dma_start3A_128 = arith.constant 0 : i32
        %dma_start3A_129 = tpu.memref_slice %arg4[%dma_start3A_127, %dma_start3A_128] : memref<10000x128xf32, #tpu.memory_space<hbm>> -> memref<10000x128xf32, #tpu.memory_space<hbm>>
        tpu.enqueue_indirect_dma source(%dma_start3A_129 : memref<10000x128xf32, #tpu.memory_space<hbm>>) target(%arg9 : memref<125x128xf32, #tpu.memory_space<vmem>>) offsets(%dma_start3A_126 : memref<125xi32, #tpu.memory_space<vmem>>) semaphore(%arg12 : memref<!tpu.dma_semaphore, #tpu.memory_space<semaphore_mem>>)
      } else {
      }
      %dma_wait3A_115 = arith.constant 0 : i32
      %dma_wait3A_116 = tpu.memref_slice %arg7[%add3A_107, %dma_wait3A_115] : memref<40x125xi32, #tpu.memory_space<vmem>> -> memref<1x125xi32, #tpu.memory_space<vmem>>
      %dma_wait3A_117 = tpu.memref_squeeze %dma_wait3A_116 : memref<1x125xi32, #tpu.memory_space<vmem>> -> memref<125xi32, #tpu.memory_space<vmem>>
      %dma_wait3A_118 = arith.constant 0 : i32
      %dma_wait3A_119 = arith.constant 0 : i32
      %dma_wait3A_120 = tpu.memref_slice %arg4[%dma_wait3A_118, %dma_wait3A_119] : memref<10000x128xf32, #tpu.memory_space<hbm>> -> memref<10000x128xf32, #tpu.memory_space<hbm>>
      tpu.wait_indirect_dma semaphore(%arg13 : memref<!tpu.dma_semaphore, #tpu.memory_space<semaphore_mem>>) src(%dma_wait3A_120 : memref<10000x128xf32, #tpu.memory_space<hbm>>) dst(%arg10 : memref<125x128xf32, #tpu.memory_space<vmem>>)
      "tpu.region"() ({
        %run_scoped3A = tpu.sem_alloc : memref<!tpu.dma_semaphore, #tpu.memory_space<semaphore_mem>>
        %dma_start3A_122 = arith.constant 0 : i32
        %dma_start3A_123 = tpu.memref_slice %arg8[%add3A_107, %dma_start3A_122] : memref<40x125xi32, #tpu.memory_space<vmem>> -> memref<1x125xi32, #tpu.memory_space<vmem>>
        %dma_start3A_124 = tpu.memref_squeeze %dma_start3A_123 : memref<1x125xi32, #tpu.memory_space<vmem>> -> memref<125xi32, #tpu.memory_space<vmem>>
        %dma_start3A_125 = arith.constant 0 : i32
        %dma_start3A_126 = arith.constant 0 : i32
        %dma_start3A_127 = tpu.memref_slice %arg11[%dma_start3A_125, %dma_start3A_126] : memref<10240x128xf32, #tpu.memory_space<vmem_shared>> -> memref<10240x128xf32, #tpu.memory_space<vmem_shared>>
        tpu.enqueue_indirect_dma source(%arg10 : memref<125x128xf32, #tpu.memory_space<vmem>>) target(%dma_start3A_127 : memref<10240x128xf32, #tpu.memory_space<vmem_shared>>) offsets(%dma_start3A_124 : memref<125xi32, #tpu.memory_space<vmem>>) semaphore(%run_scoped3A : memref<!tpu.dma_semaphore, #tpu.memory_space<semaphore_mem>>) {add = true}
        %dma_wait3A_128 = arith.constant 0 : i32
        %dma_wait3A_129 = tpu.memref_slice %arg8[%add3A_107, %dma_wait3A_128] : memref<40x125xi32, #tpu.memory_space<vmem>> -> memref<1x125xi32, #tpu.memory_space<vmem>>
        %dma_wait3A_130 = tpu.memref_squeeze %dma_wait3A_129 : memref<1x125xi32, #tpu.memory_space<vmem>> -> memref<125xi32, #tpu.memory_space<vmem>>
        %dma_wait3A_131 = arith.constant 0 : i32
        %dma_wait3A_132 = arith.constant 0 : i32
        %dma_wait3A_133 = tpu.memref_slice %arg11[%dma_wait3A_131, %dma_wait3A_132] : memref<10240x128xf32, #tpu.memory_space<vmem_shared>> -> memref<10240x128xf32, #tpu.memory_space<vmem_shared>>
        tpu.wait_indirect_dma semaphore(%run_scoped3A : memref<!tpu.dma_semaphore, #tpu.memory_space<semaphore_mem>>) src(%arg10 : memref<125x128xf32, #tpu.memory_space<vmem>>) dst(%dma_wait3A_133 : memref<10240x128xf32, #tpu.memory_space<vmem_shared>>)
        tpu.yield
      }) : () -> ()
      %scan3A_121 = arith.constant 0 : i32
      scf.yield %scan3A_121 : i32
    }
    %scan3A_76 = arith.constant 20 : i32
    %barrier3A_77 = arith.constant 0 : index
    tpu.barrier barrier_id(%barrier3A_77)
    %mul3A_78 = arith.constant 640 : i32
    %mul3A_79 = arith.muli %arg1, %mul3A_78 : i32
    %eq3A = arith.constant 0 : i32
    %eq3A_80 = arith.cmpi eq, %arg0, %eq3A : i32
    %convert_element_type3A = arith.extui %eq3A_80 : i1 to i32
    %cond3A = arith.constant 0 : i32
    %cond3A_81 = arith.cmpi ne, %convert_element_type3A, %cond3A : i32
    scf.if %cond3A_81 {
      "tpu.region"() ({
        %run_scoped3A = tpu.sem_alloc : memref<!tpu.dma_semaphore, #tpu.memory_space<semaphore_mem>>
        %dma_start3A_87 = arith.constant 0 : i32
        %dma_start3A_88 = tpu.memref_slice %arg5[%mul3A_79, %dma_start3A_87] : memref<10240x128xf32, #tpu.memory_space<hbm>> -> memref<640x128xf32, #tpu.memory_space<hbm>>
        %dma_start3A_89 = arith.constant 0 : i32
        %dma_start3A_90 = tpu.memref_slice %arg11[%mul3A_79, %dma_start3A_89] : memref<10240x128xf32, #tpu.memory_space<vmem_shared>> -> memref<640x128xf32, #tpu.memory_space<vmem_shared>>
        tpu.enqueue_dma source(%dma_start3A_90 : memref<640x128xf32, #tpu.memory_space<vmem_shared>>) target(%dma_start3A_88 : memref<640x128xf32, #tpu.memory_space<hbm>>) target_semaphore(%run_scoped3A : memref<!tpu.dma_semaphore, #tpu.memory_space<semaphore_mem>>)
        %dma_wait3A = arith.constant 0 : i32
        %dma_wait3A_91 = tpu.memref_slice %arg5[%mul3A_79, %dma_wait3A] : memref<10240x128xf32, #tpu.memory_space<hbm>> -> memref<640x128xf32, #tpu.memory_space<hbm>>
        %dma_wait3A_92 = arith.constant 0 : i32
        %dma_wait3A_93 = tpu.memref_slice %arg11[%mul3A_79, %dma_wait3A_92] : memref<10240x128xf32, #tpu.memory_space<vmem_shared>> -> memref<640x128xf32, #tpu.memory_space<vmem_shared>>
        tpu.wait_dma2 semaphore(%run_scoped3A : memref<!tpu.dma_semaphore, #tpu.memory_space<semaphore_mem>>) src(%dma_wait3A_93 : memref<640x128xf32, #tpu.memory_space<vmem_shared>>) dst(%dma_wait3A_91 : memref<640x128xf32, #tpu.memory_space<hbm>>)
        tpu.yield
      }) : () -> ()
    } else {
    }
    %eq3A_82 = arith.constant 1 : i32
    %eq3A_83 = arith.cmpi eq, %arg0, %eq3A_82 : i32
    %convert_element_type3A_84 = arith.extui %eq3A_83 : i1 to i32
    %cond3A_85 = arith.constant 0 : i32
    %cond3A_86 = arith.cmpi ne, %convert_element_type3A_84, %cond3A_85 : i32
    scf.if %cond3A_86 {
      "tpu.region"() ({
        %run_scoped3A = tpu.sem_alloc : memref<!tpu.dma_semaphore, #tpu.memory_space<semaphore_mem>>
        %dma_start3A_87 = arith.constant 0 : i32
        %dma_start3A_88 = tpu.memref_slice %arg6[%mul3A_79, %dma_start3A_87] : memref<10240x128xf32, #tpu.memory_space<hbm>> -> memref<640x128xf32, #tpu.memory_space<hbm>>
        %dma_start3A_89 = arith.constant 0 : i32
        %dma_start3A_90 = tpu.memref_slice %arg11[%mul3A_79, %dma_start3A_89] : memref<10240x128xf32, #tpu.memory_space<vmem_shared>> -> memref<640x128xf32, #tpu.memory_space<vmem_shared>>
        tpu.enqueue_dma source(%dma_start3A_90 : memref<640x128xf32, #tpu.memory_space<vmem_shared>>) target(%dma_start3A_88 : memref<640x128xf32, #tpu.memory_space<hbm>>) target_semaphore(%run_scoped3A : memref<!tpu.dma_semaphore, #tpu.memory_space<semaphore_mem>>)
        %dma_wait3A = arith.constant 0 : i32
        %dma_wait3A_91 = tpu.memref_slice %arg6[%mul3A_79, %dma_wait3A] : memref<10240x128xf32, #tpu.memory_space<hbm>> -> memref<640x128xf32, #tpu.memory_space<hbm>>
        %dma_wait3A_92 = arith.constant 0 : i32
        %dma_wait3A_93 = tpu.memref_slice %arg11[%mul3A_79, %dma_wait3A_92] : memref<10240x128xf32, #tpu.memory_space<vmem_shared>> -> memref<640x128xf32, #tpu.memory_space<vmem_shared>>
        tpu.wait_dma2 semaphore(%run_scoped3A : memref<!tpu.dma_semaphore, #tpu.memory_space<semaphore_mem>>) src(%dma_wait3A_93 : memref<640x128xf32, #tpu.memory_space<vmem_shared>>) dst(%dma_wait3A_91 : memref<640x128xf32, #tpu.memory_space<hbm>>)
        tpu.yield
      }) : () -> ()
    } else {
    }
    return
  }
}

module attributes {stable_mosaic.version = 14 : i64} {
  func.func @_tc_enc_body(%arg0: i32, %arg1: memref<400x128xf32, #tpu.memory_space<vmem>>, %arg2: memref<400x16xf32, #tpu.memory_space<vmem>>, %arg3: memref<400x16xf32, #tpu.memory_space<vmem>>, %arg4: memref<1x16xf32, #tpu.memory_space<vmem>>, %arg5: memref<128x128xf32, #tpu.memory_space<vmem>>, %arg6: memref<1x128xf32, #tpu.memory_space<vmem>>, %arg7: memref<1x128xf32, #tpu.memory_space<vmem>>, %arg8: memref<1x128xf32, #tpu.memory_space<vmem>>, %arg9: memref<2x128xf32, #tpu.memory_space<vmem>>, %arg10: memref<128x128xf32, #tpu.memory_space<vmem>>, %arg11: memref<128x128xf32, #tpu.memory_space<vmem>>, %arg12: memref<1x128xf32, #tpu.memory_space<vmem>>, %arg13: memref<128x128xf32, #tpu.memory_space<vmem>>, %arg14: memref<1x128xf32, #tpu.memory_space<vmem>>, %arg15: memref<400x128xf32, #tpu.memory_space<vmem>>) attributes {dimension_semantics = [#tpu.dimension_semantics<arbitrary>], iteration_bounds = array<i64: 25>, scalar_prefetch = 0 : i64, scratch_operands = 0 : i64, tpu.core_type = #tpu.core_type<tc>, window_params = [{transform_indices = @transform_0, window_bounds = array<i64: 400, 128>}, {transform_indices = @transform_1, window_bounds = array<i64: 400, 16>}, {transform_indices = @transform_2, window_bounds = array<i64: 400, 16>}, {pipeline_mode = #tpu.pipeline_mode<synchronous>, transform_indices = @transform_3, window_bounds = array<i64: 1, 16>}, {pipeline_mode = #tpu.pipeline_mode<synchronous>, transform_indices = @transform_4, window_bounds = array<i64: 128, 128>}, {pipeline_mode = #tpu.pipeline_mode<synchronous>, transform_indices = @transform_5, window_bounds = array<i64: 1, 128>}, {pipeline_mode = #tpu.pipeline_mode<synchronous>, transform_indices = @transform_6, window_bounds = array<i64: 1, 128>}, {pipeline_mode = #tpu.pipeline_mode<synchronous>, transform_indices = @transform_7, window_bounds = array<i64: 1, 128>}, {pipeline_mode = #tpu.pipeline_mode<synchronous>, transform_indices = @transform_8, window_bounds = array<i64: 2, 128>}, {pipeline_mode = #tpu.pipeline_mode<synchronous>, transform_indices = @transform_9, window_bounds = array<i64: 128, 128>}, {pipeline_mode = #tpu.pipeline_mode<synchronous>, transform_indices = @transform_10, window_bounds = array<i64: 128, 128>}, {pipeline_mode = #tpu.pipeline_mode<synchronous>, transform_indices = @transform_11, window_bounds = array<i64: 1, 128>}, {pipeline_mode = #tpu.pipeline_mode<synchronous>, transform_indices = @transform_12, window_bounds = array<i64: 128, 128>}, {pipeline_mode = #tpu.pipeline_mode<synchronous>, transform_indices = @transform_13, window_bounds = array<i64: 1, 128>}, {transform_indices = @transform_14, window_bounds = array<i64: 400, 128>}]} {
    %get3A = arith.constant 0 : index
    %get3A_0 = arith.constant 0 : index
    %get3A_1 = vector.load %arg1[%get3A, %get3A_0] : memref<400x128xf32, #tpu.memory_space<vmem>>, vector<400x128xf32>
    %get3A_2 = arith.constant 0 : index
    %get3A_3 = arith.constant 0 : index
    %get3A_4 = vector.load %arg5[%get3A_2, %get3A_3] : memref<128x128xf32, #tpu.memory_space<vmem>>, vector<128x128xf32>
    %dot_general3A = arith.constant dense<0.000000e+00> : vector<400x128xf32>
    %dot_general3A_5 = tpu.matmul %get3A_1, %get3A_4, %dot_general3A {dimension_numbers = #tpu.dot_dimension_numbers<[1], [0], [0], [1], [0, 0, 1, 1], [], []>, precision = #tpu.contract_precision<fp32>, transpose_lhs_hint = false} : vector<400x128xf32>, vector<128x128xf32>, vector<400x128xf32> -> vector<400x128xf32>
    %get3A_6 = arith.constant 0 : index
    %get3A_7 = arith.constant 0 : index
    %get3A_8 = vector.load %arg6[%get3A_6, %get3A_7] : memref<1x128xf32, #tpu.memory_space<vmem>>, vector<1x128xf32>
    %add3A = vector.broadcast %get3A_8 : vector<1x128xf32> to vector<400x128xf32>
    %add3A_9 = arith.addf %dot_general3A_5, %add3A : vector<400x128xf32>
    %get3A_10 = arith.constant 0 : index
    %get3A_11 = arith.constant 0 : index
    %get3A_12 = vector.load %arg7[%get3A_10, %get3A_11] : memref<1x128xf32, #tpu.memory_space<vmem>>, vector<1x128xf32>
    %get3A_13 = arith.constant 0 : index
    %get3A_14 = arith.constant 0 : index
    %get3A_15 = vector.load %arg8[%get3A_13, %get3A_14] : memref<1x128xf32, #tpu.memory_space<vmem>>, vector<1x128xf32>
    %reduce_sum3A = arith.constant dense<0.000000e+00> : vector<400xf32>
    %reduce_sum3A_16 = vector.multi_reduction <add>, %add3A_9, %reduce_sum3A [1] : vector<400x128xf32> to vector<400xf32>
    %broadcast_in_dim3A = vector.shape_cast %reduce_sum3A_16 : vector<400xf32> to vector<400x1xf32>
    %div3A = arith.constant 1.280000e+02 : f32
    %div3A_17 = vector.broadcast %div3A : f32 to vector<400x1xf32>
    %div3A_18 = arith.divf %broadcast_in_dim3A, %div3A_17 : vector<400x1xf32>
    %sub3A = vector.broadcast %div3A_18 : vector<400x1xf32> to vector<400x128xf32>
    %sub3A_19 = arith.subf %add3A_9, %sub3A : vector<400x128xf32>
    %mul3A = arith.mulf %sub3A_19, %sub3A_19 : vector<400x128xf32>
    %reduce_sum3A_20 = arith.constant dense<0.000000e+00> : vector<400xf32>
    %reduce_sum3A_21 = vector.multi_reduction <add>, %mul3A, %reduce_sum3A_20 [1] : vector<400x128xf32> to vector<400xf32>
    %broadcast_in_dim3A_22 = vector.shape_cast %reduce_sum3A_21 : vector<400xf32> to vector<400x1xf32>
    %div3A_23 = arith.constant 1.280000e+02 : f32
    %div3A_24 = vector.broadcast %div3A_23 : f32 to vector<400x1xf32>
    %div3A_25 = arith.divf %broadcast_in_dim3A_22, %div3A_24 : vector<400x1xf32>
    %add3A_26 = arith.constant 9.99999974E-6 : f32
    %add3A_27 = vector.broadcast %add3A_26 : f32 to vector<400x1xf32>
    %add3A_28 = arith.addf %div3A_25, %add3A_27 : vector<400x1xf32>
    %rsqrt3A = math.rsqrt %add3A_28 : vector<400x1xf32>
    %mul3A_29 = vector.broadcast %rsqrt3A : vector<400x1xf32> to vector<400x128xf32>
    %mul3A_30 = arith.mulf %sub3A_19, %mul3A_29 : vector<400x128xf32>
    %mul3A_31 = vector.broadcast %get3A_12 : vector<1x128xf32> to vector<400x128xf32>
    %mul3A_32 = arith.mulf %mul3A_30, %mul3A_31 : vector<400x128xf32>
    %add3A_33 = vector.broadcast %get3A_15 : vector<1x128xf32> to vector<400x128xf32>
    %add3A_34 = arith.addf %mul3A_32, %add3A_33 : vector<400x128xf32>
    %get3A_35 = arith.constant 0 : index
    %get3A_36 = arith.constant 0 : index
    %get3A_37 = vector.load %arg9[%get3A_35, %get3A_36] : memref<2x128xf32, #tpu.memory_space<vmem>>, vector<1x128xf32>
    %get3A_38 = arith.constant 1 : index
    %get3A_39 = arith.constant 0 : index
    %get3A_40 = vector.load %arg9[%get3A_38, %get3A_39] : memref<2x128xf32, #tpu.memory_space<vmem>>, vector<1x128xf32>
    %broadcast_in_dim3A_41 = arith.constant 0.000000e+00 : f32
    %broadcast_in_dim3A_42 = vector.broadcast %broadcast_in_dim3A_41 : f32 to vector<400x128xf32>
    %get3A_43 = arith.constant 0 : index
    %get3A_44 = arith.constant 0 : index
    %get3A_45 = vector.load %arg2[%get3A_43, %get3A_44] : memref<400x16xf32, #tpu.memory_space<vmem>>, vector<400x16xf32>
    %ne3A = arith.cmpf one, %get3A_45, %get3A_45 : vector<400x16xf32>
    %jit3A = arith.constant 0.000000e+00 : f32
    %broadcast_in_dim3A_46 = vector.broadcast %jit3A : f32 to vector<400x16xf32>
    %select_n3A = arith.select %ne3A, %broadcast_in_dim3A_46, %get3A_45 : vector<400x16xi1>, vector<400x16xf32>
    %get3A_47 = arith.constant 0 : index
    %get3A_48 = arith.constant 0 : index
    %get3A_49 = vector.load %arg3[%get3A_47, %get3A_48] : memref<400x16xf32, #tpu.memory_space<vmem>>, vector<400x16xf32>
    %get3A_50 = arith.constant 0 : index
    %get3A_51 = arith.constant 0 : index
    %get3A_52 = vector.load %arg4[%get3A_50, %get3A_51] : memref<1x16xf32, #tpu.memory_space<vmem>>, vector<1x16xf32>
    %add3A_53 = vector.broadcast %get3A_52 : vector<1x16xf32> to vector<400x16xf32>
    %add3A_54 = arith.addf %get3A_49, %add3A_53 : vector<400x16xf32>
    %ne3A_55 = arith.cmpf one, %add3A_54, %add3A_54 : vector<400x16xf32>
    %jit3A_56 = arith.constant 0.000000e+00 : f32
    %broadcast_in_dim3A_57 = vector.broadcast %jit3A_56 : f32 to vector<400x16xf32>
    %select_n3A_58 = arith.select %ne3A_55, %broadcast_in_dim3A_57, %add3A_54 : vector<400x16xi1>, vector<400x16xf32>
    %slice3A = vector.extract_strided_slice %select_n3A {offsets = [0, 0], sizes = [400, 1], strides = [1, 1]} : vector<400x16xf32> to vector<400x1xf32>
    %mul3A_59 = vector.broadcast %slice3A : vector<400x1xf32> to vector<400x128xf32>
    %mul3A_60 = vector.broadcast %get3A_37 : vector<1x128xf32> to vector<400x128xf32>
    %mul3A_61 = arith.mulf %mul3A_59, %mul3A_60 : vector<400x128xf32>
    %slice3A_62 = vector.extract_strided_slice %select_n3A_58 {offsets = [0, 0], sizes = [400, 1], strides = [1, 1]} : vector<400x16xf32> to vector<400x1xf32>
    %mul3A_63 = vector.broadcast %slice3A_62 : vector<400x1xf32> to vector<400x128xf32>
    %mul3A_64 = vector.broadcast %get3A_40 : vector<1x128xf32> to vector<400x128xf32>
    %mul3A_65 = arith.mulf %mul3A_63, %mul3A_64 : vector<400x128xf32>
    %add3A_66 = arith.addf %mul3A_61, %mul3A_65 : vector<400x128xf32>
    %max3A = arith.constant 0.000000e+00 : f32
    %max3A_67 = vector.broadcast %max3A : f32 to vector<400x128xf32>
    %max3A_68 = arith.maximumf %add3A_66, %max3A_67 : vector<400x128xf32>
    %add3A_69 = arith.addf %broadcast_in_dim3A_42, %max3A_68 : vector<400x128xf32>
    %slice3A_70 = vector.extract_strided_slice %select_n3A {offsets = [0, 1], sizes = [400, 1], strides = [1, 1]} : vector<400x16xf32> to vector<400x1xf32>
    %mul3A_71 = vector.broadcast %slice3A_70 : vector<400x1xf32> to vector<400x128xf32>
    %mul3A_72 = vector.broadcast %get3A_37 : vector<1x128xf32> to vector<400x128xf32>
    %mul3A_73 = arith.mulf %mul3A_71, %mul3A_72 : vector<400x128xf32>
    %slice3A_74 = vector.extract_strided_slice %select_n3A_58 {offsets = [0, 1], sizes = [400, 1], strides = [1, 1]} : vector<400x16xf32> to vector<400x1xf32>
    %mul3A_75 = vector.broadcast %slice3A_74 : vector<400x1xf32> to vector<400x128xf32>
    %mul3A_76 = vector.broadcast %get3A_40 : vector<1x128xf32> to vector<400x128xf32>
    %mul3A_77 = arith.mulf %mul3A_75, %mul3A_76 : vector<400x128xf32>
    %add3A_78 = arith.addf %mul3A_73, %mul3A_77 : vector<400x128xf32>
    %max3A_79 = arith.constant 0.000000e+00 : f32
    %max3A_80 = vector.broadcast %max3A_79 : f32 to vector<400x128xf32>
    %max3A_81 = arith.maximumf %add3A_78, %max3A_80 : vector<400x128xf32>
    %add3A_82 = arith.addf %add3A_69, %max3A_81 : vector<400x128xf32>
    %slice3A_83 = vector.extract_strided_slice %select_n3A {offsets = [0, 2], sizes = [400, 1], strides = [1, 1]} : vector<400x16xf32> to vector<400x1xf32>
    %mul3A_84 = vector.broadcast %slice3A_83 : vector<400x1xf32> to vector<400x128xf32>
    %mul3A_85 = vector.broadcast %get3A_37 : vector<1x128xf32> to vector<400x128xf32>
    %mul3A_86 = arith.mulf %mul3A_84, %mul3A_85 : vector<400x128xf32>
    %slice3A_87 = vector.extract_strided_slice %select_n3A_58 {offsets = [0, 2], sizes = [400, 1], strides = [1, 1]} : vector<400x16xf32> to vector<400x1xf32>
    %mul3A_88 = vector.broadcast %slice3A_87 : vector<400x1xf32> to vector<400x128xf32>
    %mul3A_89 = vector.broadcast %get3A_40 : vector<1x128xf32> to vector<400x128xf32>
    %mul3A_90 = arith.mulf %mul3A_88, %mul3A_89 : vector<400x128xf32>
    %add3A_91 = arith.addf %mul3A_86, %mul3A_90 : vector<400x128xf32>
    %max3A_92 = arith.constant 0.000000e+00 : f32
    %max3A_93 = vector.broadcast %max3A_92 : f32 to vector<400x128xf32>
    %max3A_94 = arith.maximumf %add3A_91, %max3A_93 : vector<400x128xf32>
    %add3A_95 = arith.addf %add3A_82, %max3A_94 : vector<400x128xf32>
    %slice3A_96 = vector.extract_strided_slice %select_n3A {offsets = [0, 3], sizes = [400, 1], strides = [1, 1]} : vector<400x16xf32> to vector<400x1xf32>
    %mul3A_97 = vector.broadcast %slice3A_96 : vector<400x1xf32> to vector<400x128xf32>
    %mul3A_98 = vector.broadcast %get3A_37 : vector<1x128xf32> to vector<400x128xf32>
    %mul3A_99 = arith.mulf %mul3A_97, %mul3A_98 : vector<400x128xf32>
    %slice3A_100 = vector.extract_strided_slice %select_n3A_58 {offsets = [0, 3], sizes = [400, 1], strides = [1, 1]} : vector<400x16xf32> to vector<400x1xf32>
    %mul3A_101 = vector.broadcast %slice3A_100 : vector<400x1xf32> to vector<400x128xf32>
    %mul3A_102 = vector.broadcast %get3A_40 : vector<1x128xf32> to vector<400x128xf32>
    %mul3A_103 = arith.mulf %mul3A_101, %mul3A_102 : vector<400x128xf32>
    %add3A_104 = arith.addf %mul3A_99, %mul3A_103 : vector<400x128xf32>
    %max3A_105 = arith.constant 0.000000e+00 : f32
    %max3A_106 = vector.broadcast %max3A_105 : f32 to vector<400x128xf32>
    %max3A_107 = arith.maximumf %add3A_104, %max3A_106 : vector<400x128xf32>
    %add3A_108 = arith.addf %add3A_95, %max3A_107 : vector<400x128xf32>
    %slice3A_109 = vector.extract_strided_slice %select_n3A {offsets = [0, 4], sizes = [400, 1], strides = [1, 1]} : vector<400x16xf32> to vector<400x1xf32>
    %mul3A_110 = vector.broadcast %slice3A_109 : vector<400x1xf32> to vector<400x128xf32>
    %mul3A_111 = vector.broadcast %get3A_37 : vector<1x128xf32> to vector<400x128xf32>
    %mul3A_112 = arith.mulf %mul3A_110, %mul3A_111 : vector<400x128xf32>
    %slice3A_113 = vector.extract_strided_slice %select_n3A_58 {offsets = [0, 4], sizes = [400, 1], strides = [1, 1]} : vector<400x16xf32> to vector<400x1xf32>
    %mul3A_114 = vector.broadcast %slice3A_113 : vector<400x1xf32> to vector<400x128xf32>
    %mul3A_115 = vector.broadcast %get3A_40 : vector<1x128xf32> to vector<400x128xf32>
    %mul3A_116 = arith.mulf %mul3A_114, %mul3A_115 : vector<400x128xf32>
    %add3A_117 = arith.addf %mul3A_112, %mul3A_116 : vector<400x128xf32>
    %max3A_118 = arith.constant 0.000000e+00 : f32
    %max3A_119 = vector.broadcast %max3A_118 : f32 to vector<400x128xf32>
    %max3A_120 = arith.maximumf %add3A_117, %max3A_119 : vector<400x128xf32>
    %add3A_121 = arith.addf %add3A_108, %max3A_120 : vector<400x128xf32>
    %slice3A_122 = vector.extract_strided_slice %select_n3A {offsets = [0, 5], sizes = [400, 1], strides = [1, 1]} : vector<400x16xf32> to vector<400x1xf32>
    %mul3A_123 = vector.broadcast %slice3A_122 : vector<400x1xf32> to vector<400x128xf32>
    %mul3A_124 = vector.broadcast %get3A_37 : vector<1x128xf32> to vector<400x128xf32>
    %mul3A_125 = arith.mulf %mul3A_123, %mul3A_124 : vector<400x128xf32>
    %slice3A_126 = vector.extract_strided_slice %select_n3A_58 {offsets = [0, 5], sizes = [400, 1], strides = [1, 1]} : vector<400x16xf32> to vector<400x1xf32>
    %mul3A_127 = vector.broadcast %slice3A_126 : vector<400x1xf32> to vector<400x128xf32>
    %mul3A_128 = vector.broadcast %get3A_40 : vector<1x128xf32> to vector<400x128xf32>
    %mul3A_129 = arith.mulf %mul3A_127, %mul3A_128 : vector<400x128xf32>
    %add3A_130 = arith.addf %mul3A_125, %mul3A_129 : vector<400x128xf32>
    %max3A_131 = arith.constant 0.000000e+00 : f32
    %max3A_132 = vector.broadcast %max3A_131 : f32 to vector<400x128xf32>
    %max3A_133 = arith.maximumf %add3A_130, %max3A_132 : vector<400x128xf32>
    %add3A_134 = arith.addf %add3A_121, %max3A_133 : vector<400x128xf32>
    %slice3A_135 = vector.extract_strided_slice %select_n3A {offsets = [0, 6], sizes = [400, 1], strides = [1, 1]} : vector<400x16xf32> to vector<400x1xf32>
    %mul3A_136 = vector.broadcast %slice3A_135 : vector<400x1xf32> to vector<400x128xf32>
    %mul3A_137 = vector.broadcast %get3A_37 : vector<1x128xf32> to vector<400x128xf32>
    %mul3A_138 = arith.mulf %mul3A_136, %mul3A_137 : vector<400x128xf32>
    %slice3A_139 = vector.extract_strided_slice %select_n3A_58 {offsets = [0, 6], sizes = [400, 1], strides = [1, 1]} : vector<400x16xf32> to vector<400x1xf32>
    %mul3A_140 = vector.broadcast %slice3A_139 : vector<400x1xf32> to vector<400x128xf32>
    %mul3A_141 = vector.broadcast %get3A_40 : vector<1x128xf32> to vector<400x128xf32>
    %mul3A_142 = arith.mulf %mul3A_140, %mul3A_141 : vector<400x128xf32>
    %add3A_143 = arith.addf %mul3A_138, %mul3A_142 : vector<400x128xf32>
    %max3A_144 = arith.constant 0.000000e+00 : f32
    %max3A_145 = vector.broadcast %max3A_144 : f32 to vector<400x128xf32>
    %max3A_146 = arith.maximumf %add3A_143, %max3A_145 : vector<400x128xf32>
    %add3A_147 = arith.addf %add3A_134, %max3A_146 : vector<400x128xf32>
    %slice3A_148 = vector.extract_strided_slice %select_n3A {offsets = [0, 7], sizes = [400, 1], strides = [1, 1]} : vector<400x16xf32> to vector<400x1xf32>
    %mul3A_149 = vector.broadcast %slice3A_148 : vector<400x1xf32> to vector<400x128xf32>
    %mul3A_150 = vector.broadcast %get3A_37 : vector<1x128xf32> to vector<400x128xf32>
    %mul3A_151 = arith.mulf %mul3A_149, %mul3A_150 : vector<400x128xf32>
    %slice3A_152 = vector.extract_strided_slice %select_n3A_58 {offsets = [0, 7], sizes = [400, 1], strides = [1, 1]} : vector<400x16xf32> to vector<400x1xf32>
    %mul3A_153 = vector.broadcast %slice3A_152 : vector<400x1xf32> to vector<400x128xf32>
    %mul3A_154 = vector.broadcast %get3A_40 : vector<1x128xf32> to vector<400x128xf32>
    %mul3A_155 = arith.mulf %mul3A_153, %mul3A_154 : vector<400x128xf32>
    %add3A_156 = arith.addf %mul3A_151, %mul3A_155 : vector<400x128xf32>
    %max3A_157 = arith.constant 0.000000e+00 : f32
    %max3A_158 = vector.broadcast %max3A_157 : f32 to vector<400x128xf32>
    %max3A_159 = arith.maximumf %add3A_156, %max3A_158 : vector<400x128xf32>
    %add3A_160 = arith.addf %add3A_147, %max3A_159 : vector<400x128xf32>
    %slice3A_161 = vector.extract_strided_slice %select_n3A {offsets = [0, 8], sizes = [400, 1], strides = [1, 1]} : vector<400x16xf32> to vector<400x1xf32>
    %mul3A_162 = vector.broadcast %slice3A_161 : vector<400x1xf32> to vector<400x128xf32>
    %mul3A_163 = vector.broadcast %get3A_37 : vector<1x128xf32> to vector<400x128xf32>
    %mul3A_164 = arith.mulf %mul3A_162, %mul3A_163 : vector<400x128xf32>
    %slice3A_165 = vector.extract_strided_slice %select_n3A_58 {offsets = [0, 8], sizes = [400, 1], strides = [1, 1]} : vector<400x16xf32> to vector<400x1xf32>
    %mul3A_166 = vector.broadcast %slice3A_165 : vector<400x1xf32> to vector<400x128xf32>
    %mul3A_167 = vector.broadcast %get3A_40 : vector<1x128xf32> to vector<400x128xf32>
    %mul3A_168 = arith.mulf %mul3A_166, %mul3A_167 : vector<400x128xf32>
    %add3A_169 = arith.addf %mul3A_164, %mul3A_168 : vector<400x128xf32>
    %max3A_170 = arith.constant 0.000000e+00 : f32
    %max3A_171 = vector.broadcast %max3A_170 : f32 to vector<400x128xf32>
    %max3A_172 = arith.maximumf %add3A_169, %max3A_171 : vector<400x128xf32>
    %add3A_173 = arith.addf %add3A_160, %max3A_172 : vector<400x128xf32>
    %slice3A_174 = vector.extract_strided_slice %select_n3A {offsets = [0, 9], sizes = [400, 1], strides = [1, 1]} : vector<400x16xf32> to vector<400x1xf32>
    %mul3A_175 = vector.broadcast %slice3A_174 : vector<400x1xf32> to vector<400x128xf32>
    %mul3A_176 = vector.broadcast %get3A_37 : vector<1x128xf32> to vector<400x128xf32>
    %mul3A_177 = arith.mulf %mul3A_175, %mul3A_176 : vector<400x128xf32>
    %slice3A_178 = vector.extract_strided_slice %select_n3A_58 {offsets = [0, 9], sizes = [400, 1], strides = [1, 1]} : vector<400x16xf32> to vector<400x1xf32>
    %mul3A_179 = vector.broadcast %slice3A_178 : vector<400x1xf32> to vector<400x128xf32>
    %mul3A_180 = vector.broadcast %get3A_40 : vector<1x128xf32> to vector<400x128xf32>
    %mul3A_181 = arith.mulf %mul3A_179, %mul3A_180 : vector<400x128xf32>
    %add3A_182 = arith.addf %mul3A_177, %mul3A_181 : vector<400x128xf32>
    %max3A_183 = arith.constant 0.000000e+00 : f32
    %max3A_184 = vector.broadcast %max3A_183 : f32 to vector<400x128xf32>
    %max3A_185 = arith.maximumf %add3A_182, %max3A_184 : vector<400x128xf32>
    %add3A_186 = arith.addf %add3A_173, %max3A_185 : vector<400x128xf32>
    %slice3A_187 = vector.extract_strided_slice %select_n3A {offsets = [0, 10], sizes = [400, 1], strides = [1, 1]} : vector<400x16xf32> to vector<400x1xf32>
    %mul3A_188 = vector.broadcast %slice3A_187 : vector<400x1xf32> to vector<400x128xf32>
    %mul3A_189 = vector.broadcast %get3A_37 : vector<1x128xf32> to vector<400x128xf32>
    %mul3A_190 = arith.mulf %mul3A_188, %mul3A_189 : vector<400x128xf32>
    %slice3A_191 = vector.extract_strided_slice %select_n3A_58 {offsets = [0, 10], sizes = [400, 1], strides = [1, 1]} : vector<400x16xf32> to vector<400x1xf32>
    %mul3A_192 = vector.broadcast %slice3A_191 : vector<400x1xf32> to vector<400x128xf32>
    %mul3A_193 = vector.broadcast %get3A_40 : vector<1x128xf32> to vector<400x128xf32>
    %mul3A_194 = arith.mulf %mul3A_192, %mul3A_193 : vector<400x128xf32>
    %add3A_195 = arith.addf %mul3A_190, %mul3A_194 : vector<400x128xf32>
    %max3A_196 = arith.constant 0.000000e+00 : f32
    %max3A_197 = vector.broadcast %max3A_196 : f32 to vector<400x128xf32>
    %max3A_198 = arith.maximumf %add3A_195, %max3A_197 : vector<400x128xf32>
    %add3A_199 = arith.addf %add3A_186, %max3A_198 : vector<400x128xf32>
    %slice3A_200 = vector.extract_strided_slice %select_n3A {offsets = [0, 11], sizes = [400, 1], strides = [1, 1]} : vector<400x16xf32> to vector<400x1xf32>
    %mul3A_201 = vector.broadcast %slice3A_200 : vector<400x1xf32> to vector<400x128xf32>
    %mul3A_202 = vector.broadcast %get3A_37 : vector<1x128xf32> to vector<400x128xf32>
    %mul3A_203 = arith.mulf %mul3A_201, %mul3A_202 : vector<400x128xf32>
    %slice3A_204 = vector.extract_strided_slice %select_n3A_58 {offsets = [0, 11], sizes = [400, 1], strides = [1, 1]} : vector<400x16xf32> to vector<400x1xf32>
    %mul3A_205 = vector.broadcast %slice3A_204 : vector<400x1xf32> to vector<400x128xf32>
    %mul3A_206 = vector.broadcast %get3A_40 : vector<1x128xf32> to vector<400x128xf32>
    %mul3A_207 = arith.mulf %mul3A_205, %mul3A_206 : vector<400x128xf32>
    %add3A_208 = arith.addf %mul3A_203, %mul3A_207 : vector<400x128xf32>
    %max3A_209 = arith.constant 0.000000e+00 : f32
    %max3A_210 = vector.broadcast %max3A_209 : f32 to vector<400x128xf32>
    %max3A_211 = arith.maximumf %add3A_208, %max3A_210 : vector<400x128xf32>
    %add3A_212 = arith.addf %add3A_199, %max3A_211 : vector<400x128xf32>
    %slice3A_213 = vector.extract_strided_slice %select_n3A {offsets = [0, 12], sizes = [400, 1], strides = [1, 1]} : vector<400x16xf32> to vector<400x1xf32>
    %mul3A_214 = vector.broadcast %slice3A_213 : vector<400x1xf32> to vector<400x128xf32>
    %mul3A_215 = vector.broadcast %get3A_37 : vector<1x128xf32> to vector<400x128xf32>
    %mul3A_216 = arith.mulf %mul3A_214, %mul3A_215 : vector<400x128xf32>
    %slice3A_217 = vector.extract_strided_slice %select_n3A_58 {offsets = [0, 12], sizes = [400, 1], strides = [1, 1]} : vector<400x16xf32> to vector<400x1xf32>
    %mul3A_218 = vector.broadcast %slice3A_217 : vector<400x1xf32> to vector<400x128xf32>
    %mul3A_219 = vector.broadcast %get3A_40 : vector<1x128xf32> to vector<400x128xf32>
    %mul3A_220 = arith.mulf %mul3A_218, %mul3A_219 : vector<400x128xf32>
    %add3A_221 = arith.addf %mul3A_216, %mul3A_220 : vector<400x128xf32>
    %max3A_222 = arith.constant 0.000000e+00 : f32
    %max3A_223 = vector.broadcast %max3A_222 : f32 to vector<400x128xf32>
    %max3A_224 = arith.maximumf %add3A_221, %max3A_223 : vector<400x128xf32>
    %add3A_225 = arith.addf %add3A_212, %max3A_224 : vector<400x128xf32>
    %slice3A_226 = vector.extract_strided_slice %select_n3A {offsets = [0, 13], sizes = [400, 1], strides = [1, 1]} : vector<400x16xf32> to vector<400x1xf32>
    %mul3A_227 = vector.broadcast %slice3A_226 : vector<400x1xf32> to vector<400x128xf32>
    %mul3A_228 = vector.broadcast %get3A_37 : vector<1x128xf32> to vector<400x128xf32>
    %mul3A_229 = arith.mulf %mul3A_227, %mul3A_228 : vector<400x128xf32>
    %slice3A_230 = vector.extract_strided_slice %select_n3A_58 {offsets = [0, 13], sizes = [400, 1], strides = [1, 1]} : vector<400x16xf32> to vector<400x1xf32>
    %mul3A_231 = vector.broadcast %slice3A_230 : vector<400x1xf32> to vector<400x128xf32>
    %mul3A_232 = vector.broadcast %get3A_40 : vector<1x128xf32> to vector<400x128xf32>
    %mul3A_233 = arith.mulf %mul3A_231, %mul3A_232 : vector<400x128xf32>
    %add3A_234 = arith.addf %mul3A_229, %mul3A_233 : vector<400x128xf32>
    %max3A_235 = arith.constant 0.000000e+00 : f32
    %max3A_236 = vector.broadcast %max3A_235 : f32 to vector<400x128xf32>
    %max3A_237 = arith.maximumf %add3A_234, %max3A_236 : vector<400x128xf32>
    %add3A_238 = arith.addf %add3A_225, %max3A_237 : vector<400x128xf32>
    %slice3A_239 = vector.extract_strided_slice %select_n3A {offsets = [0, 14], sizes = [400, 1], strides = [1, 1]} : vector<400x16xf32> to vector<400x1xf32>
    %mul3A_240 = vector.broadcast %slice3A_239 : vector<400x1xf32> to vector<400x128xf32>
    %mul3A_241 = vector.broadcast %get3A_37 : vector<1x128xf32> to vector<400x128xf32>
    %mul3A_242 = arith.mulf %mul3A_240, %mul3A_241 : vector<400x128xf32>
    %slice3A_243 = vector.extract_strided_slice %select_n3A_58 {offsets = [0, 14], sizes = [400, 1], strides = [1, 1]} : vector<400x16xf32> to vector<400x1xf32>
    %mul3A_244 = vector.broadcast %slice3A_243 : vector<400x1xf32> to vector<400x128xf32>
    %mul3A_245 = vector.broadcast %get3A_40 : vector<1x128xf32> to vector<400x128xf32>
    %mul3A_246 = arith.mulf %mul3A_244, %mul3A_245 : vector<400x128xf32>
    %add3A_247 = arith.addf %mul3A_242, %mul3A_246 : vector<400x128xf32>
    %max3A_248 = arith.constant 0.000000e+00 : f32
    %max3A_249 = vector.broadcast %max3A_248 : f32 to vector<400x128xf32>
    %max3A_250 = arith.maximumf %add3A_247, %max3A_249 : vector<400x128xf32>
    %add3A_251 = arith.addf %add3A_238, %max3A_250 : vector<400x128xf32>
    %slice3A_252 = vector.extract_strided_slice %select_n3A {offsets = [0, 15], sizes = [400, 1], strides = [1, 1]} : vector<400x16xf32> to vector<400x1xf32>
    %mul3A_253 = vector.broadcast %slice3A_252 : vector<400x1xf32> to vector<400x128xf32>
    %mul3A_254 = vector.broadcast %get3A_37 : vector<1x128xf32> to vector<400x128xf32>
    %mul3A_255 = arith.mulf %mul3A_253, %mul3A_254 : vector<400x128xf32>
    %slice3A_256 = vector.extract_strided_slice %select_n3A_58 {offsets = [0, 15], sizes = [400, 1], strides = [1, 1]} : vector<400x16xf32> to vector<400x1xf32>
    %mul3A_257 = vector.broadcast %slice3A_256 : vector<400x1xf32> to vector<400x128xf32>
    %mul3A_258 = vector.broadcast %get3A_40 : vector<1x128xf32> to vector<400x128xf32>
    %mul3A_259 = arith.mulf %mul3A_257, %mul3A_258 : vector<400x128xf32>
    %add3A_260 = arith.addf %mul3A_255, %mul3A_259 : vector<400x128xf32>
    %max3A_261 = arith.constant 0.000000e+00 : f32
    %max3A_262 = vector.broadcast %max3A_261 : f32 to vector<400x128xf32>
    %max3A_263 = arith.maximumf %add3A_260, %max3A_262 : vector<400x128xf32>
    %add3A_264 = arith.addf %add3A_251, %max3A_263 : vector<400x128xf32>
    %get3A_265 = arith.constant 0 : index
    %get3A_266 = arith.constant 0 : index
    %get3A_267 = vector.load %arg10[%get3A_265, %get3A_266] : memref<128x128xf32, #tpu.memory_space<vmem>>, vector<128x128xf32>
    %dot_general3A_268 = arith.constant dense<0.000000e+00> : vector<400x128xf32>
    %dot_general3A_269 = tpu.matmul %add3A_264, %get3A_267, %dot_general3A_268 {dimension_numbers = #tpu.dot_dimension_numbers<[1], [0], [0], [1], [0, 0, 1, 1], [], []>, precision = #tpu.contract_precision<fp32>, transpose_lhs_hint = false} : vector<400x128xf32>, vector<128x128xf32>, vector<400x128xf32> -> vector<400x128xf32>
    %get3A_270 = arith.constant 0 : index
    %get3A_271 = arith.constant 0 : index
    %get3A_272 = vector.load %arg11[%get3A_270, %get3A_271] : memref<128x128xf32, #tpu.memory_space<vmem>>, vector<128x128xf32>
    %dot_general3A_273 = arith.constant dense<0.000000e+00> : vector<400x128xf32>
    %dot_general3A_274 = tpu.matmul %dot_general3A_269, %get3A_272, %dot_general3A_273 {dimension_numbers = #tpu.dot_dimension_numbers<[1], [0], [0], [1], [0, 0, 1, 1], [], []>, precision = #tpu.contract_precision<fp32>, transpose_lhs_hint = false} : vector<400x128xf32>, vector<128x128xf32>, vector<400x128xf32> -> vector<400x128xf32>
    %get3A_275 = arith.constant 0 : index
    %get3A_276 = arith.constant 0 : index
    %get3A_277 = vector.load %arg12[%get3A_275, %get3A_276] : memref<1x128xf32, #tpu.memory_space<vmem>>, vector<1x128xf32>
    %add3A_278 = vector.broadcast %get3A_277 : vector<1x128xf32> to vector<400x128xf32>
    %add3A_279 = arith.addf %dot_general3A_274, %add3A_278 : vector<400x128xf32>
    %max3A_280 = arith.constant 0.000000e+00 : f32
    %max3A_281 = vector.broadcast %max3A_280 : f32 to vector<400x128xf32>
    %max3A_282 = arith.maximumf %add3A_279, %max3A_281 : vector<400x128xf32>
    %get3A_283 = arith.constant 0 : index
    %get3A_284 = arith.constant 0 : index
    %get3A_285 = vector.load %arg13[%get3A_283, %get3A_284] : memref<128x128xf32, #tpu.memory_space<vmem>>, vector<128x128xf32>
    %dot_general3A_286 = arith.constant dense<0.000000e+00> : vector<400x128xf32>
    %dot_general3A_287 = tpu.matmul %max3A_282, %get3A_285, %dot_general3A_286 {dimension_numbers = #tpu.dot_dimension_numbers<[1], [0], [0], [1], [0, 0, 1, 1], [], []>, precision = #tpu.contract_precision<fp32>, transpose_lhs_hint = false} : vector<400x128xf32>, vector<128x128xf32>, vector<400x128xf32> -> vector<400x128xf32>
    %get3A_288 = arith.constant 0 : index
    %get3A_289 = arith.constant 0 : index
    %get3A_290 = vector.load %arg14[%get3A_288, %get3A_289] : memref<1x128xf32, #tpu.memory_space<vmem>>, vector<1x128xf32>
    %add3A_291 = vector.broadcast %get3A_290 : vector<1x128xf32> to vector<400x128xf32>
    %add3A_292 = arith.addf %dot_general3A_287, %add3A_291 : vector<400x128xf32>
    %add3A_293 = arith.addf %add3A_34, %add3A_292 : vector<400x128xf32>
    %swap3A = arith.constant 0 : index
    %swap3A_294 = arith.constant 0 : index
    %swap3A_295 = vector.load %arg15[%swap3A, %swap3A_294] : memref<400x128xf32, #tpu.memory_space<vmem>>, vector<400x128xf32>
    tpu.vector_store %arg15[%swap3A, %swap3A_294], %add3A_293 {strides = array<i32>} : memref<400x128xf32, #tpu.memory_space<vmem>>, vector<400x128xf32>,
    return
  }
  func.func @transform_0(%arg0: i32) -> (i32, i32) {
    %c0_i32 = arith.constant 0 : i32
    %c0_i32_0 = arith.constant 0 : i32
    return %arg0, %c0_i32 : i32, i32
  }
  func.func @transform_1(%arg0: i32) -> (i32, i32) {
    %c0_i32 = arith.constant 0 : i32
    %c0_i32_0 = arith.constant 0 : i32
    return %arg0, %c0_i32 : i32, i32
  }
  func.func @transform_2(%arg0: i32) -> (i32, i32) {
    %c0_i32 = arith.constant 0 : i32
    %c0_i32_0 = arith.constant 0 : i32
    return %arg0, %c0_i32 : i32, i32
  }
  func.func @transform_3(%arg0: i32) -> (i32, i32) {
    %c0_i32 = arith.constant 0 : i32
    %c0_i32_0 = arith.constant 0 : i32
    %c0_i32_1 = arith.constant 0 : i32
    return %c0_i32, %c0_i32_0 : i32, i32
  }
  func.func @transform_4(%arg0: i32) -> (i32, i32) {
    %c0_i32 = arith.constant 0 : i32
    %c0_i32_0 = arith.constant 0 : i32
    %c0_i32_1 = arith.constant 0 : i32
    return %c0_i32, %c0_i32_0 : i32, i32
  }
  func.func @transform_5(%arg0: i32) -> (i32, i32) {
    %c0_i32 = arith.constant 0 : i32
    %c0_i32_0 = arith.constant 0 : i32
    %c0_i32_1 = arith.constant 0 : i32
    return %c0_i32, %c0_i32_0 : i32, i32
  }
  func.func @transform_6(%arg0: i32) -> (i32, i32) {
    %c0_i32 = arith.constant 0 : i32
    %c0_i32_0 = arith.constant 0 : i32
    %c0_i32_1 = arith.constant 0 : i32
    return %c0_i32, %c0_i32_0 : i32, i32
  }
  func.func @transform_7(%arg0: i32) -> (i32, i32) {
    %c0_i32 = arith.constant 0 : i32
    %c0_i32_0 = arith.constant 0 : i32
    %c0_i32_1 = arith.constant 0 : i32
    return %c0_i32, %c0_i32_0 : i32, i32
  }
  func.func @transform_8(%arg0: i32) -> (i32, i32) {
    %c0_i32 = arith.constant 0 : i32
    %c0_i32_0 = arith.constant 0 : i32
    %c0_i32_1 = arith.constant 0 : i32
    return %c0_i32, %c0_i32_0 : i32, i32
  }
  func.func @transform_9(%arg0: i32) -> (i32, i32) {
    %c0_i32 = arith.constant 0 : i32
    %c0_i32_0 = arith.constant 0 : i32
    %c0_i32_1 = arith.constant 0 : i32
    return %c0_i32, %c0_i32_0 : i32, i32
  }
  func.func @transform_10(%arg0: i32) -> (i32, i32) {
    %c0_i32 = arith.constant 0 : i32
    %c0_i32_0 = arith.constant 0 : i32
    %c0_i32_1 = arith.constant 0 : i32
    return %c0_i32, %c0_i32_0 : i32, i32
  }
  func.func @transform_11(%arg0: i32) -> (i32, i32) {
    %c0_i32 = arith.constant 0 : i32
    %c0_i32_0 = arith.constant 0 : i32
    %c0_i32_1 = arith.constant 0 : i32
    return %c0_i32, %c0_i32_0 : i32, i32
  }
  func.func @transform_12(%arg0: i32) -> (i32, i32) {
    %c0_i32 = arith.constant 0 : i32
    %c0_i32_0 = arith.constant 0 : i32
    %c0_i32_1 = arith.constant 0 : i32
    return %c0_i32, %c0_i32_0 : i32, i32
  }
  func.func @transform_13(%arg0: i32) -> (i32, i32) {
    %c0_i32 = arith.constant 0 : i32
    %c0_i32_0 = arith.constant 0 : i32
    %c0_i32_1 = arith.constant 0 : i32
    return %c0_i32, %c0_i32_0 : i32, i32
  }
  func.func @transform_14(%arg0: i32) -> (i32, i32) {
    %c0_i32 = arith.constant 0 : i32
    %c0_i32_0 = arith.constant 0 : i32
    return %arg0, %c0_i32 : i32, i32
  }
}

module attributes {stable_mosaic.version = 14 : i64} {
  func.func @_tc_z_body(%arg0: i32, %arg1: memref<400x128xf32, #tpu.memory_space<vmem>>, %arg2: memref<400x128xf32, #tpu.memory_space<vmem>>, %arg3: memref<400x128xf32, #tpu.memory_space<vmem>>, %arg4: memref<128x128xf32, #tpu.memory_space<vmem>>, %arg5: memref<400x128xf32, #tpu.memory_space<vmem>>, %arg6: memref<400x1xf32, #tpu.memory_space<vmem>>) attributes {dimension_semantics = [#tpu.dimension_semantics<arbitrary>], iteration_bounds = array<i64: 25>, scalar_prefetch = 0 : i64, scratch_operands = 0 : i64, tpu.core_type = #tpu.core_type<tc>, window_params = [{transform_indices = @transform_0, window_bounds = array<i64: 400, 128>}, {transform_indices = @transform_1, window_bounds = array<i64: 400, 128>}, {transform_indices = @transform_2, window_bounds = array<i64: 400, 128>}, {pipeline_mode = #tpu.pipeline_mode<synchronous>, transform_indices = @transform_3, window_bounds = array<i64: 128, 128>}, {transform_indices = @transform_4, window_bounds = array<i64: 400, 128>}, {transform_indices = @transform_5, window_bounds = array<i64: 400, 1>}]} {
    %get3A = arith.constant 0 : index
    %get3A_0 = arith.constant 0 : index
    %get3A_1 = vector.load %arg2[%get3A, %get3A_0] : memref<400x128xf32, #tpu.memory_space<vmem>>, vector<400x1xf32>
    %get3A_2 = arith.constant 0 : index
    %get3A_3 = arith.constant 0 : index
    %get3A_4 = vector.load %arg3[%get3A_2, %get3A_3] : memref<400x128xf32, #tpu.memory_space<vmem>>, vector<400x1xf32>
    %add3A = arith.addf %get3A_1, %get3A_4 : vector<400x1xf32>
    %add3A_5 = arith.constant 1.000000e+00 : f32
    %add3A_6 = vector.broadcast %add3A_5 : f32 to vector<400x1xf32>
    %add3A_7 = arith.addf %add3A, %add3A_6 : vector<400x1xf32>
    %rsqrt3A = math.rsqrt %add3A_7 : vector<400x1xf32>
    %get3A_8 = arith.constant 0 : index
    %get3A_9 = arith.constant 0 : index
    %get3A_10 = vector.load %arg1[%get3A_8, %get3A_9] : memref<400x128xf32, #tpu.memory_space<vmem>>, vector<400x128xf32>
    %get3A_11 = arith.constant 0 : index
    %get3A_12 = arith.constant 0 : index
    %get3A_13 = vector.load %arg4[%get3A_11, %get3A_12] : memref<128x128xf32, #tpu.memory_space<vmem>>, vector<128x128xf32>
    %dot_general3A = arith.constant dense<0.000000e+00> : vector<400x128xf32>
    %dot_general3A_14 = tpu.matmul %get3A_10, %get3A_13, %dot_general3A {dimension_numbers = #tpu.dot_dimension_numbers<[1], [0], [0], [1], [0, 0, 1, 1], [], []>, precision = #tpu.contract_precision<fp32>, transpose_lhs_hint = false} : vector<400x128xf32>, vector<128x128xf32>, vector<400x128xf32> -> vector<400x128xf32>
    %mul3A = vector.broadcast %rsqrt3A : vector<400x1xf32> to vector<400x128xf32>
    %mul3A_15 = arith.mulf %dot_general3A_14, %mul3A : vector<400x128xf32>
    %swap3A = arith.constant 0 : index
    %swap3A_16 = arith.constant 0 : index
    %swap3A_17 = vector.load %arg5[%swap3A, %swap3A_16] : memref<400x128xf32, #tpu.memory_space<vmem>>, vector<400x128xf32>
    tpu.vector_store %arg5[%swap3A, %swap3A_16], %mul3A_15 {strides = array<i32>} : memref<400x128xf32, #tpu.memory_space<vmem>>, vector<400x128xf32>,
    %swap3A_18 = arith.constant 0 : index
    %swap3A_19 = arith.constant 0 : index
    %swap3A_20 = vector.load %arg6[%swap3A_18, %swap3A_19] : memref<400x1xf32, #tpu.memory_space<vmem>>, vector<400x1xf32>
    tpu.vector_store %arg6[%swap3A_18, %swap3A_19], %rsqrt3A {strides = array<i32>} : memref<400x1xf32, #tpu.memory_space<vmem>>, vector<400x1xf32>,
    return
  }
  func.func @transform_0(%arg0: i32) -> (i32, i32) {
    %c0_i32 = arith.constant 0 : i32
    %c0_i32_0 = arith.constant 0 : i32
    return %arg0, %c0_i32 : i32, i32
  }
  func.func @transform_1(%arg0: i32) -> (i32, i32) {
    %c0_i32 = arith.constant 0 : i32
    %c0_i32_0 = arith.constant 0 : i32
    return %arg0, %c0_i32 : i32, i32
  }
  func.func @transform_2(%arg0: i32) -> (i32, i32) {
    %c0_i32 = arith.constant 0 : i32
    %c0_i32_0 = arith.constant 0 : i32
    return %arg0, %c0_i32 : i32, i32
  }
  func.func @transform_3(%arg0: i32) -> (i32, i32) {
    %c0_i32 = arith.constant 0 : i32
    %c0_i32_0 = arith.constant 0 : i32
    %c0_i32_1 = arith.constant 0 : i32
    return %c0_i32, %c0_i32_0 : i32, i32
  }
  func.func @transform_4(%arg0: i32) -> (i32, i32) {
    %c0_i32 = arith.constant 0 : i32
    %c0_i32_0 = arith.constant 0 : i32
    return %arg0, %c0_i32 : i32, i32
  }
  func.func @transform_5(%arg0: i32) -> (i32, i32) {
    %c0_i32 = arith.constant 0 : i32
    %c0_i32_0 = arith.constant 0 : i32
    return %arg0, %c0_i32 : i32, i32
  }
}

module attributes {stable_mosaic.version = 14 : i64} {
  func.func @_tc_update_body(%arg0: i32, %arg1: memref<400x128xf32, #tpu.memory_space<vmem>>, %arg2: memref<400x128xf32, #tpu.memory_space<vmem>>, %arg3: memref<400x128xf32, #tpu.memory_space<vmem>>, %arg4: memref<400x128xf32, #tpu.memory_space<vmem>>, %arg5: memref<400x1xf32, #tpu.memory_space<vmem>>, %arg6: memref<1x128xf32, #tpu.memory_space<vmem>>, %arg7: memref<1x128xf32, #tpu.memory_space<vmem>>, %arg8: memref<1x128xf32, #tpu.memory_space<vmem>>, %arg9: memref<128x128xf32, #tpu.memory_space<vmem>>, %arg10: memref<400x128xf32, #tpu.memory_space<vmem>>, %arg11: memref<400x128xf32, #tpu.memory_space<vmem>>) attributes {dimension_semantics = [#tpu.dimension_semantics<arbitrary>], iteration_bounds = array<i64: 25>, scalar_prefetch = 0 : i64, scratch_operands = 0 : i64, tpu.core_type = #tpu.core_type<tc>, window_params = [{transform_indices = @transform_0, window_bounds = array<i64: 400, 128>}, {transform_indices = @transform_1, window_bounds = array<i64: 400, 128>}, {transform_indices = @transform_2, window_bounds = array<i64: 400, 128>}, {transform_indices = @transform_3, window_bounds = array<i64: 400, 128>}, {transform_indices = @transform_4, window_bounds = array<i64: 400, 1>}, {pipeline_mode = #tpu.pipeline_mode<synchronous>, transform_indices = @transform_5, window_bounds = array<i64: 1, 128>}, {pipeline_mode = #tpu.pipeline_mode<synchronous>, transform_indices = @transform_6, window_bounds = array<i64: 1, 128>}, {pipeline_mode = #tpu.pipeline_mode<synchronous>, transform_indices = @transform_7, window_bounds = array<i64: 1, 128>}, {pipeline_mode = #tpu.pipeline_mode<synchronous>, transform_indices = @transform_8, window_bounds = array<i64: 128, 128>}, {transform_indices = @transform_9, window_bounds = array<i64: 400, 128>}, {transform_indices = @transform_10, window_bounds = array<i64: 400, 128>}]} {
    %get3A = arith.constant 0 : index
    %get3A_0 = arith.constant 0 : index
    %get3A_1 = vector.load %arg5[%get3A, %get3A_0] : memref<400x1xf32, #tpu.memory_space<vmem>>, vector<400x1xf32>
    %get3A_2 = arith.constant 0 : index
    %get3A_3 = arith.constant 0 : index
    %get3A_4 = vector.load %arg3[%get3A_2, %get3A_3] : memref<400x128xf32, #tpu.memory_space<vmem>>, vector<400x128xf32>
    %get3A_5 = arith.constant 0 : index
    %get3A_6 = arith.constant 0 : index
    %get3A_7 = vector.load %arg4[%get3A_5, %get3A_6] : memref<400x128xf32, #tpu.memory_space<vmem>>, vector<400x128xf32>
    %add3A = arith.addf %get3A_4, %get3A_7 : vector<400x128xf32>
    %get3A_8 = arith.constant 0 : index
    %get3A_9 = arith.constant 0 : index
    %get3A_10 = vector.load %arg2[%get3A_8, %get3A_9] : memref<400x128xf32, #tpu.memory_space<vmem>>, vector<400x128xf32>
    %add3A_11 = arith.addf %add3A, %get3A_10 : vector<400x128xf32>
    %mul3A = vector.broadcast %get3A_1 : vector<400x1xf32> to vector<400x128xf32>
    %mul3A_12 = arith.mulf %mul3A, %add3A_11 : vector<400x128xf32>
    %get3A_13 = arith.constant 0 : index
    %get3A_14 = arith.constant 0 : index
    %get3A_15 = vector.load %arg6[%get3A_13, %get3A_14] : memref<1x128xf32, #tpu.memory_space<vmem>>, vector<1x128xf32>
    %add3A_16 = vector.broadcast %get3A_15 : vector<1x128xf32> to vector<400x128xf32>
    %add3A_17 = arith.addf %mul3A_12, %add3A_16 : vector<400x128xf32>
    %mul3A_18 = arith.constant 5.000000e-01 : f32
    %mul3A_19 = vector.broadcast %mul3A_18 : f32 to vector<400x128xf32>
    %mul3A_20 = arith.mulf %mul3A_19, %add3A_17 : vector<400x128xf32>
    %mul3A_21 = arith.constant 0.707106769 : f32
    %mul3A_22 = vector.broadcast %mul3A_21 : f32 to vector<400x128xf32>
    %mul3A_23 = arith.mulf %add3A_17, %mul3A_22 : vector<400x128xf32>
    %erf3A = math.erf %mul3A_23 : vector<400x128xf32>
    %add3A_24 = arith.constant 1.000000e+00 : f32
    %add3A_25 = vector.broadcast %add3A_24 : f32 to vector<400x128xf32>
    %add3A_26 = arith.addf %add3A_25, %erf3A : vector<400x128xf32>
    %mul3A_27 = arith.mulf %mul3A_20, %add3A_26 : vector<400x128xf32>
    %get3A_28 = arith.constant 0 : index
    %get3A_29 = arith.constant 0 : index
    %get3A_30 = vector.load %arg7[%get3A_28, %get3A_29] : memref<1x128xf32, #tpu.memory_space<vmem>>, vector<1x128xf32>
    %get3A_31 = arith.constant 0 : index
    %get3A_32 = arith.constant 0 : index
    %get3A_33 = vector.load %arg8[%get3A_31, %get3A_32] : memref<1x128xf32, #tpu.memory_space<vmem>>, vector<1x128xf32>
    %reduce_sum3A = arith.constant dense<0.000000e+00> : vector<400xf32>
    %reduce_sum3A_34 = vector.multi_reduction <add>, %mul3A_27, %reduce_sum3A [1] : vector<400x128xf32> to vector<400xf32>
    %broadcast_in_dim3A = vector.shape_cast %reduce_sum3A_34 : vector<400xf32> to vector<400x1xf32>
    %div3A = arith.constant 1.280000e+02 : f32
    %div3A_35 = vector.broadcast %div3A : f32 to vector<400x1xf32>
    %div3A_36 = arith.divf %broadcast_in_dim3A, %div3A_35 : vector<400x1xf32>
    %sub3A = vector.broadcast %div3A_36 : vector<400x1xf32> to vector<400x128xf32>
    %sub3A_37 = arith.subf %mul3A_27, %sub3A : vector<400x128xf32>
    %mul3A_38 = arith.mulf %sub3A_37, %sub3A_37 : vector<400x128xf32>
    %reduce_sum3A_39 = arith.constant dense<0.000000e+00> : vector<400xf32>
    %reduce_sum3A_40 = vector.multi_reduction <add>, %mul3A_38, %reduce_sum3A_39 [1] : vector<400x128xf32> to vector<400xf32>
    %broadcast_in_dim3A_41 = vector.shape_cast %reduce_sum3A_40 : vector<400xf32> to vector<400x1xf32>
    %div3A_42 = arith.constant 1.280000e+02 : f32
    %div3A_43 = vector.broadcast %div3A_42 : f32 to vector<400x1xf32>
    %div3A_44 = arith.divf %broadcast_in_dim3A_41, %div3A_43 : vector<400x1xf32>
    %add3A_45 = arith.constant 9.99999974E-6 : f32
    %add3A_46 = vector.broadcast %add3A_45 : f32 to vector<400x1xf32>
    %add3A_47 = arith.addf %div3A_44, %add3A_46 : vector<400x1xf32>
    %rsqrt3A = math.rsqrt %add3A_47 : vector<400x1xf32>
    %mul3A_48 = vector.broadcast %rsqrt3A : vector<400x1xf32> to vector<400x128xf32>
    %mul3A_49 = arith.mulf %sub3A_37, %mul3A_48 : vector<400x128xf32>
    %mul3A_50 = vector.broadcast %get3A_30 : vector<1x128xf32> to vector<400x128xf32>
    %mul3A_51 = arith.mulf %mul3A_49, %mul3A_50 : vector<400x128xf32>
    %add3A_52 = vector.broadcast %get3A_33 : vector<1x128xf32> to vector<400x128xf32>
    %add3A_53 = arith.addf %mul3A_51, %add3A_52 : vector<400x128xf32>
    %get3A_54 = arith.constant 0 : index
    %get3A_55 = arith.constant 0 : index
    %get3A_56 = vector.load %arg1[%get3A_54, %get3A_55] : memref<400x128xf32, #tpu.memory_space<vmem>>, vector<400x128xf32>
    %add3A_57 = arith.addf %get3A_56, %add3A_53 : vector<400x128xf32>
    %swap3A = arith.constant 0 : index
    %swap3A_58 = arith.constant 0 : index
    %swap3A_59 = vector.load %arg10[%swap3A, %swap3A_58] : memref<400x128xf32, #tpu.memory_space<vmem>>, vector<400x128xf32>
    tpu.vector_store %arg10[%swap3A, %swap3A_58], %add3A_57 {strides = array<i32>} : memref<400x128xf32, #tpu.memory_space<vmem>>, vector<400x128xf32>,
    %get3A_60 = arith.constant 0 : index
    %get3A_61 = arith.constant 0 : index
    %get3A_62 = vector.load %arg9[%get3A_60, %get3A_61] : memref<128x128xf32, #tpu.memory_space<vmem>>, vector<128x128xf32>
    %dot_general3A = arith.constant dense<0.000000e+00> : vector<400x128xf32>
    %dot_general3A_63 = tpu.matmul %add3A_57, %get3A_62, %dot_general3A {dimension_numbers = #tpu.dot_dimension_numbers<[1], [0], [0], [1], [0, 0, 1, 1], [], []>, precision = #tpu.contract_precision<fp32>, transpose_lhs_hint = false} : vector<400x128xf32>, vector<128x128xf32>, vector<400x128xf32> -> vector<400x128xf32>
    %get3A_64 = arith.constant 0 : index
    %get3A_65 = arith.constant 0 : index
    %get3A_66 = vector.load %arg5[%get3A_64, %get3A_65] : memref<400x1xf32, #tpu.memory_space<vmem>>, vector<400x1xf32>
    %mul3A_67 = vector.broadcast %get3A_66 : vector<400x1xf32> to vector<400x128xf32>
    %mul3A_68 = arith.mulf %dot_general3A_63, %mul3A_67 : vector<400x128xf32>
    %swap3A_69 = arith.constant 0 : index
    %swap3A_70 = arith.constant 0 : index
    %swap3A_71 = vector.load %arg11[%swap3A_69, %swap3A_70] : memref<400x128xf32, #tpu.memory_space<vmem>>, vector<400x128xf32>
    tpu.vector_store %arg11[%swap3A_69, %swap3A_70], %mul3A_68 {strides = array<i32>} : memref<400x128xf32, #tpu.memory_space<vmem>>, vector<400x128xf32>,
    return
  }
  func.func @transform_0(%arg0: i32) -> (i32, i32) {
    %c0_i32 = arith.constant 0 : i32
    %c0_i32_0 = arith.constant 0 : i32
    return %arg0, %c0_i32 : i32, i32
  }
  func.func @transform_1(%arg0: i32) -> (i32, i32) {
    %c0_i32 = arith.constant 0 : i32
    %c0_i32_0 = arith.constant 0 : i32
    return %arg0, %c0_i32 : i32, i32
  }
  func.func @transform_2(%arg0: i32) -> (i32, i32) {
    %c0_i32 = arith.constant 0 : i32
    %c0_i32_0 = arith.constant 0 : i32
    return %arg0, %c0_i32 : i32, i32
  }
  func.func @transform_3(%arg0: i32) -> (i32, i32) {
    %c0_i32 = arith.constant 0 : i32
    %c0_i32_0 = arith.constant 0 : i32
    return %arg0, %c0_i32 : i32, i32
  }
  func.func @transform_4(%arg0: i32) -> (i32, i32) {
    %c0_i32 = arith.constant 0 : i32
    %c0_i32_0 = arith.constant 0 : i32
    return %arg0, %c0_i32 : i32, i32
  }
  func.func @transform_5(%arg0: i32) -> (i32, i32) {
    %c0_i32 = arith.constant 0 : i32
    %c0_i32_0 = arith.constant 0 : i32
    %c0_i32_1 = arith.constant 0 : i32
    return %c0_i32, %c0_i32_0 : i32, i32
  }
  func.func @transform_6(%arg0: i32) -> (i32, i32) {
    %c0_i32 = arith.constant 0 : i32
    %c0_i32_0 = arith.constant 0 : i32
    %c0_i32_1 = arith.constant 0 : i32
    return %c0_i32, %c0_i32_0 : i32, i32
  }
  func.func @transform_7(%arg0: i32) -> (i32, i32) {
    %c0_i32 = arith.constant 0 : i32
    %c0_i32_0 = arith.constant 0 : i32
    %c0_i32_1 = arith.constant 0 : i32
    return %c0_i32, %c0_i32_0 : i32, i32
  }
  func.func @transform_8(%arg0: i32) -> (i32, i32) {
    %c0_i32 = arith.constant 0 : i32
    %c0_i32_0 = arith.constant 0 : i32
    %c0_i32_1 = arith.constant 0 : i32
    return %c0_i32, %c0_i32_0 : i32, i32
  }
  func.func @transform_9(%arg0: i32) -> (i32, i32) {
    %c0_i32 = arith.constant 0 : i32
    %c0_i32_0 = arith.constant 0 : i32
    return %arg0, %c0_i32 : i32, i32
  }
  func.func @transform_10(%arg0: i32) -> (i32, i32) {
    %c0_i32 = arith.constant 0 : i32
    %c0_i32_0 = arith.constant 0 : i32
    return %arg0, %c0_i32 : i32, i32
  }
}

module attributes {stable_mosaic.version = 14 : i64} {
  func.func @_tc_head_body(%arg0: i32, %arg1: memref<400x128xf32, #tpu.memory_space<vmem>>, %arg2: memref<400x128xf32, #tpu.memory_space<vmem>>, %arg3: memref<400x128xf32, #tpu.memory_space<vmem>>, %arg4: memref<400x128xf32, #tpu.memory_space<vmem>>, %arg5: memref<400x1xf32, #tpu.memory_space<vmem>>, %arg6: memref<1x128xf32, #tpu.memory_space<vmem>>, %arg7: memref<1x128xf32, #tpu.memory_space<vmem>>, %arg8: memref<1x128xf32, #tpu.memory_space<vmem>>, %arg9: memref<128x128xf32, #tpu.memory_space<vmem>>, %arg10: memref<1x128xf32, #tpu.memory_space<vmem>>, %arg11: memref<1x128xf32, #tpu.memory_space<vmem>>, %arg12: memref<1x128xf32, #tpu.memory_space<vmem>>, %arg13: memref<128x40xf32, #tpu.memory_space<vmem>>, %arg14: memref<1x40xf32, #tpu.memory_space<vmem>>, %arg15: memref<400x40xf32, #tpu.memory_space<vmem>>) attributes {dimension_semantics = [#tpu.dimension_semantics<arbitrary>], iteration_bounds = array<i64: 25>, scalar_prefetch = 0 : i64, scratch_operands = 0 : i64, tpu.core_type = #tpu.core_type<tc>, window_params = [{transform_indices = @transform_0, window_bounds = array<i64: 400, 128>}, {transform_indices = @transform_1, window_bounds = array<i64: 400, 128>}, {transform_indices = @transform_2, window_bounds = array<i64: 400, 128>}, {transform_indices = @transform_3, window_bounds = array<i64: 400, 128>}, {transform_indices = @transform_4, window_bounds = array<i64: 400, 1>}, {pipeline_mode = #tpu.pipeline_mode<synchronous>, transform_indices = @transform_5, window_bounds = array<i64: 1, 128>}, {pipeline_mode = #tpu.pipeline_mode<synchronous>, transform_indices = @transform_6, window_bounds = array<i64: 1, 128>}, {pipeline_mode = #tpu.pipeline_mode<synchronous>, transform_indices = @transform_7, window_bounds = array<i64: 1, 128>}, {pipeline_mode = #tpu.pipeline_mode<synchronous>, transform_indices = @transform_8, window_bounds = array<i64: 128, 128>}, {pipeline_mode = #tpu.pipeline_mode<synchronous>, transform_indices = @transform_9, window_bounds = array<i64: 1, 128>}, {pipeline_mode = #tpu.pipeline_mode<synchronous>, transform_indices = @transform_10, window_bounds = array<i64: 1, 128>}, {pipeline_mode = #tpu.pipeline_mode<synchronous>, transform_indices = @transform_11, window_bounds = array<i64: 1, 128>}, {pipeline_mode = #tpu.pipeline_mode<synchronous>, transform_indices = @transform_12, window_bounds = array<i64: 128, 40>}, {pipeline_mode = #tpu.pipeline_mode<synchronous>, transform_indices = @transform_13, window_bounds = array<i64: 1, 40>}, {transform_indices = @transform_14, window_bounds = array<i64: 400, 40>}]} {
    %get3A = arith.constant 0 : index
    %get3A_0 = arith.constant 0 : index
    %get3A_1 = vector.load %arg5[%get3A, %get3A_0] : memref<400x1xf32, #tpu.memory_space<vmem>>, vector<400x1xf32>
    %get3A_2 = arith.constant 0 : index
    %get3A_3 = arith.constant 0 : index
    %get3A_4 = vector.load %arg3[%get3A_2, %get3A_3] : memref<400x128xf32, #tpu.memory_space<vmem>>, vector<400x128xf32>
    %get3A_5 = arith.constant 0 : index
    %get3A_6 = arith.constant 0 : index
    %get3A_7 = vector.load %arg4[%get3A_5, %get3A_6] : memref<400x128xf32, #tpu.memory_space<vmem>>, vector<400x128xf32>
    %add3A = arith.addf %get3A_4, %get3A_7 : vector<400x128xf32>
    %get3A_8 = arith.constant 0 : index
    %get3A_9 = arith.constant 0 : index
    %get3A_10 = vector.load %arg2[%get3A_8, %get3A_9] : memref<400x128xf32, #tpu.memory_space<vmem>>, vector<400x128xf32>
    %add3A_11 = arith.addf %add3A, %get3A_10 : vector<400x128xf32>
    %mul3A = vector.broadcast %get3A_1 : vector<400x1xf32> to vector<400x128xf32>
    %mul3A_12 = arith.mulf %mul3A, %add3A_11 : vector<400x128xf32>
    %get3A_13 = arith.constant 0 : index
    %get3A_14 = arith.constant 0 : index
    %get3A_15 = vector.load %arg6[%get3A_13, %get3A_14] : memref<1x128xf32, #tpu.memory_space<vmem>>, vector<1x128xf32>
    %add3A_16 = vector.broadcast %get3A_15 : vector<1x128xf32> to vector<400x128xf32>
    %add3A_17 = arith.addf %mul3A_12, %add3A_16 : vector<400x128xf32>
    %mul3A_18 = arith.constant 5.000000e-01 : f32
    %mul3A_19 = vector.broadcast %mul3A_18 : f32 to vector<400x128xf32>
    %mul3A_20 = arith.mulf %mul3A_19, %add3A_17 : vector<400x128xf32>
    %mul3A_21 = arith.constant 0.707106769 : f32
    %mul3A_22 = vector.broadcast %mul3A_21 : f32 to vector<400x128xf32>
    %mul3A_23 = arith.mulf %add3A_17, %mul3A_22 : vector<400x128xf32>
    %erf3A = math.erf %mul3A_23 : vector<400x128xf32>
    %add3A_24 = arith.constant 1.000000e+00 : f32
    %add3A_25 = vector.broadcast %add3A_24 : f32 to vector<400x128xf32>
    %add3A_26 = arith.addf %add3A_25, %erf3A : vector<400x128xf32>
    %mul3A_27 = arith.mulf %mul3A_20, %add3A_26 : vector<400x128xf32>
    %get3A_28 = arith.constant 0 : index
    %get3A_29 = arith.constant 0 : index
    %get3A_30 = vector.load %arg7[%get3A_28, %get3A_29] : memref<1x128xf32, #tpu.memory_space<vmem>>, vector<1x128xf32>
    %get3A_31 = arith.constant 0 : index
    %get3A_32 = arith.constant 0 : index
    %get3A_33 = vector.load %arg8[%get3A_31, %get3A_32] : memref<1x128xf32, #tpu.memory_space<vmem>>, vector<1x128xf32>
    %reduce_sum3A = arith.constant dense<0.000000e+00> : vector<400xf32>
    %reduce_sum3A_34 = vector.multi_reduction <add>, %mul3A_27, %reduce_sum3A [1] : vector<400x128xf32> to vector<400xf32>
    %broadcast_in_dim3A = vector.shape_cast %reduce_sum3A_34 : vector<400xf32> to vector<400x1xf32>
    %div3A = arith.constant 1.280000e+02 : f32
    %div3A_35 = vector.broadcast %div3A : f32 to vector<400x1xf32>
    %div3A_36 = arith.divf %broadcast_in_dim3A, %div3A_35 : vector<400x1xf32>
    %sub3A = vector.broadcast %div3A_36 : vector<400x1xf32> to vector<400x128xf32>
    %sub3A_37 = arith.subf %mul3A_27, %sub3A : vector<400x128xf32>
    %mul3A_38 = arith.mulf %sub3A_37, %sub3A_37 : vector<400x128xf32>
    %reduce_sum3A_39 = arith.constant dense<0.000000e+00> : vector<400xf32>
    %reduce_sum3A_40 = vector.multi_reduction <add>, %mul3A_38, %reduce_sum3A_39 [1] : vector<400x128xf32> to vector<400xf32>
    %broadcast_in_dim3A_41 = vector.shape_cast %reduce_sum3A_40 : vector<400xf32> to vector<400x1xf32>
    %div3A_42 = arith.constant 1.280000e+02 : f32
    %div3A_43 = vector.broadcast %div3A_42 : f32 to vector<400x1xf32>
    %div3A_44 = arith.divf %broadcast_in_dim3A_41, %div3A_43 : vector<400x1xf32>
    %add3A_45 = arith.constant 9.99999974E-6 : f32
    %add3A_46 = vector.broadcast %add3A_45 : f32 to vector<400x1xf32>
    %add3A_47 = arith.addf %div3A_44, %add3A_46 : vector<400x1xf32>
    %rsqrt3A = math.rsqrt %add3A_47 : vector<400x1xf32>
    %mul3A_48 = vector.broadcast %rsqrt3A : vector<400x1xf32> to vector<400x128xf32>
    %mul3A_49 = arith.mulf %sub3A_37, %mul3A_48 : vector<400x128xf32>
    %mul3A_50 = vector.broadcast %get3A_30 : vector<1x128xf32> to vector<400x128xf32>
    %mul3A_51 = arith.mulf %mul3A_49, %mul3A_50 : vector<400x128xf32>
    %add3A_52 = vector.broadcast %get3A_33 : vector<1x128xf32> to vector<400x128xf32>
    %add3A_53 = arith.addf %mul3A_51, %add3A_52 : vector<400x128xf32>
    %get3A_54 = arith.constant 0 : index
    %get3A_55 = arith.constant 0 : index
    %get3A_56 = vector.load %arg1[%get3A_54, %get3A_55] : memref<400x128xf32, #tpu.memory_space<vmem>>, vector<400x128xf32>
    %add3A_57 = arith.addf %get3A_56, %add3A_53 : vector<400x128xf32>
    %get3A_58 = arith.constant 0 : index
    %get3A_59 = arith.constant 0 : index
    %get3A_60 = vector.load %arg9[%get3A_58, %get3A_59] : memref<128x128xf32, #tpu.memory_space<vmem>>, vector<128x128xf32>
    %dot_general3A = arith.constant dense<0.000000e+00> : vector<400x128xf32>
    %dot_general3A_61 = tpu.matmul %add3A_57, %get3A_60, %dot_general3A {dimension_numbers = #tpu.dot_dimension_numbers<[1], [0], [0], [1], [0, 0, 1, 1], [], []>, precision = #tpu.contract_precision<fp32>, transpose_lhs_hint = false} : vector<400x128xf32>, vector<128x128xf32>, vector<400x128xf32> -> vector<400x128xf32>
    %get3A_62 = arith.constant 0 : index
    %get3A_63 = arith.constant 0 : index
    %get3A_64 = vector.load %arg10[%get3A_62, %get3A_63] : memref<1x128xf32, #tpu.memory_space<vmem>>, vector<1x128xf32>
    %add3A_65 = vector.broadcast %get3A_64 : vector<1x128xf32> to vector<400x128xf32>
    %add3A_66 = arith.addf %dot_general3A_61, %add3A_65 : vector<400x128xf32>
    %mul3A_67 = arith.constant 5.000000e-01 : f32
    %mul3A_68 = vector.broadcast %mul3A_67 : f32 to vector<400x128xf32>
    %mul3A_69 = arith.mulf %mul3A_68, %add3A_66 : vector<400x128xf32>
    %mul3A_70 = arith.constant 0.707106769 : f32
    %mul3A_71 = vector.broadcast %mul3A_70 : f32 to vector<400x128xf32>
    %mul3A_72 = arith.mulf %add3A_66, %mul3A_71 : vector<400x128xf32>
    %erf3A_73 = math.erf %mul3A_72 : vector<400x128xf32>
    %add3A_74 = arith.constant 1.000000e+00 : f32
    %add3A_75 = vector.broadcast %add3A_74 : f32 to vector<400x128xf32>
    %add3A_76 = arith.addf %add3A_75, %erf3A_73 : vector<400x128xf32>
    %mul3A_77 = arith.mulf %mul3A_69, %add3A_76 : vector<400x128xf32>
    %get3A_78 = arith.constant 0 : index
    %get3A_79 = arith.constant 0 : index
    %get3A_80 = vector.load %arg11[%get3A_78, %get3A_79] : memref<1x128xf32, #tpu.memory_space<vmem>>, vector<1x128xf32>
    %get3A_81 = arith.constant 0 : index
    %get3A_82 = arith.constant 0 : index
    %get3A_83 = vector.load %arg12[%get3A_81, %get3A_82] : memref<1x128xf32, #tpu.memory_space<vmem>>, vector<1x128xf32>
    %reduce_sum3A_84 = arith.constant dense<0.000000e+00> : vector<400xf32>
    %reduce_sum3A_85 = vector.multi_reduction <add>, %mul3A_77, %reduce_sum3A_84 [1] : vector<400x128xf32> to vector<400xf32>
    %broadcast_in_dim3A_86 = vector.shape_cast %reduce_sum3A_85 : vector<400xf32> to vector<400x1xf32>
    %div3A_87 = arith.constant 1.280000e+02 : f32
    %div3A_88 = vector.broadcast %div3A_87 : f32 to vector<400x1xf32>
    %div3A_89 = arith.divf %broadcast_in_dim3A_86, %div3A_88 : vector<400x1xf32>
    %sub3A_90 = vector.broadcast %div3A_89 : vector<400x1xf32> to vector<400x128xf32>
    %sub3A_91 = arith.subf %mul3A_77, %sub3A_90 : vector<400x128xf32>
    %mul3A_92 = arith.mulf %sub3A_91, %sub3A_91 : vector<400x128xf32>
    %reduce_sum3A_93 = arith.constant dense<0.000000e+00> : vector<400xf32>
    %reduce_sum3A_94 = vector.multi_reduction <add>, %mul3A_92, %reduce_sum3A_93 [1] : vector<400x128xf32> to vector<400xf32>
    %broadcast_in_dim3A_95 = vector.shape_cast %reduce_sum3A_94 : vector<400xf32> to vector<400x1xf32>
    %div3A_96 = arith.constant 1.280000e+02 : f32
    %div3A_97 = vector.broadcast %div3A_96 : f32 to vector<400x1xf32>
    %div3A_98 = arith.divf %broadcast_in_dim3A_95, %div3A_97 : vector<400x1xf32>
    %add3A_99 = arith.constant 9.99999974E-6 : f32
    %add3A_100 = vector.broadcast %add3A_99 : f32 to vector<400x1xf32>
    %add3A_101 = arith.addf %div3A_98, %add3A_100 : vector<400x1xf32>
    %rsqrt3A_102 = math.rsqrt %add3A_101 : vector<400x1xf32>
    %mul3A_103 = vector.broadcast %rsqrt3A_102 : vector<400x1xf32> to vector<400x128xf32>
    %mul3A_104 = arith.mulf %sub3A_91, %mul3A_103 : vector<400x128xf32>
    %mul3A_105 = vector.broadcast %get3A_80 : vector<1x128xf32> to vector<400x128xf32>
    %mul3A_106 = arith.mulf %mul3A_104, %mul3A_105 : vector<400x128xf32>
    %add3A_107 = vector.broadcast %get3A_83 : vector<1x128xf32> to vector<400x128xf32>
    %add3A_108 = arith.addf %mul3A_106, %add3A_107 : vector<400x128xf32>
    %get3A_109 = arith.constant 0 : index
    %get3A_110 = arith.constant 0 : index
    %get3A_111 = vector.load %arg13[%get3A_109, %get3A_110] : memref<128x40xf32, #tpu.memory_space<vmem>>, vector<128x40xf32>
    %dot_general3A_112 = arith.constant dense<0.000000e+00> : vector<400x40xf32>
    %dot_general3A_113 = tpu.matmul %add3A_108, %get3A_111, %dot_general3A_112 {dimension_numbers = #tpu.dot_dimension_numbers<[1], [0], [0], [1], [0, 0, 1, 1], [], []>, precision = #tpu.contract_precision<fp32>, transpose_lhs_hint = false} : vector<400x128xf32>, vector<128x40xf32>, vector<400x40xf32> -> vector<400x40xf32>
    %get3A_114 = arith.constant 0 : index
    %get3A_115 = arith.constant 0 : index
    %get3A_116 = vector.load %arg14[%get3A_114, %get3A_115] : memref<1x40xf32, #tpu.memory_space<vmem>>, vector<1x40xf32>
    %add3A_117 = vector.broadcast %get3A_116 : vector<1x40xf32> to vector<400x40xf32>
    %add3A_118 = arith.addf %dot_general3A_113, %add3A_117 : vector<400x40xf32>
    %swap3A = arith.constant 0 : index
    %swap3A_119 = arith.constant 0 : index
    %swap3A_120 = vector.load %arg15[%swap3A, %swap3A_119] : memref<400x40xf32, #tpu.memory_space<vmem>>, vector<400x40xf32>
    tpu.vector_store %arg15[%swap3A, %swap3A_119], %add3A_118 {strides = array<i32>} : memref<400x40xf32, #tpu.memory_space<vmem>>, vector<400x40xf32>,
    return
  }
  func.func @transform_0(%arg0: i32) -> (i32, i32) {
    %c0_i32 = arith.constant 0 : i32
    %c0_i32_0 = arith.constant 0 : i32
    return %arg0, %c0_i32 : i32, i32
  }
  func.func @transform_1(%arg0: i32) -> (i32, i32) {
    %c0_i32 = arith.constant 0 : i32
    %c0_i32_0 = arith.constant 0 : i32
    return %arg0, %c0_i32 : i32, i32
  }
  func.func @transform_2(%arg0: i32) -> (i32, i32) {
    %c0_i32 = arith.constant 0 : i32
    %c0_i32_0 = arith.constant 0 : i32
    return %arg0, %c0_i32 : i32, i32
  }
  func.func @transform_3(%arg0: i32) -> (i32, i32) {
    %c0_i32 = arith.constant 0 : i32
    %c0_i32_0 = arith.constant 0 : i32
    return %arg0, %c0_i32 : i32, i32
  }
  func.func @transform_4(%arg0: i32) -> (i32, i32) {
    %c0_i32 = arith.constant 0 : i32
    %c0_i32_0 = arith.constant 0 : i32
    return %arg0, %c0_i32 : i32, i32
  }
  func.func @transform_5(%arg0: i32) -> (i32, i32) {
    %c0_i32 = arith.constant 0 : i32
    %c0_i32_0 = arith.constant 0 : i32
    %c0_i32_1 = arith.constant 0 : i32
    return %c0_i32, %c0_i32_0 : i32, i32
  }
  func.func @transform_6(%arg0: i32) -> (i32, i32) {
    %c0_i32 = arith.constant 0 : i32
    %c0_i32_0 = arith.constant 0 : i32
    %c0_i32_1 = arith.constant 0 : i32
    return %c0_i32, %c0_i32_0 : i32, i32
  }
  func.func @transform_7(%arg0: i32) -> (i32, i32) {
    %c0_i32 = arith.constant 0 : i32
    %c0_i32_0 = arith.constant 0 : i32
    %c0_i32_1 = arith.constant 0 : i32
    return %c0_i32, %c0_i32_0 : i32, i32
  }
  func.func @transform_8(%arg0: i32) -> (i32, i32) {
    %c0_i32 = arith.constant 0 : i32
    %c0_i32_0 = arith.constant 0 : i32
    %c0_i32_1 = arith.constant 0 : i32
    return %c0_i32, %c0_i32_0 : i32, i32
  }
  func.func @transform_9(%arg0: i32) -> (i32, i32) {
    %c0_i32 = arith.constant 0 : i32
    %c0_i32_0 = arith.constant 0 : i32
    %c0_i32_1 = arith.constant 0 : i32
    return %c0_i32, %c0_i32_0 : i32, i32
  }
  func.func @transform_10(%arg0: i32) -> (i32, i32) {
    %c0_i32 = arith.constant 0 : i32
    %c0_i32_0 = arith.constant 0 : i32
    %c0_i32_1 = arith.constant 0 : i32
    return %c0_i32, %c0_i32_0 : i32, i32
  }
  func.func @transform_11(%arg0: i32) -> (i32, i32) {
    %c0_i32 = arith.constant 0 : i32
    %c0_i32_0 = arith.constant 0 : i32
    %c0_i32_1 = arith.constant 0 : i32
    return %c0_i32, %c0_i32_0 : i32, i32
  }
  func.func @transform_12(%arg0: i32) -> (i32, i32) {
    %c0_i32 = arith.constant 0 : i32
    %c0_i32_0 = arith.constant 0 : i32
    %c0_i32_1 = arith.constant 0 : i32
    return %c0_i32, %c0_i32_0 : i32, i32
  }
  func.func @transform_13(%arg0: i32) -> (i32, i32) {
    %c0_i32 = arith.constant 0 : i32
    %c0_i32_0 = arith.constant 0 : i32
    %c0_i32_1 = arith.constant 0 : i32
    return %c0_i32, %c0_i32_0 : i32, i32
  }
  func.func @transform_14(%arg0: i32) -> (i32, i32) {
    %c0_i32 = arith.constant 0 : i32
    %c0_i32_0 = arith.constant 0 : i32
    return %arg0, %c0_i32 : i32, i32
  }
}

</mosaic_0001>

<sc_bundles>
// kernel: kernel.11.cloned.1.call-start
scs
__scs_entry_jumppad:
0x0: {  	(pc) =	sbr.rel $0x88, $3  }
0x1: {  	(tag) =	ssettag $0x0;
	lr =	simm.s32 $0x1  }
0x2: {  	[smem:$0x3F88] =	sst lr;
	_ =	strace $0xD0000000  }
0x3: {  	_ = 	snop  }
0x4: {  	_ = 	snop  }
0x5: {  	_ = 	snop  }
0x6: {  	_ = 	snop  }
0x7: {  	_ = 	snop  }
__scs_overlays_trampoline_lowered:
0x8: {  	[smem:$0x3F97] =	sst s0  }
0x9: {  	[smem:$0x3F98] =	sst s1  }
0xa: {  	[smem:$0x3F99] =	sst s2  }
0xb: {  	[smem:$0x3F9A] =	sst s3  }
0xc: {  	[smem:$0x3F9B] =	sst s4  }
0xd: {  	[smem:$0x3F9C] =	sst s5  }
0xe: {  	[smem:$0x3F9D] =	sst s6  }
0xf: {  	[smem:$0x3F9E] =	sst s7  }
0x10: {  	[smem:$0x3F9F] =	sst s8  }
0x11: {  	[smem:$0x3FA0] =	sst s9;
	s0 =	simm.s32 @!p0 $0x0  }
0x12: {  	s1 =	sld [smem:$0x3F86];
	s0 =	simm.s32 @p0 $0x1  }
0x13: {  	[smem:$0x3FA1] =	sst s0;
	s0 =	simm.s32 @!p1 $0x0  }
0x14: {  	s2 =	sld [smem:$0x3F85];
	s0 =	simm.s32 @p1 $0x1  }
0x15: {  	[smem:$0x3FA2] =	sst s0;
	s0 =	simm.s32 @!p2 $0x0  }
0x16: {  	s3 =	sld [smem:$0x3FDB];
	s0 =	simm.s32 @p2 $0x1  }
0x17: {  	s4 =	simm.s32 $0x1BF5;
	[smem:$0x3FA4] =	sst s0  }
0x18: {  	s0 =	sld [smem:$0x3F87];
	_ =	swait.ge [sflag:s4], $0x0  }
0x19: {  	s7 =	sld [smem:$0x3F88]  }
0x1a: {  	s8 =	sadd.s32 $0xFFFFE003, lr  }
0x1b: {  	s9 =	sadd.s32 $0xFFFFFEF7, lr;
	s5 =	simm.s32 $0xFFFFFFFF;
	p2 =	slt.u32 s8, $0xFFFFF086  }
0x1c: {  	p1 =	slt.u32 s9, $0xF7A;
	s5 =	simm.s32 @!p2 $0x0  }
0x1d: {  	s5 =	simm.s32 @p1 $0x1;
	p0 =	seq.s32 s7, s2  }
0x1e: {  	s7 =	smul.u32 @!p0 $0xF7A, s2;
	p2 =	seq.s32 @!p0 s5, $0x0  }
0x1f: {  	s9 =	smul.u32 $0xF7A, s1;
	s8 =	simm.s32 @!p0 $0x1BF5;
	p2 =	por !p2, p0  }
0x20: {  	[sflag:s8] =	ssyncset.s32 @!p0 $0xFFFFF086;
	s6 =	sadd.s32 @!p0 s3, s7;
	s7 =	simm.s32 @!p0 $0x108  }
0x21: {  	s3 =	sadd.s32 s3, s9;
	s6 =	sadd.s32 @!p0 $0x88, s6;
	s7 =	simm.s32 @p2 $0x1082  }
0x22: {  	[simem:s7], [sflag:s8] =	dma.local @!p0 [hbm:s6], $0xF7A  }
0x23: {  	s9 =	sor.u32 $0xD0000000, s2;
	s6 =	simm.s32 $0x108;
	_ =	swait.ge @!p0 [sflag:s8], $0x0  }
0x24: {  	s3 =	sadd.s32 $0x88, s3;
	s6 =	simm.s32 @!p1 $0x1082;
	[sflag:s4] =	ssyncset.s32 $0xFFFFF086  }
0x25: {  	[simem:s6], [sflag:s4] =	dma.local [hbm:s3], $0xF7A  }
0x26: {  	[smem:$0x3F88] =	sst s1;
	(tag) =	ssettag s2;
	_ =	strace s9  }
0x27: {  	s1 =	sld [smem:$0x3F98]  }
0x28: {  	s2 =	sld [smem:$0x3F99]  }
0x29: {  	s4 =	sld [smem:$0x3F9B]  }
0x2a: {  	p0 =	seq.s32 s5, $0x0;
	s5 =	sld [smem:$0x3F9C]  }
0x2b: {  	s6 =	sld [smem:$0x3F9D]  }
0x2c: {  	s7 =	sld [smem:$0x3F9E]  }
0x2d: {  	s3 =	simm.s32 $0x108;
	s8 =	sld [smem:$0x3F9F]  }
0x2e: {  	s3 =	simm.s32 @!p0 $0x1082;
	s9 =	sld [smem:$0x3FA0]  }
0x2f: {  	lr =	sadd.s32 s0, s3;
	s0 =	sld [smem:$0x3F97]  }
0x30: {  	s3 =	sld [smem:$0x3F9A]  }
0x31: {  	[smem:$0x3FA3] =	sst s10  }
0x32: {  	s10 =	sld [smem:$0x3FA1];
	_ =	sdelay $0x3  }
0x33: {  	p0 =	seq.s32 s10, $0x1;
	s10 =	sld [smem:$0x3FA3];
	_ =	sdelay $0x3  }
0x34: {  	[smem:$0x3FA3] =	sst s10  }
0x35: {  	s10 =	sld [smem:$0x3FA2];
	_ =	sdelay $0x3  }
0x36: {  	p1 =	seq.s32 s10, $0x1;
	s10 =	sld [smem:$0x3FA3];
	_ =	sdelay $0x3  }
0x37: {  	[smem:$0x3FA3] =	sst s10  }
0x38: {  	s10 =	sld [smem:$0x3FA4]  }
0x39: {  	_ = 	snop;
	(pc) =	sbr.ind lr, $3  }
0x3a: {  	_ = 	snop  }
0x3b: {  	_ = 	snop  }
0x3c: {  	p2 =	seq.s32 s10, $0x1;
	s10 =	sld [smem:$0x3FA3]  }
0x3d: {  	_ =	shalt  }
0x3e: {  	_ =	shalt  }
0x3f: {  	_ =	shalt  }
0x40: {  	_ =	shalt  }
0x41: {  	_ =	shalt  }
0x42: {  	_ =	shalt  }
0x43: {  	_ =	shalt  }
0x44: {  	_ =	shalt  }
0x45: {  	_ =	shalt  }
0x46: {  	_ =	shalt  }
0x47: {  	_ =	shalt  }
0x48: {  	_ =	shalt  }
0x49: {  	_ =	shalt  }
0x4a: {  	_ =	shalt  }
0x4b: {  	_ =	shalt  }
0x4c: {  	_ =	shalt  }
0x4d: {  	_ =	shalt  }
0x4e: {  	_ =	shalt  }
0x4f: {  	_ =	shalt  }
0x50: {  	_ =	shalt  }
0x51: {  	_ =	shalt  }
0x52: {  	_ =	shalt  }
0x53: {  	_ =	shalt  }
0x54: {  	_ =	shalt  }
0x55: {  	_ =	shalt  }
0x56: {  	_ =	shalt  }
0x57: {  	_ =	shalt  }
0x58: {  	_ =	shalt  }
0x59: {  	_ =	shalt  }
0x5a: {  	_ =	shalt  }
0x5b: {  	_ =	shalt  }
0x5c: {  	_ =	shalt  }
0x5d: {  	_ =	shalt  }
0x5e: {  	_ =	shalt  }
0x5f: {  	_ =	shalt  }
0x60: {  	_ =	shalt  }
0x61: {  	_ =	shalt  }
0x62: {  	_ =	shalt  }
0x63: {  	_ =	shalt  }
0x64: {  	_ =	shalt  }
0x65: {  	_ =	shalt  }
0x66: {  	_ =	shalt  }
0x67: {  	_ =	shalt  }
0x68: {  	_ =	shalt  }
0x69: {  	_ =	shalt  }
0x6a: {  	_ =	shalt  }
0x6b: {  	_ =	shalt  }
0x6c: {  	_ =	shalt  }
0x6d: {  	_ =	shalt  }
0x6e: {  	_ =	shalt  }
0x6f: {  	_ =	shalt  }
0x70: {  	_ =	shalt  }
0x71: {  	_ =	shalt  }
0x72: {  	_ =	shalt  }
0x73: {  	_ =	shalt  }
0x74: {  	_ =	shalt  }
0x75: {  	_ =	shalt  }
0x76: {  	_ =	shalt  }
0x77: {  	_ =	shalt  }
0x78: {  	_ =	shalt  }
0x79: {  	_ =	shalt  }
0x7a: {  	_ =	shalt  }
0x7b: {  	_ =	shalt  }
0x7c: {  	_ =	shalt  }
0x7d: {  	_ =	shalt  }
0x7e: {  	_ =	shalt  }
0x7f: {  	_ =	shalt  }
0x80: {  	_ =	shalt  }
0x81: {  	_ =	shalt  }
0x82: {  	_ =	shalt  }
0x83: {  	_ =	shalt  }
0x84: {  	_ =	shalt  }
0x85: {  	_ =	shalt  }
0x86: {  	_ =	shalt  }
0x87: {  	_ =	shalt  }
.Lfunc_end0:
.L_simem_size_0:
called_computation_lowered:
.L_overlay_start_0:
0x88: {  	s2 =	sld [smem:$0x3FD9]  }
0x89: {  	s3 =	sld [smem:$0x3FFE];
	_ =	sdelay $0x1  }
0x8a: {  	s1 =	srdreg.scid  }
0x8b: {  	s0 =	sand.u32 $0x1, s1  }
0x8c: {  	s17 =	sshll.u32 s0, $0xA;
	s2 =	sadd.s32 s3, s2  }
0x8d: {  	s2 =	sadd.s32 s2, s17  }
0x8e: {  	[smem:$0x3FAF] =	sst s2  }
0x8f: {  	_ = 	snop  }
0x90: {  	s2 =	sld [smem:$0x3FD0];
	(tm) =	ssettm $0x1  }
0x91: {  	s18 =	sld [smem:$0x3FFB];
	_ =	sdelay $0x3  }
0x92: {  	_ =	strace s18  }
0x93: {  	s3 =	sld [smem:$0x3FFC];
	_ =	sdelay $0x3  }
0x94: {  	_ =	strace s3  }
0x95: {  	s3 =	sld [smem:$0x3FFD];
	_ =	sdelay $0x3  }
0x96: {  	_ =	strace s3  }
0x97: {  	_ =	strace $0x8FFFFFFF  }
0x98: {  	s19 =	sld [smem:$0x3FDB];
	_ =	sdelay $0x1  }
0x99: {  	s4 =	simm.s32 $_scs_section_size  }
0x9a: {  	s5 =	simm.s32 $_size__tile_overlayer_lowered;
	s6 =	simm.s32 $_tile_overlayer_lowered  }
0x9b: {  	s22 =	simm.s32 $0x1BFF;
	s21 =	sshll.u32 s6, $0x1;
	s3 =	sadd.s32 s4, s19  }
0x9c: {  	s7 =	simm.s32 $0x0;
	s20 =	sshll.u32 s5, $0x1;
	s5 =	sadd.s32 s21, s3  }
0x9d: {  	[timem:s7], [sflag:s22] =	dma.local [hbm:s5], s20  }
0x9e: {  	_ =	swait.ge [sflag:s22], s20  }
0x9f: {  	s4 =	ssub.s32 $0x0, s20;
	[sflag:s22] =	ssyncset.done $0x0  }
0xa0: {  	[sflag:s22] =	ssyncadd.s32 s4;
	_ =	sdelay $0x1  }
0xa1: {  	s23 =	simm.s32 $0x1B8B  }
0xa2: {  	_ =	swait.ge [sflag:s23], $0x1  }
0xa3: {  	[sflag:s23] =	ssyncset.done $0x0  }
0xa4: {  	s25 =	simm.s32 $0x1B8E;
	s24 =	sld [smem:$0x3FFE];
	[sflag:s23] =	ssyncadd.s32 $0xFFFFFFFF  }
0xa5: {  	s26 =	simm.s32 $execute0_lowered;
	[smem:$0x3FD2] =	sst s25  }
0xa6: {  	s5 =	sshll.u32 s26, $0x1;
	_ =	strace $0x80000046;
	[dreg:$0x1] =	wrdreg $0xFFFFFFFF  }
0xa7: {  	s28 =	simm.s32 $_size_execute0_lowered;
	s3 =	sadd.s32 s3, s5;
	[dreg:$0x0] =	wrdreg $0x0  }
0xa8: {  	s5 =	sshll.u32 s28, $0x1;
	[dreg:$0x2] =	wrdreg s3  }
0xa9: {  	[dreg:$0x3] =	wrdreg s5  }
0xaa: {  	[dreg:$0x4] =	wrdreg $0xC0  }
0xab: {  	_ =	task [dreg:s7], $0x5FFFF  }
0xac: {  	[dreg:$0x1] =	wrdreg $0xFFFFFFFF  }
0xad: {  	[dreg:$0x0] =	wrdreg $0x60  }
0xae: {  	[dreg:$0x2] =	wrdreg s2  }
0xaf: {  	[dreg:$0x3] =	wrdreg s24  }
0xb0: {  	[dreg:$0x4] =	wrdreg $0x54000  }
0xb1: {  	[dreg:$0x5] =	wrdreg $0x9  }
0xb2: {  	_ =	task.clear_ibuf [dreg:s7], $0x6FFFF;
	_ =	strace $0x90000046  }
0xb3: {  	s29 =	simm.s32 $0x9;
	_ =	strace $0x80000048  }
0xb4: {  	_ =	swait.ge [sflag:s29], $0x1  }
0xb5: {  	[sflag:s29] =	ssyncadd.s32 $0xFFFFFFFF  }
0xb6: {  	_ =	strace $0x90000048  }
0xb7: {  	_ =	sfence  }
0xb8: {  	s30 =	sld [smem:$0x0];
	_ =	sdelay $0x2  }
0xb9: {  	s31 =	sshll.u32 s1, $0xD;
	s1 =	sshrl.u32 s1, $0x2  }
0xba: {  	s3 =	sand.u32 $0x4000, s31;
	s1 =	sadd.s32 s1, s30  }
0xbb: {  	s0 =	sor.u32 s3, s0;
	s1 =	sshll.u32 s1, $0x11  }
0xbc: {  	s0 =	sor.u32 s1, s0  }
0xbd: {  	s0 =	sadd.s32 $0x8F2B, s0  }
0xbe: {  	[sflag:s0] =	ssyncadd.remote.s32 $0x1  }
0xbf: {  	_ =	sfence.sel $0xFFFF  }
0xc0: {  	[dreg:$0x0] =	wrdreg $0xFFFFFFFF;
	(pc) =	sbr.abs _section_cstart, $3  }
0xc1: {  	[dreg:$0x1] =	wrdreg $0xFFFFFFFF  }
0xc2: {  	_ =	task.clear_ibuf [dreg:s7], $0x2FFFF;
	_ =	strace $0x9FFFFFFF  }
0xc3: {  	(tm) =	ssettm $0x7FFFFFFF  }
tec
execute0_lowered:
.L_overlay_start_1:
0x0: {  	(tag) =	ssettag $0x1  }
0x1: {  	s13 =	rddreg [dreg:$0x0]  }
0x2: {  	s14 =	rddreg [dreg:$0x1]  }
0x3: {  	s2 =	rddreg [dreg:$0x2]  }
0x4: {  	s0 =	stileid.u32;
	s3 =	srdreg.scid  }
0x5: {  	s1 =	rddreg [dreg:$0x3];
	s18 =	simm.s32 $0x2F200;
	s4 =	smul.u32 $0x50000, s0  }
0x6: {  	s12 =	sand.u32 $0x1, s3;
	s3 =	simm.s32 $0x0;
	s19 =	smul.u32 $0x2800, s0  }
0x7: {  	s31 =	sshll.u32 s0, $0x6;
	s5 =	ssub.s32 $0x2, s12;
	[smem:$0x7FF] =	sst s3  }
0x8: {  	s10 =	sshll.u32 s12, $0x4;
	p0 =	seq.s32 s12, $0x1;
	s4 =	sshrl.u32 s4, $0x2  }
0x9: {  	s6 =	sshrl.u32 s5, $0x1;
	_ =	strace $0x80000047;
	s16 =	sor.u32 s0, s10  }
0xa: {  	s18 =	simm.s32 @!p0 $0x7200;
	s4 =	sadd.s32 s4, s2;
	s17 =	smul.u32 $0x2800, s16  }
0xb: {  	s15 =	ssub.s32 s5, s6;
	s16 =	smul.u32 $0x500, s16;
	s30 =	sadd.s32 s18, s14  }
0xc: {  	s18 =	simm.s32 $0x7D;
	s5 =	sadd.s32 $0x2800, s4;
	s6 =	sadd.s32 $0x5000, s4  }
0xd: {  	s7 =	sadd.s32 $0x7800, s4;
	s8 =	sadd.s32 $0xA000, s4;
	s9 =	sadd.s32 $0xC800, s4  }
0xe: {  	s10 =	sadd.s32 $0xF000, s4;
	s11 =	sadd.s32 $0x11800, s4;
	s14 =	smax.u32 s15, $0x1  }
0xf: {  	s15 =	sadd.s32 s30, s19;
	s19 =	sor.u32 $0x1C01, s31;
	s17 =	sshrl.u32 s17, $0x3  }
0x10: {  	s20 =	sshrl.u32 s4, $0x3;
	s12 =	sadd.s32 s13, s16;
	s13 =	sadd.s32 s13, s17  }
0x11: {  	v0 =	vimm.f32 $0.0e+00;
	v1 =	vimm.f32 $1.000000000e+00;
	s16 =	simm.s32 $0x1400;
	s17 =	simm.s32 $0x1;
	s13 =	sadd.s32 $0x280, s13  }
.LBB2_1:
0x12: {  	s21 =	simm.s32 $0x0;
	s22 =	simm.s32 $0x200  }
.LBB2_2:
0x13: {  	p0 =	sne.s32 s22, $0x9E00;
	[tilespmem:s21+$0x1470] =	vst v0  }
0x14: {  	[tilespmem:s21+$0x1400] =	vst v0  }
0x15: {  	[tilespmem:s21+$0x1410] =	vst v0  }
.Ltmp0:
0x16: {  	[tilespmem:s21+$0x1420] =	vst v0;
	(pc) =	sbr.rel @p0 .LBB2_2-.Ltmp0, $4  }
0x17: {  	[tilespmem:s21+$0x1430] =	vst v0  }
0x18: {  	[tilespmem:s21+$0x1440] =	vst v0  }
0x19: {  	[tilespmem:s21+$0x1450] =	vst v0  }
0x1a: {  	[tilespmem:s21+$0x1460] =	vst v0;
	s21 =	sshra.s32 s22, $0x2;
	s22 =	sadd.s32 $0x200, s22  }
0x1b: {  	[tilespmem:s21+$0x1470] =	vst v0  }
0x1c: {  	[tilespmem:s21+$0x1400] =	vst v0  }
0x1d: {  	[tilespmem:s21+$0x1410] =	vst v0  }
0x1e: {  	[tilespmem:s21+$0x1420] =	vst v0  }
0x1f: {  	[tilespmem:s21+$0x1430] =	vst v0  }
0x20: {  	[tilespmem:s21+$0x1440] =	vst v0  }
0x21: {  	[tilespmem:s21+$0x1450] =	vst v0  }
0x22: {  	[tilespmem:s21+$0x1460] =	vst v0  }
0x23: {  	[spmem:s4] =	stream.linear.scatter [tilespmem:s16], [sflag:$0x1], $0x2800, $0x38;
	[tilespmem:$0x19400] =	vst v63  }
0x24: {  	_ =	swait.ge [sflag:s17], $0x2800  }
0x25: {  	[sflag:s17] =	ssyncset.done $0x0  }
0x26: {  	[sflag:s17] =	ssyncadd.s32 $0xFFFFD800  }
0x27: {  	[spmem:s5] =	stream.linear.scatter [tilespmem:s16], [sflag:$0x1], $0x2800, $0x38;
	[tilespmem:$0x19400] =	vst v63  }
0x28: {  	_ =	swait.ge [sflag:s17], $0x2800  }
0x29: {  	[sflag:s17] =	ssyncset.done $0x0  }
0x2a: {  	[sflag:s17] =	ssyncadd.s32 $0xFFFFD800  }
0x2b: {  	[spmem:s6] =	stream.linear.scatter [tilespmem:s16], [sflag:$0x1], $0x2800, $0x38;
	[tilespmem:$0x19400] =	vst v63  }
0x2c: {  	_ =	swait.ge [sflag:s17], $0x2800  }
0x2d: {  	[sflag:s17] =	ssyncset.done $0x0  }
0x2e: {  	[sflag:s17] =	ssyncadd.s32 $0xFFFFD800  }
0x2f: {  	[spmem:s7] =	stream.linear.scatter [tilespmem:s16], [sflag:$0x1], $0x2800, $0x38;
	[tilespmem:$0x19400] =	vst v63  }
0x30: {  	_ =	swait.ge [sflag:s17], $0x2800  }
0x31: {  	[sflag:s17] =	ssyncset.done $0x0  }
0x32: {  	[sflag:s17] =	ssyncadd.s32 $0xFFFFD800  }
0x33: {  	[spmem:s8] =	stream.linear.scatter [tilespmem:s16], [sflag:$0x1], $0x2800, $0x38;
	[tilespmem:$0x19400] =	vst v63  }
0x34: {  	_ =	swait.ge [sflag:s17], $0x2800  }
0x35: {  	[sflag:s17] =	ssyncset.done $0x0  }
0x36: {  	[sflag:s17] =	ssyncadd.s32 $0xFFFFD800  }
0x37: {  	[spmem:s9] =	stream.linear.scatter [tilespmem:s16], [sflag:$0x1], $0x2800, $0x38;
	[tilespmem:$0x19400] =	vst v63  }
0x38: {  	_ =	swait.ge [sflag:s17], $0x2800  }
0x39: {  	[sflag:s17] =	ssyncset.done $0x0  }
0x3a: {  	[sflag:s17] =	ssyncadd.s32 $0xFFFFD800  }
0x3b: {  	[spmem:s10] =	stream.linear.scatter [tilespmem:s16], [sflag:$0x1], $0x2800, $0x38;
	[tilespmem:$0x19400] =	vst v63  }
0x3c: {  	_ =	swait.ge [sflag:s17], $0x2800  }
0x3d: {  	[sflag:s17] =	ssyncset.done $0x0  }
0x3e: {  	[sflag:s17] =	ssyncadd.s32 $0xFFFFD800  }
0x3f: {  	[spmem:s11] =	stream.linear.scatter [tilespmem:s16], [sflag:$0x1], $0x2800, $0x38;
	[tilespmem:$0x19400] =	vst v63  }
0x40: {  	_ =	swait.ge [sflag:s17], $0x2800  }
0x41: {  	[sflag:s17] =	ssyncset.done $0x0  }
0x42: {  	s21 =	simm.s32 $0x0;
	s22 =	simm.s32 $0x200;
	[sflag:s17] =	ssyncadd.s32 $0xFFFFD800  }
.LBB2_4:
0x43: {  	p0 =	sne.s32 s22, $0xF800;
	[tilespmem:s21+$0x1470] =	vst v1  }
0x44: {  	[tilespmem:s21+$0x1400] =	vst v1  }
0x45: {  	[tilespmem:s21+$0x1410] =	vst v1  }
.Ltmp1:
0x46: {  	[tilespmem:s21+$0x1420] =	vst v1;
	(pc) =	sbr.rel @p0 .LBB2_4-.Ltmp1, $4  }
0x47: {  	[tilespmem:s21+$0x1430] =	vst v1  }
0x48: {  	[tilespmem:s21+$0x1440] =	vst v1  }
0x49: {  	[tilespmem:s21+$0x1450] =	vst v1  }
0x4a: {  	[tilespmem:s21+$0x1460] =	vst v1;
	s21 =	sshra.s32 s22, $0x2;
	s22 =	sadd.s32 $0x200, s22  }
0x4b: {  	[tilespmem:s21+$0x1470] =	vst v1  }
0x4c: {  	[tilespmem:s21+$0x1400] =	vst v1  }
0x4d: {  	[tilespmem:s21+$0x1410] =	vst v1  }
0x4e: {  	[tilespmem:s21+$0x1420] =	vst v1  }
0x4f: {  	[tilespmem:s21+$0x1430] =	vst v1  }
0x50: {  	[tilespmem:s21+$0x1440] =	vst v1  }
0x51: {  	[tilespmem:s21+$0x1450] =	vst v1  }
0x52: {  	[tilespmem:s21+$0x1460] =	vst v1  }
0x53: {  	s30 =	simm.s32 $0x0;
	[bflag:$0x0] =	sbarrier.arrive $0xFFFF  }
0x54: {  	[tilespmem:s30], [sflag:$0x1] =	stream.linear.gather [hbm4b:s12+s30], $0x1400, $0x38;
	[tilespmem:$0x19400] =	vst v63  }
0x55: {  	_ =	swait.ge [sflag:s17], $0x1400  }
0x56: {  	[sflag:s17] =	ssyncset.done $0x0  }
0x57: {  	s31 =	simm.s32 $0x0;
	[sflag:s17] =	ssyncadd.s32 $0xFFFFEC00  }
0x58: {  	[spmem:s2] =	stream.indirect.scatter.add.f32 [tilespmem:s16], [sflag:$0x1], $0x80, s31, s18, $0xb8;
	[tilespmem:$0x19400] =	vst v63  }
0x59: {  	_ =	swait.ge [sflag:s17], $0x3E80  }
0x5a: {  	s21 =	simm.s32 $0x200;
	[sflag:s17] =	ssyncset.done $0x0  }
.LBB2_6:
0x5b: {  	s22 =	sshra.s32 s21, $0x2;
	[sflag:s17] =	ssyncadd.s32 $0xFFFFC180;
	p0 =	sne.s32 s21, $0x4E00  }
0x5c: {  	[spmem:s2] =	stream.indirect.scatter.add.f32 [tilespmem:s16], [sflag:$0x1], $0x80, s22, s18, $0xb8;
	[tilespmem:$0x19400] =	vst v63  }
.Ltmp2:
0x5d: {  	_ = 	snop;
	(pc) =	sbr.rel @p0 .LBB2_6-.Ltmp2, $4  }
0x5e: {  	_ = 	snop  }
0x5f: {  	s21 =	sadd.s32 $0x200, s21  }
0x60: {  	_ =	swait.ge [sflag:s17], $0x3E80  }
0x61: {  	[sflag:s17] =	ssyncset.done $0x0  }
0x62: {  	[sflag:s17] =	ssyncadd.s32 $0xFFFFC180;
	s21 =	simm.s32 $0x0  }
0x63: {  	[tilespmem:s21], [sflag:$0x1] =	stream.linear.gather [hbm4b:s13+s21], $0x1400, $0x38;
	[tilespmem:$0x19400] =	vst v63  }
0x64: {  	_ =	swait.ge [sflag:s17], $0x1400  }
0x65: {  	[sflag:s17] =	ssyncset.done $0x0  }
0x66: {  	s31 =	simm.s32 $0x0;
	[sflag:s17] =	ssyncadd.s32 $0xFFFFEC00  }
0x67: {  	[spmem:s2] =	stream.indirect.scatter.add.f32 [tilespmem:s16], [sflag:$0x1], $0x80, s31, s18, $0xb8;
	[tilespmem:$0x19400] =	vst v63  }
0x68: {  	_ =	swait.ge [sflag:s17], $0x3E80  }
0x69: {  	s21 =	simm.s32 $0x200;
	[sflag:s17] =	ssyncset.done $0x0  }
.LBB2_8:
0x6a: {  	s22 =	sshra.s32 s21, $0x2;
	[sflag:s17] =	ssyncadd.s32 $0xFFFFC180;
	p0 =	sne.s32 s21, $0x4E00  }
0x6b: {  	[spmem:s2] =	stream.indirect.scatter.add.f32 [tilespmem:s16], [sflag:$0x1], $0x80, s22, s18, $0xb8;
	[tilespmem:$0x19400] =	vst v63  }
.Ltmp3:
0x6c: {  	_ = 	snop;
	(pc) =	sbr.rel @p0 .LBB2_8-.Ltmp3, $4  }
0x6d: {  	_ = 	snop  }
0x6e: {  	s21 =	sadd.s32 $0x200, s21  }
0x6f: {  	_ =	swait.ge [sflag:s17], $0x3E80  }
0x70: {  	[sflag:s17] =	ssyncset.done $0x0  }
0x71: {  	s3 =	sadd.s32 $0x1, s3  }
0x72: {  	[sflag:s17] =	ssyncadd.s32 $0xFFFFC180;
	p0 =	sne.s32 s3, s14  }
.Ltmp4:
0x73: {  	[bflag:$0x0] =	sbarrier.arrive $0xFFFF;
	(pc) =	sbr.rel @p0 .LBB2_1-.Ltmp4, $4  }
0x74: {  	[hbm:s15], [sflag:s19] =	dma.local [spmem:s20], $0x2800  }
0x75: {  	_ =	swait.ge [sflag:s17], $0x2800  }
0x76: {  	[sflag:s17] =	ssyncset.done $0x0  }
0x77: {  	[sflag:s17] =	ssyncadd.s32 $0xFFFFD800  }
0x78: {  	_ =	sfence.sel $0x180000  }
0x79: {  	[bflag:$0x0] =	sbarrier.arrive $0xFFFF  }
0x7a: {  	p0 =	sne.s32 s0, $0x0;
	_ =	strace $0x90000047  }
0x7b: {  	s0 =	sadd.s32 @!p0 $0x100000, s1;
	[bflag:$0x2] =	sbarrier.arrive $0xFFFF  }
0x7c: {  	[sflag:s0] =	ssyncadd.tile.s32 @!p0 $0x1;
	_ =	shalt  }
.Lfunc_end2:
_tile_overlayer_lowered:
.L_overlay_start_2:
0x7d: {  	(tag) =	ssettag $0x2  }
0x7e: {  	s0 =	rddreg [dreg:$0x0];
	s2 =	stileid.u32  }
0x7f: {  	s1 =	rddreg [dreg:$0x1];
	p0 =	sne.s32 s2, $0x0  }
0x80: {  	s3 =	rddreg [dreg:$0x2];
	[bflag:$0x3] =	sbarrier.arrive $0xFFFF;
	s2 =	simm.s32 @!p0 $0x1C01  }
0x81: {  	[timem:s3], [sflag:s2] =	dma.local @!p0 [hbm:s0], s1  }
0x82: {  	s0 =	simm.s32 @!p0 $0x1  }
0x83: {  	_ =	swait.ge @!p0 [sflag:s0], s1  }
0x84: {  	s1 =	ssub.s32 @!p0 $0x0, s1;
	[sflag:s0] =	ssyncset.done @!p0 $0x0  }
0x85: {  	[sflag:s0] =	ssyncadd.s32 @!p0 s1  }
0x86: {  	[bflag:$0x3] =	sbarrier.arrive $0xFFFF  }
0x87: {  	_ =	shalt  }

// kernel: kernel.14.cloned.1.call-start
scs
__scs_entry_jumppad:
0x0: {  	(pc) =	sbr.rel $0x88, $3  }
0x1: {  	(tag) =	ssettag $0x0;
	lr =	simm.s32 $0x1  }
0x2: {  	[smem:$0x3F88] =	sst lr;
	_ =	strace $0xD0000000  }
0x3: {  	_ = 	snop  }
0x4: {  	_ = 	snop  }
0x5: {  	_ = 	snop  }
0x6: {  	_ = 	snop  }
0x7: {  	_ = 	snop  }
__scs_overlays_trampoline_lowered:
0x8: {  	[smem:$0x3F97] =	sst s0  }
0x9: {  	[smem:$0x3F98] =	sst s1  }
0xa: {  	[smem:$0x3F99] =	sst s2  }
0xb: {  	[smem:$0x3F9A] =	sst s3  }
0xc: {  	[smem:$0x3F9B] =	sst s4  }
0xd: {  	[smem:$0x3F9C] =	sst s5  }
0xe: {  	[smem:$0x3F9D] =	sst s6  }
0xf: {  	[smem:$0x3F9E] =	sst s7  }
0x10: {  	[smem:$0x3F9F] =	sst s8  }
0x11: {  	[smem:$0x3FA0] =	sst s9;
	s0 =	simm.s32 @!p0 $0x0  }
0x12: {  	s1 =	sld [smem:$0x3F86];
	s0 =	simm.s32 @p0 $0x1  }
0x13: {  	[smem:$0x3FA1] =	sst s0;
	s0 =	simm.s32 @!p1 $0x0  }
0x14: {  	s2 =	sld [smem:$0x3F85];
	s0 =	simm.s32 @p1 $0x1  }
0x15: {  	[smem:$0x3FA2] =	sst s0;
	s0 =	simm.s32 @!p2 $0x0  }
0x16: {  	s3 =	sld [smem:$0x3FDB];
	s0 =	simm.s32 @p2 $0x1  }
0x17: {  	s4 =	simm.s32 $0x1BF5;
	[smem:$0x3FA4] =	sst s0  }
0x18: {  	s0 =	sld [smem:$0x3F87];
	_ =	swait.ge [sflag:s4], $0x0  }
0x19: {  	s7 =	sld [smem:$0x3F88]  }
0x1a: {  	s8 =	sadd.s32 $0xFFFFE003, lr  }
0x1b: {  	s9 =	sadd.s32 $0xFFFFFEF7, lr;
	s5 =	simm.s32 $0xFFFFFFFF;
	p2 =	slt.u32 s8, $0xFFFFF086  }
0x1c: {  	p1 =	slt.u32 s9, $0xF7A;
	s5 =	simm.s32 @!p2 $0x0  }
0x1d: {  	s5 =	simm.s32 @p1 $0x1;
	p0 =	seq.s32 s7, s2  }
0x1e: {  	s7 =	smul.u32 @!p0 $0xF7A, s2;
	p2 =	seq.s32 @!p0 s5, $0x0  }
0x1f: {  	s9 =	smul.u32 $0xF7A, s1;
	s8 =	simm.s32 @!p0 $0x1BF5;
	p2 =	por !p2, p0  }
0x20: {  	[sflag:s8] =	ssyncset.s32 @!p0 $0xFFFFF086;
	s6 =	sadd.s32 @!p0 s3, s7;
	s7 =	simm.s32 @!p0 $0x108  }
0x21: {  	s3 =	sadd.s32 s3, s9;
	s6 =	sadd.s32 @!p0 $0x88, s6;
	s7 =	simm.s32 @p2 $0x1082  }
0x22: {  	[simem:s7], [sflag:s8] =	dma.local @!p0 [hbm:s6], $0xF7A  }
0x23: {  	s9 =	sor.u32 $0xD0000000, s2;
	s6 =	simm.s32 $0x108;
	_ =	swait.ge @!p0 [sflag:s8], $0x0  }
0x24: {  	s3 =	sadd.s32 $0x88, s3;
	s6 =	simm.s32 @!p1 $0x1082;
	[sflag:s4] =	ssyncset.s32 $0xFFFFF086  }
0x25: {  	[simem:s6], [sflag:s4] =	dma.local [hbm:s3], $0xF7A  }
0x26: {  	[smem:$0x3F88] =	sst s1;
	(tag) =	ssettag s2;
	_ =	strace s9  }
0x27: {  	s1 =	sld [smem:$0x3F98]  }
0x28: {  	s2 =	sld [smem:$0x3F99]  }
0x29: {  	s4 =	sld [smem:$0x3F9B]  }
0x2a: {  	p0 =	seq.s32 s5, $0x0;
	s5 =	sld [smem:$0x3F9C]  }
0x2b: {  	s6 =	sld [smem:$0x3F9D]  }
0x2c: {  	s7 =	sld [smem:$0x3F9E]  }
0x2d: {  	s3 =	simm.s32 $0x108;
	s8 =	sld [smem:$0x3F9F]  }
0x2e: {  	s3 =	simm.s32 @!p0 $0x1082;
	s9 =	sld [smem:$0x3FA0]  }
0x2f: {  	lr =	sadd.s32 s0, s3;
	s0 =	sld [smem:$0x3F97]  }
0x30: {  	s3 =	sld [smem:$0x3F9A]  }
0x31: {  	[smem:$0x3FA3] =	sst s10  }
0x32: {  	s10 =	sld [smem:$0x3FA1];
	_ =	sdelay $0x3  }
0x33: {  	p0 =	seq.s32 s10, $0x1;
	s10 =	sld [smem:$0x3FA3];
	_ =	sdelay $0x3  }
0x34: {  	[smem:$0x3FA3] =	sst s10  }
0x35: {  	s10 =	sld [smem:$0x3FA2];
	_ =	sdelay $0x3  }
0x36: {  	p1 =	seq.s32 s10, $0x1;
	s10 =	sld [smem:$0x3FA3];
	_ =	sdelay $0x3  }
0x37: {  	[smem:$0x3FA3] =	sst s10  }
0x38: {  	s10 =	sld [smem:$0x3FA4]  }
0x39: {  	_ = 	snop;
	(pc) =	sbr.ind lr, $3  }
0x3a: {  	_ = 	snop  }
0x3b: {  	_ = 	snop  }
0x3c: {  	p2 =	seq.s32 s10, $0x1;
	s10 =	sld [smem:$0x3FA3]  }
0x3d: {  	_ =	shalt  }
0x3e: {  	_ =	shalt  }
0x3f: {  	_ =	shalt  }
0x40: {  	_ =	shalt  }
0x41: {  	_ =	shalt  }
0x42: {  	_ =	shalt  }
0x43: {  	_ =	shalt  }
0x44: {  	_ =	shalt  }
0x45: {  	_ =	shalt  }
0x46: {  	_ =	shalt  }
0x47: {  	_ =	shalt  }
0x48: {  	_ =	shalt  }
0x49: {  	_ =	shalt  }
0x4a: {  	_ =	shalt  }
0x4b: {  	_ =	shalt  }
0x4c: {  	_ =	shalt  }
0x4d: {  	_ =	shalt  }
0x4e: {  	_ =	shalt  }
0x4f: {  	_ =	shalt  }
0x50: {  	_ =	shalt  }
0x51: {  	_ =	shalt  }
0x52: {  	_ =	shalt  }
0x53: {  	_ =	shalt  }
0x54: {  	_ =	shalt  }
0x55: {  	_ =	shalt  }
0x56: {  	_ =	shalt  }
0x57: {  	_ =	shalt  }
0x58: {  	_ =	shalt  }
0x59: {  	_ =	shalt  }
0x5a: {  	_ =	shalt  }
0x5b: {  	_ =	shalt  }
0x5c: {  	_ =	shalt  }
0x5d: {  	_ =	shalt  }
0x5e: {  	_ =	shalt  }
0x5f: {  	_ =	shalt  }
0x60: {  	_ =	shalt  }
0x61: {  	_ =	shalt  }
0x62: {  	_ =	shalt  }
0x63: {  	_ =	shalt  }
0x64: {  	_ =	shalt  }
0x65: {  	_ =	shalt  }
0x66: {  	_ =	shalt  }
0x67: {  	_ =	shalt  }
0x68: {  	_ =	shalt  }
0x69: {  	_ =	shalt  }
0x6a: {  	_ =	shalt  }
0x6b: {  	_ =	shalt  }
0x6c: {  	_ =	shalt  }
0x6d: {  	_ =	shalt  }
0x6e: {  	_ =	shalt  }
0x6f: {  	_ =	shalt  }
0x70: {  	_ =	shalt  }
0x71: {  	_ =	shalt  }
0x72: {  	_ =	shalt  }
0x73: {  	_ =	shalt  }
0x74: {  	_ =	shalt  }
0x75: {  	_ =	shalt  }
0x76: {  	_ =	shalt  }
0x77: {  	_ =	shalt  }
0x78: {  	_ =	shalt  }
0x79: {  	_ =	shalt  }
0x7a: {  	_ =	shalt  }
0x7b: {  	_ =	shalt  }
0x7c: {  	_ =	shalt  }
0x7d: {  	_ =	shalt  }
0x7e: {  	_ =	shalt  }
0x7f: {  	_ =	shalt  }
0x80: {  	_ =	shalt  }
0x81: {  	_ =	shalt  }
0x82: {  	_ =	shalt  }
0x83: {  	_ =	shalt  }
0x84: {  	_ =	shalt  }
0x85: {  	_ =	shalt  }
0x86: {  	_ =	shalt  }
0x87: {  	_ =	shalt  }
.Lfunc_end0:
.L_simem_size_0:
called_computation.1_lowered:
.L_overlay_start_0:
0x88: {  	s2 =	sld [smem:$0x3FD9]  }
0x89: {  	s3 =	sld [smem:$0x3FFE];
	_ =	sdelay $0x1  }
0x8a: {  	s1 =	srdreg.scid  }
0x8b: {  	s0 =	sand.u32 $0x1, s1  }
0x8c: {  	s17 =	sshll.u32 s0, $0xA;
	s2 =	sadd.s32 s3, s2  }
0x8d: {  	s2 =	sadd.s32 s2, s17  }
0x8e: {  	[smem:$0x3FAF] =	sst s2  }
0x8f: {  	_ = 	snop  }
0x90: {  	s2 =	sld [smem:$0x3FD0];
	(tm) =	ssettm $0x1  }
0x91: {  	s18 =	sld [smem:$0x3FFB];
	_ =	sdelay $0x3  }
0x92: {  	_ =	strace s18  }
0x93: {  	s3 =	sld [smem:$0x3FFC];
	_ =	sdelay $0x3  }
0x94: {  	_ =	strace s3  }
0x95: {  	s3 =	sld [smem:$0x3FFD];
	_ =	sdelay $0x3  }
0x96: {  	_ =	strace s3  }
0x97: {  	_ =	strace $0x8FFFFFFF  }
0x98: {  	s19 =	sld [smem:$0x3FDB];
	_ =	sdelay $0x1  }
0x99: {  	s4 =	simm.s32 $_scs_section_size  }
0x9a: {  	s5 =	simm.s32 $_size__tile_overlayer_lowered;
	s6 =	simm.s32 $_tile_overlayer_lowered  }
0x9b: {  	s22 =	simm.s32 $0x1BFF;
	s21 =	sshll.u32 s6, $0x1;
	s3 =	sadd.s32 s4, s19  }
0x9c: {  	s7 =	simm.s32 $0x0;
	s20 =	sshll.u32 s5, $0x1;
	s5 =	sadd.s32 s21, s3  }
0x9d: {  	[timem:s7], [sflag:s22] =	dma.local [hbm:s5], s20  }
0x9e: {  	_ =	swait.ge [sflag:s22], s20  }
0x9f: {  	s4 =	ssub.s32 $0x0, s20;
	[sflag:s22] =	ssyncset.done $0x0  }
0xa0: {  	[sflag:s22] =	ssyncadd.s32 s4;
	_ =	sdelay $0x1  }
0xa1: {  	s23 =	simm.s32 $0x1B8B  }
0xa2: {  	_ =	swait.ge [sflag:s23], $0x1  }
0xa3: {  	[sflag:s23] =	ssyncset.done $0x0  }
0xa4: {  	s25 =	simm.s32 $0x1B8E;
	s24 =	sld [smem:$0x3FFE];
	[sflag:s23] =	ssyncadd.s32 $0xFFFFFFFF  }
0xa5: {  	s26 =	simm.s32 $execute0_lowered;
	[smem:$0x3FD2] =	sst s25  }
0xa6: {  	s5 =	sshll.u32 s26, $0x1;
	_ =	strace $0x80000049;
	[dreg:$0x1] =	wrdreg $0xFFFFFFFF  }
0xa7: {  	s28 =	simm.s32 $_size_execute0_lowered;
	s3 =	sadd.s32 s3, s5;
	[dreg:$0x0] =	wrdreg $0x0  }
0xa8: {  	s5 =	sshll.u32 s28, $0x1;
	[dreg:$0x2] =	wrdreg s3  }
0xa9: {  	[dreg:$0x3] =	wrdreg s5  }
0xaa: {  	[dreg:$0x4] =	wrdreg $0xC0  }
0xab: {  	_ =	task [dreg:s7], $0x5FFFF  }
0xac: {  	[dreg:$0x1] =	wrdreg $0xFFFFFFFF  }
0xad: {  	[dreg:$0x0] =	wrdreg $0x60  }
0xae: {  	[dreg:$0x2] =	wrdreg s24  }
0xaf: {  	[dreg:$0x3] =	wrdreg s2  }
0xb0: {  	[dreg:$0x4] =	wrdreg $0xA8000  }
0xb1: {  	[dreg:$0x5] =	wrdreg $0x9  }
0xb2: {  	_ =	task.clear_ibuf [dreg:s7], $0x6FFFF;
	_ =	strace $0x90000049  }
0xb3: {  	s29 =	simm.s32 $0x9;
	_ =	strace $0x8000004B  }
0xb4: {  	_ =	swait.ge [sflag:s29], $0x1  }
0xb5: {  	[sflag:s29] =	ssyncadd.s32 $0xFFFFFFFF  }
0xb6: {  	_ =	strace $0x9000004B  }
0xb7: {  	_ =	sfence  }
0xb8: {  	s30 =	sld [smem:$0x0];
	_ =	sdelay $0x2  }
0xb9: {  	s31 =	sshll.u32 s1, $0xD;
	s1 =	sshrl.u32 s1, $0x2  }
0xba: {  	s3 =	sand.u32 $0x4000, s31;
	s1 =	sadd.s32 s1, s30  }
0xbb: {  	s0 =	sor.u32 s3, s0;
	s1 =	sshll.u32 s1, $0x11  }
0xbc: {  	s0 =	sor.u32 s1, s0  }
0xbd: {  	s0 =	sadd.s32 $0x8F2B, s0  }
0xbe: {  	[sflag:s0] =	ssyncadd.remote.s32 $0x1  }
0xbf: {  	_ =	sfence.sel $0xFFFF  }
0xc0: {  	[dreg:$0x0] =	wrdreg $0xFFFFFFFF;
	(pc) =	sbr.abs _section_cstart, $3  }
0xc1: {  	[dreg:$0x1] =	wrdreg $0xFFFFFFFF  }
0xc2: {  	_ =	task.clear_ibuf [dreg:s7], $0x2FFFF;
	_ =	strace $0x9FFFFFFF  }
0xc3: {  	(tm) =	ssettm $0x7FFFFFFF  }
tec
execute0_lowered:
.L_overlay_start_1:
0x0: {  	(tag) =	ssettag $0x1  }
0x1: {  	s17 =	rddreg [dreg:$0x0]  }
0x2: {  	s16 =	rddreg [dreg:$0x1]  }
0x3: {  	s2 =	rddreg [dreg:$0x2];
	s3 =	simm.s32 $0x0  }
0x4: {  	s4 =	srdreg.scid;
	s0 =	stileid.u32;
	s21 =	simm.s32 $0x89200  }
0x5: {  	s23 =	simm.s32 $0x6800;
	s24 =	simm.s32 $0x1;
	s25 =	simm.s32 $0x2  }
0x6: {  	s26 =	simm.s32 $0x1380;
	s28 =	simm.s32 $0x2700;
	s29 =	simm.s32 $0x2780  }
0x7: {  	[smem:$0x7FF] =	sst s3;
	s15 =	sand.u32 $0x1, s4;
	s5 =	smul.u32 $0x50000, s0  }
0x8: {  	s18 =	sadd.s32 $0x57200, s17;
	s4 =	sadd.s32 $0x7200, s17;
	s22 =	smul.u32 $0x2800, s0  }
0x9: {  	_ =	strace $0x8000004A;
	s6 =	ssub.s32 $0x2, s15;
	s8 =	sshll.u32 s15, $0x4  }
0xa: {  	p0 =	seq.s32 s15, $0x1;
	s7 =	sshrl.u32 s6, $0x1;
	s12 =	sor.u32 s0, s8  }
0xb: {  	s5 =	sshrl.u32 s5, $0x2;
	s21 =	simm.s32 @!p0 $0x61200;
	s14 =	smul.u32 $0x500, s12  }
0xc: {  	s19 =	ssub.s32 s6, s7;
	s5 =	sadd.s32 s5, s2;
	s20 =	smul.u32 $0x2800, s12  }
0xd: {  	s31 =	sadd.s32 s21, s17;
	s21 =	simm.s32 $0x1400;
	s1 =	sadd.s32 $0x2800, s5  }
0xe: {  	s7 =	sadd.s32 $0x5000, s5;
	s8 =	sadd.s32 $0x7800, s5;
	s9 =	sadd.s32 $0xA000, s5  }
0xf: {  	s10 =	sadd.s32 $0xC800, s5;
	s11 =	sadd.s32 $0xF000, s5;
	s12 =	sadd.s32 $0x11800, s5  }
0x10: {  	s17 =	smax.u32 s19, $0x1;
	s19 =	simm.s32 $0x2800;
	s20 =	sshrl.u32 s20, $0x3  }
0x11: {  	[dreg:$0x4] =	wrdreg s1;
	s13 =	sadd.s32 s18, s14;
	s20 =	sadd.s32 $0x280, s20  }
0x12: {  	s14 =	sadd.s32 s16, s14;
	s15 =	sadd.s32 s18, s20;
	s16 =	sadd.s32 s16, s20  }
0x13: {  	v0 =	vimm.f32 $0.0e+00;
	s18 =	sadd.s32 s31, s22;
	s20 =	simm.s32 $0x3;
	s22 =	simm.s32 $0x7D  }
.LBB2_1:
0x14: {  	s30 =	simm.s32 $0x0;
	s31 =	simm.s32 $0x200  }
.LBB2_2:
0x15: {  	p0 =	sne.s32 s31, $0x9E00;
	[tilespmem:s30+$0x2870] =	vst v0  }
0x16: {  	[tilespmem:s30+$0x2800] =	vst v0  }
0x17: {  	[tilespmem:s30+$0x2810] =	vst v0  }
.Ltmp0:
0x18: {  	[tilespmem:s30+$0x2820] =	vst v0;
	(pc) =	sbr.rel @p0 .LBB2_2-.Ltmp0, $4  }
0x19: {  	[tilespmem:s30+$0x2830] =	vst v0  }
0x1a: {  	[tilespmem:s30+$0x2840] =	vst v0  }
0x1b: {  	[tilespmem:s30+$0x2850] =	vst v0  }
0x1c: {  	[tilespmem:s30+$0x2860] =	vst v0;
	s30 =	sshra.s32 s31, $0x2;
	s31 =	sadd.s32 $0x200, s31  }
0x1d: {  	[tilespmem:s30+$0x2870] =	vst v0  }
0x1e: {  	[tilespmem:s30+$0x2800] =	vst v0  }
0x1f: {  	[tilespmem:s30+$0x2810] =	vst v0  }
0x20: {  	[tilespmem:s30+$0x2820] =	vst v0  }
0x21: {  	[tilespmem:s30+$0x2830] =	vst v0  }
0x22: {  	[tilespmem:s30+$0x2840] =	vst v0  }
0x23: {  	[tilespmem:s30+$0x2850] =	vst v0  }
0x24: {  	[tilespmem:s30+$0x2860] =	vst v0  }
0x25: {  	[spmem:s5] =	stream.linear.scatter [tilespmem:s19], [sflag:$0x3], $0x2800, $0x38;
	[tilespmem:$0x1E800] =	vst v63  }
0x26: {  	_ =	swait.ge [sflag:s20], $0x2800  }
0x27: {  	[sflag:s20] =	ssyncset.done $0x0  }
0x28: {  	s0 =	rddreg [dreg:$0x4];
	[sflag:s20] =	ssyncadd.s32 $0xFFFFD800  }
0x29: {  	[spmem:s0] =	stream.linear.scatter [tilespmem:s19], [sflag:$0x3], $0x2800, $0x38;
	[tilespmem:$0x1E800] =	vst v63  }
0x2a: {  	_ =	swait.ge [sflag:s20], $0x2800  }
0x2b: {  	[sflag:s20] =	ssyncset.done $0x0  }
0x2c: {  	[sflag:s20] =	ssyncadd.s32 $0xFFFFD800  }
0x2d: {  	[spmem:s7] =	stream.linear.scatter [tilespmem:s19], [sflag:$0x3], $0x2800, $0x38;
	[tilespmem:$0x1E800] =	vst v63  }
0x2e: {  	_ =	swait.ge [sflag:s20], $0x2800  }
0x2f: {  	[sflag:s20] =	ssyncset.done $0x0  }
0x30: {  	[sflag:s20] =	ssyncadd.s32 $0xFFFFD800  }
0x31: {  	[spmem:s8] =	stream.linear.scatter [tilespmem:s19], [sflag:$0x3], $0x2800, $0x38;
	[tilespmem:$0x1E800] =	vst v63  }
0x32: {  	_ =	swait.ge [sflag:s20], $0x2800  }
0x33: {  	[sflag:s20] =	ssyncset.done $0x0  }
0x34: {  	[sflag:s20] =	ssyncadd.s32 $0xFFFFD800  }
0x35: {  	[spmem:s9] =	stream.linear.scatter [tilespmem:s19], [sflag:$0x3], $0x2800, $0x38;
	[tilespmem:$0x1E800] =	vst v63  }
0x36: {  	_ =	swait.ge [sflag:s20], $0x2800  }
0x37: {  	[sflag:s20] =	ssyncset.done $0x0  }
0x38: {  	[sflag:s20] =	ssyncadd.s32 $0xFFFFD800  }
0x39: {  	[spmem:s10] =	stream.linear.scatter [tilespmem:s19], [sflag:$0x3], $0x2800, $0x38;
	[tilespmem:$0x1E800] =	vst v63  }
0x3a: {  	_ =	swait.ge [sflag:s20], $0x2800  }
0x3b: {  	[sflag:s20] =	ssyncset.done $0x0  }
0x3c: {  	[sflag:s20] =	ssyncadd.s32 $0xFFFFD800  }
0x3d: {  	[spmem:s11] =	stream.linear.scatter [tilespmem:s19], [sflag:$0x3], $0x2800, $0x38;
	[tilespmem:$0x1E800] =	vst v63  }
0x3e: {  	_ =	swait.ge [sflag:s20], $0x2800  }
0x3f: {  	[sflag:s20] =	ssyncset.done $0x0  }
0x40: {  	[sflag:s20] =	ssyncadd.s32 $0xFFFFD800  }
0x41: {  	[spmem:s12] =	stream.linear.scatter [tilespmem:s19], [sflag:$0x3], $0x2800, $0x38;
	[tilespmem:$0x1E800] =	vst v63  }
0x42: {  	_ =	swait.ge [sflag:s20], $0x2800  }
0x43: {  	[sflag:s20] =	ssyncset.done $0x0  }
0x44: {  	[sflag:s20] =	ssyncadd.s32 $0xFFFFD800  }
0x45: {  	s30 =	simm.s32 $0x0;
	[bflag:$0x0] =	sbarrier.arrive $0xFFFF  }
0x46: {  	[tilespmem:s30], [sflag:$0x3] =	stream.linear.gather [hbm4b:s13+s30], $0x1400, $0x38;
	[tilespmem:$0x1E800] =	vst v63  }
0x47: {  	_ =	swait.ge [sflag:s20], $0x1400  }
0x48: {  	[sflag:s20] =	ssyncset.done $0x0  }
0x49: {  	[sflag:s20] =	ssyncadd.s32 $0xFFFFEC00  }
0x4a: {  	[tilespmem:s21], [sflag:$0x3] =	stream.linear.gather [hbm4b:s14+s30], $0x1400, $0x38;
	[tilespmem:$0x1E800] =	vst v63  }
0x4b: {  	_ =	swait.ge [sflag:s20], $0x1400  }
0x4c: {  	[sflag:s20] =	ssyncset.done $0x0  }
0x4d: {  	[sflag:s20] =	ssyncadd.s32 $0xFFFFEC00  }
0x4e: {  	[tilespmem:s19], [sflag:$0x1] =	stream.indirect.gather [hbm4b:s4+s22], $0x80, s30, s22, $0xb8;
	[tilespmem:$0x1E800] =	vst v63  }
0x4f: {  	s30 =	simm.s32 $0x80  }
0x50: {  	[tilespmem:s23], [sflag:$0x2] =	stream.indirect.gather [hbm4b:s4+s22], $0x80, s30, s22, $0xb8;
	[tilespmem:$0x1E800] =	vst v63  }
0x51: {  	_ =	swait.ge [sflag:s24], $0x3E80  }
0x52: {  	[sflag:s24] =	ssyncset.done $0x0  }
0x53: {  	s30 =	simm.s32 $0x1400;
	[sflag:s24] =	ssyncadd.s32 $0xFFFFC180  }
0x54: {  	[spmem:s2] =	stream.indirect.scatter.add.f32 [tilespmem:s19], [sflag:$0x3], $0x80, s30, s22, $0xb8;
	[tilespmem:$0x1E800] =	vst v63  }
0x55: {  	_ =	swait.ge [sflag:s20], $0x3E80  }
0x56: {  	[sflag:s20] =	ssyncset.done $0x0  }
0x57: {  	s30 =	simm.s32 $0x100;
	[sflag:s20] =	ssyncadd.s32 $0xFFFFC180  }
0x58: {  	[tilespmem:s19], [sflag:$0x1] =	stream.indirect.gather [hbm4b:s4+s22], $0x80, s30, s22, $0xb8;
	[tilespmem:$0x1E800] =	vst v63  }
0x59: {  	_ =	swait.ge [sflag:s25], $0x3E80  }
0x5a: {  	[sflag:s25] =	ssyncset.done $0x0  }
0x5b: {  	s30 =	simm.s32 $0x1480;
	[sflag:s25] =	ssyncadd.s32 $0xFFFFC180  }
0x5c: {  	[spmem:s2] =	stream.indirect.scatter.add.f32 [tilespmem:s23], [sflag:$0x3], $0x80, s30, s22, $0xb8;
	[tilespmem:$0x1E800] =	vst v63  }
0x5d: {  	_ =	swait.ge [sflag:s20], $0x3E80  }
0x5e: {  	s31 =	simm.s32 $0x800;
	s30 =	simm.s32 $0x100;
	[sflag:s20] =	ssyncset.done $0x0  }
.LBB2_4:
0x5f: {  	s0 =	sadd.s32 $0x80, s30  }
0x60: {  	[sflag:s20] =	ssyncadd.s32 $0xFFFFC180;
	s1 =	smov.u32 s31;
	s6 =	sadd.s32 $0x400, s31  }
0x61: {  	[tilespmem:s23], [sflag:$0x2] =	stream.indirect.gather [hbm4b:s4+s22], $0x80, s0, s22, $0xb8;
	[tilespmem:$0x1E800] =	vst v63  }
0x62: {  	p0 =	sne.s32 s31, $0x4800;
	_ =	swait.ge [sflag:s24], $0x3E80  }
0x63: {  	[sflag:s24] =	ssyncset.done $0x0  }
0x64: {  	s0 =	sadd.s32 $0x1400, s30;
	[sflag:s24] =	ssyncadd.s32 $0xFFFFC180  }
0x65: {  	[spmem:s2] =	stream.indirect.scatter.add.f32 [tilespmem:s19], [sflag:$0x3], $0x80, s0, s22, $0xb8;
	[tilespmem:$0x1E800] =	vst v63  }
0x66: {  	_ =	swait.ge [sflag:s20], $0x3E80  }
0x67: {  	[sflag:s20] =	ssyncset.done $0x0  }
0x68: {  	s0 =	sadd.s32 $0x100, s30;
	[sflag:s20] =	ssyncadd.s32 $0xFFFFC180  }
0x69: {  	[tilespmem:s19], [sflag:$0x1] =	stream.indirect.gather [hbm4b:s4+s22], $0x80, s0, s22, $0xb8;
	[tilespmem:$0x1E800] =	vst v63  }
0x6a: {  	_ =	swait.ge [sflag:s25], $0x3E80  }
.Ltmp1:
0x6b: {  	[sflag:s25] =	ssyncset.done $0x0;
	(pc) =	sbr.rel @p0 .LBB2_4-.Ltmp1, $4  }
0x6c: {  	s0 =	sadd.s32 $0x1480, s30;
	[sflag:s25] =	ssyncadd.s32 $0xFFFFC180  }
0x6d: {  	[spmem:s2] =	stream.indirect.scatter.add.f32 [tilespmem:s23], [sflag:$0x3], $0x80, s0, s22, $0xb8;
	[tilespmem:$0x1E800] =	vst v63  }
0x6e: {  	_ =	swait.ge [sflag:s20], $0x3E80  }
0x6f: {  	s31 =	smov.u32 s6;
	s30 =	sshra.s32 s1, $0x2;
	[sflag:s20] =	ssyncset.done $0x0  }
0x70: {  	s0 =	sadd.s32 $0x80, s30;
	[sflag:s20] =	ssyncadd.s32 $0xFFFFC180  }
0x71: {  	[tilespmem:s23], [sflag:$0x2] =	stream.indirect.gather [hbm4b:s4+s22], $0x80, s0, s22, $0xb8;
	[tilespmem:$0x1E800] =	vst v63  }
0x72: {  	_ =	swait.ge [sflag:s24], $0x3E80  }
0x73: {  	[sflag:s24] =	ssyncset.done $0x0  }
0x74: {  	s1 =	sadd.s32 $0x1400, s30;
	[sflag:s24] =	ssyncadd.s32 $0xFFFFC180  }
0x75: {  	[spmem:s2] =	stream.indirect.scatter.add.f32 [tilespmem:s19], [sflag:$0x3], $0x80, s1, s22, $0xb8;
	[tilespmem:$0x1E800] =	vst v63  }
0x76: {  	_ =	swait.ge [sflag:s20], $0x3E80  }
0x77: {  	[sflag:s20] =	ssyncset.done $0x0  }
0x78: {  	s6 =	sadd.s32 $0x100, s30;
	[sflag:s20] =	ssyncadd.s32 $0xFFFFC180  }
0x79: {  	[tilespmem:s19], [sflag:$0x1] =	stream.indirect.gather [hbm4b:s4+s22], $0x80, s6, s22, $0xb8;
	[tilespmem:$0x1E800] =	vst v63  }
0x7a: {  	_ =	swait.ge [sflag:s25], $0x3E80  }
0x7b: {  	[sflag:s25] =	ssyncset.done $0x0  }
0x7c: {  	s1 =	sadd.s32 $0x1480, s30;
	[sflag:s25] =	ssyncadd.s32 $0xFFFFC180  }
0x7d: {  	[spmem:s2] =	stream.indirect.scatter.add.f32 [tilespmem:s23], [sflag:$0x3], $0x80, s1, s22, $0xb8;
	[tilespmem:$0x1E800] =	vst v63  }
0x7e: {  	_ =	swait.ge [sflag:s20], $0x3E80  }
0x7f: {  	[sflag:s20] =	ssyncset.done $0x0  }
0x80: {  	[sflag:s20] =	ssyncadd.s32 $0xFFFFC180  }
0x81: {  	[tilespmem:s23], [sflag:$0x2] =	stream.indirect.gather [hbm4b:s4+s22], $0x80, s26, s22, $0xb8;
	[tilespmem:$0x1E800] =	vst v63  }
0x82: {  	_ =	swait.ge [sflag:s24], $0x3E80  }
0x83: {  	[sflag:s24] =	ssyncset.done $0x0  }
0x84: {  	[sflag:s24] =	ssyncadd.s32 $0xFFFFC180  }
0x85: {  	[spmem:s2] =	stream.indirect.scatter.add.f32 [tilespmem:s19], [sflag:$0x3], $0x80, s28, s22, $0xb8;
	[tilespmem:$0x1E800] =	vst v63  }
0x86: {  	_ =	swait.ge [sflag:s20], $0x3E80  }
0x87: {  	[sflag:s20] =	ssyncset.done $0x0  }
0x88: {  	[sflag:s20] =	ssyncadd.s32 $0xFFFFC180  }
0x89: {  	_ =	swait.ge [sflag:s25], $0x3E80  }
0x8a: {  	[sflag:s25] =	ssyncset.done $0x0  }
0x8b: {  	[sflag:s25] =	ssyncadd.s32 $0xFFFFC180  }
0x8c: {  	[spmem:s2] =	stream.indirect.scatter.add.f32 [tilespmem:s23], [sflag:$0x3], $0x80, s29, s22, $0xb8;
	[tilespmem:$0x1E800] =	vst v63  }
0x8d: {  	_ =	swait.ge [sflag:s20], $0x3E80  }
0x8e: {  	[sflag:s20] =	ssyncset.done $0x0  }
0x8f: {  	s6 =	simm.s32 $0x0;
	[sflag:s20] =	ssyncadd.s32 $0xFFFFC180  }
0x90: {  	[tilespmem:s6], [sflag:$0x3] =	stream.linear.gather [hbm4b:s15+s6], $0x1400, $0x38;
	[tilespmem:$0x1E800] =	vst v63  }
0x91: {  	_ =	swait.ge [sflag:s20], $0x1400  }
0x92: {  	[sflag:s20] =	ssyncset.done $0x0  }
0x93: {  	[sflag:s20] =	ssyncadd.s32 $0xFFFFEC00  }
0x94: {  	[tilespmem:s21], [sflag:$0x3] =	stream.linear.gather [hbm4b:s16+s6], $0x1400, $0x38;
	[tilespmem:$0x1E800] =	vst v63  }
0x95: {  	_ =	swait.ge [sflag:s20], $0x1400  }
0x96: {  	[sflag:s20] =	ssyncset.done $0x0  }
0x97: {  	[sflag:s20] =	ssyncadd.s32 $0xFFFFEC00  }
0x98: {  	[tilespmem:s19], [sflag:$0x1] =	stream.indirect.gather [hbm4b:s4+s22], $0x80, s6, s22, $0xb8;
	[tilespmem:$0x1E800] =	vst v63  }
0x99: {  	s1 =	simm.s32 $0x80  }
0x9a: {  	[tilespmem:s23], [sflag:$0x2] =	stream.indirect.gather [hbm4b:s4+s22], $0x80, s1, s22, $0xb8;
	[tilespmem:$0x1E800] =	vst v63  }
0x9b: {  	_ =	swait.ge [sflag:s24], $0x3E80  }
0x9c: {  	[sflag:s24] =	ssyncset.done $0x0  }
0x9d: {  	s6 =	simm.s32 $0x1400;
	[sflag:s24] =	ssyncadd.s32 $0xFFFFC180  }
0x9e: {  	[spmem:s2] =	stream.indirect.scatter.add.f32 [tilespmem:s19], [sflag:$0x3], $0x80, s6, s22, $0xb8;
	[tilespmem:$0x1E800] =	vst v63  }
0x9f: {  	_ =	swait.ge [sflag:s20], $0x3E80  }
0xa0: {  	[sflag:s20] =	ssyncset.done $0x0  }
0xa1: {  	s1 =	simm.s32 $0x100;
	[sflag:s20] =	ssyncadd.s32 $0xFFFFC180  }
0xa2: {  	[tilespmem:s19], [sflag:$0x1] =	stream.indirect.gather [hbm4b:s4+s22], $0x80, s1, s22, $0xb8;
	[tilespmem:$0x1E800] =	vst v63  }
0xa3: {  	_ =	swait.ge [sflag:s25], $0x3E80  }
0xa4: {  	[sflag:s25] =	ssyncset.done $0x0  }
0xa5: {  	s6 =	simm.s32 $0x1480;
	[sflag:s25] =	ssyncadd.s32 $0xFFFFC180  }
0xa6: {  	[spmem:s2] =	stream.indirect.scatter.add.f32 [tilespmem:s23], [sflag:$0x3], $0x80, s6, s22, $0xb8;
	[tilespmem:$0x1E800] =	vst v63  }
0xa7: {  	_ =	swait.ge [sflag:s20], $0x3E80  }
0xa8: {  	s31 =	simm.s32 $0x800;
	s30 =	simm.s32 $0x100;
	[sflag:s20] =	ssyncset.done $0x0  }
.LBB2_6:
0xa9: {  	s0 =	sadd.s32 $0x80, s30  }
0xaa: {  	[sflag:s20] =	ssyncadd.s32 $0xFFFFC180;
	s1 =	smov.u32 s31;
	s6 =	sadd.s32 $0x400, s31  }
0xab: {  	[tilespmem:s23], [sflag:$0x2] =	stream.indirect.gather [hbm4b:s4+s22], $0x80, s0, s22, $0xb8;
	[tilespmem:$0x1E800] =	vst v63  }
0xac: {  	p0 =	sne.s32 s31, $0x4800;
	_ =	swait.ge [sflag:s24], $0x3E80  }
0xad: {  	[sflag:s24] =	ssyncset.done $0x0  }
0xae: {  	s0 =	sadd.s32 $0x1400, s30;
	[sflag:s24] =	ssyncadd.s32 $0xFFFFC180  }
0xaf: {  	[spmem:s2] =	stream.indirect.scatter.add.f32 [tilespmem:s19], [sflag:$0x3], $0x80, s0, s22, $0xb8;
	[tilespmem:$0x1E800] =	vst v63  }
0xb0: {  	_ =	swait.ge [sflag:s20], $0x3E80  }
0xb1: {  	[sflag:s20] =	ssyncset.done $0x0  }
0xb2: {  	s0 =	sadd.s32 $0x100, s30;
	[sflag:s20] =	ssyncadd.s32 $0xFFFFC180  }
0xb3: {  	[tilespmem:s19], [sflag:$0x1] =	stream.indirect.gather [hbm4b:s4+s22], $0x80, s0, s22, $0xb8;
	[tilespmem:$0x1E800] =	vst v63  }
0xb4: {  	_ =	swait.ge [sflag:s25], $0x3E80  }
.Ltmp2:
0xb5: {  	[sflag:s25] =	ssyncset.done $0x0;
	(pc) =	sbr.rel @p0 .LBB2_6-.Ltmp2, $4  }
0xb6: {  	s0 =	sadd.s32 $0x1480, s30;
	[sflag:s25] =	ssyncadd.s32 $0xFFFFC180  }
0xb7: {  	[spmem:s2] =	stream.indirect.scatter.add.f32 [tilespmem:s23], [sflag:$0x3], $0x80, s0, s22, $0xb8;
	[tilespmem:$0x1E800] =	vst v63  }
0xb8: {  	_ =	swait.ge [sflag:s20], $0x3E80  }
0xb9: {  	s31 =	smov.u32 s6;
	s30 =	sshra.s32 s1, $0x2;
	[sflag:s20] =	ssyncset.done $0x0  }
0xba: {  	s0 =	sadd.s32 $0x80, s30;
	[sflag:s20] =	ssyncadd.s32 $0xFFFFC180  }
0xbb: {  	[tilespmem:s23], [sflag:$0x2] =	stream.indirect.gather [hbm4b:s4+s22], $0x80, s0, s22, $0xb8;
	[tilespmem:$0x1E800] =	vst v63  }
0xbc: {  	_ =	swait.ge [sflag:s24], $0x3E80  }
0xbd: {  	[sflag:s24] =	ssyncset.done $0x0  }
0xbe: {  	s1 =	sadd.s32 $0x1400, s30;
	[sflag:s24] =	ssyncadd.s32 $0xFFFFC180  }
0xbf: {  	[spmem:s2] =	stream.indirect.scatter.add.f32 [tilespmem:s19], [sflag:$0x3], $0x80, s1, s22, $0xb8;
	[tilespmem:$0x1E800] =	vst v63  }
0xc0: {  	_ =	swait.ge [sflag:s20], $0x3E80  }
0xc1: {  	[sflag:s20] =	ssyncset.done $0x0  }
0xc2: {  	s6 =	sadd.s32 $0x100, s30;
	[sflag:s20] =	ssyncadd.s32 $0xFFFFC180  }
0xc3: {  	[tilespmem:s19], [sflag:$0x1] =	stream.indirect.gather [hbm4b:s4+s22], $0x80, s6, s22, $0xb8;
	[tilespmem:$0x1E800] =	vst v63  }
0xc4: {  	_ =	swait.ge [sflag:s25], $0x3E80  }
0xc5: {  	[sflag:s25] =	ssyncset.done $0x0  }
0xc6: {  	s30 =	sadd.s32 $0x1480, s30;
	[sflag:s25] =	ssyncadd.s32 $0xFFFFC180  }
0xc7: {  	[spmem:s2] =	stream.indirect.scatter.add.f32 [tilespmem:s23], [sflag:$0x3], $0x80, s30, s22, $0xb8;
	[tilespmem:$0x1E800] =	vst v63  }
0xc8: {  	_ =	swait.ge [sflag:s20], $0x3E80  }
0xc9: {  	[sflag:s20] =	ssyncset.done $0x0  }
0xca: {  	[sflag:s20] =	ssyncadd.s32 $0xFFFFC180  }
0xcb: {  	[tilespmem:s23], [sflag:$0x2] =	stream.indirect.gather [hbm4b:s4+s22], $0x80, s26, s22, $0xb8;
	[tilespmem:$0x1E800] =	vst v63  }
0xcc: {  	_ =	swait.ge [sflag:s24], $0x3E80  }
0xcd: {  	[sflag:s24] =	ssyncset.done $0x0  }
0xce: {  	[sflag:s24] =	ssyncadd.s32 $0xFFFFC180  }
0xcf: {  	[spmem:s2] =	stream.indirect.scatter.add.f32 [tilespmem:s19], [sflag:$0x3], $0x80, s28, s22, $0xb8;
	[tilespmem:$0x1E800] =	vst v63  }
0xd0: {  	_ =	swait.ge [sflag:s20], $0x3E80  }
0xd1: {  	[sflag:s20] =	ssyncset.done $0x0  }
0xd2: {  	[sflag:s20] =	ssyncadd.s32 $0xFFFFC180  }
0xd3: {  	_ =	swait.ge [sflag:s25], $0x3E80  }
0xd4: {  	[sflag:s25] =	ssyncset.done $0x0  }
0xd5: {  	[sflag:s25] =	ssyncadd.s32 $0xFFFFC180  }
0xd6: {  	[spmem:s2] =	stream.indirect.scatter.add.f32 [tilespmem:s23], [sflag:$0x3], $0x80, s29, s22, $0xb8;
	[tilespmem:$0x1E800] =	vst v63  }
0xd7: {  	s31 =	stileid.u32;
	_ =	swait.ge [sflag:s20], $0x3E80  }
0xd8: {  	s3 =	sadd.s32 $0x1, s3;
	s0 =	sshll.u32 s31, $0x6;
	[sflag:s20] =	ssyncset.done $0x0  }
0xd9: {  	p0 =	sne.s32 s3, s17;
	s0 =	sor.u32 $0x1C03, s0;
	[sflag:s20] =	ssyncadd.s32 $0xFFFFC180  }
.Ltmp3:
0xda: {  	s1 =	sshrl.u32 s5, $0x3;
	[bflag:$0x0] =	sbarrier.arrive $0xFFFF;
	(pc) =	sbr.rel @p0 .LBB2_1-.Ltmp3, $4  }
0xdb: {  	[hbm:s18], [sflag:s0] =	dma.local [spmem:s1], $0x2800  }
0xdc: {  	_ =	swait.ge [sflag:s20], $0x2800  }
0xdd: {  	[sflag:s20] =	ssyncset.done $0x0  }
0xde: {  	[sflag:s20] =	ssyncadd.s32 $0xFFFFD800  }
0xdf: {  	_ =	sfence.sel $0x180000  }
0xe0: {  	[bflag:$0x0] =	sbarrier.arrive $0xFFFF  }
0xe1: {  	_ =	strace $0x9000004A  }
0xe2: {  	s0 =	stileid.u32;
	[bflag:$0x2] =	sbarrier.arrive $0xFFFF  }
0xe3: {  	p0 =	sne.s32 s0, $0x0;
	s0 =	rddreg [dreg:$0x3]  }
0xe4: {  	s0 =	sadd.s32 @!p0 $0x100000, s0  }
0xe5: {  	[sflag:s0] =	ssyncadd.tile.s32 @!p0 $0x1;
	_ =	shalt  }
.Lfunc_end2:
_tile_overlayer_lowered:
.L_overlay_start_2:
0xe6: {  	(tag) =	ssettag $0x2  }
0xe7: {  	s0 =	rddreg [dreg:$0x0];
	s2 =	stileid.u32  }
0xe8: {  	s1 =	rddreg [dreg:$0x1];
	p0 =	sne.s32 s2, $0x0  }
0xe9: {  	s3 =	rddreg [dreg:$0x2];
	[bflag:$0x3] =	sbarrier.arrive $0xFFFF;
	s2 =	simm.s32 @!p0 $0x1C03  }
0xea: {  	[timem:s3], [sflag:s2] =	dma.local @!p0 [hbm:s0], s1  }
0xeb: {  	s0 =	simm.s32 @!p0 $0x3  }
0xec: {  	_ =	swait.ge @!p0 [sflag:s0], s1  }
0xed: {  	s1 =	ssub.s32 @!p0 $0x0, s1;
	[sflag:s0] =	ssyncset.done @!p0 $0x0  }
0xee: {  	[sflag:s0] =	ssyncadd.s32 @!p0 s1  }
0xef: {  	[bflag:$0x3] =	sbarrier.arrive $0xFFFF  }
0xf0: {  	_ =	shalt  }

// kernel: kernel.17.cloned.1.call-start
scs
__scs_entry_jumppad:
0x0: {  	(pc) =	sbr.rel $0x88, $3  }
0x1: {  	(tag) =	ssettag $0x0;
	lr =	simm.s32 $0x1  }
0x2: {  	[smem:$0x3F88] =	sst lr;
	_ =	strace $0xD0000000  }
0x3: {  	_ = 	snop  }
0x4: {  	_ = 	snop  }
0x5: {  	_ = 	snop  }
0x6: {  	_ = 	snop  }
0x7: {  	_ = 	snop  }
__scs_overlays_trampoline_lowered:
0x8: {  	[smem:$0x3F97] =	sst s0  }
0x9: {  	[smem:$0x3F98] =	sst s1  }
0xa: {  	[smem:$0x3F99] =	sst s2  }
0xb: {  	[smem:$0x3F9A] =	sst s3  }
0xc: {  	[smem:$0x3F9B] =	sst s4  }
0xd: {  	[smem:$0x3F9C] =	sst s5  }
0xe: {  	[smem:$0x3F9D] =	sst s6  }
0xf: {  	[smem:$0x3F9E] =	sst s7  }
0x10: {  	[smem:$0x3F9F] =	sst s8  }
0x11: {  	[smem:$0x3FA0] =	sst s9;
	s0 =	simm.s32 @!p0 $0x0  }
0x12: {  	s1 =	sld [smem:$0x3F86];
	s0 =	simm.s32 @p0 $0x1  }
0x13: {  	[smem:$0x3FA1] =	sst s0;
	s0 =	simm.s32 @!p1 $0x0  }
0x14: {  	s2 =	sld [smem:$0x3F85];
	s0 =	simm.s32 @p1 $0x1  }
0x15: {  	[smem:$0x3FA2] =	sst s0;
	s0 =	simm.s32 @!p2 $0x0  }
0x16: {  	s3 =	sld [smem:$0x3FDB];
	s0 =	simm.s32 @p2 $0x1  }
0x17: {  	s4 =	simm.s32 $0x1BF5;
	[smem:$0x3FA4] =	sst s0  }
0x18: {  	s0 =	sld [smem:$0x3F87];
	_ =	swait.ge [sflag:s4], $0x0  }
0x19: {  	s7 =	sld [smem:$0x3F88]  }
0x1a: {  	s8 =	sadd.s32 $0xFFFFE003, lr  }
0x1b: {  	s9 =	sadd.s32 $0xFFFFFEF7, lr;
	s5 =	simm.s32 $0xFFFFFFFF;
	p2 =	slt.u32 s8, $0xFFFFF086  }
0x1c: {  	p1 =	slt.u32 s9, $0xF7A;
	s5 =	simm.s32 @!p2 $0x0  }
0x1d: {  	s5 =	simm.s32 @p1 $0x1;
	p0 =	seq.s32 s7, s2  }
0x1e: {  	s7 =	smul.u32 @!p0 $0xF7A, s2;
	p2 =	seq.s32 @!p0 s5, $0x0  }
0x1f: {  	s9 =	smul.u32 $0xF7A, s1;
	s8 =	simm.s32 @!p0 $0x1BF5;
	p2 =	por !p2, p0  }
0x20: {  	[sflag:s8] =	ssyncset.s32 @!p0 $0xFFFFF086;
	s6 =	sadd.s32 @!p0 s3, s7;
	s7 =	simm.s32 @!p0 $0x108  }
0x21: {  	s3 =	sadd.s32 s3, s9;
	s6 =	sadd.s32 @!p0 $0x88, s6;
	s7 =	simm.s32 @p2 $0x1082  }
0x22: {  	[simem:s7], [sflag:s8] =	dma.local @!p0 [hbm:s6], $0xF7A  }
0x23: {  	s9 =	sor.u32 $0xD0000000, s2;
	s6 =	simm.s32 $0x108;
	_ =	swait.ge @!p0 [sflag:s8], $0x0  }
0x24: {  	s3 =	sadd.s32 $0x88, s3;
	s6 =	simm.s32 @!p1 $0x1082;
	[sflag:s4] =	ssyncset.s32 $0xFFFFF086  }
0x25: {  	[simem:s6], [sflag:s4] =	dma.local [hbm:s3], $0xF7A  }
0x26: {  	[smem:$0x3F88] =	sst s1;
	(tag) =	ssettag s2;
	_ =	strace s9  }
0x27: {  	s1 =	sld [smem:$0x3F98]  }
0x28: {  	s2 =	sld [smem:$0x3F99]  }
0x29: {  	s4 =	sld [smem:$0x3F9B]  }
0x2a: {  	p0 =	seq.s32 s5, $0x0;
	s5 =	sld [smem:$0x3F9C]  }
0x2b: {  	s6 =	sld [smem:$0x3F9D]  }
0x2c: {  	s7 =	sld [smem:$0x3F9E]  }
0x2d: {  	s3 =	simm.s32 $0x108;
	s8 =	sld [smem:$0x3F9F]  }
0x2e: {  	s3 =	simm.s32 @!p0 $0x1082;
	s9 =	sld [smem:$0x3FA0]  }
0x2f: {  	lr =	sadd.s32 s0, s3;
	s0 =	sld [smem:$0x3F97]  }
0x30: {  	s3 =	sld [smem:$0x3F9A]  }
0x31: {  	[smem:$0x3FA3] =	sst s10  }
0x32: {  	s10 =	sld [smem:$0x3FA1];
	_ =	sdelay $0x3  }
0x33: {  	p0 =	seq.s32 s10, $0x1;
	s10 =	sld [smem:$0x3FA3];
	_ =	sdelay $0x3  }
0x34: {  	[smem:$0x3FA3] =	sst s10  }
0x35: {  	s10 =	sld [smem:$0x3FA2];
	_ =	sdelay $0x3  }
0x36: {  	p1 =	seq.s32 s10, $0x1;
	s10 =	sld [smem:$0x3FA3];
	_ =	sdelay $0x3  }
0x37: {  	[smem:$0x3FA3] =	sst s10  }
0x38: {  	s10 =	sld [smem:$0x3FA4]  }
0x39: {  	_ = 	snop;
	(pc) =	sbr.ind lr, $3  }
0x3a: {  	_ = 	snop  }
0x3b: {  	_ = 	snop  }
0x3c: {  	p2 =	seq.s32 s10, $0x1;
	s10 =	sld [smem:$0x3FA3]  }
0x3d: {  	_ =	shalt  }
0x3e: {  	_ =	shalt  }
0x3f: {  	_ =	shalt  }
0x40: {  	_ =	shalt  }
0x41: {  	_ =	shalt  }
0x42: {  	_ =	shalt  }
0x43: {  	_ =	shalt  }
0x44: {  	_ =	shalt  }
0x45: {  	_ =	shalt  }
0x46: {  	_ =	shalt  }
0x47: {  	_ =	shalt  }
0x48: {  	_ =	shalt  }
0x49: {  	_ =	shalt  }
0x4a: {  	_ =	shalt  }
0x4b: {  	_ =	shalt  }
0x4c: {  	_ =	shalt  }
0x4d: {  	_ =	shalt  }
0x4e: {  	_ =	shalt  }
0x4f: {  	_ =	shalt  }
0x50: {  	_ =	shalt  }
0x51: {  	_ =	shalt  }
0x52: {  	_ =	shalt  }
0x53: {  	_ =	shalt  }
0x54: {  	_ =	shalt  }
0x55: {  	_ =	shalt  }
0x56: {  	_ =	shalt  }
0x57: {  	_ =	shalt  }
0x58: {  	_ =	shalt  }
0x59: {  	_ =	shalt  }
0x5a: {  	_ =	shalt  }
0x5b: {  	_ =	shalt  }
0x5c: {  	_ =	shalt  }
0x5d: {  	_ =	shalt  }
0x5e: {  	_ =	shalt  }
0x5f: {  	_ =	shalt  }
0x60: {  	_ =	shalt  }
0x61: {  	_ =	shalt  }
0x62: {  	_ =	shalt  }
0x63: {  	_ =	shalt  }
0x64: {  	_ =	shalt  }
0x65: {  	_ =	shalt  }
0x66: {  	_ =	shalt  }
0x67: {  	_ =	shalt  }
0x68: {  	_ =	shalt  }
0x69: {  	_ =	shalt  }
0x6a: {  	_ =	shalt  }
0x6b: {  	_ =	shalt  }
0x6c: {  	_ =	shalt  }
0x6d: {  	_ =	shalt  }
0x6e: {  	_ =	shalt  }
0x6f: {  	_ =	shalt  }
0x70: {  	_ =	shalt  }
0x71: {  	_ =	shalt  }
0x72: {  	_ =	shalt  }
0x73: {  	_ =	shalt  }
0x74: {  	_ =	shalt  }
0x75: {  	_ =	shalt  }
0x76: {  	_ =	shalt  }
0x77: {  	_ =	shalt  }
0x78: {  	_ =	shalt  }
0x79: {  	_ =	shalt  }
0x7a: {  	_ =	shalt  }
0x7b: {  	_ =	shalt  }
0x7c: {  	_ =	shalt  }
0x7d: {  	_ =	shalt  }
0x7e: {  	_ =	shalt  }
0x7f: {  	_ =	shalt  }
0x80: {  	_ =	shalt  }
0x81: {  	_ =	shalt  }
0x82: {  	_ =	shalt  }
0x83: {  	_ =	shalt  }
0x84: {  	_ =	shalt  }
0x85: {  	_ =	shalt  }
0x86: {  	_ =	shalt  }
0x87: {  	_ =	shalt  }
.Lfunc_end0:
.L_simem_size_0:
called_computation.2_lowered:
.L_overlay_start_0:
0x88: {  	s2 =	sld [smem:$0x3FD9]  }
0x89: {  	s3 =	sld [smem:$0x3FFE];
	_ =	sdelay $0x1  }
0x8a: {  	s1 =	srdreg.scid  }
0x8b: {  	s0 =	sand.u32 $0x1, s1  }
0x8c: {  	s17 =	sshll.u32 s0, $0xA;
	s2 =	sadd.s32 s3, s2  }
0x8d: {  	s2 =	sadd.s32 s2, s17  }
0x8e: {  	[smem:$0x3FAF] =	sst s2  }
0x8f: {  	_ = 	snop  }
0x90: {  	s2 =	sld [smem:$0x3FD0];
	(tm) =	ssettm $0x1  }
0x91: {  	s18 =	sld [smem:$0x3FFB];
	_ =	sdelay $0x3  }
0x92: {  	_ =	strace s18  }
0x93: {  	s3 =	sld [smem:$0x3FFC];
	_ =	sdelay $0x3  }
0x94: {  	_ =	strace s3  }
0x95: {  	s3 =	sld [smem:$0x3FFD];
	_ =	sdelay $0x3  }
0x96: {  	_ =	strace s3  }
0x97: {  	_ =	strace $0x8FFFFFFF  }
0x98: {  	s19 =	sld [smem:$0x3FDB];
	_ =	sdelay $0x1  }
0x99: {  	s4 =	simm.s32 $_scs_section_size  }
0x9a: {  	s5 =	simm.s32 $_size__tile_overlayer_lowered;
	s6 =	simm.s32 $_tile_overlayer_lowered  }
0x9b: {  	s22 =	simm.s32 $0x1BFF;
	s21 =	sshll.u32 s6, $0x1;
	s3 =	sadd.s32 s4, s19  }
0x9c: {  	s7 =	simm.s32 $0x0;
	s20 =	sshll.u32 s5, $0x1;
	s5 =	sadd.s32 s21, s3  }
0x9d: {  	[timem:s7], [sflag:s22] =	dma.local [hbm:s5], s20  }
0x9e: {  	_ =	swait.ge [sflag:s22], s20  }
0x9f: {  	s4 =	ssub.s32 $0x0, s20;
	[sflag:s22] =	ssyncset.done $0x0  }
0xa0: {  	[sflag:s22] =	ssyncadd.s32 s4;
	_ =	sdelay $0x1  }
0xa1: {  	s23 =	simm.s32 $0x1B8B  }
0xa2: {  	_ =	swait.ge [sflag:s23], $0x1  }
0xa3: {  	[sflag:s23] =	ssyncset.done $0x0  }
0xa4: {  	s25 =	simm.s32 $0x1B8E;
	s24 =	sld [smem:$0x3FFE];
	[sflag:s23] =	ssyncadd.s32 $0xFFFFFFFF  }
0xa5: {  	s26 =	simm.s32 $execute0_lowered;
	[smem:$0x3FD2] =	sst s25  }
0xa6: {  	s5 =	sshll.u32 s26, $0x1;
	_ =	strace $0x8000004C;
	[dreg:$0x1] =	wrdreg $0xFFFFFFFF  }
0xa7: {  	s28 =	simm.s32 $_size_execute0_lowered;
	s3 =	sadd.s32 s3, s5;
	[dreg:$0x0] =	wrdreg $0x0  }
0xa8: {  	s5 =	sshll.u32 s28, $0x1;
	[dreg:$0x2] =	wrdreg s3  }
0xa9: {  	[dreg:$0x3] =	wrdreg s5  }
0xaa: {  	[dreg:$0x4] =	wrdreg $0xC0  }
0xab: {  	_ =	task [dreg:s7], $0x5FFFF  }
0xac: {  	[dreg:$0x1] =	wrdreg $0xFFFFFFFF  }
0xad: {  	[dreg:$0x0] =	wrdreg $0x60  }
0xae: {  	[dreg:$0x2] =	wrdreg s24  }
0xaf: {  	[dreg:$0x3] =	wrdreg s2  }
0xb0: {  	[dreg:$0x4] =	wrdreg $0xA8000  }
0xb1: {  	[dreg:$0x5] =	wrdreg $0x9  }
0xb2: {  	_ =	task.clear_ibuf [dreg:s7], $0x6FFFF;
	_ =	strace $0x9000004C  }
0xb3: {  	s29 =	simm.s32 $0x9;
	_ =	strace $0x8000004E  }
0xb4: {  	_ =	swait.ge [sflag:s29], $0x1  }
0xb5: {  	[sflag:s29] =	ssyncadd.s32 $0xFFFFFFFF  }
0xb6: {  	_ =	strace $0x9000004E  }
0xb7: {  	_ =	sfence  }
0xb8: {  	s30 =	sld [smem:$0x0];
	_ =	sdelay $0x2  }
0xb9: {  	s31 =	sshll.u32 s1, $0xD;
	s1 =	sshrl.u32 s1, $0x2  }
0xba: {  	s3 =	sand.u32 $0x4000, s31;
	s1 =	sadd.s32 s1, s30  }
0xbb: {  	s0 =	sor.u32 s3, s0;
	s1 =	sshll.u32 s1, $0x11  }
0xbc: {  	s0 =	sor.u32 s1, s0  }
0xbd: {  	s0 =	sadd.s32 $0x8F2B, s0  }
0xbe: {  	[sflag:s0] =	ssyncadd.remote.s32 $0x1  }
0xbf: {  	_ =	sfence.sel $0xFFFF  }
0xc0: {  	[dreg:$0x0] =	wrdreg $0xFFFFFFFF;
	(pc) =	sbr.abs _section_cstart, $3  }
0xc1: {  	[dreg:$0x1] =	wrdreg $0xFFFFFFFF  }
0xc2: {  	_ =	task.clear_ibuf [dreg:s7], $0x2FFFF;
	_ =	strace $0x9FFFFFFF  }
0xc3: {  	(tm) =	ssettm $0x7FFFFFFF  }
tec
execute0_lowered:
.L_overlay_start_1:
0x0: {  	(tag) =	ssettag $0x1  }
0x1: {  	s17 =	rddreg [dreg:$0x0]  }
0x2: {  	s16 =	rddreg [dreg:$0x1]  }
0x3: {  	s2 =	rddreg [dreg:$0x2];
	s3 =	simm.s32 $0x0  }
0x4: {  	s4 =	srdreg.scid;
	s0 =	stileid.u32;
	s21 =	simm.s32 $0x89200  }
0x5: {  	s23 =	simm.s32 $0x6800;
	s24 =	simm.s32 $0x1;
	s25 =	simm.s32 $0x2  }
0x6: {  	s26 =	simm.s32 $0x1380;
	s28 =	simm.s32 $0x2700;
	s29 =	simm.s32 $0x2780  }
0x7: {  	[smem:$0x7FF] =	sst s3;
	s15 =	sand.u32 $0x1, s4;
	s5 =	smul.u32 $0x50000, s0  }
0x8: {  	s18 =	sadd.s32 $0x57200, s17;
	s4 =	sadd.s32 $0x7200, s17;
	s22 =	smul.u32 $0x2800, s0  }
0x9: {  	_ =	strace $0x8000004D;
	s6 =	ssub.s32 $0x2, s15;
	s8 =	sshll.u32 s15, $0x4  }
0xa: {  	p0 =	seq.s32 s15, $0x1;
	s7 =	sshrl.u32 s6, $0x1;
	s12 =	sor.u32 s0, s8  }
0xb: {  	s5 =	sshrl.u32 s5, $0x2;
	s21 =	simm.s32 @!p0 $0x61200;
	s14 =	smul.u32 $0x500, s12  }
0xc: {  	s19 =	ssub.s32 s6, s7;
	s5 =	sadd.s32 s5, s2;
	s20 =	smul.u32 $0x2800, s12  }
0xd: {  	s31 =	sadd.s32 s21, s17;
	s21 =	simm.s32 $0x1400;
	s1 =	sadd.s32 $0x2800, s5  }
0xe: {  	s7 =	sadd.s32 $0x5000, s5;
	s8 =	sadd.s32 $0x7800, s5;
	s9 =	sadd.s32 $0xA000, s5  }
0xf: {  	s10 =	sadd.s32 $0xC800, s5;
	s11 =	sadd.s32 $0xF000, s5;
	s12 =	sadd.s32 $0x11800, s5  }
0x10: {  	s17 =	smax.u32 s19, $0x1;
	s19 =	simm.s32 $0x2800;
	s20 =	sshrl.u32 s20, $0x3  }
0x11: {  	[dreg:$0x4] =	wrdreg s1;
	s13 =	sadd.s32 s18, s14;
	s20 =	sadd.s32 $0x280, s20  }
0x12: {  	s14 =	sadd.s32 s16, s14;
	s15 =	sadd.s32 s18, s20;
	s16 =	sadd.s32 s16, s20  }
0x13: {  	v0 =	vimm.f32 $0.0e+00;
	s18 =	sadd.s32 s31, s22;
	s20 =	simm.s32 $0x3;
	s22 =	simm.s32 $0x7D  }
.LBB2_1:
0x14: {  	s30 =	simm.s32 $0x0;
	s31 =	simm.s32 $0x200  }
.LBB2_2:
0x15: {  	p0 =	sne.s32 s31, $0x9E00;
	[tilespmem:s30+$0x2870] =	vst v0  }
0x16: {  	[tilespmem:s30+$0x2800] =	vst v0  }
0x17: {  	[tilespmem:s30+$0x2810] =	vst v0  }
.Ltmp0:
0x18: {  	[tilespmem:s30+$0x2820] =	vst v0;
	(pc) =	sbr.rel @p0 .LBB2_2-.Ltmp0, $4  }
0x19: {  	[tilespmem:s30+$0x2830] =	vst v0  }
0x1a: {  	[tilespmem:s30+$0x2840] =	vst v0  }
0x1b: {  	[tilespmem:s30+$0x2850] =	vst v0  }
0x1c: {  	[tilespmem:s30+$0x2860] =	vst v0;
	s30 =	sshra.s32 s31, $0x2;
	s31 =	sadd.s32 $0x200, s31  }
0x1d: {  	[tilespmem:s30+$0x2870] =	vst v0  }
0x1e: {  	[tilespmem:s30+$0x2800] =	vst v0  }
0x1f: {  	[tilespmem:s30+$0x2810] =	vst v0  }
0x20: {  	[tilespmem:s30+$0x2820] =	vst v0  }
0x21: {  	[tilespmem:s30+$0x2830] =	vst v0  }
0x22: {  	[tilespmem:s30+$0x2840] =	vst v0  }
0x23: {  	[tilespmem:s30+$0x2850] =	vst v0  }
0x24: {  	[tilespmem:s30+$0x2860] =	vst v0  }
0x25: {  	[spmem:s5] =	stream.linear.scatter [tilespmem:s19], [sflag:$0x3], $0x2800, $0x38;
	[tilespmem:$0x1E800] =	vst v63  }
0x26: {  	_ =	swait.ge [sflag:s20], $0x2800  }
0x27: {  	[sflag:s20] =	ssyncset.done $0x0  }
0x28: {  	s0 =	rddreg [dreg:$0x4];
	[sflag:s20] =	ssyncadd.s32 $0xFFFFD800  }
0x29: {  	[spmem:s0] =	stream.linear.scatter [tilespmem:s19], [sflag:$0x3], $0x2800, $0x38;
	[tilespmem:$0x1E800] =	vst v63  }
0x2a: {  	_ =	swait.ge [sflag:s20], $0x2800  }
0x2b: {  	[sflag:s20] =	ssyncset.done $0x0  }
0x2c: {  	[sflag:s20] =	ssyncadd.s32 $0xFFFFD800  }
0x2d: {  	[spmem:s7] =	stream.linear.scatter [tilespmem:s19], [sflag:$0x3], $0x2800, $0x38;
	[tilespmem:$0x1E800] =	vst v63  }
0x2e: {  	_ =	swait.ge [sflag:s20], $0x2800  }
0x2f: {  	[sflag:s20] =	ssyncset.done $0x0  }
0x30: {  	[sflag:s20] =	ssyncadd.s32 $0xFFFFD800  }
0x31: {  	[spmem:s8] =	stream.linear.scatter [tilespmem:s19], [sflag:$0x3], $0x2800, $0x38;
	[tilespmem:$0x1E800] =	vst v63  }
0x32: {  	_ =	swait.ge [sflag:s20], $0x2800  }
0x33: {  	[sflag:s20] =	ssyncset.done $0x0  }
0x34: {  	[sflag:s20] =	ssyncadd.s32 $0xFFFFD800  }
0x35: {  	[spmem:s9] =	stream.linear.scatter [tilespmem:s19], [sflag:$0x3], $0x2800, $0x38;
	[tilespmem:$0x1E800] =	vst v63  }
0x36: {  	_ =	swait.ge [sflag:s20], $0x2800  }
0x37: {  	[sflag:s20] =	ssyncset.done $0x0  }
0x38: {  	[sflag:s20] =	ssyncadd.s32 $0xFFFFD800  }
0x39: {  	[spmem:s10] =	stream.linear.scatter [tilespmem:s19], [sflag:$0x3], $0x2800, $0x38;
	[tilespmem:$0x1E800] =	vst v63  }
0x3a: {  	_ =	swait.ge [sflag:s20], $0x2800  }
0x3b: {  	[sflag:s20] =	ssyncset.done $0x0  }
0x3c: {  	[sflag:s20] =	ssyncadd.s32 $0xFFFFD800  }
0x3d: {  	[spmem:s11] =	stream.linear.scatter [tilespmem:s19], [sflag:$0x3], $0x2800, $0x38;
	[tilespmem:$0x1E800] =	vst v63  }
0x3e: {  	_ =	swait.ge [sflag:s20], $0x2800  }
0x3f: {  	[sflag:s20] =	ssyncset.done $0x0  }
0x40: {  	[sflag:s20] =	ssyncadd.s32 $0xFFFFD800  }
0x41: {  	[spmem:s12] =	stream.linear.scatter [tilespmem:s19], [sflag:$0x3], $0x2800, $0x38;
	[tilespmem:$0x1E800] =	vst v63  }
0x42: {  	_ =	swait.ge [sflag:s20], $0x2800  }
0x43: {  	[sflag:s20] =	ssyncset.done $0x0  }
0x44: {  	[sflag:s20] =	ssyncadd.s32 $0xFFFFD800  }
0x45: {  	s30 =	simm.s32 $0x0;
	[bflag:$0x0] =	sbarrier.arrive $0xFFFF  }
0x46: {  	[tilespmem:s30], [sflag:$0x3] =	stream.linear.gather [hbm4b:s13+s30], $0x1400, $0x38;
	[tilespmem:$0x1E800] =	vst v63  }
0x47: {  	_ =	swait.ge [sflag:s20], $0x1400  }
0x48: {  	[sflag:s20] =	ssyncset.done $0x0  }
0x49: {  	[sflag:s20] =	ssyncadd.s32 $0xFFFFEC00  }
0x4a: {  	[tilespmem:s21], [sflag:$0x3] =	stream.linear.gather [hbm4b:s14+s30], $0x1400, $0x38;
	[tilespmem:$0x1E800] =	vst v63  }
0x4b: {  	_ =	swait.ge [sflag:s20], $0x1400  }
0x4c: {  	[sflag:s20] =	ssyncset.done $0x0  }
0x4d: {  	[sflag:s20] =	ssyncadd.s32 $0xFFFFEC00  }
0x4e: {  	[tilespmem:s19], [sflag:$0x1] =	stream.indirect.gather [hbm4b:s4+s22], $0x80, s30, s22, $0xb8;
	[tilespmem:$0x1E800] =	vst v63  }
0x4f: {  	s30 =	simm.s32 $0x80  }
0x50: {  	[tilespmem:s23], [sflag:$0x2] =	stream.indirect.gather [hbm4b:s4+s22], $0x80, s30, s22, $0xb8;
	[tilespmem:$0x1E800] =	vst v63  }
0x51: {  	_ =	swait.ge [sflag:s24], $0x3E80  }
0x52: {  	[sflag:s24] =	ssyncset.done $0x0  }
0x53: {  	s30 =	simm.s32 $0x1400;
	[sflag:s24] =	ssyncadd.s32 $0xFFFFC180  }
0x54: {  	[spmem:s2] =	stream.indirect.scatter.add.f32 [tilespmem:s19], [sflag:$0x3], $0x80, s30, s22, $0xb8;
	[tilespmem:$0x1E800] =	vst v63  }
0x55: {  	_ =	swait.ge [sflag:s20], $0x3E80  }
0x56: {  	[sflag:s20] =	ssyncset.done $0x0  }
0x57: {  	s30 =	simm.s32 $0x100;
	[sflag:s20] =	ssyncadd.s32 $0xFFFFC180  }
0x58: {  	[tilespmem:s19], [sflag:$0x1] =	stream.indirect.gather [hbm4b:s4+s22], $0x80, s30, s22, $0xb8;
	[tilespmem:$0x1E800] =	vst v63  }
0x59: {  	_ =	swait.ge [sflag:s25], $0x3E80  }
0x5a: {  	[sflag:s25] =	ssyncset.done $0x0  }
0x5b: {  	s30 =	simm.s32 $0x1480;
	[sflag:s25] =	ssyncadd.s32 $0xFFFFC180  }
0x5c: {  	[spmem:s2] =	stream.indirect.scatter.add.f32 [tilespmem:s23], [sflag:$0x3], $0x80, s30, s22, $0xb8;
	[tilespmem:$0x1E800] =	vst v63  }
0x5d: {  	_ =	swait.ge [sflag:s20], $0x3E80  }
0x5e: {  	s31 =	simm.s32 $0x800;
	s30 =	simm.s32 $0x100;
	[sflag:s20] =	ssyncset.done $0x0  }
.LBB2_4:
0x5f: {  	s0 =	sadd.s32 $0x80, s30  }
0x60: {  	[sflag:s20] =	ssyncadd.s32 $0xFFFFC180;
	s1 =	smov.u32 s31;
	s6 =	sadd.s32 $0x400, s31  }
0x61: {  	[tilespmem:s23], [sflag:$0x2] =	stream.indirect.gather [hbm4b:s4+s22], $0x80, s0, s22, $0xb8;
	[tilespmem:$0x1E800] =	vst v63  }
0x62: {  	p0 =	sne.s32 s31, $0x4800;
	_ =	swait.ge [sflag:s24], $0x3E80  }
0x63: {  	[sflag:s24] =	ssyncset.done $0x0  }
0x64: {  	s0 =	sadd.s32 $0x1400, s30;
	[sflag:s24] =	ssyncadd.s32 $0xFFFFC180  }
0x65: {  	[spmem:s2] =	stream.indirect.scatter.add.f32 [tilespmem:s19], [sflag:$0x3], $0x80, s0, s22, $0xb8;
	[tilespmem:$0x1E800] =	vst v63  }
0x66: {  	_ =	swait.ge [sflag:s20], $0x3E80  }
0x67: {  	[sflag:s20] =	ssyncset.done $0x0  }
0x68: {  	s0 =	sadd.s32 $0x100, s30;
	[sflag:s20] =	ssyncadd.s32 $0xFFFFC180  }
0x69: {  	[tilespmem:s19], [sflag:$0x1] =	stream.indirect.gather [hbm4b:s4+s22], $0x80, s0, s22, $0xb8;
	[tilespmem:$0x1E800] =	vst v63  }
0x6a: {  	_ =	swait.ge [sflag:s25], $0x3E80  }
.Ltmp1:
0x6b: {  	[sflag:s25] =	ssyncset.done $0x0;
	(pc) =	sbr.rel @p0 .LBB2_4-.Ltmp1, $4  }
0x6c: {  	s0 =	sadd.s32 $0x1480, s30;
	[sflag:s25] =	ssyncadd.s32 $0xFFFFC180  }
0x6d: {  	[spmem:s2] =	stream.indirect.scatter.add.f32 [tilespmem:s23], [sflag:$0x3], $0x80, s0, s22, $0xb8;
	[tilespmem:$0x1E800] =	vst v63  }
0x6e: {  	_ =	swait.ge [sflag:s20], $0x3E80  }
0x6f: {  	s31 =	smov.u32 s6;
	s30 =	sshra.s32 s1, $0x2;
	[sflag:s20] =	ssyncset.done $0x0  }
0x70: {  	s0 =	sadd.s32 $0x80, s30;
	[sflag:s20] =	ssyncadd.s32 $0xFFFFC180  }
0x71: {  	[tilespmem:s23], [sflag:$0x2] =	stream.indirect.gather [hbm4b:s4+s22], $0x80, s0, s22, $0xb8;
	[tilespmem:$0x1E800] =	vst v63  }
0x72: {  	_ =	swait.ge [sflag:s24], $0x3E80  }
0x73: {  	[sflag:s24] =	ssyncset.done $0x0  }
0x74: {  	s1 =	sadd.s32 $0x1400, s30;
	[sflag:s24] =	ssyncadd.s32 $0xFFFFC180  }
0x75: {  	[spmem:s2] =	stream.indirect.scatter.add.f32 [tilespmem:s19], [sflag:$0x3], $0x80, s1, s22, $0xb8;
	[tilespmem:$0x1E800] =	vst v63  }
0x76: {  	_ =	swait.ge [sflag:s20], $0x3E80  }
0x77: {  	[sflag:s20] =	ssyncset.done $0x0  }
0x78: {  	s6 =	sadd.s32 $0x100, s30;
	[sflag:s20] =	ssyncadd.s32 $0xFFFFC180  }
0x79: {  	[tilespmem:s19], [sflag:$0x1] =	stream.indirect.gather [hbm4b:s4+s22], $0x80, s6, s22, $0xb8;
	[tilespmem:$0x1E800] =	vst v63  }
0x7a: {  	_ =	swait.ge [sflag:s25], $0x3E80  }
0x7b: {  	[sflag:s25] =	ssyncset.done $0x0  }
0x7c: {  	s1 =	sadd.s32 $0x1480, s30;
	[sflag:s25] =	ssyncadd.s32 $0xFFFFC180  }
0x7d: {  	[spmem:s2] =	stream.indirect.scatter.add.f32 [tilespmem:s23], [sflag:$0x3], $0x80, s1, s22, $0xb8;
	[tilespmem:$0x1E800] =	vst v63  }
0x7e: {  	_ =	swait.ge [sflag:s20], $0x3E80  }
0x7f: {  	[sflag:s20] =	ssyncset.done $0x0  }
0x80: {  	[sflag:s20] =	ssyncadd.s32 $0xFFFFC180  }
0x81: {  	[tilespmem:s23], [sflag:$0x2] =	stream.indirect.gather [hbm4b:s4+s22], $0x80, s26, s22, $0xb8;
	[tilespmem:$0x1E800] =	vst v63  }
0x82: {  	_ =	swait.ge [sflag:s24], $0x3E80  }
0x83: {  	[sflag:s24] =	ssyncset.done $0x0  }
0x84: {  	[sflag:s24] =	ssyncadd.s32 $0xFFFFC180  }
0x85: {  	[spmem:s2] =	stream.indirect.scatter.add.f32 [tilespmem:s19], [sflag:$0x3], $0x80, s28, s22, $0xb8;
	[tilespmem:$0x1E800] =	vst v63  }
0x86: {  	_ =	swait.ge [sflag:s20], $0x3E80  }
0x87: {  	[sflag:s20] =	ssyncset.done $0x0  }
0x88: {  	[sflag:s20] =	ssyncadd.s32 $0xFFFFC180  }
0x89: {  	_ =	swait.ge [sflag:s25], $0x3E80  }
0x8a: {  	[sflag:s25] =	ssyncset.done $0x0  }
0x8b: {  	[sflag:s25] =	ssyncadd.s32 $0xFFFFC180  }
0x8c: {  	[spmem:s2] =	stream.indirect.scatter.add.f32 [tilespmem:s23], [sflag:$0x3], $0x80, s29, s22, $0xb8;
	[tilespmem:$0x1E800] =	vst v63  }
0x8d: {  	_ =	swait.ge [sflag:s20], $0x3E80  }
0x8e: {  	[sflag:s20] =	ssyncset.done $0x0  }
0x8f: {  	s6 =	simm.s32 $0x0;
	[sflag:s20] =	ssyncadd.s32 $0xFFFFC180  }
0x90: {  	[tilespmem:s6], [sflag:$0x3] =	stream.linear.gather [hbm4b:s15+s6], $0x1400, $0x38;
	[tilespmem:$0x1E800] =	vst v63  }
0x91: {  	_ =	swait.ge [sflag:s20], $0x1400  }
0x92: {  	[sflag:s20] =	ssyncset.done $0x0  }
0x93: {  	[sflag:s20] =	ssyncadd.s32 $0xFFFFEC00  }
0x94: {  	[tilespmem:s21], [sflag:$0x3] =	stream.linear.gather [hbm4b:s16+s6], $0x1400, $0x38;
	[tilespmem:$0x1E800] =	vst v63  }
0x95: {  	_ =	swait.ge [sflag:s20], $0x1400  }
0x96: {  	[sflag:s20] =	ssyncset.done $0x0  }
0x97: {  	[sflag:s20] =	ssyncadd.s32 $0xFFFFEC00  }
0x98: {  	[tilespmem:s19], [sflag:$0x1] =	stream.indirect.gather [hbm4b:s4+s22], $0x80, s6, s22, $0xb8;
	[tilespmem:$0x1E800] =	vst v63  }
0x99: {  	s1 =	simm.s32 $0x80  }
0x9a: {  	[tilespmem:s23], [sflag:$0x2] =	stream.indirect.gather [hbm4b:s4+s22], $0x80, s1, s22, $0xb8;
	[tilespmem:$0x1E800] =	vst v63  }
0x9b: {  	_ =	swait.ge [sflag:s24], $0x3E80  }
0x9c: {  	[sflag:s24] =	ssyncset.done $0x0  }
0x9d: {  	s6 =	simm.s32 $0x1400;
	[sflag:s24] =	ssyncadd.s32 $0xFFFFC180  }
0x9e: {  	[spmem:s2] =	stream.indirect.scatter.add.f32 [tilespmem:s19], [sflag:$0x3], $0x80, s6, s22, $0xb8;
	[tilespmem:$0x1E800] =	vst v63  }
0x9f: {  	_ =	swait.ge [sflag:s20], $0x3E80  }
0xa0: {  	[sflag:s20] =	ssyncset.done $0x0  }
0xa1: {  	s1 =	simm.s32 $0x100;
	[sflag:s20] =	ssyncadd.s32 $0xFFFFC180  }
0xa2: {  	[tilespmem:s19], [sflag:$0x1] =	stream.indirect.gather [hbm4b:s4+s22], $0x80, s1, s22, $0xb8;
	[tilespmem:$0x1E800] =	vst v63  }
0xa3: {  	_ =	swait.ge [sflag:s25], $0x3E80  }
0xa4: {  	[sflag:s25] =	ssyncset.done $0x0  }
0xa5: {  	s6 =	simm.s32 $0x1480;
	[sflag:s25] =	ssyncadd.s32 $0xFFFFC180  }
0xa6: {  	[spmem:s2] =	stream.indirect.scatter.add.f32 [tilespmem:s23], [sflag:$0x3], $0x80, s6, s22, $0xb8;
	[tilespmem:$0x1E800] =	vst v63  }
0xa7: {  	_ =	swait.ge [sflag:s20], $0x3E80  }
0xa8: {  	s31 =	simm.s32 $0x800;
	s30 =	simm.s32 $0x100;
	[sflag:s20] =	ssyncset.done $0x0  }
.LBB2_6:
0xa9: {  	s0 =	sadd.s32 $0x80, s30  }
0xaa: {  	[sflag:s20] =	ssyncadd.s32 $0xFFFFC180;
	s1 =	smov.u32 s31;
	s6 =	sadd.s32 $0x400, s31  }
0xab: {  	[tilespmem:s23], [sflag:$0x2] =	stream.indirect.gather [hbm4b:s4+s22], $0x80, s0, s22, $0xb8;
	[tilespmem:$0x1E800] =	vst v63  }
0xac: {  	p0 =	sne.s32 s31, $0x4800;
	_ =	swait.ge [sflag:s24], $0x3E80  }
0xad: {  	[sflag:s24] =	ssyncset.done $0x0  }
0xae: {  	s0 =	sadd.s32 $0x1400, s30;
	[sflag:s24] =	ssyncadd.s32 $0xFFFFC180  }
0xaf: {  	[spmem:s2] =	stream.indirect.scatter.add.f32 [tilespmem:s19], [sflag:$0x3], $0x80, s0, s22, $0xb8;
	[tilespmem:$0x1E800] =	vst v63  }
0xb0: {  	_ =	swait.ge [sflag:s20], $0x3E80  }
0xb1: {  	[sflag:s20] =	ssyncset.done $0x0  }
0xb2: {  	s0 =	sadd.s32 $0x100, s30;
	[sflag:s20] =	ssyncadd.s32 $0xFFFFC180  }
0xb3: {  	[tilespmem:s19], [sflag:$0x1] =	stream.indirect.gather [hbm4b:s4+s22], $0x80, s0, s22, $0xb8;
	[tilespmem:$0x1E800] =	vst v63  }
0xb4: {  	_ =	swait.ge [sflag:s25], $0x3E80  }
.Ltmp2:
0xb5: {  	[sflag:s25] =	ssyncset.done $0x0;
	(pc) =	sbr.rel @p0 .LBB2_6-.Ltmp2, $4  }
0xb6: {  	s0 =	sadd.s32 $0x1480, s30;
	[sflag:s25] =	ssyncadd.s32 $0xFFFFC180  }
0xb7: {  	[spmem:s2] =	stream.indirect.scatter.add.f32 [tilespmem:s23], [sflag:$0x3], $0x80, s0, s22, $0xb8;
	[tilespmem:$0x1E800] =	vst v63  }
0xb8: {  	_ =	swait.ge [sflag:s20], $0x3E80  }
0xb9: {  	s31 =	smov.u32 s6;
	s30 =	sshra.s32 s1, $0x2;
	[sflag:s20] =	ssyncset.done $0x0  }
0xba: {  	s0 =	sadd.s32 $0x80, s30;
	[sflag:s20] =	ssyncadd.s32 $0xFFFFC180  }
0xbb: {  	[tilespmem:s23], [sflag:$0x2] =	stream.indirect.gather [hbm4b:s4+s22], $0x80, s0, s22, $0xb8;
	[tilespmem:$0x1E800] =	vst v63  }
0xbc: {  	_ =	swait.ge [sflag:s24], $0x3E80  }
0xbd: {  	[sflag:s24] =	ssyncset.done $0x0  }
0xbe: {  	s1 =	sadd.s32 $0x1400, s30;
	[sflag:s24] =	ssyncadd.s32 $0xFFFFC180  }
0xbf: {  	[spmem:s2] =	stream.indirect.scatter.add.f32 [tilespmem:s19], [sflag:$0x3], $0x80, s1, s22, $0xb8;
	[tilespmem:$0x1E800] =	vst v63  }
0xc0: {  	_ =	swait.ge [sflag:s20], $0x3E80  }
0xc1: {  	[sflag:s20] =	ssyncset.done $0x0  }
0xc2: {  	s6 =	sadd.s32 $0x100, s30;
	[sflag:s20] =	ssyncadd.s32 $0xFFFFC180  }
0xc3: {  	[tilespmem:s19], [sflag:$0x1] =	stream.indirect.gather [hbm4b:s4+s22], $0x80, s6, s22, $0xb8;
	[tilespmem:$0x1E800] =	vst v63  }
0xc4: {  	_ =	swait.ge [sflag:s25], $0x3E80  }
0xc5: {  	[sflag:s25] =	ssyncset.done $0x0  }
0xc6: {  	s30 =	sadd.s32 $0x1480, s30;
	[sflag:s25] =	ssyncadd.s32 $0xFFFFC180  }
0xc7: {  	[spmem:s2] =	stream.indirect.scatter.add.f32 [tilespmem:s23], [sflag:$0x3], $0x80, s30, s22, $0xb8;
	[tilespmem:$0x1E800] =	vst v63  }
0xc8: {  	_ =	swait.ge [sflag:s20], $0x3E80  }
0xc9: {  	[sflag:s20] =	ssyncset.done $0x0  }
0xca: {  	[sflag:s20] =	ssyncadd.s32 $0xFFFFC180  }
0xcb: {  	[tilespmem:s23], [sflag:$0x2] =	stream.indirect.gather [hbm4b:s4+s22], $0x80, s26, s22, $0xb8;
	[tilespmem:$0x1E800] =	vst v63  }
0xcc: {  	_ =	swait.ge [sflag:s24], $0x3E80  }
0xcd: {  	[sflag:s24] =	ssyncset.done $0x0  }
0xce: {  	[sflag:s24] =	ssyncadd.s32 $0xFFFFC180  }
0xcf: {  	[spmem:s2] =	stream.indirect.scatter.add.f32 [tilespmem:s19], [sflag:$0x3], $0x80, s28, s22, $0xb8;
	[tilespmem:$0x1E800] =	vst v63  }
0xd0: {  	_ =	swait.ge [sflag:s20], $0x3E80  }
0xd1: {  	[sflag:s20] =	ssyncset.done $0x0  }
0xd2: {  	[sflag:s20] =	ssyncadd.s32 $0xFFFFC180  }
0xd3: {  	_ =	swait.ge [sflag:s25], $0x3E80  }
0xd4: {  	[sflag:s25] =	ssyncset.done $0x0  }
0xd5: {  	[sflag:s25] =	ssyncadd.s32 $0xFFFFC180  }
0xd6: {  	[spmem:s2] =	stream.indirect.scatter.add.f32 [tilespmem:s23], [sflag:$0x3], $0x80, s29, s22, $0xb8;
	[tilespmem:$0x1E800] =	vst v63  }
0xd7: {  	s31 =	stileid.u32;
	_ =	swait.ge [sflag:s20], $0x3E80  }
0xd8: {  	s3 =	sadd.s32 $0x1, s3;
	s0 =	sshll.u32 s31, $0x6;
	[sflag:s20] =	ssyncset.done $0x0  }
0xd9: {  	p0 =	sne.s32 s3, s17;
	s0 =	sor.u32 $0x1C03, s0;
	[sflag:s20] =	ssyncadd.s32 $0xFFFFC180  }
.Ltmp3:
0xda: {  	s1 =	sshrl.u32 s5, $0x3;
	[bflag:$0x0] =	sbarrier.arrive $0xFFFF;
	(pc) =	sbr.rel @p0 .LBB2_1-.Ltmp3, $4  }
0xdb: {  	[hbm:s18], [sflag:s0] =	dma.local [spmem:s1], $0x2800  }
0xdc: {  	_ =	swait.ge [sflag:s20], $0x2800  }
0xdd: {  	[sflag:s20] =	ssyncset.done $0x0  }
0xde: {  	[sflag:s20] =	ssyncadd.s32 $0xFFFFD800  }
0xdf: {  	_ =	sfence.sel $0x180000  }
0xe0: {  	[bflag:$0x0] =	sbarrier.arrive $0xFFFF  }
0xe1: {  	_ =	strace $0x9000004D  }
0xe2: {  	s0 =	stileid.u32;
	[bflag:$0x2] =	sbarrier.arrive $0xFFFF  }
0xe3: {  	p0 =	sne.s32 s0, $0x0;
	s0 =	rddreg [dreg:$0x3]  }
0xe4: {  	s0 =	sadd.s32 @!p0 $0x100000, s0  }
0xe5: {  	[sflag:s0] =	ssyncadd.tile.s32 @!p0 $0x1;
	_ =	shalt  }
.Lfunc_end2:
_tile_overlayer_lowered:
.L_overlay_start_2:
0xe6: {  	(tag) =	ssettag $0x2  }
0xe7: {  	s0 =	rddreg [dreg:$0x0];
	s2 =	stileid.u32  }
0xe8: {  	s1 =	rddreg [dreg:$0x1];
	p0 =	sne.s32 s2, $0x0  }
0xe9: {  	s3 =	rddreg [dreg:$0x2];
	[bflag:$0x3] =	sbarrier.arrive $0xFFFF;
	s2 =	simm.s32 @!p0 $0x1C03  }
0xea: {  	[timem:s3], [sflag:s2] =	dma.local @!p0 [hbm:s0], s1  }
0xeb: {  	s0 =	simm.s32 @!p0 $0x3  }
0xec: {  	_ =	swait.ge @!p0 [sflag:s0], s1  }
0xed: {  	s1 =	ssub.s32 @!p0 $0x0, s1;
	[sflag:s0] =	ssyncset.done @!p0 $0x0  }
0xee: {  	[sflag:s0] =	ssyncadd.s32 @!p0 s1  }
0xef: {  	[bflag:$0x3] =	sbarrier.arrive $0xFFFF  }
0xf0: {  	_ =	shalt  }

// kernel: kernel.20.cloned.1.call-start
scs
__scs_entry_jumppad:
0x0: {  	(pc) =	sbr.rel $0x88, $3  }
0x1: {  	(tag) =	ssettag $0x0;
	lr =	simm.s32 $0x1  }
0x2: {  	[smem:$0x3F88] =	sst lr;
	_ =	strace $0xD0000000  }
0x3: {  	_ = 	snop  }
0x4: {  	_ = 	snop  }
0x5: {  	_ = 	snop  }
0x6: {  	_ = 	snop  }
0x7: {  	_ = 	snop  }
__scs_overlays_trampoline_lowered:
0x8: {  	[smem:$0x3F97] =	sst s0  }
0x9: {  	[smem:$0x3F98] =	sst s1  }
0xa: {  	[smem:$0x3F99] =	sst s2  }
0xb: {  	[smem:$0x3F9A] =	sst s3  }
0xc: {  	[smem:$0x3F9B] =	sst s4  }
0xd: {  	[smem:$0x3F9C] =	sst s5  }
0xe: {  	[smem:$0x3F9D] =	sst s6  }
0xf: {  	[smem:$0x3F9E] =	sst s7  }
0x10: {  	[smem:$0x3F9F] =	sst s8  }
0x11: {  	[smem:$0x3FA0] =	sst s9;
	s0 =	simm.s32 @!p0 $0x0  }
0x12: {  	s1 =	sld [smem:$0x3F86];
	s0 =	simm.s32 @p0 $0x1  }
0x13: {  	[smem:$0x3FA1] =	sst s0;
	s0 =	simm.s32 @!p1 $0x0  }
0x14: {  	s2 =	sld [smem:$0x3F85];
	s0 =	simm.s32 @p1 $0x1  }
0x15: {  	[smem:$0x3FA2] =	sst s0;
	s0 =	simm.s32 @!p2 $0x0  }
0x16: {  	s3 =	sld [smem:$0x3FDB];
	s0 =	simm.s32 @p2 $0x1  }
0x17: {  	s4 =	simm.s32 $0x1BF5;
	[smem:$0x3FA4] =	sst s0  }
0x18: {  	s0 =	sld [smem:$0x3F87];
	_ =	swait.ge [sflag:s4], $0x0  }
0x19: {  	s7 =	sld [smem:$0x3F88]  }
0x1a: {  	s8 =	sadd.s32 $0xFFFFE003, lr  }
0x1b: {  	s9 =	sadd.s32 $0xFFFFFEF7, lr;
	s5 =	simm.s32 $0xFFFFFFFF;
	p2 =	slt.u32 s8, $0xFFFFF086  }
0x1c: {  	p1 =	slt.u32 s9, $0xF7A;
	s5 =	simm.s32 @!p2 $0x0  }
0x1d: {  	s5 =	simm.s32 @p1 $0x1;
	p0 =	seq.s32 s7, s2  }
0x1e: {  	s7 =	smul.u32 @!p0 $0xF7A, s2;
	p2 =	seq.s32 @!p0 s5, $0x0  }
0x1f: {  	s9 =	smul.u32 $0xF7A, s1;
	s8 =	simm.s32 @!p0 $0x1BF5;
	p2 =	por !p2, p0  }
0x20: {  	[sflag:s8] =	ssyncset.s32 @!p0 $0xFFFFF086;
	s6 =	sadd.s32 @!p0 s3, s7;
	s7 =	simm.s32 @!p0 $0x108  }
0x21: {  	s3 =	sadd.s32 s3, s9;
	s6 =	sadd.s32 @!p0 $0x88, s6;
	s7 =	simm.s32 @p2 $0x1082  }
0x22: {  	[simem:s7], [sflag:s8] =	dma.local @!p0 [hbm:s6], $0xF7A  }
0x23: {  	s9 =	sor.u32 $0xD0000000, s2;
	s6 =	simm.s32 $0x108;
	_ =	swait.ge @!p0 [sflag:s8], $0x0  }
0x24: {  	s3 =	sadd.s32 $0x88, s3;
	s6 =	simm.s32 @!p1 $0x1082;
	[sflag:s4] =	ssyncset.s32 $0xFFFFF086  }
0x25: {  	[simem:s6], [sflag:s4] =	dma.local [hbm:s3], $0xF7A  }
0x26: {  	[smem:$0x3F88] =	sst s1;
	(tag) =	ssettag s2;
	_ =	strace s9  }
0x27: {  	s1 =	sld [smem:$0x3F98]  }
0x28: {  	s2 =	sld [smem:$0x3F99]  }
0x29: {  	s4 =	sld [smem:$0x3F9B]  }
0x2a: {  	p0 =	seq.s32 s5, $0x0;
	s5 =	sld [smem:$0x3F9C]  }
0x2b: {  	s6 =	sld [smem:$0x3F9D]  }
0x2c: {  	s7 =	sld [smem:$0x3F9E]  }
0x2d: {  	s3 =	simm.s32 $0x108;
	s8 =	sld [smem:$0x3F9F]  }
0x2e: {  	s3 =	simm.s32 @!p0 $0x1082;
	s9 =	sld [smem:$0x3FA0]  }
0x2f: {  	lr =	sadd.s32 s0, s3;
	s0 =	sld [smem:$0x3F97]  }
0x30: {  	s3 =	sld [smem:$0x3F9A]  }
0x31: {  	[smem:$0x3FA3] =	sst s10  }
0x32: {  	s10 =	sld [smem:$0x3FA1];
	_ =	sdelay $0x3  }
0x33: {  	p0 =	seq.s32 s10, $0x1;
	s10 =	sld [smem:$0x3FA3];
	_ =	sdelay $0x3  }
0x34: {  	[smem:$0x3FA3] =	sst s10  }
0x35: {  	s10 =	sld [smem:$0x3FA2];
	_ =	sdelay $0x3  }
0x36: {  	p1 =	seq.s32 s10, $0x1;
	s10 =	sld [smem:$0x3FA3];
	_ =	sdelay $0x3  }
0x37: {  	[smem:$0x3FA3] =	sst s10  }
0x38: {  	s10 =	sld [smem:$0x3FA4]  }
0x39: {  	_ = 	snop;
	(pc) =	sbr.ind lr, $3  }
0x3a: {  	_ = 	snop  }
0x3b: {  	_ = 	snop  }
0x3c: {  	p2 =	seq.s32 s10, $0x1;
	s10 =	sld [smem:$0x3FA3]  }
0x3d: {  	_ =	shalt  }
0x3e: {  	_ =	shalt  }
0x3f: {  	_ =	shalt  }
0x40: {  	_ =	shalt  }
0x41: {  	_ =	shalt  }
0x42: {  	_ =	shalt  }
0x43: {  	_ =	shalt  }
0x44: {  	_ =	shalt  }
0x45: {  	_ =	shalt  }
0x46: {  	_ =	shalt  }
0x47: {  	_ =	shalt  }
0x48: {  	_ =	shalt  }
0x49: {  	_ =	shalt  }
0x4a: {  	_ =	shalt  }
0x4b: {  	_ =	shalt  }
0x4c: {  	_ =	shalt  }
0x4d: {  	_ =	shalt  }
0x4e: {  	_ =	shalt  }
0x4f: {  	_ =	shalt  }
0x50: {  	_ =	shalt  }
0x51: {  	_ =	shalt  }
0x52: {  	_ =	shalt  }
0x53: {  	_ =	shalt  }
0x54: {  	_ =	shalt  }
0x55: {  	_ =	shalt  }
0x56: {  	_ =	shalt  }
0x57: {  	_ =	shalt  }
0x58: {  	_ =	shalt  }
0x59: {  	_ =	shalt  }
0x5a: {  	_ =	shalt  }
0x5b: {  	_ =	shalt  }
0x5c: {  	_ =	shalt  }
0x5d: {  	_ =	shalt  }
0x5e: {  	_ =	shalt  }
0x5f: {  	_ =	shalt  }
0x60: {  	_ =	shalt  }
0x61: {  	_ =	shalt  }
0x62: {  	_ =	shalt  }
0x63: {  	_ =	shalt  }
0x64: {  	_ =	shalt  }
0x65: {  	_ =	shalt  }
0x66: {  	_ =	shalt  }
0x67: {  	_ =	shalt  }
0x68: {  	_ =	shalt  }
0x69: {  	_ =	shalt  }
0x6a: {  	_ =	shalt  }
0x6b: {  	_ =	shalt  }
0x6c: {  	_ =	shalt  }
0x6d: {  	_ =	shalt  }
0x6e: {  	_ =	shalt  }
0x6f: {  	_ =	shalt  }
0x70: {  	_ =	shalt  }
0x71: {  	_ =	shalt  }
0x72: {  	_ =	shalt  }
0x73: {  	_ =	shalt  }
0x74: {  	_ =	shalt  }
0x75: {  	_ =	shalt  }
0x76: {  	_ =	shalt  }
0x77: {  	_ =	shalt  }
0x78: {  	_ =	shalt  }
0x79: {  	_ =	shalt  }
0x7a: {  	_ =	shalt  }
0x7b: {  	_ =	shalt  }
0x7c: {  	_ =	shalt  }
0x7d: {  	_ =	shalt  }
0x7e: {  	_ =	shalt  }
0x7f: {  	_ =	shalt  }
0x80: {  	_ =	shalt  }
0x81: {  	_ =	shalt  }
0x82: {  	_ =	shalt  }
0x83: {  	_ =	shalt  }
0x84: {  	_ =	shalt  }
0x85: {  	_ =	shalt  }
0x86: {  	_ =	shalt  }
0x87: {  	_ =	shalt  }
.Lfunc_end0:
.L_simem_size_0:
called_computation.3_lowered:
.L_overlay_start_0:
0x88: {  	s2 =	sld [smem:$0x3FD9]  }
0x89: {  	s3 =	sld [smem:$0x3FFE];
	_ =	sdelay $0x1  }
0x8a: {  	s1 =	srdreg.scid  }
0x8b: {  	s0 =	sand.u32 $0x1, s1  }
0x8c: {  	s17 =	sshll.u32 s0, $0xA;
	s2 =	sadd.s32 s3, s2  }
0x8d: {  	s2 =	sadd.s32 s2, s17  }
0x8e: {  	[smem:$0x3FAF] =	sst s2  }
0x8f: {  	_ = 	snop  }
0x90: {  	s2 =	sld [smem:$0x3FD0];
	(tm) =	ssettm $0x1  }
0x91: {  	s18 =	sld [smem:$0x3FFB];
	_ =	sdelay $0x3  }
0x92: {  	_ =	strace s18  }
0x93: {  	s3 =	sld [smem:$0x3FFC];
	_ =	sdelay $0x3  }
0x94: {  	_ =	strace s3  }
0x95: {  	s3 =	sld [smem:$0x3FFD];
	_ =	sdelay $0x3  }
0x96: {  	_ =	strace s3  }
0x97: {  	_ =	strace $0x8FFFFFFF  }
0x98: {  	s19 =	sld [smem:$0x3FDB];
	_ =	sdelay $0x1  }
0x99: {  	s4 =	simm.s32 $_scs_section_size  }
0x9a: {  	s5 =	simm.s32 $_size__tile_overlayer_lowered;
	s6 =	simm.s32 $_tile_overlayer_lowered  }
0x9b: {  	s22 =	simm.s32 $0x1BFF;
	s21 =	sshll.u32 s6, $0x1;
	s3 =	sadd.s32 s4, s19  }
0x9c: {  	s7 =	simm.s32 $0x0;
	s20 =	sshll.u32 s5, $0x1;
	s5 =	sadd.s32 s21, s3  }
0x9d: {  	[timem:s7], [sflag:s22] =	dma.local [hbm:s5], s20  }
0x9e: {  	_ =	swait.ge [sflag:s22], s20  }
0x9f: {  	s4 =	ssub.s32 $0x0, s20;
	[sflag:s22] =	ssyncset.done $0x0  }
0xa0: {  	[sflag:s22] =	ssyncadd.s32 s4;
	_ =	sdelay $0x1  }
0xa1: {  	s23 =	simm.s32 $0x1B8B  }
0xa2: {  	_ =	swait.ge [sflag:s23], $0x1  }
0xa3: {  	[sflag:s23] =	ssyncset.done $0x0  }
0xa4: {  	s25 =	simm.s32 $0x1B8E;
	s24 =	sld [smem:$0x3FFE];
	[sflag:s23] =	ssyncadd.s32 $0xFFFFFFFF  }
0xa5: {  	s26 =	simm.s32 $execute0_lowered;
	[smem:$0x3FD2] =	sst s25  }
0xa6: {  	s5 =	sshll.u32 s26, $0x1;
	_ =	strace $0x8000004F;
	[dreg:$0x1] =	wrdreg $0xFFFFFFFF  }
0xa7: {  	s28 =	simm.s32 $_size_execute0_lowered;
	s3 =	sadd.s32 s3, s5;
	[dreg:$0x0] =	wrdreg $0x0  }
0xa8: {  	s5 =	sshll.u32 s28, $0x1;
	[dreg:$0x2] =	wrdreg s3  }
0xa9: {  	[dreg:$0x3] =	wrdreg s5  }
0xaa: {  	[dreg:$0x4] =	wrdreg $0xC0  }
0xab: {  	_ =	task [dreg:s7], $0x5FFFF  }
0xac: {  	[dreg:$0x1] =	wrdreg $0xFFFFFFFF  }
0xad: {  	[dreg:$0x0] =	wrdreg $0x60  }
0xae: {  	[dreg:$0x2] =	wrdreg s24  }
0xaf: {  	[dreg:$0x3] =	wrdreg s2  }
0xb0: {  	[dreg:$0x4] =	wrdreg $0xA8000  }
0xb1: {  	[dreg:$0x5] =	wrdreg $0x9  }
0xb2: {  	_ =	task.clear_ibuf [dreg:s7], $0x6FFFF;
	_ =	strace $0x9000004F  }
0xb3: {  	s29 =	simm.s32 $0x9;
	_ =	strace $0x80000051  }
0xb4: {  	_ =	swait.ge [sflag:s29], $0x1  }
0xb5: {  	[sflag:s29] =	ssyncadd.s32 $0xFFFFFFFF  }
0xb6: {  	_ =	strace $0x90000051  }
0xb7: {  	_ =	sfence  }
0xb8: {  	s30 =	sld [smem:$0x0];
	_ =	sdelay $0x2  }
0xb9: {  	s31 =	sshll.u32 s1, $0xD;
	s1 =	sshrl.u32 s1, $0x2  }
0xba: {  	s3 =	sand.u32 $0x4000, s31;
	s1 =	sadd.s32 s1, s30  }
0xbb: {  	s0 =	sor.u32 s3, s0;
	s1 =	sshll.u32 s1, $0x11  }
0xbc: {  	s0 =	sor.u32 s1, s0  }
0xbd: {  	s0 =	sadd.s32 $0x8F2B, s0  }
0xbe: {  	[sflag:s0] =	ssyncadd.remote.s32 $0x1  }
0xbf: {  	_ =	sfence.sel $0xFFFF  }
0xc0: {  	[dreg:$0x0] =	wrdreg $0xFFFFFFFF;
	(pc) =	sbr.abs _section_cstart, $3  }
0xc1: {  	[dreg:$0x1] =	wrdreg $0xFFFFFFFF  }
0xc2: {  	_ =	task.clear_ibuf [dreg:s7], $0x2FFFF;
	_ =	strace $0x9FFFFFFF  }
0xc3: {  	(tm) =	ssettm $0x7FFFFFFF  }
tec
execute0_lowered:
.L_overlay_start_1:
0x0: {  	(tag) =	ssettag $0x1  }
0x1: {  	s17 =	rddreg [dreg:$0x0]  }
0x2: {  	s16 =	rddreg [dreg:$0x1]  }
0x3: {  	s2 =	rddreg [dreg:$0x2];
	s3 =	simm.s32 $0x0  }
0x4: {  	s4 =	srdreg.scid;
	s0 =	stileid.u32;
	s21 =	simm.s32 $0x89200  }
0x5: {  	s23 =	simm.s32 $0x6800;
	s24 =	simm.s32 $0x1;
	s25 =	simm.s32 $0x2  }
0x6: {  	s26 =	simm.s32 $0x1380;
	s28 =	simm.s32 $0x2700;
	s29 =	simm.s32 $0x2780  }
0x7: {  	[smem:$0x7FF] =	sst s3;
	s15 =	sand.u32 $0x1, s4;
	s5 =	smul.u32 $0x50000, s0  }
0x8: {  	s18 =	sadd.s32 $0x57200, s17;
	s4 =	sadd.s32 $0x7200, s17;
	s22 =	smul.u32 $0x2800, s0  }
0x9: {  	_ =	strace $0x80000050;
	s6 =	ssub.s32 $0x2, s15;
	s8 =	sshll.u32 s15, $0x4  }
0xa: {  	p0 =	seq.s32 s15, $0x1;
	s7 =	sshrl.u32 s6, $0x1;
	s12 =	sor.u32 s0, s8  }
0xb: {  	s5 =	sshrl.u32 s5, $0x2;
	s21 =	simm.s32 @!p0 $0x61200;
	s14 =	smul.u32 $0x500, s12  }
0xc: {  	s19 =	ssub.s32 s6, s7;
	s5 =	sadd.s32 s5, s2;
	s20 =	smul.u32 $0x2800, s12  }
0xd: {  	s31 =	sadd.s32 s21, s17;
	s21 =	simm.s32 $0x1400;
	s1 =	sadd.s32 $0x2800, s5  }
0xe: {  	s7 =	sadd.s32 $0x5000, s5;
	s8 =	sadd.s32 $0x7800, s5;
	s9 =	sadd.s32 $0xA000, s5  }
0xf: {  	s10 =	sadd.s32 $0xC800, s5;
	s11 =	sadd.s32 $0xF000, s5;
	s12 =	sadd.s32 $0x11800, s5  }
0x10: {  	s17 =	smax.u32 s19, $0x1;
	s19 =	simm.s32 $0x2800;
	s20 =	sshrl.u32 s20, $0x3  }
0x11: {  	[dreg:$0x4] =	wrdreg s1;
	s13 =	sadd.s32 s18, s14;
	s20 =	sadd.s32 $0x280, s20  }
0x12: {  	s14 =	sadd.s32 s16, s14;
	s15 =	sadd.s32 s18, s20;
	s16 =	sadd.s32 s16, s20  }
0x13: {  	v0 =	vimm.f32 $0.0e+00;
	s18 =	sadd.s32 s31, s22;
	s20 =	simm.s32 $0x3;
	s22 =	simm.s32 $0x7D  }
.LBB2_1:
0x14: {  	s30 =	simm.s32 $0x0;
	s31 =	simm.s32 $0x200  }
.LBB2_2:
0x15: {  	p0 =	sne.s32 s31, $0x9E00;
	[tilespmem:s30+$0x2870] =	vst v0  }
0x16: {  	[tilespmem:s30+$0x2800] =	vst v0  }
0x17: {  	[tilespmem:s30+$0x2810] =	vst v0  }
.Ltmp0:
0x18: {  	[tilespmem:s30+$0x2820] =	vst v0;
	(pc) =	sbr.rel @p0 .LBB2_2-.Ltmp0, $4  }
0x19: {  	[tilespmem:s30+$0x2830] =	vst v0  }
0x1a: {  	[tilespmem:s30+$0x2840] =	vst v0  }
0x1b: {  	[tilespmem:s30+$0x2850] =	vst v0  }
0x1c: {  	[tilespmem:s30+$0x2860] =	vst v0;
	s30 =	sshra.s32 s31, $0x2;
	s31 =	sadd.s32 $0x200, s31  }
0x1d: {  	[tilespmem:s30+$0x2870] =	vst v0  }
0x1e: {  	[tilespmem:s30+$0x2800] =	vst v0  }
0x1f: {  	[tilespmem:s30+$0x2810] =	vst v0  }
0x20: {  	[tilespmem:s30+$0x2820] =	vst v0  }
0x21: {  	[tilespmem:s30+$0x2830] =	vst v0  }
0x22: {  	[tilespmem:s30+$0x2840] =	vst v0  }
0x23: {  	[tilespmem:s30+$0x2850] =	vst v0  }
0x24: {  	[tilespmem:s30+$0x2860] =	vst v0  }
0x25: {  	[spmem:s5] =	stream.linear.scatter [tilespmem:s19], [sflag:$0x3], $0x2800, $0x38;
	[tilespmem:$0x1E800] =	vst v63  }
0x26: {  	_ =	swait.ge [sflag:s20], $0x2800  }
0x27: {  	[sflag:s20] =	ssyncset.done $0x0  }
0x28: {  	s0 =	rddreg [dreg:$0x4];
	[sflag:s20] =	ssyncadd.s32 $0xFFFFD800  }
0x29: {  	[spmem:s0] =	stream.linear.scatter [tilespmem:s19], [sflag:$0x3], $0x2800, $0x38;
	[tilespmem:$0x1E800] =	vst v63  }
0x2a: {  	_ =	swait.ge [sflag:s20], $0x2800  }
0x2b: {  	[sflag:s20] =	ssyncset.done $0x0  }
0x2c: {  	[sflag:s20] =	ssyncadd.s32 $0xFFFFD800  }
0x2d: {  	[spmem:s7] =	stream.linear.scatter [tilespmem:s19], [sflag:$0x3], $0x2800, $0x38;
	[tilespmem:$0x1E800] =	vst v63  }
0x2e: {  	_ =	swait.ge [sflag:s20], $0x2800  }
0x2f: {  	[sflag:s20] =	ssyncset.done $0x0  }
0x30: {  	[sflag:s20] =	ssyncadd.s32 $0xFFFFD800  }
0x31: {  	[spmem:s8] =	stream.linear.scatter [tilespmem:s19], [sflag:$0x3], $0x2800, $0x38;
	[tilespmem:$0x1E800] =	vst v63  }
0x32: {  	_ =	swait.ge [sflag:s20], $0x2800  }
0x33: {  	[sflag:s20] =	ssyncset.done $0x0  }
0x34: {  	[sflag:s20] =	ssyncadd.s32 $0xFFFFD800  }
0x35: {  	[spmem:s9] =	stream.linear.scatter [tilespmem:s19], [sflag:$0x3], $0x2800, $0x38;
	[tilespmem:$0x1E800] =	vst v63  }
0x36: {  	_ =	swait.ge [sflag:s20], $0x2800  }
0x37: {  	[sflag:s20] =	ssyncset.done $0x0  }
0x38: {  	[sflag:s20] =	ssyncadd.s32 $0xFFFFD800  }
0x39: {  	[spmem:s10] =	stream.linear.scatter [tilespmem:s19], [sflag:$0x3], $0x2800, $0x38;
	[tilespmem:$0x1E800] =	vst v63  }
0x3a: {  	_ =	swait.ge [sflag:s20], $0x2800  }
0x3b: {  	[sflag:s20] =	ssyncset.done $0x0  }
0x3c: {  	[sflag:s20] =	ssyncadd.s32 $0xFFFFD800  }
0x3d: {  	[spmem:s11] =	stream.linear.scatter [tilespmem:s19], [sflag:$0x3], $0x2800, $0x38;
	[tilespmem:$0x1E800] =	vst v63  }
0x3e: {  	_ =	swait.ge [sflag:s20], $0x2800  }
0x3f: {  	[sflag:s20] =	ssyncset.done $0x0  }
0x40: {  	[sflag:s20] =	ssyncadd.s32 $0xFFFFD800  }
0x41: {  	[spmem:s12] =	stream.linear.scatter [tilespmem:s19], [sflag:$0x3], $0x2800, $0x38;
	[tilespmem:$0x1E800] =	vst v63  }
0x42: {  	_ =	swait.ge [sflag:s20], $0x2800  }
0x43: {  	[sflag:s20] =	ssyncset.done $0x0  }
0x44: {  	[sflag:s20] =	ssyncadd.s32 $0xFFFFD800  }
0x45: {  	s30 =	simm.s32 $0x0;
	[bflag:$0x0] =	sbarrier.arrive $0xFFFF  }
0x46: {  	[tilespmem:s30], [sflag:$0x3] =	stream.linear.gather [hbm4b:s13+s30], $0x1400, $0x38;
	[tilespmem:$0x1E800] =	vst v63  }
0x47: {  	_ =	swait.ge [sflag:s20], $0x1400  }
0x48: {  	[sflag:s20] =	ssyncset.done $0x0  }
0x49: {  	[sflag:s20] =	ssyncadd.s32 $0xFFFFEC00  }
0x4a: {  	[tilespmem:s21], [sflag:$0x3] =	stream.linear.gather [hbm4b:s14+s30], $0x1400, $0x38;
	[tilespmem:$0x1E800] =	vst v63  }
0x4b: {  	_ =	swait.ge [sflag:s20], $0x1400  }
0x4c: {  	[sflag:s20] =	ssyncset.done $0x0  }
0x4d: {  	[sflag:s20] =	ssyncadd.s32 $0xFFFFEC00  }
0x4e: {  	[tilespmem:s19], [sflag:$0x1] =	stream.indirect.gather [hbm4b:s4+s22], $0x80, s30, s22, $0xb8;
	[tilespmem:$0x1E800] =	vst v63  }
0x4f: {  	s30 =	simm.s32 $0x80  }
0x50: {  	[tilespmem:s23], [sflag:$0x2] =	stream.indirect.gather [hbm4b:s4+s22], $0x80, s30, s22, $0xb8;
	[tilespmem:$0x1E800] =	vst v63  }
0x51: {  	_ =	swait.ge [sflag:s24], $0x3E80  }
0x52: {  	[sflag:s24] =	ssyncset.done $0x0  }
0x53: {  	s30 =	simm.s32 $0x1400;
	[sflag:s24] =	ssyncadd.s32 $0xFFFFC180  }
0x54: {  	[spmem:s2] =	stream.indirect.scatter.add.f32 [tilespmem:s19], [sflag:$0x3], $0x80, s30, s22, $0xb8;
	[tilespmem:$0x1E800] =	vst v63  }
0x55: {  	_ =	swait.ge [sflag:s20], $0x3E80  }
0x56: {  	[sflag:s20] =	ssyncset.done $0x0  }
0x57: {  	s30 =	simm.s32 $0x100;
	[sflag:s20] =	ssyncadd.s32 $0xFFFFC180  }
0x58: {  	[tilespmem:s19], [sflag:$0x1] =	stream.indirect.gather [hbm4b:s4+s22], $0x80, s30, s22, $0xb8;
	[tilespmem:$0x1E800] =	vst v63  }
0x59: {  	_ =	swait.ge [sflag:s25], $0x3E80  }
0x5a: {  	[sflag:s25] =	ssyncset.done $0x0  }
0x5b: {  	s30 =	simm.s32 $0x1480;
	[sflag:s25] =	ssyncadd.s32 $0xFFFFC180  }
0x5c: {  	[spmem:s2] =	stream.indirect.scatter.add.f32 [tilespmem:s23], [sflag:$0x3], $0x80, s30, s22, $0xb8;
	[tilespmem:$0x1E800] =	vst v63  }
0x5d: {  	_ =	swait.ge [sflag:s20], $0x3E80  }
0x5e: {  	s31 =	simm.s32 $0x800;
	s30 =	simm.s32 $0x100;
	[sflag:s20] =	ssyncset.done $0x0  }
.LBB2_4:
0x5f: {  	s0 =	sadd.s32 $0x80, s30  }
0x60: {  	[sflag:s20] =	ssyncadd.s32 $0xFFFFC180;
	s1 =	smov.u32 s31;
	s6 =	sadd.s32 $0x400, s31  }
0x61: {  	[tilespmem:s23], [sflag:$0x2] =	stream.indirect.gather [hbm4b:s4+s22], $0x80, s0, s22, $0xb8;
	[tilespmem:$0x1E800] =	vst v63  }
0x62: {  	p0 =	sne.s32 s31, $0x4800;
	_ =	swait.ge [sflag:s24], $0x3E80  }
0x63: {  	[sflag:s24] =	ssyncset.done $0x0  }
0x64: {  	s0 =	sadd.s32 $0x1400, s30;
	[sflag:s24] =	ssyncadd.s32 $0xFFFFC180  }
0x65: {  	[spmem:s2] =	stream.indirect.scatter.add.f32 [tilespmem:s19], [sflag:$0x3], $0x80, s0, s22, $0xb8;
	[tilespmem:$0x1E800] =	vst v63  }
0x66: {  	_ =	swait.ge [sflag:s20], $0x3E80  }
0x67: {  	[sflag:s20] =	ssyncset.done $0x0  }
0x68: {  	s0 =	sadd.s32 $0x100, s30;
	[sflag:s20] =	ssyncadd.s32 $0xFFFFC180  }
0x69: {  	[tilespmem:s19], [sflag:$0x1] =	stream.indirect.gather [hbm4b:s4+s22], $0x80, s0, s22, $0xb8;
	[tilespmem:$0x1E800] =	vst v63  }
0x6a: {  	_ =	swait.ge [sflag:s25], $0x3E80  }
.Ltmp1:
0x6b: {  	[sflag:s25] =	ssyncset.done $0x0;
	(pc) =	sbr.rel @p0 .LBB2_4-.Ltmp1, $4  }
0x6c: {  	s0 =	sadd.s32 $0x1480, s30;
	[sflag:s25] =	ssyncadd.s32 $0xFFFFC180  }
0x6d: {  	[spmem:s2] =	stream.indirect.scatter.add.f32 [tilespmem:s23], [sflag:$0x3], $0x80, s0, s22, $0xb8;
	[tilespmem:$0x1E800] =	vst v63  }
0x6e: {  	_ =	swait.ge [sflag:s20], $0x3E80  }
0x6f: {  	s31 =	smov.u32 s6;
	s30 =	sshra.s32 s1, $0x2;
	[sflag:s20] =	ssyncset.done $0x0  }
0x70: {  	s0 =	sadd.s32 $0x80, s30;
	[sflag:s20] =	ssyncadd.s32 $0xFFFFC180  }
0x71: {  	[tilespmem:s23], [sflag:$0x2] =	stream.indirect.gather [hbm4b:s4+s22], $0x80, s0, s22, $0xb8;
	[tilespmem:$0x1E800] =	vst v63  }
0x72: {  	_ =	swait.ge [sflag:s24], $0x3E80  }
0x73: {  	[sflag:s24] =	ssyncset.done $0x0  }
0x74: {  	s1 =	sadd.s32 $0x1400, s30;
	[sflag:s24] =	ssyncadd.s32 $0xFFFFC180  }
0x75: {  	[spmem:s2] =	stream.indirect.scatter.add.f32 [tilespmem:s19], [sflag:$0x3], $0x80, s1, s22, $0xb8;
	[tilespmem:$0x1E800] =	vst v63  }
0x76: {  	_ =	swait.ge [sflag:s20], $0x3E80  }
0x77: {  	[sflag:s20] =	ssyncset.done $0x0  }
0x78: {  	s6 =	sadd.s32 $0x100, s30;
	[sflag:s20] =	ssyncadd.s32 $0xFFFFC180  }
0x79: {  	[tilespmem:s19], [sflag:$0x1] =	stream.indirect.gather [hbm4b:s4+s22], $0x80, s6, s22, $0xb8;
	[tilespmem:$0x1E800] =	vst v63  }
0x7a: {  	_ =	swait.ge [sflag:s25], $0x3E80  }
0x7b: {  	[sflag:s25] =	ssyncset.done $0x0  }
0x7c: {  	s1 =	sadd.s32 $0x1480, s30;
	[sflag:s25] =	ssyncadd.s32 $0xFFFFC180  }
0x7d: {  	[spmem:s2] =	stream.indirect.scatter.add.f32 [tilespmem:s23], [sflag:$0x3], $0x80, s1, s22, $0xb8;
	[tilespmem:$0x1E800] =	vst v63  }
0x7e: {  	_ =	swait.ge [sflag:s20], $0x3E80  }
0x7f: {  	[sflag:s20] =	ssyncset.done $0x0  }
0x80: {  	[sflag:s20] =	ssyncadd.s32 $0xFFFFC180  }
0x81: {  	[tilespmem:s23], [sflag:$0x2] =	stream.indirect.gather [hbm4b:s4+s22], $0x80, s26, s22, $0xb8;
	[tilespmem:$0x1E800] =	vst v63  }
0x82: {  	_ =	swait.ge [sflag:s24], $0x3E80  }
0x83: {  	[sflag:s24] =	ssyncset.done $0x0  }
0x84: {  	[sflag:s24] =	ssyncadd.s32 $0xFFFFC180  }
0x85: {  	[spmem:s2] =	stream.indirect.scatter.add.f32 [tilespmem:s19], [sflag:$0x3], $0x80, s28, s22, $0xb8;
	[tilespmem:$0x1E800] =	vst v63  }
0x86: {  	_ =	swait.ge [sflag:s20], $0x3E80  }
0x87: {  	[sflag:s20] =	ssyncset.done $0x0  }
0x88: {  	[sflag:s20] =	ssyncadd.s32 $0xFFFFC180  }
0x89: {  	_ =	swait.ge [sflag:s25], $0x3E80  }
0x8a: {  	[sflag:s25] =	ssyncset.done $0x0  }
0x8b: {  	[sflag:s25] =	ssyncadd.s32 $0xFFFFC180  }
0x8c: {  	[spmem:s2] =	stream.indirect.scatter.add.f32 [tilespmem:s23], [sflag:$0x3], $0x80, s29, s22, $0xb8;
	[tilespmem:$0x1E800] =	vst v63  }
0x8d: {  	_ =	swait.ge [sflag:s20], $0x3E80  }
0x8e: {  	[sflag:s20] =	ssyncset.done $0x0  }
0x8f: {  	s6 =	simm.s32 $0x0;
	[sflag:s20] =	ssyncadd.s32 $0xFFFFC180  }
0x90: {  	[tilespmem:s6], [sflag:$0x3] =	stream.linear.gather [hbm4b:s15+s6], $0x1400, $0x38;
	[tilespmem:$0x1E800] =	vst v63  }
0x91: {  	_ =	swait.ge [sflag:s20], $0x1400  }
0x92: {  	[sflag:s20] =	ssyncset.done $0x0  }
0x93: {  	[sflag:s20] =	ssyncadd.s32 $0xFFFFEC00  }
0x94: {  	[tilespmem:s21], [sflag:$0x3] =	stream.linear.gather [hbm4b:s16+s6], $0x1400, $0x38;
	[tilespmem:$0x1E800] =	vst v63  }
0x95: {  	_ =	swait.ge [sflag:s20], $0x1400  }
0x96: {  	[sflag:s20] =	ssyncset.done $0x0  }
0x97: {  	[sflag:s20] =	ssyncadd.s32 $0xFFFFEC00  }
0x98: {  	[tilespmem:s19], [sflag:$0x1] =	stream.indirect.gather [hbm4b:s4+s22], $0x80, s6, s22, $0xb8;
	[tilespmem:$0x1E800] =	vst v63  }
0x99: {  	s1 =	simm.s32 $0x80  }
0x9a: {  	[tilespmem:s23], [sflag:$0x2] =	stream.indirect.gather [hbm4b:s4+s22], $0x80, s1, s22, $0xb8;
	[tilespmem:$0x1E800] =	vst v63  }
0x9b: {  	_ =	swait.ge [sflag:s24], $0x3E80  }
0x9c: {  	[sflag:s24] =	ssyncset.done $0x0  }
0x9d: {  	s6 =	simm.s32 $0x1400;
	[sflag:s24] =	ssyncadd.s32 $0xFFFFC180  }
0x9e: {  	[spmem:s2] =	stream.indirect.scatter.add.f32 [tilespmem:s19], [sflag:$0x3], $0x80, s6, s22, $0xb8;
	[tilespmem:$0x1E800] =	vst v63  }
0x9f: {  	_ =	swait.ge [sflag:s20], $0x3E80  }
0xa0: {  	[sflag:s20] =	ssyncset.done $0x0  }
0xa1: {  	s1 =	simm.s32 $0x100;
	[sflag:s20] =	ssyncadd.s32 $0xFFFFC180  }
0xa2: {  	[tilespmem:s19], [sflag:$0x1] =	stream.indirect.gather [hbm4b:s4+s22], $0x80, s1, s22, $0xb8;
	[tilespmem:$0x1E800] =	vst v63  }
0xa3: {  	_ =	swait.ge [sflag:s25], $0x3E80  }
0xa4: {  	[sflag:s25] =	ssyncset.done $0x0  }
0xa5: {  	s6 =	simm.s32 $0x1480;
	[sflag:s25] =	ssyncadd.s32 $0xFFFFC180  }
0xa6: {  	[spmem:s2] =	stream.indirect.scatter.add.f32 [tilespmem:s23], [sflag:$0x3], $0x80, s6, s22, $0xb8;
	[tilespmem:$0x1E800] =	vst v63  }
0xa7: {  	_ =	swait.ge [sflag:s20], $0x3E80  }
0xa8: {  	s31 =	simm.s32 $0x800;
	s30 =	simm.s32 $0x100;
	[sflag:s20] =	ssyncset.done $0x0  }
.LBB2_6:
0xa9: {  	s0 =	sadd.s32 $0x80, s30  }
0xaa: {  	[sflag:s20] =	ssyncadd.s32 $0xFFFFC180;
	s1 =	smov.u32 s31;
	s6 =	sadd.s32 $0x400, s31  }
0xab: {  	[tilespmem:s23], [sflag:$0x2] =	stream.indirect.gather [hbm4b:s4+s22], $0x80, s0, s22, $0xb8;
	[tilespmem:$0x1E800] =	vst v63  }
0xac: {  	p0 =	sne.s32 s31, $0x4800;
	_ =	swait.ge [sflag:s24], $0x3E80  }
0xad: {  	[sflag:s24] =	ssyncset.done $0x0  }
0xae: {  	s0 =	sadd.s32 $0x1400, s30;
	[sflag:s24] =	ssyncadd.s32 $0xFFFFC180  }
0xaf: {  	[spmem:s2] =	stream.indirect.scatter.add.f32 [tilespmem:s19], [sflag:$0x3], $0x80, s0, s22, $0xb8;
	[tilespmem:$0x1E800] =	vst v63  }
0xb0: {  	_ =	swait.ge [sflag:s20], $0x3E80  }
0xb1: {  	[sflag:s20] =	ssyncset.done $0x0  }
0xb2: {  	s0 =	sadd.s32 $0x100, s30;
	[sflag:s20] =	ssyncadd.s32 $0xFFFFC180  }
0xb3: {  	[tilespmem:s19], [sflag:$0x1] =	stream.indirect.gather [hbm4b:s4+s22], $0x80, s0, s22, $0xb8;
	[tilespmem:$0x1E800] =	vst v63  }
0xb4: {  	_ =	swait.ge [sflag:s25], $0x3E80  }
.Ltmp2:
0xb5: {  	[sflag:s25] =	ssyncset.done $0x0;
	(pc) =	sbr.rel @p0 .LBB2_6-.Ltmp2, $4  }
0xb6: {  	s0 =	sadd.s32 $0x1480, s30;
	[sflag:s25] =	ssyncadd.s32 $0xFFFFC180  }
0xb7: {  	[spmem:s2] =	stream.indirect.scatter.add.f32 [tilespmem:s23], [sflag:$0x3], $0x80, s0, s22, $0xb8;
	[tilespmem:$0x1E800] =	vst v63  }
0xb8: {  	_ =	swait.ge [sflag:s20], $0x3E80  }
0xb9: {  	s31 =	smov.u32 s6;
	s30 =	sshra.s32 s1, $0x2;
	[sflag:s20] =	ssyncset.done $0x0  }
0xba: {  	s0 =	sadd.s32 $0x80, s30;
	[sflag:s20] =	ssyncadd.s32 $0xFFFFC180  }
0xbb: {  	[tilespmem:s23], [sflag:$0x2] =	stream.indirect.gather [hbm4b:s4+s22], $0x80, s0, s22, $0xb8;
	[tilespmem:$0x1E800] =	vst v63  }
0xbc: {  	_ =	swait.ge [sflag:s24], $0x3E80  }
0xbd: {  	[sflag:s24] =	ssyncset.done $0x0  }
0xbe: {  	s1 =	sadd.s32 $0x1400, s30;
	[sflag:s24] =	ssyncadd.s32 $0xFFFFC180  }
0xbf: {  	[spmem:s2] =	stream.indirect.scatter.add.f32 [tilespmem:s19], [sflag:$0x3], $0x80, s1, s22, $0xb8;
	[tilespmem:$0x1E800] =	vst v63  }
0xc0: {  	_ =	swait.ge [sflag:s20], $0x3E80  }
0xc1: {  	[sflag:s20] =	ssyncset.done $0x0  }
0xc2: {  	s6 =	sadd.s32 $0x100, s30;
	[sflag:s20] =	ssyncadd.s32 $0xFFFFC180  }
0xc3: {  	[tilespmem:s19], [sflag:$0x1] =	stream.indirect.gather [hbm4b:s4+s22], $0x80, s6, s22, $0xb8;
	[tilespmem:$0x1E800] =	vst v63  }
0xc4: {  	_ =	swait.ge [sflag:s25], $0x3E80  }
0xc5: {  	[sflag:s25] =	ssyncset.done $0x0  }
0xc6: {  	s30 =	sadd.s32 $0x1480, s30;
	[sflag:s25] =	ssyncadd.s32 $0xFFFFC180  }
0xc7: {  	[spmem:s2] =	stream.indirect.scatter.add.f32 [tilespmem:s23], [sflag:$0x3], $0x80, s30, s22, $0xb8;
	[tilespmem:$0x1E800] =	vst v63  }
0xc8: {  	_ =	swait.ge [sflag:s20], $0x3E80  }
0xc9: {  	[sflag:s20] =	ssyncset.done $0x0  }
0xca: {  	[sflag:s20] =	ssyncadd.s32 $0xFFFFC180  }
0xcb: {  	[tilespmem:s23], [sflag:$0x2] =	stream.indirect.gather [hbm4b:s4+s22], $0x80, s26, s22, $0xb8;
	[tilespmem:$0x1E800] =	vst v63  }
0xcc: {  	_ =	swait.ge [sflag:s24], $0x3E80  }
0xcd: {  	[sflag:s24] =	ssyncset.done $0x0  }
0xce: {  	[sflag:s24] =	ssyncadd.s32 $0xFFFFC180  }
0xcf: {  	[spmem:s2] =	stream.indirect.scatter.add.f32 [tilespmem:s19], [sflag:$0x3], $0x80, s28, s22, $0xb8;
	[tilespmem:$0x1E800] =	vst v63  }
0xd0: {  	_ =	swait.ge [sflag:s20], $0x3E80  }
0xd1: {  	[sflag:s20] =	ssyncset.done $0x0  }
0xd2: {  	[sflag:s20] =	ssyncadd.s32 $0xFFFFC180  }
0xd3: {  	_ =	swait.ge [sflag:s25], $0x3E80  }
0xd4: {  	[sflag:s25] =	ssyncset.done $0x0  }
0xd5: {  	[sflag:s25] =	ssyncadd.s32 $0xFFFFC180  }
0xd6: {  	[spmem:s2] =	stream.indirect.scatter.add.f32 [tilespmem:s23], [sflag:$0x3], $0x80, s29, s22, $0xb8;
	[tilespmem:$0x1E800] =	vst v63  }
0xd7: {  	s31 =	stileid.u32;
	_ =	swait.ge [sflag:s20], $0x3E80  }
0xd8: {  	s3 =	sadd.s32 $0x1, s3;
	s0 =	sshll.u32 s31, $0x6;
	[sflag:s20] =	ssyncset.done $0x0  }
0xd9: {  	p0 =	sne.s32 s3, s17;
	s0 =	sor.u32 $0x1C03, s0;
	[sflag:s20] =	ssyncadd.s32 $0xFFFFC180  }
.Ltmp3:
0xda: {  	s1 =	sshrl.u32 s5, $0x3;
	[bflag:$0x0] =	sbarrier.arrive $0xFFFF;
	(pc) =	sbr.rel @p0 .LBB2_1-.Ltmp3, $4  }
0xdb: {  	[hbm:s18], [sflag:s0] =	dma.local [spmem:s1], $0x2800  }
0xdc: {  	_ =	swait.ge [sflag:s20], $0x2800  }
0xdd: {  	[sflag:s20] =	ssyncset.done $0x0  }
0xde: {  	[sflag:s20] =	ssyncadd.s32 $0xFFFFD800  }
0xdf: {  	_ =	sfence.sel $0x180000  }
0xe0: {  	[bflag:$0x0] =	sbarrier.arrive $0xFFFF  }
0xe1: {  	_ =	strace $0x90000050  }
0xe2: {  	s0 =	stileid.u32;
	[bflag:$0x2] =	sbarrier.arrive $0xFFFF  }
0xe3: {  	p0 =	sne.s32 s0, $0x0;
	s0 =	rddreg [dreg:$0x3]  }
0xe4: {  	s0 =	sadd.s32 @!p0 $0x100000, s0  }
0xe5: {  	[sflag:s0] =	ssyncadd.tile.s32 @!p0 $0x1;
	_ =	shalt  }
.Lfunc_end2:
_tile_overlayer_lowered:
.L_overlay_start_2:
0xe6: {  	(tag) =	ssettag $0x2  }
0xe7: {  	s0 =	rddreg [dreg:$0x0];
	s2 =	stileid.u32  }
0xe8: {  	s1 =	rddreg [dreg:$0x1];
	p0 =	sne.s32 s2, $0x0  }
0xe9: {  	s3 =	rddreg [dreg:$0x2];
	[bflag:$0x3] =	sbarrier.arrive $0xFFFF;
	s2 =	simm.s32 @!p0 $0x1C03  }
0xea: {  	[timem:s3], [sflag:s2] =	dma.local @!p0 [hbm:s0], s1  }
0xeb: {  	s0 =	simm.s32 @!p0 $0x3  }
0xec: {  	_ =	swait.ge @!p0 [sflag:s0], s1  }
0xed: {  	s1 =	ssub.s32 @!p0 $0x0, s1;
	[sflag:s0] =	ssyncset.done @!p0 $0x0  }
0xee: {  	[sflag:s0] =	ssyncadd.s32 @!p0 s1  }
0xef: {  	[bflag:$0x3] =	sbarrier.arrive $0xFFFF  }
0xf0: {  	_ =	shalt  }

</sc_bundles>
